<compile_context>
chip_gen: v7x
topology: tpu7x:2x2x1
jax: 0.10.2.dev20260603
libtpu: 0.0.44.dev20260713+nightly
codegen_flags: <defaults>
</compile_context>

<pallas_src>
import functools

import jax
import jax.numpy as jnp
from jax import lax
from jax.experimental import pallas as pl
from jax.experimental.pallas import tpu as pltpu
from jax.experimental.pallas import tpu_sc as plsc

N = 10000
E = 320000
D = 128
G = 256

NC, NS = 2, 16
NW = NC * NS
CH = 128
E_PAD = 327680
NROWS2D = E_PAD // CH
CH_PER_TILE = NROWS2D // NW
NB = 2
SUP = 8
NSUPER = CH_PER_TILE // SUP
N_PAD = 10240
ROWS_PER_TILE = N_PAD // NS

_SC_MESH = plsc.VectorSubcoreMesh(
    core_axis_name="c", subcore_axis_name="s", num_cores=NC, num_subcores=NS)


def _sc_segsum_body(h_hbm, src_hbm, dst_hbm, z_hbm, out_hbm,
                    sidx, didx, rows, acc, gsems, ssems):
    cid = lax.axis_index("c")
    sid = lax.axis_index("s")
    wid = sid * NC + cid

    stripe = pl.multiple_of(sid * ROWS_PER_TILE, ROWS_PER_TILE)
    pltpu.sync_copy(z_hbm, acc.at[pl.ds(stripe, ROWS_PER_TILE)])

    tbase = pl.multiple_of(wid * CH_PER_TILE, CH_PER_TILE)
    plsc.subcore_barrier()

    def super_body(s, carry):
        rbase = pl.multiple_of(tbase + s * SUP, SUP)
        pltpu.sync_copy(src_hbm.at[pl.ds(rbase, SUP)], sidx)
        pltpu.sync_copy(dst_hbm.at[pl.ds(rbase, SUP)], didx)
        gd = [None] * NB
        sd = [None] * NB
        for j in range(SUP):
            b = j % NB
            if sd[b] is not None:
                sd[b].wait()
            gd[b] = pltpu.async_copy(h_hbm.at[sidx.at[j]], rows.at[b], gsems[b])
            if j >= 1:
                pb = (j - 1) % NB
                gd[pb].wait()
                sd[pb] = pltpu.async_copy(
                    rows.at[pb], acc.at[didx.at[j - 1]], ssems[pb], add=True)
        lb = (SUP - 1) % NB
        gd[lb].wait()
        sd[lb] = pltpu.async_copy(
            rows.at[lb], acc.at[didx.at[SUP - 1]], ssems[lb], add=True)
        for b in range(NB):
            sd[b].wait()
        return carry

    lax.fori_loop(0, NSUPER, super_body, 0)
    plsc.subcore_barrier()

    pltpu.sync_copy(acc.at[pl.ds(stripe, ROWS_PER_TILE)],
                    out_hbm.at[cid, pl.ds(stripe, ROWS_PER_TILE)])


_sc_segsum = pl.kernel(
    _sc_segsum_body,
    out_type=jax.ShapeDtypeStruct((NC, N_PAD, D), jnp.float32),
    mesh=_SC_MESH,
    scratch_types=[
        pltpu.VMEM((SUP, CH), jnp.int32),
        pltpu.VMEM((SUP, CH), jnp.int32),
        pltpu.VMEM((NB, CH, D), jnp.float32),
        pltpu.VMEM_SHARED((N_PAD, D), jnp.float32),
        [pltpu.SemaphoreType.DMA] * NB,
        [pltpu.SemaphoreType.DMA] * NB,
    ],
    name="sc_segsum",
)


def _gin_mlp_body(hp, agg, eps, w1, b1, g1, be1, w2, b2, g2, be2, out):
    z = hp[...] * (1.0 + eps[0, 0]) + agg[0, :N, :] + agg[1, :N, :]
    for (w, b, g, be) in ((w1, b1, g1, be1), (w2, b2, g2, be2)):
        y = jnp.dot(z, w[...], preferred_element_type=jnp.float32) + b[...]
        m = jnp.mean(y, axis=0, keepdims=True)
        v = jnp.mean((y - m) ** 2, axis=0, keepdims=True)
        y = (y - m) / jnp.sqrt(v + 1e-5) * g[...] + be[...]
        z = jnp.where(y > 0, y, 0.01 * y)
    out[...] = jnp.where(z > 0, z, 0.01 * z)


_gin_mlp = pl.pallas_call(
    _gin_mlp_body,
    out_shape=jax.ShapeDtypeStruct((N, D), jnp.float32),
)


def _cls_body(h1, h2, h3, h4, bi, w640, b1r, wa, ba, wb, bbr, fw, fb, out):
    onehot = (lax.broadcasted_iota(jnp.int32, (N, G), 1) == bi[...])
    p = onehot.astype(jnp.float32)
    h4v = h4[...]
    pool = lax.dot_general(p, h4v, (((0,), (0,)), ((), ())),
                           preferred_element_type=jnp.float32)
    pooled = jnp.dot(p, pool, preferred_element_type=jnp.float32)
    w = w640[...]
    h = (jnp.dot(h1[...], w[0:128], preferred_element_type=jnp.float32)
         + jnp.dot(h2[...], w[128:256], preferred_element_type=jnp.float32)
         + jnp.dot(h3[...], w[256:384], preferred_element_type=jnp.float32)
         + jnp.dot(h4v, w[384:512], preferred_element_type=jnp.float32)
         + jnp.dot(pooled, w[512:640], preferred_element_type=jnp.float32)
         + b1r[...])
    for (wh, bh) in ((wa, ba), (wb, bbr)):
        h = jnp.dot(h, wh[...], preferred_element_type=jnp.float32) + bh[...]
        h = jnp.where(h > 0, h, 0.01 * h)
    o = jnp.sum(h * fw[...], axis=1, keepdims=True) + fb[0, 0]
    out[...] = 1.0 / (1.0 + jnp.exp(-o))


_classifier = pl.pallas_call(
    _cls_body,
    out_shape=jax.ShapeDtypeStruct((N, 1), jnp.float32),
)


def kernel(x, edge_index, batch, params):
    src = jnp.concatenate(
        [edge_index[0].astype(jnp.int32),
         jnp.arange(E_PAD - E, dtype=jnp.int32) % N]).reshape(NROWS2D, CH)
    dst = jnp.concatenate(
        [edge_index[1].astype(jnp.int32),
         N + jnp.arange(E_PAD - E, dtype=jnp.int32) % (N_PAD - N)]
    ).reshape(NROWS2D, CH)
    zeros = jnp.zeros((ROWS_PER_TILE, D), jnp.float32)
    bi = batch.astype(jnp.int32).reshape(N, 1)

    def row(v):
        return v.reshape(1, -1)

    h = x
    hs = []
    for i in range(4):
        layers = params['conv_mlps'][i]
        agg2 = _sc_segsum(h, src, dst, zeros)
        l1, l2 = layers[0], layers[1]
        h = _gin_mlp(h, agg2, params['eps'][i].reshape(1, 1),
                     l1['W'], row(l1['b']), row(l1['gamma']), row(l1['beta']),
                     l2['W'], row(l2['b']), row(l2['gamma']), row(l2['beta']))
        hs.append(h)

    out = _classifier(hs[0], hs[1], hs[2], hs[3], bi,
                      params['cls1_W'], row(params['cls1_b']),
                      params['cls_Ws'][0], row(params['cls_bs'][0]),
                      params['cls_Ws'][1], row(params['cls_bs'][1]),
                      row(params['fin_W'][:, 0]), params['fin_b'].reshape(1, 1))
    return out

# --- scband reference (transcript-rebuilt; emitter-appended) ---
"""Pipeline reference for scband-ginplus-33578054320562 (READ-ONLY COPY).

The authoritative reference and input builder live on the scoring server;
editing this copy changes nothing except your own understanding.
"""

import jax, jax.numpy as jnp
import numpy as np

N = 10000
E = 320000
D = 128
NUM_GRAPHS = 256
N_CONV = 3
DEPTH = 2
N_CLS = 2
CLS_DIM = 256


def _make_mlp(key, dims):
    layers = []
    for din, dout in zip(dims[:-1], dims[1:]):
        key, k1 = jax.random.split(key)
        layers.append({
            'W': jax.random.normal(k1, (din, dout), dtype=jnp.float32) / np.sqrt(din),
            'b': jnp.zeros((dout,), dtype=jnp.float32),
            'gamma': jnp.ones((dout,), dtype=jnp.float32),
            'beta': jnp.zeros((dout,), dtype=jnp.float32),
        })
    return key, layers


def setup_inputs(seed: int = 0) -> dict:
    key = jax.random.key(seed)
    key, kx, ke, kb = jax.random.split(key, 4)
    x = jax.random.normal(kx, (N, D), dtype=jnp.float32)
    edge_index = jax.random.randint(ke, (2, E), 0, N, dtype=jnp.int64)
    batch = jnp.sort(jax.random.randint(kb, (N,), 0, NUM_GRAPHS, dtype=jnp.int64))
    # parameters
    conv_mlps = []
    key, mlp1 = _make_mlp(key, [D] + [D] * DEPTH)  # conv1: Linear(in,out) + (DEPTH-1) hidden
    conv_mlps.append(mlp1)
    for _ in range(N_CONV):
        key, m = _make_mlp(key, [D] * (DEPTH + 1))
        conv_mlps.append(m)
    key, k1, k2, k3, k4 = jax.random.split(key, 5)
    cat_dim = D * (N_CONV + 2)
    params = {
        'eps': jnp.zeros((N_CONV + 1,), dtype=jnp.float32),  # train_eps=True, init 0
        'conv_mlps': conv_mlps,
        'cls1_W': jax.random.normal(k1, (cat_dim, CLS_DIM), dtype=jnp.float32) / np.sqrt(cat_dim),
        'cls1_b': jnp.zeros((CLS_DIM,), dtype=jnp.float32),
        'cls_Ws': [jax.random.normal(jax.random.fold_in(k2, i), (CLS_DIM, CLS_DIM), dtype=jnp.float32) / np.sqrt(CLS_DIM) for i in range(N_CLS)],
        'cls_bs': [jnp.zeros((CLS_DIM,), dtype=jnp.float32) for _ in range(N_CLS)],
        'fin_W': jax.random.normal(k3, (CLS_DIM, 1), dtype=jnp.float32) / np.sqrt(CLS_DIM),
        'fin_b': jnp.zeros((1,), dtype=jnp.float32),
    }
    return {'x': x, 'edge_index': edge_index, 'batch': batch, 'params': params}


def _bn(h, gamma, beta):
    mean = jnp.mean(h, axis=0)
    var = jnp.var(h, axis=0)
    return (h - mean) / jnp.sqrt(var + 1e-5) * gamma + beta


def _mlp(h, layers):
    # torch: Linear -> BatchNorm1d -> LeakyReLU -> Dropout (identity in eval)
    for l in layers:
        h = h @ l['W'] + l['b']
        h = _bn(h, l['gamma'], l['beta'])
        h = jax.nn.leaky_relu(h, 0.01)
    return h


def _gin(x, edge_index, eps, layers):
    msg = x[edge_index[0]]
    agg = jax.ops.segment_sum(msg, edge_index[1], num_segments=x.shape[0])
    return _mlp((1.0 + eps) * x + agg, layers)


def reference(x, edge_index, batch, params):
    hs = []
    h = jax.nn.leaky_relu(_gin(x, edge_index, params['eps'][0], params['conv_mlps'][0]), 0.01)
    hs.append(h)
    for i in range(N_CONV):
        h = jax.nn.leaky_relu(_gin(h, edge_index, params['eps'][i + 1], params['conv_mlps'][i + 1]), 0.01)
        hs.append(h)
    h_pool = jax.ops.segment_sum(h, batch, num_segments=NUM_GRAPHS)  # global_add_pool
    h_pool_ = h_pool[batch]  # repeat_interleave by per-graph counts (batch is sorted)
    h = jnp.concatenate(hs + [h_pool_], axis=1)
    h = h @ params['cls1_W'] + params['cls1_b']
    for i in range(N_CLS):
        h = jax.nn.leaky_relu(h @ params['cls_Ws'][i] + params['cls_bs'][i], 0.01)
    h = h @ params['fin_W'] + params['fin_b']
    return jax.nn.sigmoid(h)

if __name__ == "__main__":
    import jax
    _d = setup_inputs()
    print(jax.jit(kernel)(*tuple(_d.values())))

</pallas_src>

<mosaic_0001>
#map = affine_map<(d0, d1) -> (0, 0)>
#map1 = affine_map<(d0, d1) -> (0, 0, 0)>
module attributes {stable_mosaic.version = 14 : i64} {
  func.func @sc_segsum(%arg0: i32, %arg1: i32, %arg2: memref<10000x128xf32, #tpu.memory_space<hbm>>, %arg3: memref<2560x128xi32, #tpu.memory_space<hbm>>, %arg4: memref<2560x128xi32, #tpu.memory_space<hbm>>, %arg5: memref<640x128xf32, #tpu.memory_space<hbm>>, %arg6: memref<2x10240x128xf32, #tpu.memory_space<hbm>>, %arg7: memref<8x128xi32, #tpu.memory_space<vmem>>, %arg8: memref<8x128xi32, #tpu.memory_space<vmem>>, %arg9: memref<2x128x128xf32, #tpu.memory_space<vmem>>, %arg10: memref<10240x128xf32, #tpu.memory_space<vmem_shared>>, %arg11: memref<!tpu.dma_semaphore, #tpu.memory_space<semaphore_mem>>, %arg12: memref<!tpu.dma_semaphore, #tpu.memory_space<semaphore_mem>>, %arg13: memref<!tpu.dma_semaphore, #tpu.memory_space<semaphore_mem>>, %arg14: memref<!tpu.dma_semaphore, #tpu.memory_space<semaphore_mem>>) attributes {dimension_semantics = [#tpu.dimension_semantics<core_parallel>, #tpu.dimension_semantics<subcore_parallel>], iteration_bounds = array<i64: 2, 16>, scalar_prefetch = 0 : i64, scratch_operands = 8 : i64, tpu.core_type = #tpu.core_type<sc_vector_subcore>, window_params = [{transform_indices = #map}, {transform_indices = #map}, {transform_indices = #map}, {transform_indices = #map}, {transform_indices = #map1}]} {
    %mul3A = arith.constant 2 : i32
    %mul3A_0 = arith.muli %arg1, %mul3A : i32
    %add3A = arith.addi %mul3A_0, %arg0 : i32
    %mul3A_1 = arith.constant 640 : i32
    %mul3A_2 = arith.muli %arg1, %mul3A_1 : i32
    %multiple_of3A = tpu.assume_multiple %mul3A_2, 640 : i32
    "tpu.region"() ({
      %run_scoped3A = tpu.sem_alloc : memref<!tpu.dma_semaphore, #tpu.memory_space<semaphore_mem>>
      %dma_start3A = arith.constant 0 : i32
      %dma_start3A_12 = tpu.memref_slice %arg10[%multiple_of3A, %dma_start3A] : memref<10240x128xf32, #tpu.memory_space<vmem_shared>> -> memref<640x128xf32, #tpu.memory_space<vmem_shared>>
      tpu.enqueue_dma source(%arg5 : memref<640x128xf32, #tpu.memory_space<hbm>>) target(%dma_start3A_12 : memref<640x128xf32, #tpu.memory_space<vmem_shared>>) target_semaphore(%run_scoped3A : memref<!tpu.dma_semaphore, #tpu.memory_space<semaphore_mem>>)
      %dma_wait3A = arith.constant 0 : i32
      %dma_wait3A_13 = tpu.memref_slice %arg10[%multiple_of3A, %dma_wait3A] : memref<10240x128xf32, #tpu.memory_space<vmem_shared>> -> memref<640x128xf32, #tpu.memory_space<vmem_shared>>
      tpu.wait_dma2 semaphore(%run_scoped3A : memref<!tpu.dma_semaphore, #tpu.memory_space<semaphore_mem>>) src(%arg5 : memref<640x128xf32, #tpu.memory_space<hbm>>) dst(%dma_wait3A_13 : memref<640x128xf32, #tpu.memory_space<vmem_shared>>)
      tpu.yield
    }) : () -> ()
    %mul3A_3 = arith.constant 80 : i32
    %mul3A_4 = arith.muli %add3A, %mul3A_3 : i32
    %multiple_of3A_5 = tpu.assume_multiple %mul3A_4, 80 : i32
    %barrier3A = arith.constant 0 : index
    tpu.barrier barrier_id(%barrier3A)
    %scan3A = arith.constant 0 : i32
    %scan3A_6 = arith.constant 0 : i32
    %scan3A_7 = arith.constant 10 : i32
    %scan3A_8 = arith.addi %scan3A_6, %scan3A_7 : i32
    %scan3A_9 = arith.constant 1 : i32
    scf.for %scan3A_12 = %scan3A_6 to %scan3A_8 step %scan3A_9  : i32 {
      %mul3A_13 = arith.constant 8 : i32
      %mul3A_14 = arith.muli %scan3A_12, %mul3A_13 : i32
      %add3A_15 = arith.addi %multiple_of3A_5, %mul3A_14 : i32
      %multiple_of3A_16 = tpu.assume_multiple %add3A_15, 8 : i32
      "tpu.region"() ({
        %run_scoped3A = tpu.sem_alloc : memref<!tpu.dma_semaphore, #tpu.memory_space<semaphore_mem>>
        %dma_start3A_399 = arith.constant 0 : i32
        %dma_start3A_400 = tpu.memref_slice %arg3[%multiple_of3A_16, %dma_start3A_399] : memref<2560x128xi32, #tpu.memory_space<hbm>> -> memref<8x128xi32, #tpu.memory_space<hbm>>
        %dma_start3A_401 = arith.constant 0 : i32
        %dma_start3A_402 = tpu.memref_slice %arg3[%multiple_of3A_16, %dma_start3A_401] : memref<2560x128xi32, #tpu.memory_space<hbm>> -> memref<8x128xi32, #tpu.memory_space<hbm>>
        tpu.enqueue_dma source(%dma_start3A_402 : memref<8x128xi32, #tpu.memory_space<hbm>>) target(%arg7 : memref<8x128xi32, #tpu.memory_space<vmem>>) target_semaphore(%run_scoped3A : memref<!tpu.dma_semaphore, #tpu.memory_space<semaphore_mem>>)
        %dma_wait3A_403 = arith.constant 0 : i32
        %dma_wait3A_404 = tpu.memref_slice %arg3[%multiple_of3A_16, %dma_wait3A_403] : memref<2560x128xi32, #tpu.memory_space<hbm>> -> memref<8x128xi32, #tpu.memory_space<hbm>>
        %dma_wait3A_405 = arith.constant 0 : i32
        %dma_wait3A_406 = tpu.memref_slice %arg3[%multiple_of3A_16, %dma_wait3A_405] : memref<2560x128xi32, #tpu.memory_space<hbm>> -> memref<8x128xi32, #tpu.memory_space<hbm>>
        tpu.wait_dma2 semaphore(%run_scoped3A : memref<!tpu.dma_semaphore, #tpu.memory_space<semaphore_mem>>) src(%dma_wait3A_406 : memref<8x128xi32, #tpu.memory_space<hbm>>) dst(%arg7 : memref<8x128xi32, #tpu.memory_space<vmem>>)
        tpu.yield
      }) : () -> ()
      "tpu.region"() ({
        %run_scoped3A = tpu.sem_alloc : memref<!tpu.dma_semaphore, #tpu.memory_space<semaphore_mem>>
        %dma_start3A_399 = arith.constant 0 : i32
        %dma_start3A_400 = tpu.memref_slice %arg4[%multiple_of3A_16, %dma_start3A_399] : memref<2560x128xi32, #tpu.memory_space<hbm>> -> memref<8x128xi32, #tpu.memory_space<hbm>>
        %dma_start3A_401 = arith.constant 0 : i32
        %dma_start3A_402 = tpu.memref_slice %arg4[%multiple_of3A_16, %dma_start3A_401] : memref<2560x128xi32, #tpu.memory_space<hbm>> -> memref<8x128xi32, #tpu.memory_space<hbm>>
        tpu.enqueue_dma source(%dma_start3A_402 : memref<8x128xi32, #tpu.memory_space<hbm>>) target(%arg8 : memref<8x128xi32, #tpu.memory_space<vmem>>) target_semaphore(%run_scoped3A : memref<!tpu.dma_semaphore, #tpu.memory_space<semaphore_mem>>)
        %dma_wait3A_403 = arith.constant 0 : i32
        %dma_wait3A_404 = tpu.memref_slice %arg4[%multiple_of3A_16, %dma_wait3A_403] : memref<2560x128xi32, #tpu.memory_space<hbm>> -> memref<8x128xi32, #tpu.memory_space<hbm>>
        %dma_wait3A_405 = arith.constant 0 : i32
        %dma_wait3A_406 = tpu.memref_slice %arg4[%multiple_of3A_16, %dma_wait3A_405] : memref<2560x128xi32, #tpu.memory_space<hbm>> -> memref<8x128xi32, #tpu.memory_space<hbm>>
        tpu.wait_dma2 semaphore(%run_scoped3A : memref<!tpu.dma_semaphore, #tpu.memory_space<semaphore_mem>>) src(%dma_wait3A_406 : memref<8x128xi32, #tpu.memory_space<hbm>>) dst(%arg8 : memref<8x128xi32, #tpu.memory_space<vmem>>)
        tpu.yield
      }) : () -> ()
      %dma_start3A = arith.constant 0 : i32
      %dma_start3A_17 = arith.constant 0 : i32
      %dma_start3A_18 = arith.constant 0 : i32
      %dma_start3A_19 = arith.constant 0 : i32
      %dma_start3A_20 = tpu.memref_slice %arg9[%dma_start3A_17, %dma_start3A_18, %dma_start3A_19] : memref<2x128x128xf32, #tpu.memory_space<vmem>> -> memref<1x128x128xf32, #tpu.memory_space<vmem>>
      %dma_start3A_21 = tpu.memref_squeeze %dma_start3A_20 : memref<1x128x128xf32, #tpu.memory_space<vmem>> -> memref<128x128xf32, #tpu.memory_space<vmem>>
      %dma_start3A_22 = arith.constant 0 : i32
      %dma_start3A_23 = tpu.memref_slice %arg7[%dma_start3A, %dma_start3A_22] : memref<8x128xi32, #tpu.memory_space<vmem>> -> memref<1x128xi32, #tpu.memory_space<vmem>>
      %dma_start3A_24 = tpu.memref_squeeze %dma_start3A_23 : memref<1x128xi32, #tpu.memory_space<vmem>> -> memref<128xi32, #tpu.memory_space<vmem>>
      %dma_start3A_25 = arith.constant 0 : i32
      %dma_start3A_26 = arith.constant 0 : i32
      %dma_start3A_27 = tpu.memref_slice %arg2[%dma_start3A_25, %dma_start3A_26] : memref<10000x128xf32, #tpu.memory_space<hbm>> -> memref<10000x128xf32, #tpu.memory_space<hbm>>
      tpu.enqueue_indirect_dma source(%dma_start3A_27 : memref<10000x128xf32, #tpu.memory_space<hbm>>) target(%dma_start3A_21 : memref<128x128xf32, #tpu.memory_space<vmem>>) offsets(%dma_start3A_24 : memref<128xi32, #tpu.memory_space<vmem>>) semaphore(%arg11 : memref<!tpu.dma_semaphore, #tpu.memory_space<semaphore_mem>>)
      %dma_start3A_28 = arith.constant 1 : i32
      %dma_start3A_29 = arith.constant 1 : i32
      %dma_start3A_30 = arith.constant 0 : i32
      %dma_start3A_31 = arith.constant 0 : i32
      %dma_start3A_32 = tpu.memref_slice %arg9[%dma_start3A_29, %dma_start3A_30, %dma_start3A_31] : memref<2x128x128xf32, #tpu.memory_space<vmem>> -> memref<1x128x128xf32, #tpu.memory_space<vmem>>
      %dma_start3A_33 = tpu.memref_squeeze %dma_start3A_32 : memref<1x128x128xf32, #tpu.memory_space<vmem>> -> memref<128x128xf32, #tpu.memory_space<vmem>>
      %dma_start3A_34 = arith.constant 0 : i32
      %dma_start3A_35 = tpu.memref_slice %arg7[%dma_start3A_28, %dma_start3A_34] : memref<8x128xi32, #tpu.memory_space<vmem>> -> memref<1x128xi32, #tpu.memory_space<vmem>>
      %dma_start3A_36 = tpu.memref_squeeze %dma_start3A_35 : memref<1x128xi32, #tpu.memory_space<vmem>> -> memref<128xi32, #tpu.memory_space<vmem>>
      %dma_start3A_37 = arith.constant 0 : i32
      %dma_start3A_38 = arith.constant 0 : i32
      %dma_start3A_39 = tpu.memref_slice %arg2[%dma_start3A_37, %dma_start3A_38] : memref<10000x128xf32, #tpu.memory_space<hbm>> -> memref<10000x128xf32, #tpu.memory_space<hbm>>
      tpu.enqueue_indirect_dma source(%dma_start3A_39 : memref<10000x128xf32, #tpu.memory_space<hbm>>) target(%dma_start3A_33 : memref<128x128xf32, #tpu.memory_space<vmem>>) offsets(%dma_start3A_36 : memref<128xi32, #tpu.memory_space<vmem>>) semaphore(%arg12 : memref<!tpu.dma_semaphore, #tpu.memory_space<semaphore_mem>>)
      %dma_wait3A = arith.constant 0 : i32
      %dma_wait3A_40 = arith.constant 0 : i32
      %dma_wait3A_41 = arith.constant 0 : i32
      %dma_wait3A_42 = arith.constant 0 : i32
      %dma_wait3A_43 = tpu.memref_slice %arg9[%dma_wait3A_40, %dma_wait3A_41, %dma_wait3A_42] : memref<2x128x128xf32, #tpu.memory_space<vmem>> -> memref<1x128x128xf32, #tpu.memory_space<vmem>>
      %dma_wait3A_44 = tpu.memref_squeeze %dma_wait3A_43 : memref<1x128x128xf32, #tpu.memory_space<vmem>> -> memref<128x128xf32, #tpu.memory_space<vmem>>
      %dma_wait3A_45 = arith.constant 0 : i32
      %dma_wait3A_46 = tpu.memref_slice %arg7[%dma_wait3A, %dma_wait3A_45] : memref<8x128xi32, #tpu.memory_space<vmem>> -> memref<1x128xi32, #tpu.memory_space<vmem>>
      %dma_wait3A_47 = tpu.memref_squeeze %dma_wait3A_46 : memref<1x128xi32, #tpu.memory_space<vmem>> -> memref<128xi32, #tpu.memory_space<vmem>>
      %dma_wait3A_48 = arith.constant 0 : i32
      %dma_wait3A_49 = arith.constant 0 : i32
      %dma_wait3A_50 = tpu.memref_slice %arg2[%dma_wait3A_48, %dma_wait3A_49] : memref<10000x128xf32, #tpu.memory_space<hbm>> -> memref<10000x128xf32, #tpu.memory_space<hbm>>
      tpu.wait_indirect_dma semaphore(%arg11 : memref<!tpu.dma_semaphore, #tpu.memory_space<semaphore_mem>>) src(%dma_wait3A_50 : memref<10000x128xf32, #tpu.memory_space<hbm>>) dst(%dma_wait3A_44 : memref<128x128xf32, #tpu.memory_space<vmem>>)
      %dma_start3A_51 = arith.constant 0 : i32
      %dma_start3A_52 = arith.constant 0 : i32
      %dma_start3A_53 = arith.constant 0 : i32
      %dma_start3A_54 = arith.constant 0 : i32
      %dma_start3A_55 = tpu.memref_slice %arg9[%dma_start3A_51, %dma_start3A_53, %dma_start3A_54] : memref<2x128x128xf32, #tpu.memory_space<vmem>> -> memref<1x128x128xf32, #tpu.memory_space<vmem>>
      %dma_start3A_56 = tpu.memref_squeeze %dma_start3A_55 : memref<1x128x128xf32, #tpu.memory_space<vmem>> -> memref<128x128xf32, #tpu.memory_space<vmem>>
      %dma_start3A_57 = arith.constant 0 : i32
      %dma_start3A_58 = tpu.memref_slice %arg8[%dma_start3A_52, %dma_start3A_57] : memref<8x128xi32, #tpu.memory_space<vmem>> -> memref<1x128xi32, #tpu.memory_space<vmem>>
      %dma_start3A_59 = tpu.memref_squeeze %dma_start3A_58 : memref<1x128xi32, #tpu.memory_space<vmem>> -> memref<128xi32, #tpu.memory_space<vmem>>
      %dma_start3A_60 = arith.constant 0 : i32
      %dma_start3A_61 = arith.constant 0 : i32
      %dma_start3A_62 = tpu.memref_slice %arg10[%dma_start3A_60, %dma_start3A_61] : memref<10240x128xf32, #tpu.memory_space<vmem_shared>> -> memref<10240x128xf32, #tpu.memory_space<vmem_shared>>
      tpu.enqueue_indirect_dma source(%dma_start3A_56 : memref<128x128xf32, #tpu.memory_space<vmem>>) target(%dma_start3A_62 : memref<10240x128xf32, #tpu.memory_space<vmem_shared>>) offsets(%dma_start3A_59 : memref<128xi32, #tpu.memory_space<vmem>>) semaphore(%arg13 : memref<!tpu.dma_semaphore, #tpu.memory_space<semaphore_mem>>) {add = true}
      %dma_wait3A_63 = arith.constant 0 : i32
      %dma_wait3A_64 = arith.constant 0 : i32
      %dma_wait3A_65 = arith.constant 0 : i32
      %dma_wait3A_66 = arith.constant 0 : i32
      %dma_wait3A_67 = tpu.memref_slice %arg9[%dma_wait3A_63, %dma_wait3A_65, %dma_wait3A_66] : memref<2x128x128xf32, #tpu.memory_space<vmem>> -> memref<1x128x128xf32, #tpu.memory_space<vmem>>
      %dma_wait3A_68 = tpu.memref_squeeze %dma_wait3A_67 : memref<1x128x128xf32, #tpu.memory_space<vmem>> -> memref<128x128xf32, #tpu.memory_space<vmem>>
      %dma_wait3A_69 = arith.constant 0 : i32
      %dma_wait3A_70 = tpu.memref_slice %arg8[%dma_wait3A_64, %dma_wait3A_69] : memref<8x128xi32, #tpu.memory_space<vmem>> -> memref<1x128xi32, #tpu.memory_space<vmem>>
      %dma_wait3A_71 = tpu.memref_squeeze %dma_wait3A_70 : memref<1x128xi32, #tpu.memory_space<vmem>> -> memref<128xi32, #tpu.memory_space<vmem>>
      %dma_wait3A_72 = arith.constant 0 : i32
      %dma_wait3A_73 = arith.constant 0 : i32
      %dma_wait3A_74 = tpu.memref_slice %arg10[%dma_wait3A_72, %dma_wait3A_73] : memref<10240x128xf32, #tpu.memory_space<vmem_shared>> -> memref<10240x128xf32, #tpu.memory_space<vmem_shared>>
      tpu.wait_indirect_dma semaphore(%arg13 : memref<!tpu.dma_semaphore, #tpu.memory_space<semaphore_mem>>) src(%dma_wait3A_68 : memref<128x128xf32, #tpu.memory_space<vmem>>) dst(%dma_wait3A_74 : memref<10240x128xf32, #tpu.memory_space<vmem_shared>>)
      %dma_start3A_75 = arith.constant 2 : i32
      %dma_start3A_76 = arith.constant 0 : i32
      %dma_start3A_77 = arith.constant 0 : i32
      %dma_start3A_78 = arith.constant 0 : i32
      %dma_start3A_79 = tpu.memref_slice %arg9[%dma_start3A_76, %dma_start3A_77, %dma_start3A_78] : memref<2x128x128xf32, #tpu.memory_space<vmem>> -> memref<1x128x128xf32, #tpu.memory_space<vmem>>
      %dma_start3A_80 = tpu.memref_squeeze %dma_start3A_79 : memref<1x128x128xf32, #tpu.memory_space<vmem>> -> memref<128x128xf32, #tpu.memory_space<vmem>>
      %dma_start3A_81 = arith.constant 0 : i32
      %dma_start3A_82 = tpu.memref_slice %arg7[%dma_start3A_75, %dma_start3A_81] : memref<8x128xi32, #tpu.memory_space<vmem>> -> memref<1x128xi32, #tpu.memory_space<vmem>>
      %dma_start3A_83 = tpu.memref_squeeze %dma_start3A_82 : memref<1x128xi32, #tpu.memory_space<vmem>> -> memref<128xi32, #tpu.memory_space<vmem>>
      %dma_start3A_84 = arith.constant 0 : i32
      %dma_start3A_85 = arith.constant 0 : i32
      %dma_start3A_86 = tpu.memref_slice %arg2[%dma_start3A_84, %dma_start3A_85] : memref<10000x128xf32, #tpu.memory_space<hbm>> -> memref<10000x128xf32, #tpu.memory_space<hbm>>
      tpu.enqueue_indirect_dma source(%dma_start3A_86 : memref<10000x128xf32, #tpu.memory_space<hbm>>) target(%dma_start3A_80 : memref<128x128xf32, #tpu.memory_space<vmem>>) offsets(%dma_start3A_83 : memref<128xi32, #tpu.memory_space<vmem>>) semaphore(%arg11 : memref<!tpu.dma_semaphore, #tpu.memory_space<semaphore_mem>>)
      %dma_wait3A_87 = arith.constant 1 : i32
      %dma_wait3A_88 = arith.constant 1 : i32
      %dma_wait3A_89 = arith.constant 0 : i32
      %dma_wait3A_90 = arith.constant 0 : i32
      %dma_wait3A_91 = tpu.memref_slice %arg9[%dma_wait3A_88, %dma_wait3A_89, %dma_wait3A_90] : memref<2x128x128xf32, #tpu.memory_space<vmem>> -> memref<1x128x128xf32, #tpu.memory_space<vmem>>
      %dma_wait3A_92 = tpu.memref_squeeze %dma_wait3A_91 : memref<1x128x128xf32, #tpu.memory_space<vmem>> -> memref<128x128xf32, #tpu.memory_space<vmem>>
      %dma_wait3A_93 = arith.constant 0 : i32
      %dma_wait3A_94 = tpu.memref_slice %arg7[%dma_wait3A_87, %dma_wait3A_93] : memref<8x128xi32, #tpu.memory_space<vmem>> -> memref<1x128xi32, #tpu.memory_space<vmem>>
      %dma_wait3A_95 = tpu.memref_squeeze %dma_wait3A_94 : memref<1x128xi32, #tpu.memory_space<vmem>> -> memref<128xi32, #tpu.memory_space<vmem>>
      %dma_wait3A_96 = arith.constant 0 : i32
      %dma_wait3A_97 = arith.constant 0 : i32
      %dma_wait3A_98 = tpu.memref_slice %arg2[%dma_wait3A_96, %dma_wait3A_97] : memref<10000x128xf32, #tpu.memory_space<hbm>> -> memref<10000x128xf32, #tpu.memory_space<hbm>>
      tpu.wait_indirect_dma semaphore(%arg12 : memref<!tpu.dma_semaphore, #tpu.memory_space<semaphore_mem>>) src(%dma_wait3A_98 : memref<10000x128xf32, #tpu.memory_space<hbm>>) dst(%dma_wait3A_92 : memref<128x128xf32, #tpu.memory_space<vmem>>)
      %dma_start3A_99 = arith.constant 1 : i32
      %dma_start3A_100 = arith.constant 1 : i32
      %dma_start3A_101 = arith.constant 0 : i32
      %dma_start3A_102 = arith.constant 0 : i32
      %dma_start3A_103 = tpu.memref_slice %arg9[%dma_start3A_99, %dma_start3A_101, %dma_start3A_102] : memref<2x128x128xf32, #tpu.memory_space<vmem>> -> memref<1x128x128xf32, #tpu.memory_space<vmem>>
      %dma_start3A_104 = tpu.memref_squeeze %dma_start3A_103 : memref<1x128x128xf32, #tpu.memory_space<vmem>> -> memref<128x128xf32, #tpu.memory_space<vmem>>
      %dma_start3A_105 = arith.constant 0 : i32
      %dma_start3A_106 = tpu.memref_slice %arg8[%dma_start3A_100, %dma_start3A_105] : memref<8x128xi32, #tpu.memory_space<vmem>> -> memref<1x128xi32, #tpu.memory_space<vmem>>
      %dma_start3A_107 = tpu.memref_squeeze %dma_start3A_106 : memref<1x128xi32, #tpu.memory_space<vmem>> -> memref<128xi32, #tpu.memory_space<vmem>>
      %dma_start3A_108 = arith.constant 0 : i32
      %dma_start3A_109 = arith.constant 0 : i32
      %dma_start3A_110 = tpu.memref_slice %arg10[%dma_start3A_108, %dma_start3A_109] : memref<10240x128xf32, #tpu.memory_space<vmem_shared>> -> memref<10240x128xf32, #tpu.memory_space<vmem_shared>>
      tpu.enqueue_indirect_dma source(%dma_start3A_104 : memref<128x128xf32, #tpu.memory_space<vmem>>) target(%dma_start3A_110 : memref<10240x128xf32, #tpu.memory_space<vmem_shared>>) offsets(%dma_start3A_107 : memref<128xi32, #tpu.memory_space<vmem>>) semaphore(%arg14 : memref<!tpu.dma_semaphore, #tpu.memory_space<semaphore_mem>>) {add = true}
      %dma_wait3A_111 = arith.constant 1 : i32
      %dma_wait3A_112 = arith.constant 1 : i32
      %dma_wait3A_113 = arith.constant 0 : i32
      %dma_wait3A_114 = arith.constant 0 : i32
      %dma_wait3A_115 = tpu.memref_slice %arg9[%dma_wait3A_111, %dma_wait3A_113, %dma_wait3A_114] : memref<2x128x128xf32, #tpu.memory_space<vmem>> -> memref<1x128x128xf32, #tpu.memory_space<vmem>>
      %dma_wait3A_116 = tpu.memref_squeeze %dma_wait3A_115 : memref<1x128x128xf32, #tpu.memory_space<vmem>> -> memref<128x128xf32, #tpu.memory_space<vmem>>
      %dma_wait3A_117 = arith.constant 0 : i32
      %dma_wait3A_118 = tpu.memref_slice %arg8[%dma_wait3A_112, %dma_wait3A_117] : memref<8x128xi32, #tpu.memory_space<vmem>> -> memref<1x128xi32, #tpu.memory_space<vmem>>
      %dma_wait3A_119 = tpu.memref_squeeze %dma_wait3A_118 : memref<1x128xi32, #tpu.memory_space<vmem>> -> memref<128xi32, #tpu.memory_space<vmem>>
      %dma_wait3A_120 = arith.constant 0 : i32
      %dma_wait3A_121 = arith.constant 0 : i32
      %dma_wait3A_122 = tpu.memref_slice %arg10[%dma_wait3A_120, %dma_wait3A_121] : memref<10240x128xf32, #tpu.memory_space<vmem_shared>> -> memref<10240x128xf32, #tpu.memory_space<vmem_shared>>
      tpu.wait_indirect_dma semaphore(%arg14 : memref<!tpu.dma_semaphore, #tpu.memory_space<semaphore_mem>>) src(%dma_wait3A_116 : memref<128x128xf32, #tpu.memory_space<vmem>>) dst(%dma_wait3A_122 : memref<10240x128xf32, #tpu.memory_space<vmem_shared>>)
      %dma_start3A_123 = arith.constant 3 : i32
      %dma_start3A_124 = arith.constant 1 : i32
      %dma_start3A_125 = arith.constant 0 : i32
      %dma_start3A_126 = arith.constant 0 : i32
      %dma_start3A_127 = tpu.memref_slice %arg9[%dma_start3A_124, %dma_start3A_125, %dma_start3A_126] : memref<2x128x128xf32, #tpu.memory_space<vmem>> -> memref<1x128x128xf32, #tpu.memory_space<vmem>>
      %dma_start3A_128 = tpu.memref_squeeze %dma_start3A_127 : memref<1x128x128xf32, #tpu.memory_space<vmem>> -> memref<128x128xf32, #tpu.memory_space<vmem>>
      %dma_start3A_129 = arith.constant 0 : i32
      %dma_start3A_130 = tpu.memref_slice %arg7[%dma_start3A_123, %dma_start3A_129] : memref<8x128xi32, #tpu.memory_space<vmem>> -> memref<1x128xi32, #tpu.memory_space<vmem>>
      %dma_start3A_131 = tpu.memref_squeeze %dma_start3A_130 : memref<1x128xi32, #tpu.memory_space<vmem>> -> memref<128xi32, #tpu.memory_space<vmem>>
      %dma_start3A_132 = arith.constant 0 : i32
      %dma_start3A_133 = arith.constant 0 : i32
      %dma_start3A_134 = tpu.memref_slice %arg2[%dma_start3A_132, %dma_start3A_133] : memref<10000x128xf32, #tpu.memory_space<hbm>> -> memref<10000x128xf32, #tpu.memory_space<hbm>>
      tpu.enqueue_indirect_dma source(%dma_start3A_134 : memref<10000x128xf32, #tpu.memory_space<hbm>>) target(%dma_start3A_128 : memref<128x128xf32, #tpu.memory_space<vmem>>) offsets(%dma_start3A_131 : memref<128xi32, #tpu.memory_space<vmem>>) semaphore(%arg12 : memref<!tpu.dma_semaphore, #tpu.memory_space<semaphore_mem>>)
      %dma_wait3A_135 = arith.constant 2 : i32
      %dma_wait3A_136 = arith.constant 0 : i32
      %dma_wait3A_137 = arith.constant 0 : i32
      %dma_wait3A_138 = arith.constant 0 : i32
      %dma_wait3A_139 = tpu.memref_slice %arg9[%dma_wait3A_136, %dma_wait3A_137, %dma_wait3A_138] : memref<2x128x128xf32, #tpu.memory_space<vmem>> -> memref<1x128x128xf32, #tpu.memory_space<vmem>>
      %dma_wait3A_140 = tpu.memref_squeeze %dma_wait3A_139 : memref<1x128x128xf32, #tpu.memory_space<vmem>> -> memref<128x128xf32, #tpu.memory_space<vmem>>
      %dma_wait3A_141 = arith.constant 0 : i32
      %dma_wait3A_142 = tpu.memref_slice %arg7[%dma_wait3A_135, %dma_wait3A_141] : memref<8x128xi32, #tpu.memory_space<vmem>> -> memref<1x128xi32, #tpu.memory_space<vmem>>
      %dma_wait3A_143 = tpu.memref_squeeze %dma_wait3A_142 : memref<1x128xi32, #tpu.memory_space<vmem>> -> memref<128xi32, #tpu.memory_space<vmem>>
      %dma_wait3A_144 = arith.constant 0 : i32
      %dma_wait3A_145 = arith.constant 0 : i32
      %dma_wait3A_146 = tpu.memref_slice %arg2[%dma_wait3A_144, %dma_wait3A_145] : memref<10000x128xf32, #tpu.memory_space<hbm>> -> memref<10000x128xf32, #tpu.memory_space<hbm>>
      tpu.wait_indirect_dma semaphore(%arg11 : memref<!tpu.dma_semaphore, #tpu.memory_space<semaphore_mem>>) src(%dma_wait3A_146 : memref<10000x128xf32, #tpu.memory_space<hbm>>) dst(%dma_wait3A_140 : memref<128x128xf32, #tpu.memory_space<vmem>>)
      %dma_start3A_147 = arith.constant 0 : i32
      %dma_start3A_148 = arith.constant 2 : i32
      %dma_start3A_149 = arith.constant 0 : i32
      %dma_start3A_150 = arith.constant 0 : i32
      %dma_start3A_151 = tpu.memref_slice %arg9[%dma_start3A_147, %dma_start3A_149, %dma_start3A_150] : memref<2x128x128xf32, #tpu.memory_space<vmem>> -> memref<1x128x128xf32, #tpu.memory_space<vmem>>
      %dma_start3A_152 = tpu.memref_squeeze %dma_start3A_151 : memref<1x128x128xf32, #tpu.memory_space<vmem>> -> memref<128x128xf32, #tpu.memory_space<vmem>>
      %dma_start3A_153 = arith.constant 0 : i32
      %dma_start3A_154 = tpu.memref_slice %arg8[%dma_start3A_148, %dma_start3A_153] : memref<8x128xi32, #tpu.memory_space<vmem>> -> memref<1x128xi32, #tpu.memory_space<vmem>>
      %dma_start3A_155 = tpu.memref_squeeze %dma_start3A_154 : memref<1x128xi32, #tpu.memory_space<vmem>> -> memref<128xi32, #tpu.memory_space<vmem>>
      %dma_start3A_156 = arith.constant 0 : i32
      %dma_start3A_157 = arith.constant 0 : i32
      %dma_start3A_158 = tpu.memref_slice %arg10[%dma_start3A_156, %dma_start3A_157] : memref<10240x128xf32, #tpu.memory_space<vmem_shared>> -> memref<10240x128xf32, #tpu.memory_space<vmem_shared>>
      tpu.enqueue_indirect_dma source(%dma_start3A_152 : memref<128x128xf32, #tpu.memory_space<vmem>>) target(%dma_start3A_158 : memref<10240x128xf32, #tpu.memory_space<vmem_shared>>) offsets(%dma_start3A_155 : memref<128xi32, #tpu.memory_space<vmem>>) semaphore(%arg13 : memref<!tpu.dma_semaphore, #tpu.memory_space<semaphore_mem>>) {add = true}
      %dma_wait3A_159 = arith.constant 0 : i32
      %dma_wait3A_160 = arith.constant 2 : i32
      %dma_wait3A_161 = arith.constant 0 : i32
      %dma_wait3A_162 = arith.constant 0 : i32
      %dma_wait3A_163 = tpu.memref_slice %arg9[%dma_wait3A_159, %dma_wait3A_161, %dma_wait3A_162] : memref<2x128x128xf32, #tpu.memory_space<vmem>> -> memref<1x128x128xf32, #tpu.memory_space<vmem>>
      %dma_wait3A_164 = tpu.memref_squeeze %dma_wait3A_163 : memref<1x128x128xf32, #tpu.memory_space<vmem>> -> memref<128x128xf32, #tpu.memory_space<vmem>>
      %dma_wait3A_165 = arith.constant 0 : i32
      %dma_wait3A_166 = tpu.memref_slice %arg8[%dma_wait3A_160, %dma_wait3A_165] : memref<8x128xi32, #tpu.memory_space<vmem>> -> memref<1x128xi32, #tpu.memory_space<vmem>>
      %dma_wait3A_167 = tpu.memref_squeeze %dma_wait3A_166 : memref<1x128xi32, #tpu.memory_space<vmem>> -> memref<128xi32, #tpu.memory_space<vmem>>
      %dma_wait3A_168 = arith.constant 0 : i32
      %dma_wait3A_169 = arith.constant 0 : i32
      %dma_wait3A_170 = tpu.memref_slice %arg10[%dma_wait3A_168, %dma_wait3A_169] : memref<10240x128xf32, #tpu.memory_space<vmem_shared>> -> memref<10240x128xf32, #tpu.memory_space<vmem_shared>>
      tpu.wait_indirect_dma semaphore(%arg13 : memref<!tpu.dma_semaphore, #tpu.memory_space<semaphore_mem>>) src(%dma_wait3A_164 : memref<128x128xf32, #tpu.memory_space<vmem>>) dst(%dma_wait3A_170 : memref<10240x128xf32, #tpu.memory_space<vmem_shared>>)
      %dma_start3A_171 = arith.constant 4 : i32
      %dma_start3A_172 = arith.constant 0 : i32
      %dma_start3A_173 = arith.constant 0 : i32
      %dma_start3A_174 = arith.constant 0 : i32
      %dma_start3A_175 = tpu.memref_slice %arg9[%dma_start3A_172, %dma_start3A_173, %dma_start3A_174] : memref<2x128x128xf32, #tpu.memory_space<vmem>> -> memref<1x128x128xf32, #tpu.memory_space<vmem>>
      %dma_start3A_176 = tpu.memref_squeeze %dma_start3A_175 : memref<1x128x128xf32, #tpu.memory_space<vmem>> -> memref<128x128xf32, #tpu.memory_space<vmem>>
      %dma_start3A_177 = arith.constant 0 : i32
      %dma_start3A_178 = tpu.memref_slice %arg7[%dma_start3A_171, %dma_start3A_177] : memref<8x128xi32, #tpu.memory_space<vmem>> -> memref<1x128xi32, #tpu.memory_space<vmem>>
      %dma_start3A_179 = tpu.memref_squeeze %dma_start3A_178 : memref<1x128xi32, #tpu.memory_space<vmem>> -> memref<128xi32, #tpu.memory_space<vmem>>
      %dma_start3A_180 = arith.constant 0 : i32
      %dma_start3A_181 = arith.constant 0 : i32
      %dma_start3A_182 = tpu.memref_slice %arg2[%dma_start3A_180, %dma_start3A_181] : memref<10000x128xf32, #tpu.memory_space<hbm>> -> memref<10000x128xf32, #tpu.memory_space<hbm>>
      tpu.enqueue_indirect_dma source(%dma_start3A_182 : memref<10000x128xf32, #tpu.memory_space<hbm>>) target(%dma_start3A_176 : memref<128x128xf32, #tpu.memory_space<vmem>>) offsets(%dma_start3A_179 : memref<128xi32, #tpu.memory_space<vmem>>) semaphore(%arg11 : memref<!tpu.dma_semaphore, #tpu.memory_space<semaphore_mem>>)
      %dma_wait3A_183 = arith.constant 3 : i32
      %dma_wait3A_184 = arith.constant 1 : i32
      %dma_wait3A_185 = arith.constant 0 : i32
      %dma_wait3A_186 = arith.constant 0 : i32
      %dma_wait3A_187 = tpu.memref_slice %arg9[%dma_wait3A_184, %dma_wait3A_185, %dma_wait3A_186] : memref<2x128x128xf32, #tpu.memory_space<vmem>> -> memref<1x128x128xf32, #tpu.memory_space<vmem>>
      %dma_wait3A_188 = tpu.memref_squeeze %dma_wait3A_187 : memref<1x128x128xf32, #tpu.memory_space<vmem>> -> memref<128x128xf32, #tpu.memory_space<vmem>>
      %dma_wait3A_189 = arith.constant 0 : i32
      %dma_wait3A_190 = tpu.memref_slice %arg7[%dma_wait3A_183, %dma_wait3A_189] : memref<8x128xi32, #tpu.memory_space<vmem>> -> memref<1x128xi32, #tpu.memory_space<vmem>>
      %dma_wait3A_191 = tpu.memref_squeeze %dma_wait3A_190 : memref<1x128xi32, #tpu.memory_space<vmem>> -> memref<128xi32, #tpu.memory_space<vmem>>
      %dma_wait3A_192 = arith.constant 0 : i32
      %dma_wait3A_193 = arith.constant 0 : i32
      %dma_wait3A_194 = tpu.memref_slice %arg2[%dma_wait3A_192, %dma_wait3A_193] : memref<10000x128xf32, #tpu.memory_space<hbm>> -> memref<10000x128xf32, #tpu.memory_space<hbm>>
      tpu.wait_indirect_dma semaphore(%arg12 : memref<!tpu.dma_semaphore, #tpu.memory_space<semaphore_mem>>) src(%dma_wait3A_194 : memref<10000x128xf32, #tpu.memory_space<hbm>>) dst(%dma_wait3A_188 : memref<128x128xf32, #tpu.memory_space<vmem>>)
      %dma_start3A_195 = arith.constant 1 : i32
      %dma_start3A_196 = arith.constant 3 : i32
      %dma_start3A_197 = arith.constant 0 : i32
      %dma_start3A_198 = arith.constant 0 : i32
      %dma_start3A_199 = tpu.memref_slice %arg9[%dma_start3A_195, %dma_start3A_197, %dma_start3A_198] : memref<2x128x128xf32, #tpu.memory_space<vmem>> -> memref<1x128x128xf32, #tpu.memory_space<vmem>>
      %dma_start3A_200 = tpu.memref_squeeze %dma_start3A_199 : memref<1x128x128xf32, #tpu.memory_space<vmem>> -> memref<128x128xf32, #tpu.memory_space<vmem>>
      %dma_start3A_201 = arith.constant 0 : i32
      %dma_start3A_202 = tpu.memref_slice %arg8[%dma_start3A_196, %dma_start3A_201] : memref<8x128xi32, #tpu.memory_space<vmem>> -> memref<1x128xi32, #tpu.memory_space<vmem>>
      %dma_start3A_203 = tpu.memref_squeeze %dma_start3A_202 : memref<1x128xi32, #tpu.memory_space<vmem>> -> memref<128xi32, #tpu.memory_space<vmem>>
      %dma_start3A_204 = arith.constant 0 : i32
      %dma_start3A_205 = arith.constant 0 : i32
      %dma_start3A_206 = tpu.memref_slice %arg10[%dma_start3A_204, %dma_start3A_205] : memref<10240x128xf32, #tpu.memory_space<vmem_shared>> -> memref<10240x128xf32, #tpu.memory_space<vmem_shared>>
      tpu.enqueue_indirect_dma source(%dma_start3A_200 : memref<128x128xf32, #tpu.memory_space<vmem>>) target(%dma_start3A_206 : memref<10240x128xf32, #tpu.memory_space<vmem_shared>>) offsets(%dma_start3A_203 : memref<128xi32, #tpu.memory_space<vmem>>) semaphore(%arg14 : memref<!tpu.dma_semaphore, #tpu.memory_space<semaphore_mem>>) {add = true}
      %dma_wait3A_207 = arith.constant 1 : i32
      %dma_wait3A_208 = arith.constant 3 : i32
      %dma_wait3A_209 = arith.constant 0 : i32
      %dma_wait3A_210 = arith.constant 0 : i32
      %dma_wait3A_211 = tpu.memref_slice %arg9[%dma_wait3A_207, %dma_wait3A_209, %dma_wait3A_210] : memref<2x128x128xf32, #tpu.memory_space<vmem>> -> memref<1x128x128xf32, #tpu.memory_space<vmem>>
      %dma_wait3A_212 = tpu.memref_squeeze %dma_wait3A_211 : memref<1x128x128xf32, #tpu.memory_space<vmem>> -> memref<128x128xf32, #tpu.memory_space<vmem>>
      %dma_wait3A_213 = arith.constant 0 : i32
      %dma_wait3A_214 = tpu.memref_slice %arg8[%dma_wait3A_208, %dma_wait3A_213] : memref<8x128xi32, #tpu.memory_space<vmem>> -> memref<1x128xi32, #tpu.memory_space<vmem>>
      %dma_wait3A_215 = tpu.memref_squeeze %dma_wait3A_214 : memref<1x128xi32, #tpu.memory_space<vmem>> -> memref<128xi32, #tpu.memory_space<vmem>>
      %dma_wait3A_216 = arith.constant 0 : i32
      %dma_wait3A_217 = arith.constant 0 : i32
      %dma_wait3A_218 = tpu.memref_slice %arg10[%dma_wait3A_216, %dma_wait3A_217] : memref<10240x128xf32, #tpu.memory_space<vmem_shared>> -> memref<10240x128xf32, #tpu.memory_space<vmem_shared>>
      tpu.wait_indirect_dma semaphore(%arg14 : memref<!tpu.dma_semaphore, #tpu.memory_space<semaphore_mem>>) src(%dma_wait3A_212 : memref<128x128xf32, #tpu.memory_space<vmem>>) dst(%dma_wait3A_218 : memref<10240x128xf32, #tpu.memory_space<vmem_shared>>)
      %dma_start3A_219 = arith.constant 5 : i32
      %dma_start3A_220 = arith.constant 1 : i32
      %dma_start3A_221 = arith.constant 0 : i32
      %dma_start3A_222 = arith.constant 0 : i32
      %dma_start3A_223 = tpu.memref_slice %arg9[%dma_start3A_220, %dma_start3A_221, %dma_start3A_222] : memref<2x128x128xf32, #tpu.memory_space<vmem>> -> memref<1x128x128xf32, #tpu.memory_space<vmem>>
      %dma_start3A_224 = tpu.memref_squeeze %dma_start3A_223 : memref<1x128x128xf32, #tpu.memory_space<vmem>> -> memref<128x128xf32, #tpu.memory_space<vmem>>
      %dma_start3A_225 = arith.constant 0 : i32
      %dma_start3A_226 = tpu.memref_slice %arg7[%dma_start3A_219, %dma_start3A_225] : memref<8x128xi32, #tpu.memory_space<vmem>> -> memref<1x128xi32, #tpu.memory_space<vmem>>
      %dma_start3A_227 = tpu.memref_squeeze %dma_start3A_226 : memref<1x128xi32, #tpu.memory_space<vmem>> -> memref<128xi32, #tpu.memory_space<vmem>>
      %dma_start3A_228 = arith.constant 0 : i32
      %dma_start3A_229 = arith.constant 0 : i32
      %dma_start3A_230 = tpu.memref_slice %arg2[%dma_start3A_228, %dma_start3A_229] : memref<10000x128xf32, #tpu.memory_space<hbm>> -> memref<10000x128xf32, #tpu.memory_space<hbm>>
      tpu.enqueue_indirect_dma source(%dma_start3A_230 : memref<10000x128xf32, #tpu.memory_space<hbm>>) target(%dma_start3A_224 : memref<128x128xf32, #tpu.memory_space<vmem>>) offsets(%dma_start3A_227 : memref<128xi32, #tpu.memory_space<vmem>>) semaphore(%arg12 : memref<!tpu.dma_semaphore, #tpu.memory_space<semaphore_mem>>)
      %dma_wait3A_231 = arith.constant 4 : i32
      %dma_wait3A_232 = arith.constant 0 : i32
      %dma_wait3A_233 = arith.constant 0 : i32
      %dma_wait3A_234 = arith.constant 0 : i32
      %dma_wait3A_235 = tpu.memref_slice %arg9[%dma_wait3A_232, %dma_wait3A_233, %dma_wait3A_234] : memref<2x128x128xf32, #tpu.memory_space<vmem>> -> memref<1x128x128xf32, #tpu.memory_space<vmem>>
      %dma_wait3A_236 = tpu.memref_squeeze %dma_wait3A_235 : memref<1x128x128xf32, #tpu.memory_space<vmem>> -> memref<128x128xf32, #tpu.memory_space<vmem>>
      %dma_wait3A_237 = arith.constant 0 : i32
      %dma_wait3A_238 = tpu.memref_slice %arg7[%dma_wait3A_231, %dma_wait3A_237] : memref<8x128xi32, #tpu.memory_space<vmem>> -> memref<1x128xi32, #tpu.memory_space<vmem>>
      %dma_wait3A_239 = tpu.memref_squeeze %dma_wait3A_238 : memref<1x128xi32, #tpu.memory_space<vmem>> -> memref<128xi32, #tpu.memory_space<vmem>>
      %dma_wait3A_240 = arith.constant 0 : i32
      %dma_wait3A_241 = arith.constant 0 : i32
      %dma_wait3A_242 = tpu.memref_slice %arg2[%dma_wait3A_240, %dma_wait3A_241] : memref<10000x128xf32, #tpu.memory_space<hbm>> -> memref<10000x128xf32, #tpu.memory_space<hbm>>
      tpu.wait_indirect_dma semaphore(%arg11 : memref<!tpu.dma_semaphore, #tpu.memory_space<semaphore_mem>>) src(%dma_wait3A_242 : memref<10000x128xf32, #tpu.memory_space<hbm>>) dst(%dma_wait3A_236 : memref<128x128xf32, #tpu.memory_space<vmem>>)
      %dma_start3A_243 = arith.constant 0 : i32
      %dma_start3A_244 = arith.constant 4 : i32
      %dma_start3A_245 = arith.constant 0 : i32
      %dma_start3A_246 = arith.constant 0 : i32
      %dma_start3A_247 = tpu.memref_slice %arg9[%dma_start3A_243, %dma_start3A_245, %dma_start3A_246] : memref<2x128x128xf32, #tpu.memory_space<vmem>> -> memref<1x128x128xf32, #tpu.memory_space<vmem>>
      %dma_start3A_248 = tpu.memref_squeeze %dma_start3A_247 : memref<1x128x128xf32, #tpu.memory_space<vmem>> -> memref<128x128xf32, #tpu.memory_space<vmem>>
      %dma_start3A_249 = arith.constant 0 : i32
      %dma_start3A_250 = tpu.memref_slice %arg8[%dma_start3A_244, %dma_start3A_249] : memref<8x128xi32, #tpu.memory_space<vmem>> -> memref<1x128xi32, #tpu.memory_space<vmem>>
      %dma_start3A_251 = tpu.memref_squeeze %dma_start3A_250 : memref<1x128xi32, #tpu.memory_space<vmem>> -> memref<128xi32, #tpu.memory_space<vmem>>
      %dma_start3A_252 = arith.constant 0 : i32
      %dma_start3A_253 = arith.constant 0 : i32
      %dma_start3A_254 = tpu.memref_slice %arg10[%dma_start3A_252, %dma_start3A_253] : memref<10240x128xf32, #tpu.memory_space<vmem_shared>> -> memref<10240x128xf32, #tpu.memory_space<vmem_shared>>
      tpu.enqueue_indirect_dma source(%dma_start3A_248 : memref<128x128xf32, #tpu.memory_space<vmem>>) target(%dma_start3A_254 : memref<10240x128xf32, #tpu.memory_space<vmem_shared>>) offsets(%dma_start3A_251 : memref<128xi32, #tpu.memory_space<vmem>>) semaphore(%arg13 : memref<!tpu.dma_semaphore, #tpu.memory_space<semaphore_mem>>) {add = true}
      %dma_wait3A_255 = arith.constant 0 : i32
      %dma_wait3A_256 = arith.constant 4 : i32
      %dma_wait3A_257 = arith.constant 0 : i32
      %dma_wait3A_258 = arith.constant 0 : i32
      %dma_wait3A_259 = tpu.memref_slice %arg9[%dma_wait3A_255, %dma_wait3A_257, %dma_wait3A_258] : memref<2x128x128xf32, #tpu.memory_space<vmem>> -> memref<1x128x128xf32, #tpu.memory_space<vmem>>
      %dma_wait3A_260 = tpu.memref_squeeze %dma_wait3A_259 : memref<1x128x128xf32, #tpu.memory_space<vmem>> -> memref<128x128xf32, #tpu.memory_space<vmem>>
      %dma_wait3A_261 = arith.constant 0 : i32
      %dma_wait3A_262 = tpu.memref_slice %arg8[%dma_wait3A_256, %dma_wait3A_261] : memref<8x128xi32, #tpu.memory_space<vmem>> -> memref<1x128xi32, #tpu.memory_space<vmem>>
      %dma_wait3A_263 = tpu.memref_squeeze %dma_wait3A_262 : memref<1x128xi32, #tpu.memory_space<vmem>> -> memref<128xi32, #tpu.memory_space<vmem>>
      %dma_wait3A_264 = arith.constant 0 : i32
      %dma_wait3A_265 = arith.constant 0 : i32
      %dma_wait3A_266 = tpu.memref_slice %arg10[%dma_wait3A_264, %dma_wait3A_265] : memref<10240x128xf32, #tpu.memory_space<vmem_shared>> -> memref<10240x128xf32, #tpu.memory_space<vmem_shared>>
      tpu.wait_indirect_dma semaphore(%arg13 : memref<!tpu.dma_semaphore, #tpu.memory_space<semaphore_mem>>) src(%dma_wait3A_260 : memref<128x128xf32, #tpu.memory_space<vmem>>) dst(%dma_wait3A_266 : memref<10240x128xf32, #tpu.memory_space<vmem_shared>>)
      %dma_start3A_267 = arith.constant 6 : i32
      %dma_start3A_268 = arith.constant 0 : i32
      %dma_start3A_269 = arith.constant 0 : i32
      %dma_start3A_270 = arith.constant 0 : i32
      %dma_start3A_271 = tpu.memref_slice %arg9[%dma_start3A_268, %dma_start3A_269, %dma_start3A_270] : memref<2x128x128xf32, #tpu.memory_space<vmem>> -> memref<1x128x128xf32, #tpu.memory_space<vmem>>
      %dma_start3A_272 = tpu.memref_squeeze %dma_start3A_271 : memref<1x128x128xf32, #tpu.memory_space<vmem>> -> memref<128x128xf32, #tpu.memory_space<vmem>>
      %dma_start3A_273 = arith.constant 0 : i32
      %dma_start3A_274 = tpu.memref_slice %arg7[%dma_start3A_267, %dma_start3A_273] : memref<8x128xi32, #tpu.memory_space<vmem>> -> memref<1x128xi32, #tpu.memory_space<vmem>>
      %dma_start3A_275 = tpu.memref_squeeze %dma_start3A_274 : memref<1x128xi32, #tpu.memory_space<vmem>> -> memref<128xi32, #tpu.memory_space<vmem>>
      %dma_start3A_276 = arith.constant 0 : i32
      %dma_start3A_277 = arith.constant 0 : i32
      %dma_start3A_278 = tpu.memref_slice %arg2[%dma_start3A_276, %dma_start3A_277] : memref<10000x128xf32, #tpu.memory_space<hbm>> -> memref<10000x128xf32, #tpu.memory_space<hbm>>
      tpu.enqueue_indirect_dma source(%dma_start3A_278 : memref<10000x128xf32, #tpu.memory_space<hbm>>) target(%dma_start3A_272 : memref<128x128xf32, #tpu.memory_space<vmem>>) offsets(%dma_start3A_275 : memref<128xi32, #tpu.memory_space<vmem>>) semaphore(%arg11 : memref<!tpu.dma_semaphore, #tpu.memory_space<semaphore_mem>>)
      %dma_wait3A_279 = arith.constant 5 : i32
      %dma_wait3A_280 = arith.constant 1 : i32
      %dma_wait3A_281 = arith.constant 0 : i32
      %dma_wait3A_282 = arith.constant 0 : i32
      %dma_wait3A_283 = tpu.memref_slice %arg9[%dma_wait3A_280, %dma_wait3A_281, %dma_wait3A_282] : memref<2x128x128xf32, #tpu.memory_space<vmem>> -> memref<1x128x128xf32, #tpu.memory_space<vmem>>
      %dma_wait3A_284 = tpu.memref_squeeze %dma_wait3A_283 : memref<1x128x128xf32, #tpu.memory_space<vmem>> -> memref<128x128xf32, #tpu.memory_space<vmem>>
      %dma_wait3A_285 = arith.constant 0 : i32
      %dma_wait3A_286 = tpu.memref_slice %arg7[%dma_wait3A_279, %dma_wait3A_285] : memref<8x128xi32, #tpu.memory_space<vmem>> -> memref<1x128xi32, #tpu.memory_space<vmem>>
      %dma_wait3A_287 = tpu.memref_squeeze %dma_wait3A_286 : memref<1x128xi32, #tpu.memory_space<vmem>> -> memref<128xi32, #tpu.memory_space<vmem>>
      %dma_wait3A_288 = arith.constant 0 : i32
      %dma_wait3A_289 = arith.constant 0 : i32
      %dma_wait3A_290 = tpu.memref_slice %arg2[%dma_wait3A_288, %dma_wait3A_289] : memref<10000x128xf32, #tpu.memory_space<hbm>> -> memref<10000x128xf32, #tpu.memory_space<hbm>>
      tpu.wait_indirect_dma semaphore(%arg12 : memref<!tpu.dma_semaphore, #tpu.memory_space<semaphore_mem>>) src(%dma_wait3A_290 : memref<10000x128xf32, #tpu.memory_space<hbm>>) dst(%dma_wait3A_284 : memref<128x128xf32, #tpu.memory_space<vmem>>)
      %dma_start3A_291 = arith.constant 1 : i32
      %dma_start3A_292 = arith.constant 5 : i32
      %dma_start3A_293 = arith.constant 0 : i32
      %dma_start3A_294 = arith.constant 0 : i32
      %dma_start3A_295 = tpu.memref_slice %arg9[%dma_start3A_291, %dma_start3A_293, %dma_start3A_294] : memref<2x128x128xf32, #tpu.memory_space<vmem>> -> memref<1x128x128xf32, #tpu.memory_space<vmem>>
      %dma_start3A_296 = tpu.memref_squeeze %dma_start3A_295 : memref<1x128x128xf32, #tpu.memory_space<vmem>> -> memref<128x128xf32, #tpu.memory_space<vmem>>
      %dma_start3A_297 = arith.constant 0 : i32
      %dma_start3A_298 = tpu.memref_slice %arg8[%dma_start3A_292, %dma_start3A_297] : memref<8x128xi32, #tpu.memory_space<vmem>> -> memref<1x128xi32, #tpu.memory_space<vmem>>
      %dma_start3A_299 = tpu.memref_squeeze %dma_start3A_298 : memref<1x128xi32, #tpu.memory_space<vmem>> -> memref<128xi32, #tpu.memory_space<vmem>>
      %dma_start3A_300 = arith.constant 0 : i32
      %dma_start3A_301 = arith.constant 0 : i32
      %dma_start3A_302 = tpu.memref_slice %arg10[%dma_start3A_300, %dma_start3A_301] : memref<10240x128xf32, #tpu.memory_space<vmem_shared>> -> memref<10240x128xf32, #tpu.memory_space<vmem_shared>>
      tpu.enqueue_indirect_dma source(%dma_start3A_296 : memref<128x128xf32, #tpu.memory_space<vmem>>) target(%dma_start3A_302 : memref<10240x128xf32, #tpu.memory_space<vmem_shared>>) offsets(%dma_start3A_299 : memref<128xi32, #tpu.memory_space<vmem>>) semaphore(%arg14 : memref<!tpu.dma_semaphore, #tpu.memory_space<semaphore_mem>>) {add = true}
      %dma_wait3A_303 = arith.constant 1 : i32
      %dma_wait3A_304 = arith.constant 5 : i32
      %dma_wait3A_305 = arith.constant 0 : i32
      %dma_wait3A_306 = arith.constant 0 : i32
      %dma_wait3A_307 = tpu.memref_slice %arg9[%dma_wait3A_303, %dma_wait3A_305, %dma_wait3A_306] : memref<2x128x128xf32, #tpu.memory_space<vmem>> -> memref<1x128x128xf32, #tpu.memory_space<vmem>>
      %dma_wait3A_308 = tpu.memref_squeeze %dma_wait3A_307 : memref<1x128x128xf32, #tpu.memory_space<vmem>> -> memref<128x128xf32, #tpu.memory_space<vmem>>
      %dma_wait3A_309 = arith.constant 0 : i32
      %dma_wait3A_310 = tpu.memref_slice %arg8[%dma_wait3A_304, %dma_wait3A_309] : memref<8x128xi32, #tpu.memory_space<vmem>> -> memref<1x128xi32, #tpu.memory_space<vmem>>
      %dma_wait3A_311 = tpu.memref_squeeze %dma_wait3A_310 : memref<1x128xi32, #tpu.memory_space<vmem>> -> memref<128xi32, #tpu.memory_space<vmem>>
      %dma_wait3A_312 = arith.constant 0 : i32
      %dma_wait3A_313 = arith.constant 0 : i32
      %dma_wait3A_314 = tpu.memref_slice %arg10[%dma_wait3A_312, %dma_wait3A_313] : memref<10240x128xf32, #tpu.memory_space<vmem_shared>> -> memref<10240x128xf32, #tpu.memory_space<vmem_shared>>
      tpu.wait_indirect_dma semaphore(%arg14 : memref<!tpu.dma_semaphore, #tpu.memory_space<semaphore_mem>>) src(%dma_wait3A_308 : memref<128x128xf32, #tpu.memory_space<vmem>>) dst(%dma_wait3A_314 : memref<10240x128xf32, #tpu.memory_space<vmem_shared>>)
      %dma_start3A_315 = arith.constant 7 : i32
      %dma_start3A_316 = arith.constant 1 : i32
      %dma_start3A_317 = arith.constant 0 : i32
      %dma_start3A_318 = arith.constant 0 : i32
      %dma_start3A_319 = tpu.memref_slice %arg9[%dma_start3A_316, %dma_start3A_317, %dma_start3A_318] : memref<2x128x128xf32, #tpu.memory_space<vmem>> -> memref<1x128x128xf32, #tpu.memory_space<vmem>>
      %dma_start3A_320 = tpu.memref_squeeze %dma_start3A_319 : memref<1x128x128xf32, #tpu.memory_space<vmem>> -> memref<128x128xf32, #tpu.memory_space<vmem>>
      %dma_start3A_321 = arith.constant 0 : i32
      %dma_start3A_322 = tpu.memref_slice %arg7[%dma_start3A_315, %dma_start3A_321] : memref<8x128xi32, #tpu.memory_space<vmem>> -> memref<1x128xi32, #tpu.memory_space<vmem>>
      %dma_start3A_323 = tpu.memref_squeeze %dma_start3A_322 : memref<1x128xi32, #tpu.memory_space<vmem>> -> memref<128xi32, #tpu.memory_space<vmem>>
      %dma_start3A_324 = arith.constant 0 : i32
      %dma_start3A_325 = arith.constant 0 : i32
      %dma_start3A_326 = tpu.memref_slice %arg2[%dma_start3A_324, %dma_start3A_325] : memref<10000x128xf32, #tpu.memory_space<hbm>> -> memref<10000x128xf32, #tpu.memory_space<hbm>>
      tpu.enqueue_indirect_dma source(%dma_start3A_326 : memref<10000x128xf32, #tpu.memory_space<hbm>>) target(%dma_start3A_320 : memref<128x128xf32, #tpu.memory_space<vmem>>) offsets(%dma_start3A_323 : memref<128xi32, #tpu.memory_space<vmem>>) semaphore(%arg12 : memref<!tpu.dma_semaphore, #tpu.memory_space<semaphore_mem>>)
      %dma_wait3A_327 = arith.constant 6 : i32
      %dma_wait3A_328 = arith.constant 0 : i32
      %dma_wait3A_329 = arith.constant 0 : i32
      %dma_wait3A_330 = arith.constant 0 : i32
      %dma_wait3A_331 = tpu.memref_slice %arg9[%dma_wait3A_328, %dma_wait3A_329, %dma_wait3A_330] : memref<2x128x128xf32, #tpu.memory_space<vmem>> -> memref<1x128x128xf32, #tpu.memory_space<vmem>>
      %dma_wait3A_332 = tpu.memref_squeeze %dma_wait3A_331 : memref<1x128x128xf32, #tpu.memory_space<vmem>> -> memref<128x128xf32, #tpu.memory_space<vmem>>
      %dma_wait3A_333 = arith.constant 0 : i32
      %dma_wait3A_334 = tpu.memref_slice %arg7[%dma_wait3A_327, %dma_wait3A_333] : memref<8x128xi32, #tpu.memory_space<vmem>> -> memref<1x128xi32, #tpu.memory_space<vmem>>
      %dma_wait3A_335 = tpu.memref_squeeze %dma_wait3A_334 : memref<1x128xi32, #tpu.memory_space<vmem>> -> memref<128xi32, #tpu.memory_space<vmem>>
      %dma_wait3A_336 = arith.constant 0 : i32
      %dma_wait3A_337 = arith.constant 0 : i32
      %dma_wait3A_338 = tpu.memref_slice %arg2[%dma_wait3A_336, %dma_wait3A_337] : memref<10000x128xf32, #tpu.memory_space<hbm>> -> memref<10000x128xf32, #tpu.memory_space<hbm>>
      tpu.wait_indirect_dma semaphore(%arg11 : memref<!tpu.dma_semaphore, #tpu.memory_space<semaphore_mem>>) src(%dma_wait3A_338 : memref<10000x128xf32, #tpu.memory_space<hbm>>) dst(%dma_wait3A_332 : memref<128x128xf32, #tpu.memory_space<vmem>>)
      %dma_start3A_339 = arith.constant 0 : i32
      %dma_start3A_340 = arith.constant 6 : i32
      %dma_start3A_341 = arith.constant 0 : i32
      %dma_start3A_342 = arith.constant 0 : i32
      %dma_start3A_343 = tpu.memref_slice %arg9[%dma_start3A_339, %dma_start3A_341, %dma_start3A_342] : memref<2x128x128xf32, #tpu.memory_space<vmem>> -> memref<1x128x128xf32, #tpu.memory_space<vmem>>
      %dma_start3A_344 = tpu.memref_squeeze %dma_start3A_343 : memref<1x128x128xf32, #tpu.memory_space<vmem>> -> memref<128x128xf32, #tpu.memory_space<vmem>>
      %dma_start3A_345 = arith.constant 0 : i32
      %dma_start3A_346 = tpu.memref_slice %arg8[%dma_start3A_340, %dma_start3A_345] : memref<8x128xi32, #tpu.memory_space<vmem>> -> memref<1x128xi32, #tpu.memory_space<vmem>>
      %dma_start3A_347 = tpu.memref_squeeze %dma_start3A_346 : memref<1x128xi32, #tpu.memory_space<vmem>> -> memref<128xi32, #tpu.memory_space<vmem>>
      %dma_start3A_348 = arith.constant 0 : i32
      %dma_start3A_349 = arith.constant 0 : i32
      %dma_start3A_350 = tpu.memref_slice %arg10[%dma_start3A_348, %dma_start3A_349] : memref<10240x128xf32, #tpu.memory_space<vmem_shared>> -> memref<10240x128xf32, #tpu.memory_space<vmem_shared>>
      tpu.enqueue_indirect_dma source(%dma_start3A_344 : memref<128x128xf32, #tpu.memory_space<vmem>>) target(%dma_start3A_350 : memref<10240x128xf32, #tpu.memory_space<vmem_shared>>) offsets(%dma_start3A_347 : memref<128xi32, #tpu.memory_space<vmem>>) semaphore(%arg13 : memref<!tpu.dma_semaphore, #tpu.memory_space<semaphore_mem>>) {add = true}
      %dma_wait3A_351 = arith.constant 7 : i32
      %dma_wait3A_352 = arith.constant 1 : i32
      %dma_wait3A_353 = arith.constant 0 : i32
      %dma_wait3A_354 = arith.constant 0 : i32
      %dma_wait3A_355 = tpu.memref_slice %arg9[%dma_wait3A_352, %dma_wait3A_353, %dma_wait3A_354] : memref<2x128x128xf32, #tpu.memory_space<vmem>> -> memref<1x128x128xf32, #tpu.memory_space<vmem>>
      %dma_wait3A_356 = tpu.memref_squeeze %dma_wait3A_355 : memref<1x128x128xf32, #tpu.memory_space<vmem>> -> memref<128x128xf32, #tpu.memory_space<vmem>>
      %dma_wait3A_357 = arith.constant 0 : i32
      %dma_wait3A_358 = tpu.memref_slice %arg7[%dma_wait3A_351, %dma_wait3A_357] : memref<8x128xi32, #tpu.memory_space<vmem>> -> memref<1x128xi32, #tpu.memory_space<vmem>>
      %dma_wait3A_359 = tpu.memref_squeeze %dma_wait3A_358 : memref<1x128xi32, #tpu.memory_space<vmem>> -> memref<128xi32, #tpu.memory_space<vmem>>
      %dma_wait3A_360 = arith.constant 0 : i32
      %dma_wait3A_361 = arith.constant 0 : i32
      %dma_wait3A_362 = tpu.memref_slice %arg2[%dma_wait3A_360, %dma_wait3A_361] : memref<10000x128xf32, #tpu.memory_space<hbm>> -> memref<10000x128xf32, #tpu.memory_space<hbm>>
      tpu.wait_indirect_dma semaphore(%arg12 : memref<!tpu.dma_semaphore, #tpu.memory_space<semaphore_mem>>) src(%dma_wait3A_362 : memref<10000x128xf32, #tpu.memory_space<hbm>>) dst(%dma_wait3A_356 : memref<128x128xf32, #tpu.memory_space<vmem>>)
      %dma_start3A_363 = arith.constant 1 : i32
      %dma_start3A_364 = arith.constant 7 : i32
      %dma_start3A_365 = arith.constant 0 : i32
      %dma_start3A_366 = arith.constant 0 : i32
      %dma_start3A_367 = tpu.memref_slice %arg9[%dma_start3A_363, %dma_start3A_365, %dma_start3A_366] : memref<2x128x128xf32, #tpu.memory_space<vmem>> -> memref<1x128x128xf32, #tpu.memory_space<vmem>>
      %dma_start3A_368 = tpu.memref_squeeze %dma_start3A_367 : memref<1x128x128xf32, #tpu.memory_space<vmem>> -> memref<128x128xf32, #tpu.memory_space<vmem>>
      %dma_start3A_369 = arith.constant 0 : i32
      %dma_start3A_370 = tpu.memref_slice %arg8[%dma_start3A_364, %dma_start3A_369] : memref<8x128xi32, #tpu.memory_space<vmem>> -> memref<1x128xi32, #tpu.memory_space<vmem>>
      %dma_start3A_371 = tpu.memref_squeeze %dma_start3A_370 : memref<1x128xi32, #tpu.memory_space<vmem>> -> memref<128xi32, #tpu.memory_space<vmem>>
      %dma_start3A_372 = arith.constant 0 : i32
      %dma_start3A_373 = arith.constant 0 : i32
      %dma_start3A_374 = tpu.memref_slice %arg10[%dma_start3A_372, %dma_start3A_373] : memref<10240x128xf32, #tpu.memory_space<vmem_shared>> -> memref<10240x128xf32, #tpu.memory_space<vmem_shared>>
      tpu.enqueue_indirect_dma source(%dma_start3A_368 : memref<128x128xf32, #tpu.memory_space<vmem>>) target(%dma_start3A_374 : memref<10240x128xf32, #tpu.memory_space<vmem_shared>>) offsets(%dma_start3A_371 : memref<128xi32, #tpu.memory_space<vmem>>) semaphore(%arg14 : memref<!tpu.dma_semaphore, #tpu.memory_space<semaphore_mem>>) {add = true}
      %dma_wait3A_375 = arith.constant 0 : i32
      %dma_wait3A_376 = arith.constant 6 : i32
      %dma_wait3A_377 = arith.constant 0 : i32
      %dma_wait3A_378 = arith.constant 0 : i32
      %dma_wait3A_379 = tpu.memref_slice %arg9[%dma_wait3A_375, %dma_wait3A_377, %dma_wait3A_378] : memref<2x128x128xf32, #tpu.memory_space<vmem>> -> memref<1x128x128xf32, #tpu.memory_space<vmem>>
      %dma_wait3A_380 = tpu.memref_squeeze %dma_wait3A_379 : memref<1x128x128xf32, #tpu.memory_space<vmem>> -> memref<128x128xf32, #tpu.memory_space<vmem>>
      %dma_wait3A_381 = arith.constant 0 : i32
      %dma_wait3A_382 = tpu.memref_slice %arg8[%dma_wait3A_376, %dma_wait3A_381] : memref<8x128xi32, #tpu.memory_space<vmem>> -> memref<1x128xi32, #tpu.memory_space<vmem>>
      %dma_wait3A_383 = tpu.memref_squeeze %dma_wait3A_382 : memref<1x128xi32, #tpu.memory_space<vmem>> -> memref<128xi32, #tpu.memory_space<vmem>>
      %dma_wait3A_384 = arith.constant 0 : i32
      %dma_wait3A_385 = arith.constant 0 : i32
      %dma_wait3A_386 = tpu.memref_slice %arg10[%dma_wait3A_384, %dma_wait3A_385] : memref<10240x128xf32, #tpu.memory_space<vmem_shared>> -> memref<10240x128xf32, #tpu.memory_space<vmem_shared>>
      tpu.wait_indirect_dma semaphore(%arg13 : memref<!tpu.dma_semaphore, #tpu.memory_space<semaphore_mem>>) src(%dma_wait3A_380 : memref<128x128xf32, #tpu.memory_space<vmem>>) dst(%dma_wait3A_386 : memref<10240x128xf32, #tpu.memory_space<vmem_shared>>)
      %dma_wait3A_387 = arith.constant 1 : i32
      %dma_wait3A_388 = arith.constant 7 : i32
      %dma_wait3A_389 = arith.constant 0 : i32
      %dma_wait3A_390 = arith.constant 0 : i32
      %dma_wait3A_391 = tpu.memref_slice %arg9[%dma_wait3A_387, %dma_wait3A_389, %dma_wait3A_390] : memref<2x128x128xf32, #tpu.memory_space<vmem>> -> memref<1x128x128xf32, #tpu.memory_space<vmem>>
      %dma_wait3A_392 = tpu.memref_squeeze %dma_wait3A_391 : memref<1x128x128xf32, #tpu.memory_space<vmem>> -> memref<128x128xf32, #tpu.memory_space<vmem>>
      %dma_wait3A_393 = arith.constant 0 : i32
      %dma_wait3A_394 = tpu.memref_slice %arg8[%dma_wait3A_388, %dma_wait3A_393] : memref<8x128xi32, #tpu.memory_space<vmem>> -> memref<1x128xi32, #tpu.memory_space<vmem>>
      %dma_wait3A_395 = tpu.memref_squeeze %dma_wait3A_394 : memref<1x128xi32, #tpu.memory_space<vmem>> -> memref<128xi32, #tpu.memory_space<vmem>>
      %dma_wait3A_396 = arith.constant 0 : i32
      %dma_wait3A_397 = arith.constant 0 : i32
      %dma_wait3A_398 = tpu.memref_slice %arg10[%dma_wait3A_396, %dma_wait3A_397] : memref<10240x128xf32, #tpu.memory_space<vmem_shared>> -> memref<10240x128xf32, #tpu.memory_space<vmem_shared>>
      tpu.wait_indirect_dma semaphore(%arg14 : memref<!tpu.dma_semaphore, #tpu.memory_space<semaphore_mem>>) src(%dma_wait3A_392 : memref<128x128xf32, #tpu.memory_space<vmem>>) dst(%dma_wait3A_398 : memref<10240x128xf32, #tpu.memory_space<vmem_shared>>)
    }
    %scan3A_10 = arith.constant 10 : i32
    %barrier3A_11 = arith.constant 0 : index
    tpu.barrier barrier_id(%barrier3A_11)
    "tpu.region"() ({
      %run_scoped3A = tpu.sem_alloc : memref<!tpu.dma_semaphore, #tpu.memory_space<semaphore_mem>>
      %dma_start3A = arith.constant 0 : i32
      %dma_start3A_12 = tpu.memref_slice %arg6[%arg0, %multiple_of3A, %dma_start3A] : memref<2x10240x128xf32, #tpu.memory_space<hbm>> -> memref<1x640x128xf32, #tpu.memory_space<hbm>>
      %dma_start3A_13 = tpu.memref_squeeze %dma_start3A_12 : memref<1x640x128xf32, #tpu.memory_space<hbm>> -> memref<640x128xf32, #tpu.memory_space<hbm>>
      %dma_start3A_14 = arith.constant 0 : i32
      %dma_start3A_15 = tpu.memref_slice %arg10[%multiple_of3A, %dma_start3A_14] : memref<10240x128xf32, #tpu.memory_space<vmem_shared>> -> memref<640x128xf32, #tpu.memory_space<vmem_shared>>
      tpu.enqueue_dma source(%dma_start3A_15 : memref<640x128xf32, #tpu.memory_space<vmem_shared>>) target(%dma_start3A_13 : memref<640x128xf32, #tpu.memory_space<hbm>>) target_semaphore(%run_scoped3A : memref<!tpu.dma_semaphore, #tpu.memory_space<semaphore_mem>>)
      %dma_wait3A = arith.constant 0 : i32
      %dma_wait3A_16 = tpu.memref_slice %arg6[%arg0, %multiple_of3A, %dma_wait3A] : memref<2x10240x128xf32, #tpu.memory_space<hbm>> -> memref<1x640x128xf32, #tpu.memory_space<hbm>>
      %dma_wait3A_17 = tpu.memref_squeeze %dma_wait3A_16 : memref<1x640x128xf32, #tpu.memory_space<hbm>> -> memref<640x128xf32, #tpu.memory_space<hbm>>
      %dma_wait3A_18 = arith.constant 0 : i32
      %dma_wait3A_19 = tpu.memref_slice %arg10[%multiple_of3A, %dma_wait3A_18] : memref<10240x128xf32, #tpu.memory_space<vmem_shared>> -> memref<640x128xf32, #tpu.memory_space<vmem_shared>>
      tpu.wait_dma2 semaphore(%run_scoped3A : memref<!tpu.dma_semaphore, #tpu.memory_space<semaphore_mem>>) src(%dma_wait3A_19 : memref<640x128xf32, #tpu.memory_space<vmem_shared>>) dst(%dma_wait3A_17 : memref<640x128xf32, #tpu.memory_space<hbm>>)
      tpu.yield
    }) : () -> ()
    return
  }
}

#map = affine_map<(d0, d1) -> (0, 0)>
#map1 = affine_map<(d0, d1) -> (0, 0, 0)>
module attributes {stable_mosaic.version = 14 : i64} {
  func.func @sc_segsum(%arg0: i32, %arg1: i32, %arg2: memref<10000x128xf32, #tpu.memory_space<hbm>>, %arg3: memref<2560x128xi32, #tpu.memory_space<hbm>>, %arg4: memref<2560x128xi32, #tpu.memory_space<hbm>>, %arg5: memref<640x128xf32, #tpu.memory_space<hbm>>, %arg6: memref<2x10240x128xf32, #tpu.memory_space<hbm>>, %arg7: memref<8x128xi32, #tpu.memory_space<vmem>>, %arg8: memref<8x128xi32, #tpu.memory_space<vmem>>, %arg9: memref<2x128x128xf32, #tpu.memory_space<vmem>>, %arg10: memref<10240x128xf32, #tpu.memory_space<vmem_shared>>, %arg11: memref<!tpu.dma_semaphore, #tpu.memory_space<semaphore_mem>>, %arg12: memref<!tpu.dma_semaphore, #tpu.memory_space<semaphore_mem>>, %arg13: memref<!tpu.dma_semaphore, #tpu.memory_space<semaphore_mem>>, %arg14: memref<!tpu.dma_semaphore, #tpu.memory_space<semaphore_mem>>) attributes {dimension_semantics = [#tpu.dimension_semantics<core_parallel>, #tpu.dimension_semantics<subcore_parallel>], iteration_bounds = array<i64: 2, 16>, scalar_prefetch = 0 : i64, scratch_operands = 8 : i64, tpu.core_type = #tpu.core_type<sc_vector_subcore>, window_params = [{transform_indices = #map}, {transform_indices = #map}, {transform_indices = #map}, {transform_indices = #map}, {transform_indices = #map1}]} {
    %mul3A = arith.constant 2 : i32
    %mul3A_0 = arith.muli %arg1, %mul3A : i32
    %add3A = arith.addi %mul3A_0, %arg0 : i32
    %mul3A_1 = arith.constant 640 : i32
    %mul3A_2 = arith.muli %arg1, %mul3A_1 : i32
    %multiple_of3A = tpu.assume_multiple %mul3A_2, 640 : i32
    "tpu.region"() ({
      %run_scoped3A = tpu.sem_alloc : memref<!tpu.dma_semaphore, #tpu.memory_space<semaphore_mem>>
      %dma_start3A = arith.constant 0 : i32
      %dma_start3A_12 = tpu.memref_slice %arg10[%multiple_of3A, %dma_start3A] : memref<10240x128xf32, #tpu.memory_space<vmem_shared>> -> memref<640x128xf32, #tpu.memory_space<vmem_shared>>
      tpu.enqueue_dma source(%arg5 : memref<640x128xf32, #tpu.memory_space<hbm>>) target(%dma_start3A_12 : memref<640x128xf32, #tpu.memory_space<vmem_shared>>) target_semaphore(%run_scoped3A : memref<!tpu.dma_semaphore, #tpu.memory_space<semaphore_mem>>)
      %dma_wait3A = arith.constant 0 : i32
      %dma_wait3A_13 = tpu.memref_slice %arg10[%multiple_of3A, %dma_wait3A] : memref<10240x128xf32, #tpu.memory_space<vmem_shared>> -> memref<640x128xf32, #tpu.memory_space<vmem_shared>>
      tpu.wait_dma2 semaphore(%run_scoped3A : memref<!tpu.dma_semaphore, #tpu.memory_space<semaphore_mem>>) src(%arg5 : memref<640x128xf32, #tpu.memory_space<hbm>>) dst(%dma_wait3A_13 : memref<640x128xf32, #tpu.memory_space<vmem_shared>>)
      tpu.yield
    }) : () -> ()
    %mul3A_3 = arith.constant 80 : i32
    %mul3A_4 = arith.muli %add3A, %mul3A_3 : i32
    %multiple_of3A_5 = tpu.assume_multiple %mul3A_4, 80 : i32
    %barrier3A = arith.constant 0 : index
    tpu.barrier barrier_id(%barrier3A)
    %scan3A = arith.constant 0 : i32
    %scan3A_6 = arith.constant 0 : i32
    %scan3A_7 = arith.constant 10 : i32
    %scan3A_8 = arith.addi %scan3A_6, %scan3A_7 : i32
    %scan3A_9 = arith.constant 1 : i32
    scf.for %scan3A_12 = %scan3A_6 to %scan3A_8 step %scan3A_9  : i32 {
      %mul3A_13 = arith.constant 8 : i32
      %mul3A_14 = arith.muli %scan3A_12, %mul3A_13 : i32
      %add3A_15 = arith.addi %multiple_of3A_5, %mul3A_14 : i32
      %multiple_of3A_16 = tpu.assume_multiple %add3A_15, 8 : i32
      "tpu.region"() ({
        %run_scoped3A = tpu.sem_alloc : memref<!tpu.dma_semaphore, #tpu.memory_space<semaphore_mem>>
        %dma_start3A_399 = arith.constant 0 : i32
        %dma_start3A_400 = tpu.memref_slice %arg3[%multiple_of3A_16, %dma_start3A_399] : memref<2560x128xi32, #tpu.memory_space<hbm>> -> memref<8x128xi32, #tpu.memory_space<hbm>>
        %dma_start3A_401 = arith.constant 0 : i32
        %dma_start3A_402 = tpu.memref_slice %arg3[%multiple_of3A_16, %dma_start3A_401] : memref<2560x128xi32, #tpu.memory_space<hbm>> -> memref<8x128xi32, #tpu.memory_space<hbm>>
        tpu.enqueue_dma source(%dma_start3A_402 : memref<8x128xi32, #tpu.memory_space<hbm>>) target(%arg7 : memref<8x128xi32, #tpu.memory_space<vmem>>) target_semaphore(%run_scoped3A : memref<!tpu.dma_semaphore, #tpu.memory_space<semaphore_mem>>)
        %dma_wait3A_403 = arith.constant 0 : i32
        %dma_wait3A_404 = tpu.memref_slice %arg3[%multiple_of3A_16, %dma_wait3A_403] : memref<2560x128xi32, #tpu.memory_space<hbm>> -> memref<8x128xi32, #tpu.memory_space<hbm>>
        %dma_wait3A_405 = arith.constant 0 : i32
        %dma_wait3A_406 = tpu.memref_slice %arg3[%multiple_of3A_16, %dma_wait3A_405] : memref<2560x128xi32, #tpu.memory_space<hbm>> -> memref<8x128xi32, #tpu.memory_space<hbm>>
        tpu.wait_dma2 semaphore(%run_scoped3A : memref<!tpu.dma_semaphore, #tpu.memory_space<semaphore_mem>>) src(%dma_wait3A_406 : memref<8x128xi32, #tpu.memory_space<hbm>>) dst(%arg7 : memref<8x128xi32, #tpu.memory_space<vmem>>)
        tpu.yield
      }) : () -> ()
      "tpu.region"() ({
        %run_scoped3A = tpu.sem_alloc : memref<!tpu.dma_semaphore, #tpu.memory_space<semaphore_mem>>
        %dma_start3A_399 = arith.constant 0 : i32
        %dma_start3A_400 = tpu.memref_slice %arg4[%multiple_of3A_16, %dma_start3A_399] : memref<2560x128xi32, #tpu.memory_space<hbm>> -> memref<8x128xi32, #tpu.memory_space<hbm>>
        %dma_start3A_401 = arith.constant 0 : i32
        %dma_start3A_402 = tpu.memref_slice %arg4[%multiple_of3A_16, %dma_start3A_401] : memref<2560x128xi32, #tpu.memory_space<hbm>> -> memref<8x128xi32, #tpu.memory_space<hbm>>
        tpu.enqueue_dma source(%dma_start3A_402 : memref<8x128xi32, #tpu.memory_space<hbm>>) target(%arg8 : memref<8x128xi32, #tpu.memory_space<vmem>>) target_semaphore(%run_scoped3A : memref<!tpu.dma_semaphore, #tpu.memory_space<semaphore_mem>>)
        %dma_wait3A_403 = arith.constant 0 : i32
        %dma_wait3A_404 = tpu.memref_slice %arg4[%multiple_of3A_16, %dma_wait3A_403] : memref<2560x128xi32, #tpu.memory_space<hbm>> -> memref<8x128xi32, #tpu.memory_space<hbm>>
        %dma_wait3A_405 = arith.constant 0 : i32
        %dma_wait3A_406 = tpu.memref_slice %arg4[%multiple_of3A_16, %dma_wait3A_405] : memref<2560x128xi32, #tpu.memory_space<hbm>> -> memref<8x128xi32, #tpu.memory_space<hbm>>
        tpu.wait_dma2 semaphore(%run_scoped3A : memref<!tpu.dma_semaphore, #tpu.memory_space<semaphore_mem>>) src(%dma_wait3A_406 : memref<8x128xi32, #tpu.memory_space<hbm>>) dst(%arg8 : memref<8x128xi32, #tpu.memory_space<vmem>>)
        tpu.yield
      }) : () -> ()
      %dma_start3A = arith.constant 0 : i32
      %dma_start3A_17 = arith.constant 0 : i32
      %dma_start3A_18 = arith.constant 0 : i32
      %dma_start3A_19 = arith.constant 0 : i32
      %dma_start3A_20 = tpu.memref_slice %arg9[%dma_start3A_17, %dma_start3A_18, %dma_start3A_19] : memref<2x128x128xf32, #tpu.memory_space<vmem>> -> memref<1x128x128xf32, #tpu.memory_space<vmem>>
      %dma_start3A_21 = tpu.memref_squeeze %dma_start3A_20 : memref<1x128x128xf32, #tpu.memory_space<vmem>> -> memref<128x128xf32, #tpu.memory_space<vmem>>
      %dma_start3A_22 = arith.constant 0 : i32
      %dma_start3A_23 = tpu.memref_slice %arg7[%dma_start3A, %dma_start3A_22] : memref<8x128xi32, #tpu.memory_space<vmem>> -> memref<1x128xi32, #tpu.memory_space<vmem>>
      %dma_start3A_24 = tpu.memref_squeeze %dma_start3A_23 : memref<1x128xi32, #tpu.memory_space<vmem>> -> memref<128xi32, #tpu.memory_space<vmem>>
      %dma_start3A_25 = arith.constant 0 : i32
      %dma_start3A_26 = arith.constant 0 : i32
      %dma_start3A_27 = tpu.memref_slice %arg2[%dma_start3A_25, %dma_start3A_26] : memref<10000x128xf32, #tpu.memory_space<hbm>> -> memref<10000x128xf32, #tpu.memory_space<hbm>>
      tpu.enqueue_indirect_dma source(%dma_start3A_27 : memref<10000x128xf32, #tpu.memory_space<hbm>>) target(%dma_start3A_21 : memref<128x128xf32, #tpu.memory_space<vmem>>) offsets(%dma_start3A_24 : memref<128xi32, #tpu.memory_space<vmem>>) semaphore(%arg11 : memref<!tpu.dma_semaphore, #tpu.memory_space<semaphore_mem>>)
      %dma_start3A_28 = arith.constant 1 : i32
      %dma_start3A_29 = arith.constant 1 : i32
      %dma_start3A_30 = arith.constant 0 : i32
      %dma_start3A_31 = arith.constant 0 : i32
      %dma_start3A_32 = tpu.memref_slice %arg9[%dma_start3A_29, %dma_start3A_30, %dma_start3A_31] : memref<2x128x128xf32, #tpu.memory_space<vmem>> -> memref<1x128x128xf32, #tpu.memory_space<vmem>>
      %dma_start3A_33 = tpu.memref_squeeze %dma_start3A_32 : memref<1x128x128xf32, #tpu.memory_space<vmem>> -> memref<128x128xf32, #tpu.memory_space<vmem>>
      %dma_start3A_34 = arith.constant 0 : i32
      %dma_start3A_35 = tpu.memref_slice %arg7[%dma_start3A_28, %dma_start3A_34] : memref<8x128xi32, #tpu.memory_space<vmem>> -> memref<1x128xi32, #tpu.memory_space<vmem>>
      %dma_start3A_36 = tpu.memref_squeeze %dma_start3A_35 : memref<1x128xi32, #tpu.memory_space<vmem>> -> memref<128xi32, #tpu.memory_space<vmem>>
      %dma_start3A_37 = arith.constant 0 : i32
      %dma_start3A_38 = arith.constant 0 : i32
      %dma_start3A_39 = tpu.memref_slice %arg2[%dma_start3A_37, %dma_start3A_38] : memref<10000x128xf32, #tpu.memory_space<hbm>> -> memref<10000x128xf32, #tpu.memory_space<hbm>>
      tpu.enqueue_indirect_dma source(%dma_start3A_39 : memref<10000x128xf32, #tpu.memory_space<hbm>>) target(%dma_start3A_33 : memref<128x128xf32, #tpu.memory_space<vmem>>) offsets(%dma_start3A_36 : memref<128xi32, #tpu.memory_space<vmem>>) semaphore(%arg12 : memref<!tpu.dma_semaphore, #tpu.memory_space<semaphore_mem>>)
      %dma_wait3A = arith.constant 0 : i32
      %dma_wait3A_40 = arith.constant 0 : i32
      %dma_wait3A_41 = arith.constant 0 : i32
      %dma_wait3A_42 = arith.constant 0 : i32
      %dma_wait3A_43 = tpu.memref_slice %arg9[%dma_wait3A_40, %dma_wait3A_41, %dma_wait3A_42] : memref<2x128x128xf32, #tpu.memory_space<vmem>> -> memref<1x128x128xf32, #tpu.memory_space<vmem>>
      %dma_wait3A_44 = tpu.memref_squeeze %dma_wait3A_43 : memref<1x128x128xf32, #tpu.memory_space<vmem>> -> memref<128x128xf32, #tpu.memory_space<vmem>>
      %dma_wait3A_45 = arith.constant 0 : i32
      %dma_wait3A_46 = tpu.memref_slice %arg7[%dma_wait3A, %dma_wait3A_45] : memref<8x128xi32, #tpu.memory_space<vmem>> -> memref<1x128xi32, #tpu.memory_space<vmem>>
      %dma_wait3A_47 = tpu.memref_squeeze %dma_wait3A_46 : memref<1x128xi32, #tpu.memory_space<vmem>> -> memref<128xi32, #tpu.memory_space<vmem>>
      %dma_wait3A_48 = arith.constant 0 : i32
      %dma_wait3A_49 = arith.constant 0 : i32
      %dma_wait3A_50 = tpu.memref_slice %arg2[%dma_wait3A_48, %dma_wait3A_49] : memref<10000x128xf32, #tpu.memory_space<hbm>> -> memref<10000x128xf32, #tpu.memory_space<hbm>>
      tpu.wait_indirect_dma semaphore(%arg11 : memref<!tpu.dma_semaphore, #tpu.memory_space<semaphore_mem>>) src(%dma_wait3A_50 : memref<10000x128xf32, #tpu.memory_space<hbm>>) dst(%dma_wait3A_44 : memref<128x128xf32, #tpu.memory_space<vmem>>)
      %dma_start3A_51 = arith.constant 0 : i32
      %dma_start3A_52 = arith.constant 0 : i32
      %dma_start3A_53 = arith.constant 0 : i32
      %dma_start3A_54 = arith.constant 0 : i32
      %dma_start3A_55 = tpu.memref_slice %arg9[%dma_start3A_51, %dma_start3A_53, %dma_start3A_54] : memref<2x128x128xf32, #tpu.memory_space<vmem>> -> memref<1x128x128xf32, #tpu.memory_space<vmem>>
      %dma_start3A_56 = tpu.memref_squeeze %dma_start3A_55 : memref<1x128x128xf32, #tpu.memory_space<vmem>> -> memref<128x128xf32, #tpu.memory_space<vmem>>
      %dma_start3A_57 = arith.constant 0 : i32
      %dma_start3A_58 = tpu.memref_slice %arg8[%dma_start3A_52, %dma_start3A_57] : memref<8x128xi32, #tpu.memory_space<vmem>> -> memref<1x128xi32, #tpu.memory_space<vmem>>
      %dma_start3A_59 = tpu.memref_squeeze %dma_start3A_58 : memref<1x128xi32, #tpu.memory_space<vmem>> -> memref<128xi32, #tpu.memory_space<vmem>>
      %dma_start3A_60 = arith.constant 0 : i32
      %dma_start3A_61 = arith.constant 0 : i32
      %dma_start3A_62 = tpu.memref_slice %arg10[%dma_start3A_60, %dma_start3A_61] : memref<10240x128xf32, #tpu.memory_space<vmem_shared>> -> memref<10240x128xf32, #tpu.memory_space<vmem_shared>>
      tpu.enqueue_indirect_dma source(%dma_start3A_56 : memref<128x128xf32, #tpu.memory_space<vmem>>) target(%dma_start3A_62 : memref<10240x128xf32, #tpu.memory_space<vmem_shared>>) offsets(%dma_start3A_59 : memref<128xi32, #tpu.memory_space<vmem>>) semaphore(%arg13 : memref<!tpu.dma_semaphore, #tpu.memory_space<semaphore_mem>>) {add = true}
      %dma_wait3A_63 = arith.constant 0 : i32
      %dma_wait3A_64 = arith.constant 0 : i32
      %dma_wait3A_65 = arith.constant 0 : i32
      %dma_wait3A_66 = arith.constant 0 : i32
      %dma_wait3A_67 = tpu.memref_slice %arg9[%dma_wait3A_63, %dma_wait3A_65, %dma_wait3A_66] : memref<2x128x128xf32, #tpu.memory_space<vmem>> -> memref<1x128x128xf32, #tpu.memory_space<vmem>>
      %dma_wait3A_68 = tpu.memref_squeeze %dma_wait3A_67 : memref<1x128x128xf32, #tpu.memory_space<vmem>> -> memref<128x128xf32, #tpu.memory_space<vmem>>
      %dma_wait3A_69 = arith.constant 0 : i32
      %dma_wait3A_70 = tpu.memref_slice %arg8[%dma_wait3A_64, %dma_wait3A_69] : memref<8x128xi32, #tpu.memory_space<vmem>> -> memref<1x128xi32, #tpu.memory_space<vmem>>
      %dma_wait3A_71 = tpu.memref_squeeze %dma_wait3A_70 : memref<1x128xi32, #tpu.memory_space<vmem>> -> memref<128xi32, #tpu.memory_space<vmem>>
      %dma_wait3A_72 = arith.constant 0 : i32
      %dma_wait3A_73 = arith.constant 0 : i32
      %dma_wait3A_74 = tpu.memref_slice %arg10[%dma_wait3A_72, %dma_wait3A_73] : memref<10240x128xf32, #tpu.memory_space<vmem_shared>> -> memref<10240x128xf32, #tpu.memory_space<vmem_shared>>
      tpu.wait_indirect_dma semaphore(%arg13 : memref<!tpu.dma_semaphore, #tpu.memory_space<semaphore_mem>>) src(%dma_wait3A_68 : memref<128x128xf32, #tpu.memory_space<vmem>>) dst(%dma_wait3A_74 : memref<10240x128xf32, #tpu.memory_space<vmem_shared>>)
      %dma_start3A_75 = arith.constant 2 : i32
      %dma_start3A_76 = arith.constant 0 : i32
      %dma_start3A_77 = arith.constant 0 : i32
      %dma_start3A_78 = arith.constant 0 : i32
      %dma_start3A_79 = tpu.memref_slice %arg9[%dma_start3A_76, %dma_start3A_77, %dma_start3A_78] : memref<2x128x128xf32, #tpu.memory_space<vmem>> -> memref<1x128x128xf32, #tpu.memory_space<vmem>>
      %dma_start3A_80 = tpu.memref_squeeze %dma_start3A_79 : memref<1x128x128xf32, #tpu.memory_space<vmem>> -> memref<128x128xf32, #tpu.memory_space<vmem>>
      %dma_start3A_81 = arith.constant 0 : i32
      %dma_start3A_82 = tpu.memref_slice %arg7[%dma_start3A_75, %dma_start3A_81] : memref<8x128xi32, #tpu.memory_space<vmem>> -> memref<1x128xi32, #tpu.memory_space<vmem>>
      %dma_start3A_83 = tpu.memref_squeeze %dma_start3A_82 : memref<1x128xi32, #tpu.memory_space<vmem>> -> memref<128xi32, #tpu.memory_space<vmem>>
      %dma_start3A_84 = arith.constant 0 : i32
      %dma_start3A_85 = arith.constant 0 : i32
      %dma_start3A_86 = tpu.memref_slice %arg2[%dma_start3A_84, %dma_start3A_85] : memref<10000x128xf32, #tpu.memory_space<hbm>> -> memref<10000x128xf32, #tpu.memory_space<hbm>>
      tpu.enqueue_indirect_dma source(%dma_start3A_86 : memref<10000x128xf32, #tpu.memory_space<hbm>>) target(%dma_start3A_80 : memref<128x128xf32, #tpu.memory_space<vmem>>) offsets(%dma_start3A_83 : memref<128xi32, #tpu.memory_space<vmem>>) semaphore(%arg11 : memref<!tpu.dma_semaphore, #tpu.memory_space<semaphore_mem>>)
      %dma_wait3A_87 = arith.constant 1 : i32
      %dma_wait3A_88 = arith.constant 1 : i32
      %dma_wait3A_89 = arith.constant 0 : i32
      %dma_wait3A_90 = arith.constant 0 : i32
      %dma_wait3A_91 = tpu.memref_slice %arg9[%dma_wait3A_88, %dma_wait3A_89, %dma_wait3A_90] : memref<2x128x128xf32, #tpu.memory_space<vmem>> -> memref<1x128x128xf32, #tpu.memory_space<vmem>>
      %dma_wait3A_92 = tpu.memref_squeeze %dma_wait3A_91 : memref<1x128x128xf32, #tpu.memory_space<vmem>> -> memref<128x128xf32, #tpu.memory_space<vmem>>
      %dma_wait3A_93 = arith.constant 0 : i32
      %dma_wait3A_94 = tpu.memref_slice %arg7[%dma_wait3A_87, %dma_wait3A_93] : memref<8x128xi32, #tpu.memory_space<vmem>> -> memref<1x128xi32, #tpu.memory_space<vmem>>
      %dma_wait3A_95 = tpu.memref_squeeze %dma_wait3A_94 : memref<1x128xi32, #tpu.memory_space<vmem>> -> memref<128xi32, #tpu.memory_space<vmem>>
      %dma_wait3A_96 = arith.constant 0 : i32
      %dma_wait3A_97 = arith.constant 0 : i32
      %dma_wait3A_98 = tpu.memref_slice %arg2[%dma_wait3A_96, %dma_wait3A_97] : memref<10000x128xf32, #tpu.memory_space<hbm>> -> memref<10000x128xf32, #tpu.memory_space<hbm>>
      tpu.wait_indirect_dma semaphore(%arg12 : memref<!tpu.dma_semaphore, #tpu.memory_space<semaphore_mem>>) src(%dma_wait3A_98 : memref<10000x128xf32, #tpu.memory_space<hbm>>) dst(%dma_wait3A_92 : memref<128x128xf32, #tpu.memory_space<vmem>>)
      %dma_start3A_99 = arith.constant 1 : i32
      %dma_start3A_100 = arith.constant 1 : i32
      %dma_start3A_101 = arith.constant 0 : i32
      %dma_start3A_102 = arith.constant 0 : i32
      %dma_start3A_103 = tpu.memref_slice %arg9[%dma_start3A_99, %dma_start3A_101, %dma_start3A_102] : memref<2x128x128xf32, #tpu.memory_space<vmem>> -> memref<1x128x128xf32, #tpu.memory_space<vmem>>
      %dma_start3A_104 = tpu.memref_squeeze %dma_start3A_103 : memref<1x128x128xf32, #tpu.memory_space<vmem>> -> memref<128x128xf32, #tpu.memory_space<vmem>>
      %dma_start3A_105 = arith.constant 0 : i32
      %dma_start3A_106 = tpu.memref_slice %arg8[%dma_start3A_100, %dma_start3A_105] : memref<8x128xi32, #tpu.memory_space<vmem>> -> memref<1x128xi32, #tpu.memory_space<vmem>>
      %dma_start3A_107 = tpu.memref_squeeze %dma_start3A_106 : memref<1x128xi32, #tpu.memory_space<vmem>> -> memref<128xi32, #tpu.memory_space<vmem>>
      %dma_start3A_108 = arith.constant 0 : i32
      %dma_start3A_109 = arith.constant 0 : i32
      %dma_start3A_110 = tpu.memref_slice %arg10[%dma_start3A_108, %dma_start3A_109] : memref<10240x128xf32, #tpu.memory_space<vmem_shared>> -> memref<10240x128xf32, #tpu.memory_space<vmem_shared>>
      tpu.enqueue_indirect_dma source(%dma_start3A_104 : memref<128x128xf32, #tpu.memory_space<vmem>>) target(%dma_start3A_110 : memref<10240x128xf32, #tpu.memory_space<vmem_shared>>) offsets(%dma_start3A_107 : memref<128xi32, #tpu.memory_space<vmem>>) semaphore(%arg14 : memref<!tpu.dma_semaphore, #tpu.memory_space<semaphore_mem>>) {add = true}
      %dma_wait3A_111 = arith.constant 1 : i32
      %dma_wait3A_112 = arith.constant 1 : i32
      %dma_wait3A_113 = arith.constant 0 : i32
      %dma_wait3A_114 = arith.constant 0 : i32
      %dma_wait3A_115 = tpu.memref_slice %arg9[%dma_wait3A_111, %dma_wait3A_113, %dma_wait3A_114] : memref<2x128x128xf32, #tpu.memory_space<vmem>> -> memref<1x128x128xf32, #tpu.memory_space<vmem>>
      %dma_wait3A_116 = tpu.memref_squeeze %dma_wait3A_115 : memref<1x128x128xf32, #tpu.memory_space<vmem>> -> memref<128x128xf32, #tpu.memory_space<vmem>>
      %dma_wait3A_117 = arith.constant 0 : i32
      %dma_wait3A_118 = tpu.memref_slice %arg8[%dma_wait3A_112, %dma_wait3A_117] : memref<8x128xi32, #tpu.memory_space<vmem>> -> memref<1x128xi32, #tpu.memory_space<vmem>>
      %dma_wait3A_119 = tpu.memref_squeeze %dma_wait3A_118 : memref<1x128xi32, #tpu.memory_space<vmem>> -> memref<128xi32, #tpu.memory_space<vmem>>
      %dma_wait3A_120 = arith.constant 0 : i32
      %dma_wait3A_121 = arith.constant 0 : i32
      %dma_wait3A_122 = tpu.memref_slice %arg10[%dma_wait3A_120, %dma_wait3A_121] : memref<10240x128xf32, #tpu.memory_space<vmem_shared>> -> memref<10240x128xf32, #tpu.memory_space<vmem_shared>>
      tpu.wait_indirect_dma semaphore(%arg14 : memref<!tpu.dma_semaphore, #tpu.memory_space<semaphore_mem>>) src(%dma_wait3A_116 : memref<128x128xf32, #tpu.memory_space<vmem>>) dst(%dma_wait3A_122 : memref<10240x128xf32, #tpu.memory_space<vmem_shared>>)
      %dma_start3A_123 = arith.constant 3 : i32
      %dma_start3A_124 = arith.constant 1 : i32
      %dma_start3A_125 = arith.constant 0 : i32
      %dma_start3A_126 = arith.constant 0 : i32
      %dma_start3A_127 = tpu.memref_slice %arg9[%dma_start3A_124, %dma_start3A_125, %dma_start3A_126] : memref<2x128x128xf32, #tpu.memory_space<vmem>> -> memref<1x128x128xf32, #tpu.memory_space<vmem>>
      %dma_start3A_128 = tpu.memref_squeeze %dma_start3A_127 : memref<1x128x128xf32, #tpu.memory_space<vmem>> -> memref<128x128xf32, #tpu.memory_space<vmem>>
      %dma_start3A_129 = arith.constant 0 : i32
      %dma_start3A_130 = tpu.memref_slice %arg7[%dma_start3A_123, %dma_start3A_129] : memref<8x128xi32, #tpu.memory_space<vmem>> -> memref<1x128xi32, #tpu.memory_space<vmem>>
      %dma_start3A_131 = tpu.memref_squeeze %dma_start3A_130 : memref<1x128xi32, #tpu.memory_space<vmem>> -> memref<128xi32, #tpu.memory_space<vmem>>
      %dma_start3A_132 = arith.constant 0 : i32
      %dma_start3A_133 = arith.constant 0 : i32
      %dma_start3A_134 = tpu.memref_slice %arg2[%dma_start3A_132, %dma_start3A_133] : memref<10000x128xf32, #tpu.memory_space<hbm>> -> memref<10000x128xf32, #tpu.memory_space<hbm>>
      tpu.enqueue_indirect_dma source(%dma_start3A_134 : memref<10000x128xf32, #tpu.memory_space<hbm>>) target(%dma_start3A_128 : memref<128x128xf32, #tpu.memory_space<vmem>>) offsets(%dma_start3A_131 : memref<128xi32, #tpu.memory_space<vmem>>) semaphore(%arg12 : memref<!tpu.dma_semaphore, #tpu.memory_space<semaphore_mem>>)
      %dma_wait3A_135 = arith.constant 2 : i32
      %dma_wait3A_136 = arith.constant 0 : i32
      %dma_wait3A_137 = arith.constant 0 : i32
      %dma_wait3A_138 = arith.constant 0 : i32
      %dma_wait3A_139 = tpu.memref_slice %arg9[%dma_wait3A_136, %dma_wait3A_137, %dma_wait3A_138] : memref<2x128x128xf32, #tpu.memory_space<vmem>> -> memref<1x128x128xf32, #tpu.memory_space<vmem>>
      %dma_wait3A_140 = tpu.memref_squeeze %dma_wait3A_139 : memref<1x128x128xf32, #tpu.memory_space<vmem>> -> memref<128x128xf32, #tpu.memory_space<vmem>>
      %dma_wait3A_141 = arith.constant 0 : i32
      %dma_wait3A_142 = tpu.memref_slice %arg7[%dma_wait3A_135, %dma_wait3A_141] : memref<8x128xi32, #tpu.memory_space<vmem>> -> memref<1x128xi32, #tpu.memory_space<vmem>>
      %dma_wait3A_143 = tpu.memref_squeeze %dma_wait3A_142 : memref<1x128xi32, #tpu.memory_space<vmem>> -> memref<128xi32, #tpu.memory_space<vmem>>
      %dma_wait3A_144 = arith.constant 0 : i32
      %dma_wait3A_145 = arith.constant 0 : i32
      %dma_wait3A_146 = tpu.memref_slice %arg2[%dma_wait3A_144, %dma_wait3A_145] : memref<10000x128xf32, #tpu.memory_space<hbm>> -> memref<10000x128xf32, #tpu.memory_space<hbm>>
      tpu.wait_indirect_dma semaphore(%arg11 : memref<!tpu.dma_semaphore, #tpu.memory_space<semaphore_mem>>) src(%dma_wait3A_146 : memref<10000x128xf32, #tpu.memory_space<hbm>>) dst(%dma_wait3A_140 : memref<128x128xf32, #tpu.memory_space<vmem>>)
      %dma_start3A_147 = arith.constant 0 : i32
      %dma_start3A_148 = arith.constant 2 : i32
      %dma_start3A_149 = arith.constant 0 : i32
      %dma_start3A_150 = arith.constant 0 : i32
      %dma_start3A_151 = tpu.memref_slice %arg9[%dma_start3A_147, %dma_start3A_149, %dma_start3A_150] : memref<2x128x128xf32, #tpu.memory_space<vmem>> -> memref<1x128x128xf32, #tpu.memory_space<vmem>>
      %dma_start3A_152 = tpu.memref_squeeze %dma_start3A_151 : memref<1x128x128xf32, #tpu.memory_space<vmem>> -> memref<128x128xf32, #tpu.memory_space<vmem>>
      %dma_start3A_153 = arith.constant 0 : i32
      %dma_start3A_154 = tpu.memref_slice %arg8[%dma_start3A_148, %dma_start3A_153] : memref<8x128xi32, #tpu.memory_space<vmem>> -> memref<1x128xi32, #tpu.memory_space<vmem>>
      %dma_start3A_155 = tpu.memref_squeeze %dma_start3A_154 : memref<1x128xi32, #tpu.memory_space<vmem>> -> memref<128xi32, #tpu.memory_space<vmem>>
      %dma_start3A_156 = arith.constant 0 : i32
      %dma_start3A_157 = arith.constant 0 : i32
      %dma_start3A_158 = tpu.memref_slice %arg10[%dma_start3A_156, %dma_start3A_157] : memref<10240x128xf32, #tpu.memory_space<vmem_shared>> -> memref<10240x128xf32, #tpu.memory_space<vmem_shared>>
      tpu.enqueue_indirect_dma source(%dma_start3A_152 : memref<128x128xf32, #tpu.memory_space<vmem>>) target(%dma_start3A_158 : memref<10240x128xf32, #tpu.memory_space<vmem_shared>>) offsets(%dma_start3A_155 : memref<128xi32, #tpu.memory_space<vmem>>) semaphore(%arg13 : memref<!tpu.dma_semaphore, #tpu.memory_space<semaphore_mem>>) {add = true}
      %dma_wait3A_159 = arith.constant 0 : i32
      %dma_wait3A_160 = arith.constant 2 : i32
      %dma_wait3A_161 = arith.constant 0 : i32
      %dma_wait3A_162 = arith.constant 0 : i32
      %dma_wait3A_163 = tpu.memref_slice %arg9[%dma_wait3A_159, %dma_wait3A_161, %dma_wait3A_162] : memref<2x128x128xf32, #tpu.memory_space<vmem>> -> memref<1x128x128xf32, #tpu.memory_space<vmem>>
      %dma_wait3A_164 = tpu.memref_squeeze %dma_wait3A_163 : memref<1x128x128xf32, #tpu.memory_space<vmem>> -> memref<128x128xf32, #tpu.memory_space<vmem>>
      %dma_wait3A_165 = arith.constant 0 : i32
      %dma_wait3A_166 = tpu.memref_slice %arg8[%dma_wait3A_160, %dma_wait3A_165] : memref<8x128xi32, #tpu.memory_space<vmem>> -> memref<1x128xi32, #tpu.memory_space<vmem>>
      %dma_wait3A_167 = tpu.memref_squeeze %dma_wait3A_166 : memref<1x128xi32, #tpu.memory_space<vmem>> -> memref<128xi32, #tpu.memory_space<vmem>>
      %dma_wait3A_168 = arith.constant 0 : i32
      %dma_wait3A_169 = arith.constant 0 : i32
      %dma_wait3A_170 = tpu.memref_slice %arg10[%dma_wait3A_168, %dma_wait3A_169] : memref<10240x128xf32, #tpu.memory_space<vmem_shared>> -> memref<10240x128xf32, #tpu.memory_space<vmem_shared>>
      tpu.wait_indirect_dma semaphore(%arg13 : memref<!tpu.dma_semaphore, #tpu.memory_space<semaphore_mem>>) src(%dma_wait3A_164 : memref<128x128xf32, #tpu.memory_space<vmem>>) dst(%dma_wait3A_170 : memref<10240x128xf32, #tpu.memory_space<vmem_shared>>)
      %dma_start3A_171 = arith.constant 4 : i32
      %dma_start3A_172 = arith.constant 0 : i32
      %dma_start3A_173 = arith.constant 0 : i32
      %dma_start3A_174 = arith.constant 0 : i32
      %dma_start3A_175 = tpu.memref_slice %arg9[%dma_start3A_172, %dma_start3A_173, %dma_start3A_174] : memref<2x128x128xf32, #tpu.memory_space<vmem>> -> memref<1x128x128xf32, #tpu.memory_space<vmem>>
      %dma_start3A_176 = tpu.memref_squeeze %dma_start3A_175 : memref<1x128x128xf32, #tpu.memory_space<vmem>> -> memref<128x128xf32, #tpu.memory_space<vmem>>
      %dma_start3A_177 = arith.constant 0 : i32
      %dma_start3A_178 = tpu.memref_slice %arg7[%dma_start3A_171, %dma_start3A_177] : memref<8x128xi32, #tpu.memory_space<vmem>> -> memref<1x128xi32, #tpu.memory_space<vmem>>
      %dma_start3A_179 = tpu.memref_squeeze %dma_start3A_178 : memref<1x128xi32, #tpu.memory_space<vmem>> -> memref<128xi32, #tpu.memory_space<vmem>>
      %dma_start3A_180 = arith.constant 0 : i32
      %dma_start3A_181 = arith.constant 0 : i32
      %dma_start3A_182 = tpu.memref_slice %arg2[%dma_start3A_180, %dma_start3A_181] : memref<10000x128xf32, #tpu.memory_space<hbm>> -> memref<10000x128xf32, #tpu.memory_space<hbm>>
      tpu.enqueue_indirect_dma source(%dma_start3A_182 : memref<10000x128xf32, #tpu.memory_space<hbm>>) target(%dma_start3A_176 : memref<128x128xf32, #tpu.memory_space<vmem>>) offsets(%dma_start3A_179 : memref<128xi32, #tpu.memory_space<vmem>>) semaphore(%arg11 : memref<!tpu.dma_semaphore, #tpu.memory_space<semaphore_mem>>)
      %dma_wait3A_183 = arith.constant 3 : i32
      %dma_wait3A_184 = arith.constant 1 : i32
      %dma_wait3A_185 = arith.constant 0 : i32
      %dma_wait3A_186 = arith.constant 0 : i32
      %dma_wait3A_187 = tpu.memref_slice %arg9[%dma_wait3A_184, %dma_wait3A_185, %dma_wait3A_186] : memref<2x128x128xf32, #tpu.memory_space<vmem>> -> memref<1x128x128xf32, #tpu.memory_space<vmem>>
      %dma_wait3A_188 = tpu.memref_squeeze %dma_wait3A_187 : memref<1x128x128xf32, #tpu.memory_space<vmem>> -> memref<128x128xf32, #tpu.memory_space<vmem>>
      %dma_wait3A_189 = arith.constant 0 : i32
      %dma_wait3A_190 = tpu.memref_slice %arg7[%dma_wait3A_183, %dma_wait3A_189] : memref<8x128xi32, #tpu.memory_space<vmem>> -> memref<1x128xi32, #tpu.memory_space<vmem>>
      %dma_wait3A_191 = tpu.memref_squeeze %dma_wait3A_190 : memref<1x128xi32, #tpu.memory_space<vmem>> -> memref<128xi32, #tpu.memory_space<vmem>>
      %dma_wait3A_192 = arith.constant 0 : i32
      %dma_wait3A_193 = arith.constant 0 : i32
      %dma_wait3A_194 = tpu.memref_slice %arg2[%dma_wait3A_192, %dma_wait3A_193] : memref<10000x128xf32, #tpu.memory_space<hbm>> -> memref<10000x128xf32, #tpu.memory_space<hbm>>
      tpu.wait_indirect_dma semaphore(%arg12 : memref<!tpu.dma_semaphore, #tpu.memory_space<semaphore_mem>>) src(%dma_wait3A_194 : memref<10000x128xf32, #tpu.memory_space<hbm>>) dst(%dma_wait3A_188 : memref<128x128xf32, #tpu.memory_space<vmem>>)
      %dma_start3A_195 = arith.constant 1 : i32
      %dma_start3A_196 = arith.constant 3 : i32
      %dma_start3A_197 = arith.constant 0 : i32
      %dma_start3A_198 = arith.constant 0 : i32
      %dma_start3A_199 = tpu.memref_slice %arg9[%dma_start3A_195, %dma_start3A_197, %dma_start3A_198] : memref<2x128x128xf32, #tpu.memory_space<vmem>> -> memref<1x128x128xf32, #tpu.memory_space<vmem>>
      %dma_start3A_200 = tpu.memref_squeeze %dma_start3A_199 : memref<1x128x128xf32, #tpu.memory_space<vmem>> -> memref<128x128xf32, #tpu.memory_space<vmem>>
      %dma_start3A_201 = arith.constant 0 : i32
      %dma_start3A_202 = tpu.memref_slice %arg8[%dma_start3A_196, %dma_start3A_201] : memref<8x128xi32, #tpu.memory_space<vmem>> -> memref<1x128xi32, #tpu.memory_space<vmem>>
      %dma_start3A_203 = tpu.memref_squeeze %dma_start3A_202 : memref<1x128xi32, #tpu.memory_space<vmem>> -> memref<128xi32, #tpu.memory_space<vmem>>
      %dma_start3A_204 = arith.constant 0 : i32
      %dma_start3A_205 = arith.constant 0 : i32
      %dma_start3A_206 = tpu.memref_slice %arg10[%dma_start3A_204, %dma_start3A_205] : memref<10240x128xf32, #tpu.memory_space<vmem_shared>> -> memref<10240x128xf32, #tpu.memory_space<vmem_shared>>
      tpu.enqueue_indirect_dma source(%dma_start3A_200 : memref<128x128xf32, #tpu.memory_space<vmem>>) target(%dma_start3A_206 : memref<10240x128xf32, #tpu.memory_space<vmem_shared>>) offsets(%dma_start3A_203 : memref<128xi32, #tpu.memory_space<vmem>>) semaphore(%arg14 : memref<!tpu.dma_semaphore, #tpu.memory_space<semaphore_mem>>) {add = true}
      %dma_wait3A_207 = arith.constant 1 : i32
      %dma_wait3A_208 = arith.constant 3 : i32
      %dma_wait3A_209 = arith.constant 0 : i32
      %dma_wait3A_210 = arith.constant 0 : i32
      %dma_wait3A_211 = tpu.memref_slice %arg9[%dma_wait3A_207, %dma_wait3A_209, %dma_wait3A_210] : memref<2x128x128xf32, #tpu.memory_space<vmem>> -> memref<1x128x128xf32, #tpu.memory_space<vmem>>
      %dma_wait3A_212 = tpu.memref_squeeze %dma_wait3A_211 : memref<1x128x128xf32, #tpu.memory_space<vmem>> -> memref<128x128xf32, #tpu.memory_space<vmem>>
      %dma_wait3A_213 = arith.constant 0 : i32
      %dma_wait3A_214 = tpu.memref_slice %arg8[%dma_wait3A_208, %dma_wait3A_213] : memref<8x128xi32, #tpu.memory_space<vmem>> -> memref<1x128xi32, #tpu.memory_space<vmem>>
      %dma_wait3A_215 = tpu.memref_squeeze %dma_wait3A_214 : memref<1x128xi32, #tpu.memory_space<vmem>> -> memref<128xi32, #tpu.memory_space<vmem>>
      %dma_wait3A_216 = arith.constant 0 : i32
      %dma_wait3A_217 = arith.constant 0 : i32
      %dma_wait3A_218 = tpu.memref_slice %arg10[%dma_wait3A_216, %dma_wait3A_217] : memref<10240x128xf32, #tpu.memory_space<vmem_shared>> -> memref<10240x128xf32, #tpu.memory_space<vmem_shared>>
      tpu.wait_indirect_dma semaphore(%arg14 : memref<!tpu.dma_semaphore, #tpu.memory_space<semaphore_mem>>) src(%dma_wait3A_212 : memref<128x128xf32, #tpu.memory_space<vmem>>) dst(%dma_wait3A_218 : memref<10240x128xf32, #tpu.memory_space<vmem_shared>>)
      %dma_start3A_219 = arith.constant 5 : i32
      %dma_start3A_220 = arith.constant 1 : i32
      %dma_start3A_221 = arith.constant 0 : i32
      %dma_start3A_222 = arith.constant 0 : i32
      %dma_start3A_223 = tpu.memref_slice %arg9[%dma_start3A_220, %dma_start3A_221, %dma_start3A_222] : memref<2x128x128xf32, #tpu.memory_space<vmem>> -> memref<1x128x128xf32, #tpu.memory_space<vmem>>
      %dma_start3A_224 = tpu.memref_squeeze %dma_start3A_223 : memref<1x128x128xf32, #tpu.memory_space<vmem>> -> memref<128x128xf32, #tpu.memory_space<vmem>>
      %dma_start3A_225 = arith.constant 0 : i32
      %dma_start3A_226 = tpu.memref_slice %arg7[%dma_start3A_219, %dma_start3A_225] : memref<8x128xi32, #tpu.memory_space<vmem>> -> memref<1x128xi32, #tpu.memory_space<vmem>>
      %dma_start3A_227 = tpu.memref_squeeze %dma_start3A_226 : memref<1x128xi32, #tpu.memory_space<vmem>> -> memref<128xi32, #tpu.memory_space<vmem>>
      %dma_start3A_228 = arith.constant 0 : i32
      %dma_start3A_229 = arith.constant 0 : i32
      %dma_start3A_230 = tpu.memref_slice %arg2[%dma_start3A_228, %dma_start3A_229] : memref<10000x128xf32, #tpu.memory_space<hbm>> -> memref<10000x128xf32, #tpu.memory_space<hbm>>
      tpu.enqueue_indirect_dma source(%dma_start3A_230 : memref<10000x128xf32, #tpu.memory_space<hbm>>) target(%dma_start3A_224 : memref<128x128xf32, #tpu.memory_space<vmem>>) offsets(%dma_start3A_227 : memref<128xi32, #tpu.memory_space<vmem>>) semaphore(%arg12 : memref<!tpu.dma_semaphore, #tpu.memory_space<semaphore_mem>>)
      %dma_wait3A_231 = arith.constant 4 : i32
      %dma_wait3A_232 = arith.constant 0 : i32
      %dma_wait3A_233 = arith.constant 0 : i32
      %dma_wait3A_234 = arith.constant 0 : i32
      %dma_wait3A_235 = tpu.memref_slice %arg9[%dma_wait3A_232, %dma_wait3A_233, %dma_wait3A_234] : memref<2x128x128xf32, #tpu.memory_space<vmem>> -> memref<1x128x128xf32, #tpu.memory_space<vmem>>
      %dma_wait3A_236 = tpu.memref_squeeze %dma_wait3A_235 : memref<1x128x128xf32, #tpu.memory_space<vmem>> -> memref<128x128xf32, #tpu.memory_space<vmem>>
      %dma_wait3A_237 = arith.constant 0 : i32
      %dma_wait3A_238 = tpu.memref_slice %arg7[%dma_wait3A_231, %dma_wait3A_237] : memref<8x128xi32, #tpu.memory_space<vmem>> -> memref<1x128xi32, #tpu.memory_space<vmem>>
      %dma_wait3A_239 = tpu.memref_squeeze %dma_wait3A_238 : memref<1x128xi32, #tpu.memory_space<vmem>> -> memref<128xi32, #tpu.memory_space<vmem>>
      %dma_wait3A_240 = arith.constant 0 : i32
      %dma_wait3A_241 = arith.constant 0 : i32
      %dma_wait3A_242 = tpu.memref_slice %arg2[%dma_wait3A_240, %dma_wait3A_241] : memref<10000x128xf32, #tpu.memory_space<hbm>> -> memref<10000x128xf32, #tpu.memory_space<hbm>>
      tpu.wait_indirect_dma semaphore(%arg11 : memref<!tpu.dma_semaphore, #tpu.memory_space<semaphore_mem>>) src(%dma_wait3A_242 : memref<10000x128xf32, #tpu.memory_space<hbm>>) dst(%dma_wait3A_236 : memref<128x128xf32, #tpu.memory_space<vmem>>)
      %dma_start3A_243 = arith.constant 0 : i32
      %dma_start3A_244 = arith.constant 4 : i32
      %dma_start3A_245 = arith.constant 0 : i32
      %dma_start3A_246 = arith.constant 0 : i32
      %dma_start3A_247 = tpu.memref_slice %arg9[%dma_start3A_243, %dma_start3A_245, %dma_start3A_246] : memref<2x128x128xf32, #tpu.memory_space<vmem>> -> memref<1x128x128xf32, #tpu.memory_space<vmem>>
      %dma_start3A_248 = tpu.memref_squeeze %dma_start3A_247 : memref<1x128x128xf32, #tpu.memory_space<vmem>> -> memref<128x128xf32, #tpu.memory_space<vmem>>
      %dma_start3A_249 = arith.constant 0 : i32
      %dma_start3A_250 = tpu.memref_slice %arg8[%dma_start3A_244, %dma_start3A_249] : memref<8x128xi32, #tpu.memory_space<vmem>> -> memref<1x128xi32, #tpu.memory_space<vmem>>
      %dma_start3A_251 = tpu.memref_squeeze %dma_start3A_250 : memref<1x128xi32, #tpu.memory_space<vmem>> -> memref<128xi32, #tpu.memory_space<vmem>>
      %dma_start3A_252 = arith.constant 0 : i32
      %dma_start3A_253 = arith.constant 0 : i32
      %dma_start3A_254 = tpu.memref_slice %arg10[%dma_start3A_252, %dma_start3A_253] : memref<10240x128xf32, #tpu.memory_space<vmem_shared>> -> memref<10240x128xf32, #tpu.memory_space<vmem_shared>>
      tpu.enqueue_indirect_dma source(%dma_start3A_248 : memref<128x128xf32, #tpu.memory_space<vmem>>) target(%dma_start3A_254 : memref<10240x128xf32, #tpu.memory_space<vmem_shared>>) offsets(%dma_start3A_251 : memref<128xi32, #tpu.memory_space<vmem>>) semaphore(%arg13 : memref<!tpu.dma_semaphore, #tpu.memory_space<semaphore_mem>>) {add = true}
      %dma_wait3A_255 = arith.constant 0 : i32
      %dma_wait3A_256 = arith.constant 4 : i32
      %dma_wait3A_257 = arith.constant 0 : i32
      %dma_wait3A_258 = arith.constant 0 : i32
      %dma_wait3A_259 = tpu.memref_slice %arg9[%dma_wait3A_255, %dma_wait3A_257, %dma_wait3A_258] : memref<2x128x128xf32, #tpu.memory_space<vmem>> -> memref<1x128x128xf32, #tpu.memory_space<vmem>>
      %dma_wait3A_260 = tpu.memref_squeeze %dma_wait3A_259 : memref<1x128x128xf32, #tpu.memory_space<vmem>> -> memref<128x128xf32, #tpu.memory_space<vmem>>
      %dma_wait3A_261 = arith.constant 0 : i32
      %dma_wait3A_262 = tpu.memref_slice %arg8[%dma_wait3A_256, %dma_wait3A_261] : memref<8x128xi32, #tpu.memory_space<vmem>> -> memref<1x128xi32, #tpu.memory_space<vmem>>
      %dma_wait3A_263 = tpu.memref_squeeze %dma_wait3A_262 : memref<1x128xi32, #tpu.memory_space<vmem>> -> memref<128xi32, #tpu.memory_space<vmem>>
      %dma_wait3A_264 = arith.constant 0 : i32
      %dma_wait3A_265 = arith.constant 0 : i32
      %dma_wait3A_266 = tpu.memref_slice %arg10[%dma_wait3A_264, %dma_wait3A_265] : memref<10240x128xf32, #tpu.memory_space<vmem_shared>> -> memref<10240x128xf32, #tpu.memory_space<vmem_shared>>
      tpu.wait_indirect_dma semaphore(%arg13 : memref<!tpu.dma_semaphore, #tpu.memory_space<semaphore_mem>>) src(%dma_wait3A_260 : memref<128x128xf32, #tpu.memory_space<vmem>>) dst(%dma_wait3A_266 : memref<10240x128xf32, #tpu.memory_space<vmem_shared>>)
      %dma_start3A_267 = arith.constant 6 : i32
      %dma_start3A_268 = arith.constant 0 : i32
      %dma_start3A_269 = arith.constant 0 : i32
      %dma_start3A_270 = arith.constant 0 : i32
      %dma_start3A_271 = tpu.memref_slice %arg9[%dma_start3A_268, %dma_start3A_269, %dma_start3A_270] : memref<2x128x128xf32, #tpu.memory_space<vmem>> -> memref<1x128x128xf32, #tpu.memory_space<vmem>>
      %dma_start3A_272 = tpu.memref_squeeze %dma_start3A_271 : memref<1x128x128xf32, #tpu.memory_space<vmem>> -> memref<128x128xf32, #tpu.memory_space<vmem>>
      %dma_start3A_273 = arith.constant 0 : i32
      %dma_start3A_274 = tpu.memref_slice %arg7[%dma_start3A_267, %dma_start3A_273] : memref<8x128xi32, #tpu.memory_space<vmem>> -> memref<1x128xi32, #tpu.memory_space<vmem>>
      %dma_start3A_275 = tpu.memref_squeeze %dma_start3A_274 : memref<1x128xi32, #tpu.memory_space<vmem>> -> memref<128xi32, #tpu.memory_space<vmem>>
      %dma_start3A_276 = arith.constant 0 : i32
      %dma_start3A_277 = arith.constant 0 : i32
      %dma_start3A_278 = tpu.memref_slice %arg2[%dma_start3A_276, %dma_start3A_277] : memref<10000x128xf32, #tpu.memory_space<hbm>> -> memref<10000x128xf32, #tpu.memory_space<hbm>>
      tpu.enqueue_indirect_dma source(%dma_start3A_278 : memref<10000x128xf32, #tpu.memory_space<hbm>>) target(%dma_start3A_272 : memref<128x128xf32, #tpu.memory_space<vmem>>) offsets(%dma_start3A_275 : memref<128xi32, #tpu.memory_space<vmem>>) semaphore(%arg11 : memref<!tpu.dma_semaphore, #tpu.memory_space<semaphore_mem>>)
      %dma_wait3A_279 = arith.constant 5 : i32
      %dma_wait3A_280 = arith.constant 1 : i32
      %dma_wait3A_281 = arith.constant 0 : i32
      %dma_wait3A_282 = arith.constant 0 : i32
      %dma_wait3A_283 = tpu.memref_slice %arg9[%dma_wait3A_280, %dma_wait3A_281, %dma_wait3A_282] : memref<2x128x128xf32, #tpu.memory_space<vmem>> -> memref<1x128x128xf32, #tpu.memory_space<vmem>>
      %dma_wait3A_284 = tpu.memref_squeeze %dma_wait3A_283 : memref<1x128x128xf32, #tpu.memory_space<vmem>> -> memref<128x128xf32, #tpu.memory_space<vmem>>
      %dma_wait3A_285 = arith.constant 0 : i32
      %dma_wait3A_286 = tpu.memref_slice %arg7[%dma_wait3A_279, %dma_wait3A_285] : memref<8x128xi32, #tpu.memory_space<vmem>> -> memref<1x128xi32, #tpu.memory_space<vmem>>
      %dma_wait3A_287 = tpu.memref_squeeze %dma_wait3A_286 : memref<1x128xi32, #tpu.memory_space<vmem>> -> memref<128xi32, #tpu.memory_space<vmem>>
      %dma_wait3A_288 = arith.constant 0 : i32
      %dma_wait3A_289 = arith.constant 0 : i32
      %dma_wait3A_290 = tpu.memref_slice %arg2[%dma_wait3A_288, %dma_wait3A_289] : memref<10000x128xf32, #tpu.memory_space<hbm>> -> memref<10000x128xf32, #tpu.memory_space<hbm>>
      tpu.wait_indirect_dma semaphore(%arg12 : memref<!tpu.dma_semaphore, #tpu.memory_space<semaphore_mem>>) src(%dma_wait3A_290 : memref<10000x128xf32, #tpu.memory_space<hbm>>) dst(%dma_wait3A_284 : memref<128x128xf32, #tpu.memory_space<vmem>>)
      %dma_start3A_291 = arith.constant 1 : i32
      %dma_start3A_292 = arith.constant 5 : i32
      %dma_start3A_293 = arith.constant 0 : i32
      %dma_start3A_294 = arith.constant 0 : i32
      %dma_start3A_295 = tpu.memref_slice %arg9[%dma_start3A_291, %dma_start3A_293, %dma_start3A_294] : memref<2x128x128xf32, #tpu.memory_space<vmem>> -> memref<1x128x128xf32, #tpu.memory_space<vmem>>
      %dma_start3A_296 = tpu.memref_squeeze %dma_start3A_295 : memref<1x128x128xf32, #tpu.memory_space<vmem>> -> memref<128x128xf32, #tpu.memory_space<vmem>>
      %dma_start3A_297 = arith.constant 0 : i32
      %dma_start3A_298 = tpu.memref_slice %arg8[%dma_start3A_292, %dma_start3A_297] : memref<8x128xi32, #tpu.memory_space<vmem>> -> memref<1x128xi32, #tpu.memory_space<vmem>>
      %dma_start3A_299 = tpu.memref_squeeze %dma_start3A_298 : memref<1x128xi32, #tpu.memory_space<vmem>> -> memref<128xi32, #tpu.memory_space<vmem>>
      %dma_start3A_300 = arith.constant 0 : i32
      %dma_start3A_301 = arith.constant 0 : i32
      %dma_start3A_302 = tpu.memref_slice %arg10[%dma_start3A_300, %dma_start3A_301] : memref<10240x128xf32, #tpu.memory_space<vmem_shared>> -> memref<10240x128xf32, #tpu.memory_space<vmem_shared>>
      tpu.enqueue_indirect_dma source(%dma_start3A_296 : memref<128x128xf32, #tpu.memory_space<vmem>>) target(%dma_start3A_302 : memref<10240x128xf32, #tpu.memory_space<vmem_shared>>) offsets(%dma_start3A_299 : memref<128xi32, #tpu.memory_space<vmem>>) semaphore(%arg14 : memref<!tpu.dma_semaphore, #tpu.memory_space<semaphore_mem>>) {add = true}
      %dma_wait3A_303 = arith.constant 1 : i32
      %dma_wait3A_304 = arith.constant 5 : i32
      %dma_wait3A_305 = arith.constant 0 : i32
      %dma_wait3A_306 = arith.constant 0 : i32
      %dma_wait3A_307 = tpu.memref_slice %arg9[%dma_wait3A_303, %dma_wait3A_305, %dma_wait3A_306] : memref<2x128x128xf32, #tpu.memory_space<vmem>> -> memref<1x128x128xf32, #tpu.memory_space<vmem>>
      %dma_wait3A_308 = tpu.memref_squeeze %dma_wait3A_307 : memref<1x128x128xf32, #tpu.memory_space<vmem>> -> memref<128x128xf32, #tpu.memory_space<vmem>>
      %dma_wait3A_309 = arith.constant 0 : i32
      %dma_wait3A_310 = tpu.memref_slice %arg8[%dma_wait3A_304, %dma_wait3A_309] : memref<8x128xi32, #tpu.memory_space<vmem>> -> memref<1x128xi32, #tpu.memory_space<vmem>>
      %dma_wait3A_311 = tpu.memref_squeeze %dma_wait3A_310 : memref<1x128xi32, #tpu.memory_space<vmem>> -> memref<128xi32, #tpu.memory_space<vmem>>
      %dma_wait3A_312 = arith.constant 0 : i32
      %dma_wait3A_313 = arith.constant 0 : i32
      %dma_wait3A_314 = tpu.memref_slice %arg10[%dma_wait3A_312, %dma_wait3A_313] : memref<10240x128xf32, #tpu.memory_space<vmem_shared>> -> memref<10240x128xf32, #tpu.memory_space<vmem_shared>>
      tpu.wait_indirect_dma semaphore(%arg14 : memref<!tpu.dma_semaphore, #tpu.memory_space<semaphore_mem>>) src(%dma_wait3A_308 : memref<128x128xf32, #tpu.memory_space<vmem>>) dst(%dma_wait3A_314 : memref<10240x128xf32, #tpu.memory_space<vmem_shared>>)
      %dma_start3A_315 = arith.constant 7 : i32
      %dma_start3A_316 = arith.constant 1 : i32
      %dma_start3A_317 = arith.constant 0 : i32
      %dma_start3A_318 = arith.constant 0 : i32
      %dma_start3A_319 = tpu.memref_slice %arg9[%dma_start3A_316, %dma_start3A_317, %dma_start3A_318] : memref<2x128x128xf32, #tpu.memory_space<vmem>> -> memref<1x128x128xf32, #tpu.memory_space<vmem>>
      %dma_start3A_320 = tpu.memref_squeeze %dma_start3A_319 : memref<1x128x128xf32, #tpu.memory_space<vmem>> -> memref<128x128xf32, #tpu.memory_space<vmem>>
      %dma_start3A_321 = arith.constant 0 : i32
      %dma_start3A_322 = tpu.memref_slice %arg7[%dma_start3A_315, %dma_start3A_321] : memref<8x128xi32, #tpu.memory_space<vmem>> -> memref<1x128xi32, #tpu.memory_space<vmem>>
      %dma_start3A_323 = tpu.memref_squeeze %dma_start3A_322 : memref<1x128xi32, #tpu.memory_space<vmem>> -> memref<128xi32, #tpu.memory_space<vmem>>
      %dma_start3A_324 = arith.constant 0 : i32
      %dma_start3A_325 = arith.constant 0 : i32
      %dma_start3A_326 = tpu.memref_slice %arg2[%dma_start3A_324, %dma_start3A_325] : memref<10000x128xf32, #tpu.memory_space<hbm>> -> memref<10000x128xf32, #tpu.memory_space<hbm>>
      tpu.enqueue_indirect_dma source(%dma_start3A_326 : memref<10000x128xf32, #tpu.memory_space<hbm>>) target(%dma_start3A_320 : memref<128x128xf32, #tpu.memory_space<vmem>>) offsets(%dma_start3A_323 : memref<128xi32, #tpu.memory_space<vmem>>) semaphore(%arg12 : memref<!tpu.dma_semaphore, #tpu.memory_space<semaphore_mem>>)
      %dma_wait3A_327 = arith.constant 6 : i32
      %dma_wait3A_328 = arith.constant 0 : i32
      %dma_wait3A_329 = arith.constant 0 : i32
      %dma_wait3A_330 = arith.constant 0 : i32
      %dma_wait3A_331 = tpu.memref_slice %arg9[%dma_wait3A_328, %dma_wait3A_329, %dma_wait3A_330] : memref<2x128x128xf32, #tpu.memory_space<vmem>> -> memref<1x128x128xf32, #tpu.memory_space<vmem>>
      %dma_wait3A_332 = tpu.memref_squeeze %dma_wait3A_331 : memref<1x128x128xf32, #tpu.memory_space<vmem>> -> memref<128x128xf32, #tpu.memory_space<vmem>>
      %dma_wait3A_333 = arith.constant 0 : i32
      %dma_wait3A_334 = tpu.memref_slice %arg7[%dma_wait3A_327, %dma_wait3A_333] : memref<8x128xi32, #tpu.memory_space<vmem>> -> memref<1x128xi32, #tpu.memory_space<vmem>>
      %dma_wait3A_335 = tpu.memref_squeeze %dma_wait3A_334 : memref<1x128xi32, #tpu.memory_space<vmem>> -> memref<128xi32, #tpu.memory_space<vmem>>
      %dma_wait3A_336 = arith.constant 0 : i32
      %dma_wait3A_337 = arith.constant 0 : i32
      %dma_wait3A_338 = tpu.memref_slice %arg2[%dma_wait3A_336, %dma_wait3A_337] : memref<10000x128xf32, #tpu.memory_space<hbm>> -> memref<10000x128xf32, #tpu.memory_space<hbm>>
      tpu.wait_indirect_dma semaphore(%arg11 : memref<!tpu.dma_semaphore, #tpu.memory_space<semaphore_mem>>) src(%dma_wait3A_338 : memref<10000x128xf32, #tpu.memory_space<hbm>>) dst(%dma_wait3A_332 : memref<128x128xf32, #tpu.memory_space<vmem>>)
      %dma_start3A_339 = arith.constant 0 : i32
      %dma_start3A_340 = arith.constant 6 : i32
      %dma_start3A_341 = arith.constant 0 : i32
      %dma_start3A_342 = arith.constant 0 : i32
      %dma_start3A_343 = tpu.memref_slice %arg9[%dma_start3A_339, %dma_start3A_341, %dma_start3A_342] : memref<2x128x128xf32, #tpu.memory_space<vmem>> -> memref<1x128x128xf32, #tpu.memory_space<vmem>>
      %dma_start3A_344 = tpu.memref_squeeze %dma_start3A_343 : memref<1x128x128xf32, #tpu.memory_space<vmem>> -> memref<128x128xf32, #tpu.memory_space<vmem>>
      %dma_start3A_345 = arith.constant 0 : i32
      %dma_start3A_346 = tpu.memref_slice %arg8[%dma_start3A_340, %dma_start3A_345] : memref<8x128xi32, #tpu.memory_space<vmem>> -> memref<1x128xi32, #tpu.memory_space<vmem>>
      %dma_start3A_347 = tpu.memref_squeeze %dma_start3A_346 : memref<1x128xi32, #tpu.memory_space<vmem>> -> memref<128xi32, #tpu.memory_space<vmem>>
      %dma_start3A_348 = arith.constant 0 : i32
      %dma_start3A_349 = arith.constant 0 : i32
      %dma_start3A_350 = tpu.memref_slice %arg10[%dma_start3A_348, %dma_start3A_349] : memref<10240x128xf32, #tpu.memory_space<vmem_shared>> -> memref<10240x128xf32, #tpu.memory_space<vmem_shared>>
      tpu.enqueue_indirect_dma source(%dma_start3A_344 : memref<128x128xf32, #tpu.memory_space<vmem>>) target(%dma_start3A_350 : memref<10240x128xf32, #tpu.memory_space<vmem_shared>>) offsets(%dma_start3A_347 : memref<128xi32, #tpu.memory_space<vmem>>) semaphore(%arg13 : memref<!tpu.dma_semaphore, #tpu.memory_space<semaphore_mem>>) {add = true}
      %dma_wait3A_351 = arith.constant 7 : i32
      %dma_wait3A_352 = arith.constant 1 : i32
      %dma_wait3A_353 = arith.constant 0 : i32
      %dma_wait3A_354 = arith.constant 0 : i32
      %dma_wait3A_355 = tpu.memref_slice %arg9[%dma_wait3A_352, %dma_wait3A_353, %dma_wait3A_354] : memref<2x128x128xf32, #tpu.memory_space<vmem>> -> memref<1x128x128xf32, #tpu.memory_space<vmem>>
      %dma_wait3A_356 = tpu.memref_squeeze %dma_wait3A_355 : memref<1x128x128xf32, #tpu.memory_space<vmem>> -> memref<128x128xf32, #tpu.memory_space<vmem>>
      %dma_wait3A_357 = arith.constant 0 : i32
      %dma_wait3A_358 = tpu.memref_slice %arg7[%dma_wait3A_351, %dma_wait3A_357] : memref<8x128xi32, #tpu.memory_space<vmem>> -> memref<1x128xi32, #tpu.memory_space<vmem>>
      %dma_wait3A_359 = tpu.memref_squeeze %dma_wait3A_358 : memref<1x128xi32, #tpu.memory_space<vmem>> -> memref<128xi32, #tpu.memory_space<vmem>>
      %dma_wait3A_360 = arith.constant 0 : i32
      %dma_wait3A_361 = arith.constant 0 : i32
      %dma_wait3A_362 = tpu.memref_slice %arg2[%dma_wait3A_360, %dma_wait3A_361] : memref<10000x128xf32, #tpu.memory_space<hbm>> -> memref<10000x128xf32, #tpu.memory_space<hbm>>
      tpu.wait_indirect_dma semaphore(%arg12 : memref<!tpu.dma_semaphore, #tpu.memory_space<semaphore_mem>>) src(%dma_wait3A_362 : memref<10000x128xf32, #tpu.memory_space<hbm>>) dst(%dma_wait3A_356 : memref<128x128xf32, #tpu.memory_space<vmem>>)
      %dma_start3A_363 = arith.constant 1 : i32
      %dma_start3A_364 = arith.constant 7 : i32
      %dma_start3A_365 = arith.constant 0 : i32
      %dma_start3A_366 = arith.constant 0 : i32
      %dma_start3A_367 = tpu.memref_slice %arg9[%dma_start3A_363, %dma_start3A_365, %dma_start3A_366] : memref<2x128x128xf32, #tpu.memory_space<vmem>> -> memref<1x128x128xf32, #tpu.memory_space<vmem>>
      %dma_start3A_368 = tpu.memref_squeeze %dma_start3A_367 : memref<1x128x128xf32, #tpu.memory_space<vmem>> -> memref<128x128xf32, #tpu.memory_space<vmem>>
      %dma_start3A_369 = arith.constant 0 : i32
      %dma_start3A_370 = tpu.memref_slice %arg8[%dma_start3A_364, %dma_start3A_369] : memref<8x128xi32, #tpu.memory_space<vmem>> -> memref<1x128xi32, #tpu.memory_space<vmem>>
      %dma_start3A_371 = tpu.memref_squeeze %dma_start3A_370 : memref<1x128xi32, #tpu.memory_space<vmem>> -> memref<128xi32, #tpu.memory_space<vmem>>
      %dma_start3A_372 = arith.constant 0 : i32
      %dma_start3A_373 = arith.constant 0 : i32
      %dma_start3A_374 = tpu.memref_slice %arg10[%dma_start3A_372, %dma_start3A_373] : memref<10240x128xf32, #tpu.memory_space<vmem_shared>> -> memref<10240x128xf32, #tpu.memory_space<vmem_shared>>
      tpu.enqueue_indirect_dma source(%dma_start3A_368 : memref<128x128xf32, #tpu.memory_space<vmem>>) target(%dma_start3A_374 : memref<10240x128xf32, #tpu.memory_space<vmem_shared>>) offsets(%dma_start3A_371 : memref<128xi32, #tpu.memory_space<vmem>>) semaphore(%arg14 : memref<!tpu.dma_semaphore, #tpu.memory_space<semaphore_mem>>) {add = true}
      %dma_wait3A_375 = arith.constant 0 : i32
      %dma_wait3A_376 = arith.constant 6 : i32
      %dma_wait3A_377 = arith.constant 0 : i32
      %dma_wait3A_378 = arith.constant 0 : i32
      %dma_wait3A_379 = tpu.memref_slice %arg9[%dma_wait3A_375, %dma_wait3A_377, %dma_wait3A_378] : memref<2x128x128xf32, #tpu.memory_space<vmem>> -> memref<1x128x128xf32, #tpu.memory_space<vmem>>
      %dma_wait3A_380 = tpu.memref_squeeze %dma_wait3A_379 : memref<1x128x128xf32, #tpu.memory_space<vmem>> -> memref<128x128xf32, #tpu.memory_space<vmem>>
      %dma_wait3A_381 = arith.constant 0 : i32
      %dma_wait3A_382 = tpu.memref_slice %arg8[%dma_wait3A_376, %dma_wait3A_381] : memref<8x128xi32, #tpu.memory_space<vmem>> -> memref<1x128xi32, #tpu.memory_space<vmem>>
      %dma_wait3A_383 = tpu.memref_squeeze %dma_wait3A_382 : memref<1x128xi32, #tpu.memory_space<vmem>> -> memref<128xi32, #tpu.memory_space<vmem>>
      %dma_wait3A_384 = arith.constant 0 : i32
      %dma_wait3A_385 = arith.constant 0 : i32
      %dma_wait3A_386 = tpu.memref_slice %arg10[%dma_wait3A_384, %dma_wait3A_385] : memref<10240x128xf32, #tpu.memory_space<vmem_shared>> -> memref<10240x128xf32, #tpu.memory_space<vmem_shared>>
      tpu.wait_indirect_dma semaphore(%arg13 : memref<!tpu.dma_semaphore, #tpu.memory_space<semaphore_mem>>) src(%dma_wait3A_380 : memref<128x128xf32, #tpu.memory_space<vmem>>) dst(%dma_wait3A_386 : memref<10240x128xf32, #tpu.memory_space<vmem_shared>>)
      %dma_wait3A_387 = arith.constant 1 : i32
      %dma_wait3A_388 = arith.constant 7 : i32
      %dma_wait3A_389 = arith.constant 0 : i32
      %dma_wait3A_390 = arith.constant 0 : i32
      %dma_wait3A_391 = tpu.memref_slice %arg9[%dma_wait3A_387, %dma_wait3A_389, %dma_wait3A_390] : memref<2x128x128xf32, #tpu.memory_space<vmem>> -> memref<1x128x128xf32, #tpu.memory_space<vmem>>
      %dma_wait3A_392 = tpu.memref_squeeze %dma_wait3A_391 : memref<1x128x128xf32, #tpu.memory_space<vmem>> -> memref<128x128xf32, #tpu.memory_space<vmem>>
      %dma_wait3A_393 = arith.constant 0 : i32
      %dma_wait3A_394 = tpu.memref_slice %arg8[%dma_wait3A_388, %dma_wait3A_393] : memref<8x128xi32, #tpu.memory_space<vmem>> -> memref<1x128xi32, #tpu.memory_space<vmem>>
      %dma_wait3A_395 = tpu.memref_squeeze %dma_wait3A_394 : memref<1x128xi32, #tpu.memory_space<vmem>> -> memref<128xi32, #tpu.memory_space<vmem>>
      %dma_wait3A_396 = arith.constant 0 : i32
      %dma_wait3A_397 = arith.constant 0 : i32
      %dma_wait3A_398 = tpu.memref_slice %arg10[%dma_wait3A_396, %dma_wait3A_397] : memref<10240x128xf32, #tpu.memory_space<vmem_shared>> -> memref<10240x128xf32, #tpu.memory_space<vmem_shared>>
      tpu.wait_indirect_dma semaphore(%arg14 : memref<!tpu.dma_semaphore, #tpu.memory_space<semaphore_mem>>) src(%dma_wait3A_392 : memref<128x128xf32, #tpu.memory_space<vmem>>) dst(%dma_wait3A_398 : memref<10240x128xf32, #tpu.memory_space<vmem_shared>>)
    }
    %scan3A_10 = arith.constant 10 : i32
    %barrier3A_11 = arith.constant 0 : index
    tpu.barrier barrier_id(%barrier3A_11)
    "tpu.region"() ({
      %run_scoped3A = tpu.sem_alloc : memref<!tpu.dma_semaphore, #tpu.memory_space<semaphore_mem>>
      %dma_start3A = arith.constant 0 : i32
      %dma_start3A_12 = tpu.memref_slice %arg6[%arg0, %multiple_of3A, %dma_start3A] : memref<2x10240x128xf32, #tpu.memory_space<hbm>> -> memref<1x640x128xf32, #tpu.memory_space<hbm>>
      %dma_start3A_13 = tpu.memref_squeeze %dma_start3A_12 : memref<1x640x128xf32, #tpu.memory_space<hbm>> -> memref<640x128xf32, #tpu.memory_space<hbm>>
      %dma_start3A_14 = arith.constant 0 : i32
      %dma_start3A_15 = tpu.memref_slice %arg10[%multiple_of3A, %dma_start3A_14] : memref<10240x128xf32, #tpu.memory_space<vmem_shared>> -> memref<640x128xf32, #tpu.memory_space<vmem_shared>>
      tpu.enqueue_dma source(%dma_start3A_15 : memref<640x128xf32, #tpu.memory_space<vmem_shared>>) target(%dma_start3A_13 : memref<640x128xf32, #tpu.memory_space<hbm>>) target_semaphore(%run_scoped3A : memref<!tpu.dma_semaphore, #tpu.memory_space<semaphore_mem>>)
      %dma_wait3A = arith.constant 0 : i32
      %dma_wait3A_16 = tpu.memref_slice %arg6[%arg0, %multiple_of3A, %dma_wait3A] : memref<2x10240x128xf32, #tpu.memory_space<hbm>> -> memref<1x640x128xf32, #tpu.memory_space<hbm>>
      %dma_wait3A_17 = tpu.memref_squeeze %dma_wait3A_16 : memref<1x640x128xf32, #tpu.memory_space<hbm>> -> memref<640x128xf32, #tpu.memory_space<hbm>>
      %dma_wait3A_18 = arith.constant 0 : i32
      %dma_wait3A_19 = tpu.memref_slice %arg10[%multiple_of3A, %dma_wait3A_18] : memref<10240x128xf32, #tpu.memory_space<vmem_shared>> -> memref<640x128xf32, #tpu.memory_space<vmem_shared>>
      tpu.wait_dma2 semaphore(%run_scoped3A : memref<!tpu.dma_semaphore, #tpu.memory_space<semaphore_mem>>) src(%dma_wait3A_19 : memref<640x128xf32, #tpu.memory_space<vmem_shared>>) dst(%dma_wait3A_17 : memref<640x128xf32, #tpu.memory_space<hbm>>)
      tpu.yield
    }) : () -> ()
    return
  }
}

#map = affine_map<(d0, d1) -> (0, 0)>
#map1 = affine_map<(d0, d1) -> (0, 0, 0)>
module attributes {stable_mosaic.version = 14 : i64} {
  func.func @sc_segsum(%arg0: i32, %arg1: i32, %arg2: memref<10000x128xf32, #tpu.memory_space<hbm>>, %arg3: memref<2560x128xi32, #tpu.memory_space<hbm>>, %arg4: memref<2560x128xi32, #tpu.memory_space<hbm>>, %arg5: memref<640x128xf32, #tpu.memory_space<hbm>>, %arg6: memref<2x10240x128xf32, #tpu.memory_space<hbm>>, %arg7: memref<8x128xi32, #tpu.memory_space<vmem>>, %arg8: memref<8x128xi32, #tpu.memory_space<vmem>>, %arg9: memref<2x128x128xf32, #tpu.memory_space<vmem>>, %arg10: memref<10240x128xf32, #tpu.memory_space<vmem_shared>>, %arg11: memref<!tpu.dma_semaphore, #tpu.memory_space<semaphore_mem>>, %arg12: memref<!tpu.dma_semaphore, #tpu.memory_space<semaphore_mem>>, %arg13: memref<!tpu.dma_semaphore, #tpu.memory_space<semaphore_mem>>, %arg14: memref<!tpu.dma_semaphore, #tpu.memory_space<semaphore_mem>>) attributes {dimension_semantics = [#tpu.dimension_semantics<core_parallel>, #tpu.dimension_semantics<subcore_parallel>], iteration_bounds = array<i64: 2, 16>, scalar_prefetch = 0 : i64, scratch_operands = 8 : i64, tpu.core_type = #tpu.core_type<sc_vector_subcore>, window_params = [{transform_indices = #map}, {transform_indices = #map}, {transform_indices = #map}, {transform_indices = #map}, {transform_indices = #map1}]} {
    %mul3A = arith.constant 2 : i32
    %mul3A_0 = arith.muli %arg1, %mul3A : i32
    %add3A = arith.addi %mul3A_0, %arg0 : i32
    %mul3A_1 = arith.constant 640 : i32
    %mul3A_2 = arith.muli %arg1, %mul3A_1 : i32
    %multiple_of3A = tpu.assume_multiple %mul3A_2, 640 : i32
    "tpu.region"() ({
      %run_scoped3A = tpu.sem_alloc : memref<!tpu.dma_semaphore, #tpu.memory_space<semaphore_mem>>
      %dma_start3A = arith.constant 0 : i32
      %dma_start3A_12 = tpu.memref_slice %arg10[%multiple_of3A, %dma_start3A] : memref<10240x128xf32, #tpu.memory_space<vmem_shared>> -> memref<640x128xf32, #tpu.memory_space<vmem_shared>>
      tpu.enqueue_dma source(%arg5 : memref<640x128xf32, #tpu.memory_space<hbm>>) target(%dma_start3A_12 : memref<640x128xf32, #tpu.memory_space<vmem_shared>>) target_semaphore(%run_scoped3A : memref<!tpu.dma_semaphore, #tpu.memory_space<semaphore_mem>>)
      %dma_wait3A = arith.constant 0 : i32
      %dma_wait3A_13 = tpu.memref_slice %arg10[%multiple_of3A, %dma_wait3A] : memref<10240x128xf32, #tpu.memory_space<vmem_shared>> -> memref<640x128xf32, #tpu.memory_space<vmem_shared>>
      tpu.wait_dma2 semaphore(%run_scoped3A : memref<!tpu.dma_semaphore, #tpu.memory_space<semaphore_mem>>) src(%arg5 : memref<640x128xf32, #tpu.memory_space<hbm>>) dst(%dma_wait3A_13 : memref<640x128xf32, #tpu.memory_space<vmem_shared>>)
      tpu.yield
    }) : () -> ()
    %mul3A_3 = arith.constant 80 : i32
    %mul3A_4 = arith.muli %add3A, %mul3A_3 : i32
    %multiple_of3A_5 = tpu.assume_multiple %mul3A_4, 80 : i32
    %barrier3A = arith.constant 0 : index
    tpu.barrier barrier_id(%barrier3A)
    %scan3A = arith.constant 0 : i32
    %scan3A_6 = arith.constant 0 : i32
    %scan3A_7 = arith.constant 10 : i32
    %scan3A_8 = arith.addi %scan3A_6, %scan3A_7 : i32
    %scan3A_9 = arith.constant 1 : i32
    scf.for %scan3A_12 = %scan3A_6 to %scan3A_8 step %scan3A_9  : i32 {
      %mul3A_13 = arith.constant 8 : i32
      %mul3A_14 = arith.muli %scan3A_12, %mul3A_13 : i32
      %add3A_15 = arith.addi %multiple_of3A_5, %mul3A_14 : i32
      %multiple_of3A_16 = tpu.assume_multiple %add3A_15, 8 : i32
      "tpu.region"() ({
        %run_scoped3A = tpu.sem_alloc : memref<!tpu.dma_semaphore, #tpu.memory_space<semaphore_mem>>
        %dma_start3A_399 = arith.constant 0 : i32
        %dma_start3A_400 = tpu.memref_slice %arg3[%multiple_of3A_16, %dma_start3A_399] : memref<2560x128xi32, #tpu.memory_space<hbm>> -> memref<8x128xi32, #tpu.memory_space<hbm>>
        %dma_start3A_401 = arith.constant 0 : i32
        %dma_start3A_402 = tpu.memref_slice %arg3[%multiple_of3A_16, %dma_start3A_401] : memref<2560x128xi32, #tpu.memory_space<hbm>> -> memref<8x128xi32, #tpu.memory_space<hbm>>
        tpu.enqueue_dma source(%dma_start3A_402 : memref<8x128xi32, #tpu.memory_space<hbm>>) target(%arg7 : memref<8x128xi32, #tpu.memory_space<vmem>>) target_semaphore(%run_scoped3A : memref<!tpu.dma_semaphore, #tpu.memory_space<semaphore_mem>>)
        %dma_wait3A_403 = arith.constant 0 : i32
        %dma_wait3A_404 = tpu.memref_slice %arg3[%multiple_of3A_16, %dma_wait3A_403] : memref<2560x128xi32, #tpu.memory_space<hbm>> -> memref<8x128xi32, #tpu.memory_space<hbm>>
        %dma_wait3A_405 = arith.constant 0 : i32
        %dma_wait3A_406 = tpu.memref_slice %arg3[%multiple_of3A_16, %dma_wait3A_405] : memref<2560x128xi32, #tpu.memory_space<hbm>> -> memref<8x128xi32, #tpu.memory_space<hbm>>
        tpu.wait_dma2 semaphore(%run_scoped3A : memref<!tpu.dma_semaphore, #tpu.memory_space<semaphore_mem>>) src(%dma_wait3A_406 : memref<8x128xi32, #tpu.memory_space<hbm>>) dst(%arg7 : memref<8x128xi32, #tpu.memory_space<vmem>>)
        tpu.yield
      }) : () -> ()
      "tpu.region"() ({
        %run_scoped3A = tpu.sem_alloc : memref<!tpu.dma_semaphore, #tpu.memory_space<semaphore_mem>>
        %dma_start3A_399 = arith.constant 0 : i32
        %dma_start3A_400 = tpu.memref_slice %arg4[%multiple_of3A_16, %dma_start3A_399] : memref<2560x128xi32, #tpu.memory_space<hbm>> -> memref<8x128xi32, #tpu.memory_space<hbm>>
        %dma_start3A_401 = arith.constant 0 : i32
        %dma_start3A_402 = tpu.memref_slice %arg4[%multiple_of3A_16, %dma_start3A_401] : memref<2560x128xi32, #tpu.memory_space<hbm>> -> memref<8x128xi32, #tpu.memory_space<hbm>>
        tpu.enqueue_dma source(%dma_start3A_402 : memref<8x128xi32, #tpu.memory_space<hbm>>) target(%arg8 : memref<8x128xi32, #tpu.memory_space<vmem>>) target_semaphore(%run_scoped3A : memref<!tpu.dma_semaphore, #tpu.memory_space<semaphore_mem>>)
        %dma_wait3A_403 = arith.constant 0 : i32
        %dma_wait3A_404 = tpu.memref_slice %arg4[%multiple_of3A_16, %dma_wait3A_403] : memref<2560x128xi32, #tpu.memory_space<hbm>> -> memref<8x128xi32, #tpu.memory_space<hbm>>
        %dma_wait3A_405 = arith.constant 0 : i32
        %dma_wait3A_406 = tpu.memref_slice %arg4[%multiple_of3A_16, %dma_wait3A_405] : memref<2560x128xi32, #tpu.memory_space<hbm>> -> memref<8x128xi32, #tpu.memory_space<hbm>>
        tpu.wait_dma2 semaphore(%run_scoped3A : memref<!tpu.dma_semaphore, #tpu.memory_space<semaphore_mem>>) src(%dma_wait3A_406 : memref<8x128xi32, #tpu.memory_space<hbm>>) dst(%arg8 : memref<8x128xi32, #tpu.memory_space<vmem>>)
        tpu.yield
      }) : () -> ()
      %dma_start3A = arith.constant 0 : i32
      %dma_start3A_17 = arith.constant 0 : i32
      %dma_start3A_18 = arith.constant 0 : i32
      %dma_start3A_19 = arith.constant 0 : i32
      %dma_start3A_20 = tpu.memref_slice %arg9[%dma_start3A_17, %dma_start3A_18, %dma_start3A_19] : memref<2x128x128xf32, #tpu.memory_space<vmem>> -> memref<1x128x128xf32, #tpu.memory_space<vmem>>
      %dma_start3A_21 = tpu.memref_squeeze %dma_start3A_20 : memref<1x128x128xf32, #tpu.memory_space<vmem>> -> memref<128x128xf32, #tpu.memory_space<vmem>>
      %dma_start3A_22 = arith.constant 0 : i32
      %dma_start3A_23 = tpu.memref_slice %arg7[%dma_start3A, %dma_start3A_22] : memref<8x128xi32, #tpu.memory_space<vmem>> -> memref<1x128xi32, #tpu.memory_space<vmem>>
      %dma_start3A_24 = tpu.memref_squeeze %dma_start3A_23 : memref<1x128xi32, #tpu.memory_space<vmem>> -> memref<128xi32, #tpu.memory_space<vmem>>
      %dma_start3A_25 = arith.constant 0 : i32
      %dma_start3A_26 = arith.constant 0 : i32
      %dma_start3A_27 = tpu.memref_slice %arg2[%dma_start3A_25, %dma_start3A_26] : memref<10000x128xf32, #tpu.memory_space<hbm>> -> memref<10000x128xf32, #tpu.memory_space<hbm>>
      tpu.enqueue_indirect_dma source(%dma_start3A_27 : memref<10000x128xf32, #tpu.memory_space<hbm>>) target(%dma_start3A_21 : memref<128x128xf32, #tpu.memory_space<vmem>>) offsets(%dma_start3A_24 : memref<128xi32, #tpu.memory_space<vmem>>) semaphore(%arg11 : memref<!tpu.dma_semaphore, #tpu.memory_space<semaphore_mem>>)
      %dma_start3A_28 = arith.constant 1 : i32
      %dma_start3A_29 = arith.constant 1 : i32
      %dma_start3A_30 = arith.constant 0 : i32
      %dma_start3A_31 = arith.constant 0 : i32
      %dma_start3A_32 = tpu.memref_slice %arg9[%dma_start3A_29, %dma_start3A_30, %dma_start3A_31] : memref<2x128x128xf32, #tpu.memory_space<vmem>> -> memref<1x128x128xf32, #tpu.memory_space<vmem>>
      %dma_start3A_33 = tpu.memref_squeeze %dma_start3A_32 : memref<1x128x128xf32, #tpu.memory_space<vmem>> -> memref<128x128xf32, #tpu.memory_space<vmem>>
      %dma_start3A_34 = arith.constant 0 : i32
      %dma_start3A_35 = tpu.memref_slice %arg7[%dma_start3A_28, %dma_start3A_34] : memref<8x128xi32, #tpu.memory_space<vmem>> -> memref<1x128xi32, #tpu.memory_space<vmem>>
      %dma_start3A_36 = tpu.memref_squeeze %dma_start3A_35 : memref<1x128xi32, #tpu.memory_space<vmem>> -> memref<128xi32, #tpu.memory_space<vmem>>
      %dma_start3A_37 = arith.constant 0 : i32
      %dma_start3A_38 = arith.constant 0 : i32
      %dma_start3A_39 = tpu.memref_slice %arg2[%dma_start3A_37, %dma_start3A_38] : memref<10000x128xf32, #tpu.memory_space<hbm>> -> memref<10000x128xf32, #tpu.memory_space<hbm>>
      tpu.enqueue_indirect_dma source(%dma_start3A_39 : memref<10000x128xf32, #tpu.memory_space<hbm>>) target(%dma_start3A_33 : memref<128x128xf32, #tpu.memory_space<vmem>>) offsets(%dma_start3A_36 : memref<128xi32, #tpu.memory_space<vmem>>) semaphore(%arg12 : memref<!tpu.dma_semaphore, #tpu.memory_space<semaphore_mem>>)
      %dma_wait3A = arith.constant 0 : i32
      %dma_wait3A_40 = arith.constant 0 : i32
      %dma_wait3A_41 = arith.constant 0 : i32
      %dma_wait3A_42 = arith.constant 0 : i32
      %dma_wait3A_43 = tpu.memref_slice %arg9[%dma_wait3A_40, %dma_wait3A_41, %dma_wait3A_42] : memref<2x128x128xf32, #tpu.memory_space<vmem>> -> memref<1x128x128xf32, #tpu.memory_space<vmem>>
      %dma_wait3A_44 = tpu.memref_squeeze %dma_wait3A_43 : memref<1x128x128xf32, #tpu.memory_space<vmem>> -> memref<128x128xf32, #tpu.memory_space<vmem>>
      %dma_wait3A_45 = arith.constant 0 : i32
      %dma_wait3A_46 = tpu.memref_slice %arg7[%dma_wait3A, %dma_wait3A_45] : memref<8x128xi32, #tpu.memory_space<vmem>> -> memref<1x128xi32, #tpu.memory_space<vmem>>
      %dma_wait3A_47 = tpu.memref_squeeze %dma_wait3A_46 : memref<1x128xi32, #tpu.memory_space<vmem>> -> memref<128xi32, #tpu.memory_space<vmem>>
      %dma_wait3A_48 = arith.constant 0 : i32
      %dma_wait3A_49 = arith.constant 0 : i32
      %dma_wait3A_50 = tpu.memref_slice %arg2[%dma_wait3A_48, %dma_wait3A_49] : memref<10000x128xf32, #tpu.memory_space<hbm>> -> memref<10000x128xf32, #tpu.memory_space<hbm>>
      tpu.wait_indirect_dma semaphore(%arg11 : memref<!tpu.dma_semaphore, #tpu.memory_space<semaphore_mem>>) src(%dma_wait3A_50 : memref<10000x128xf32, #tpu.memory_space<hbm>>) dst(%dma_wait3A_44 : memref<128x128xf32, #tpu.memory_space<vmem>>)
      %dma_start3A_51 = arith.constant 0 : i32
      %dma_start3A_52 = arith.constant 0 : i32
      %dma_start3A_53 = arith.constant 0 : i32
      %dma_start3A_54 = arith.constant 0 : i32
      %dma_start3A_55 = tpu.memref_slice %arg9[%dma_start3A_51, %dma_start3A_53, %dma_start3A_54] : memref<2x128x128xf32, #tpu.memory_space<vmem>> -> memref<1x128x128xf32, #tpu.memory_space<vmem>>
      %dma_start3A_56 = tpu.memref_squeeze %dma_start3A_55 : memref<1x128x128xf32, #tpu.memory_space<vmem>> -> memref<128x128xf32, #tpu.memory_space<vmem>>
      %dma_start3A_57 = arith.constant 0 : i32
      %dma_start3A_58 = tpu.memref_slice %arg8[%dma_start3A_52, %dma_start3A_57] : memref<8x128xi32, #tpu.memory_space<vmem>> -> memref<1x128xi32, #tpu.memory_space<vmem>>
      %dma_start3A_59 = tpu.memref_squeeze %dma_start3A_58 : memref<1x128xi32, #tpu.memory_space<vmem>> -> memref<128xi32, #tpu.memory_space<vmem>>
      %dma_start3A_60 = arith.constant 0 : i32
      %dma_start3A_61 = arith.constant 0 : i32
      %dma_start3A_62 = tpu.memref_slice %arg10[%dma_start3A_60, %dma_start3A_61] : memref<10240x128xf32, #tpu.memory_space<vmem_shared>> -> memref<10240x128xf32, #tpu.memory_space<vmem_shared>>
      tpu.enqueue_indirect_dma source(%dma_start3A_56 : memref<128x128xf32, #tpu.memory_space<vmem>>) target(%dma_start3A_62 : memref<10240x128xf32, #tpu.memory_space<vmem_shared>>) offsets(%dma_start3A_59 : memref<128xi32, #tpu.memory_space<vmem>>) semaphore(%arg13 : memref<!tpu.dma_semaphore, #tpu.memory_space<semaphore_mem>>) {add = true}
      %dma_wait3A_63 = arith.constant 0 : i32
      %dma_wait3A_64 = arith.constant 0 : i32
      %dma_wait3A_65 = arith.constant 0 : i32
      %dma_wait3A_66 = arith.constant 0 : i32
      %dma_wait3A_67 = tpu.memref_slice %arg9[%dma_wait3A_63, %dma_wait3A_65, %dma_wait3A_66] : memref<2x128x128xf32, #tpu.memory_space<vmem>> -> memref<1x128x128xf32, #tpu.memory_space<vmem>>
      %dma_wait3A_68 = tpu.memref_squeeze %dma_wait3A_67 : memref<1x128x128xf32, #tpu.memory_space<vmem>> -> memref<128x128xf32, #tpu.memory_space<vmem>>
      %dma_wait3A_69 = arith.constant 0 : i32
      %dma_wait3A_70 = tpu.memref_slice %arg8[%dma_wait3A_64, %dma_wait3A_69] : memref<8x128xi32, #tpu.memory_space<vmem>> -> memref<1x128xi32, #tpu.memory_space<vmem>>
      %dma_wait3A_71 = tpu.memref_squeeze %dma_wait3A_70 : memref<1x128xi32, #tpu.memory_space<vmem>> -> memref<128xi32, #tpu.memory_space<vmem>>
      %dma_wait3A_72 = arith.constant 0 : i32
      %dma_wait3A_73 = arith.constant 0 : i32
      %dma_wait3A_74 = tpu.memref_slice %arg10[%dma_wait3A_72, %dma_wait3A_73] : memref<10240x128xf32, #tpu.memory_space<vmem_shared>> -> memref<10240x128xf32, #tpu.memory_space<vmem_shared>>
      tpu.wait_indirect_dma semaphore(%arg13 : memref<!tpu.dma_semaphore, #tpu.memory_space<semaphore_mem>>) src(%dma_wait3A_68 : memref<128x128xf32, #tpu.memory_space<vmem>>) dst(%dma_wait3A_74 : memref<10240x128xf32, #tpu.memory_space<vmem_shared>>)
      %dma_start3A_75 = arith.constant 2 : i32
      %dma_start3A_76 = arith.constant 0 : i32
      %dma_start3A_77 = arith.constant 0 : i32
      %dma_start3A_78 = arith.constant 0 : i32
      %dma_start3A_79 = tpu.memref_slice %arg9[%dma_start3A_76, %dma_start3A_77, %dma_start3A_78] : memref<2x128x128xf32, #tpu.memory_space<vmem>> -> memref<1x128x128xf32, #tpu.memory_space<vmem>>
      %dma_start3A_80 = tpu.memref_squeeze %dma_start3A_79 : memref<1x128x128xf32, #tpu.memory_space<vmem>> -> memref<128x128xf32, #tpu.memory_space<vmem>>
      %dma_start3A_81 = arith.constant 0 : i32
      %dma_start3A_82 = tpu.memref_slice %arg7[%dma_start3A_75, %dma_start3A_81] : memref<8x128xi32, #tpu.memory_space<vmem>> -> memref<1x128xi32, #tpu.memory_space<vmem>>
      %dma_start3A_83 = tpu.memref_squeeze %dma_start3A_82 : memref<1x128xi32, #tpu.memory_space<vmem>> -> memref<128xi32, #tpu.memory_space<vmem>>
      %dma_start3A_84 = arith.constant 0 : i32
      %dma_start3A_85 = arith.constant 0 : i32
      %dma_start3A_86 = tpu.memref_slice %arg2[%dma_start3A_84, %dma_start3A_85] : memref<10000x128xf32, #tpu.memory_space<hbm>> -> memref<10000x128xf32, #tpu.memory_space<hbm>>
      tpu.enqueue_indirect_dma source(%dma_start3A_86 : memref<10000x128xf32, #tpu.memory_space<hbm>>) target(%dma_start3A_80 : memref<128x128xf32, #tpu.memory_space<vmem>>) offsets(%dma_start3A_83 : memref<128xi32, #tpu.memory_space<vmem>>) semaphore(%arg11 : memref<!tpu.dma_semaphore, #tpu.memory_space<semaphore_mem>>)
      %dma_wait3A_87 = arith.constant 1 : i32
      %dma_wait3A_88 = arith.constant 1 : i32
      %dma_wait3A_89 = arith.constant 0 : i32
      %dma_wait3A_90 = arith.constant 0 : i32
      %dma_wait3A_91 = tpu.memref_slice %arg9[%dma_wait3A_88, %dma_wait3A_89, %dma_wait3A_90] : memref<2x128x128xf32, #tpu.memory_space<vmem>> -> memref<1x128x128xf32, #tpu.memory_space<vmem>>
      %dma_wait3A_92 = tpu.memref_squeeze %dma_wait3A_91 : memref<1x128x128xf32, #tpu.memory_space<vmem>> -> memref<128x128xf32, #tpu.memory_space<vmem>>
      %dma_wait3A_93 = arith.constant 0 : i32
      %dma_wait3A_94 = tpu.memref_slice %arg7[%dma_wait3A_87, %dma_wait3A_93] : memref<8x128xi32, #tpu.memory_space<vmem>> -> memref<1x128xi32, #tpu.memory_space<vmem>>
      %dma_wait3A_95 = tpu.memref_squeeze %dma_wait3A_94 : memref<1x128xi32, #tpu.memory_space<vmem>> -> memref<128xi32, #tpu.memory_space<vmem>>
      %dma_wait3A_96 = arith.constant 0 : i32
      %dma_wait3A_97 = arith.constant 0 : i32
      %dma_wait3A_98 = tpu.memref_slice %arg2[%dma_wait3A_96, %dma_wait3A_97] : memref<10000x128xf32, #tpu.memory_space<hbm>> -> memref<10000x128xf32, #tpu.memory_space<hbm>>
      tpu.wait_indirect_dma semaphore(%arg12 : memref<!tpu.dma_semaphore, #tpu.memory_space<semaphore_mem>>) src(%dma_wait3A_98 : memref<10000x128xf32, #tpu.memory_space<hbm>>) dst(%dma_wait3A_92 : memref<128x128xf32, #tpu.memory_space<vmem>>)
      %dma_start3A_99 = arith.constant 1 : i32
      %dma_start3A_100 = arith.constant 1 : i32
      %dma_start3A_101 = arith.constant 0 : i32
      %dma_start3A_102 = arith.constant 0 : i32
      %dma_start3A_103 = tpu.memref_slice %arg9[%dma_start3A_99, %dma_start3A_101, %dma_start3A_102] : memref<2x128x128xf32, #tpu.memory_space<vmem>> -> memref<1x128x128xf32, #tpu.memory_space<vmem>>
      %dma_start3A_104 = tpu.memref_squeeze %dma_start3A_103 : memref<1x128x128xf32, #tpu.memory_space<vmem>> -> memref<128x128xf32, #tpu.memory_space<vmem>>
      %dma_start3A_105 = arith.constant 0 : i32
      %dma_start3A_106 = tpu.memref_slice %arg8[%dma_start3A_100, %dma_start3A_105] : memref<8x128xi32, #tpu.memory_space<vmem>> -> memref<1x128xi32, #tpu.memory_space<vmem>>
      %dma_start3A_107 = tpu.memref_squeeze %dma_start3A_106 : memref<1x128xi32, #tpu.memory_space<vmem>> -> memref<128xi32, #tpu.memory_space<vmem>>
      %dma_start3A_108 = arith.constant 0 : i32
      %dma_start3A_109 = arith.constant 0 : i32
      %dma_start3A_110 = tpu.memref_slice %arg10[%dma_start3A_108, %dma_start3A_109] : memref<10240x128xf32, #tpu.memory_space<vmem_shared>> -> memref<10240x128xf32, #tpu.memory_space<vmem_shared>>
      tpu.enqueue_indirect_dma source(%dma_start3A_104 : memref<128x128xf32, #tpu.memory_space<vmem>>) target(%dma_start3A_110 : memref<10240x128xf32, #tpu.memory_space<vmem_shared>>) offsets(%dma_start3A_107 : memref<128xi32, #tpu.memory_space<vmem>>) semaphore(%arg14 : memref<!tpu.dma_semaphore, #tpu.memory_space<semaphore_mem>>) {add = true}
      %dma_wait3A_111 = arith.constant 1 : i32
      %dma_wait3A_112 = arith.constant 1 : i32
      %dma_wait3A_113 = arith.constant 0 : i32
      %dma_wait3A_114 = arith.constant 0 : i32
      %dma_wait3A_115 = tpu.memref_slice %arg9[%dma_wait3A_111, %dma_wait3A_113, %dma_wait3A_114] : memref<2x128x128xf32, #tpu.memory_space<vmem>> -> memref<1x128x128xf32, #tpu.memory_space<vmem>>
      %dma_wait3A_116 = tpu.memref_squeeze %dma_wait3A_115 : memref<1x128x128xf32, #tpu.memory_space<vmem>> -> memref<128x128xf32, #tpu.memory_space<vmem>>
      %dma_wait3A_117 = arith.constant 0 : i32
      %dma_wait3A_118 = tpu.memref_slice %arg8[%dma_wait3A_112, %dma_wait3A_117] : memref<8x128xi32, #tpu.memory_space<vmem>> -> memref<1x128xi32, #tpu.memory_space<vmem>>
      %dma_wait3A_119 = tpu.memref_squeeze %dma_wait3A_118 : memref<1x128xi32, #tpu.memory_space<vmem>> -> memref<128xi32, #tpu.memory_space<vmem>>
      %dma_wait3A_120 = arith.constant 0 : i32
      %dma_wait3A_121 = arith.constant 0 : i32
      %dma_wait3A_122 = tpu.memref_slice %arg10[%dma_wait3A_120, %dma_wait3A_121] : memref<10240x128xf32, #tpu.memory_space<vmem_shared>> -> memref<10240x128xf32, #tpu.memory_space<vmem_shared>>
      tpu.wait_indirect_dma semaphore(%arg14 : memref<!tpu.dma_semaphore, #tpu.memory_space<semaphore_mem>>) src(%dma_wait3A_116 : memref<128x128xf32, #tpu.memory_space<vmem>>) dst(%dma_wait3A_122 : memref<10240x128xf32, #tpu.memory_space<vmem_shared>>)
      %dma_start3A_123 = arith.constant 3 : i32
      %dma_start3A_124 = arith.constant 1 : i32
      %dma_start3A_125 = arith.constant 0 : i32
      %dma_start3A_126 = arith.constant 0 : i32
      %dma_start3A_127 = tpu.memref_slice %arg9[%dma_start3A_124, %dma_start3A_125, %dma_start3A_126] : memref<2x128x128xf32, #tpu.memory_space<vmem>> -> memref<1x128x128xf32, #tpu.memory_space<vmem>>
      %dma_start3A_128 = tpu.memref_squeeze %dma_start3A_127 : memref<1x128x128xf32, #tpu.memory_space<vmem>> -> memref<128x128xf32, #tpu.memory_space<vmem>>
      %dma_start3A_129 = arith.constant 0 : i32
      %dma_start3A_130 = tpu.memref_slice %arg7[%dma_start3A_123, %dma_start3A_129] : memref<8x128xi32, #tpu.memory_space<vmem>> -> memref<1x128xi32, #tpu.memory_space<vmem>>
      %dma_start3A_131 = tpu.memref_squeeze %dma_start3A_130 : memref<1x128xi32, #tpu.memory_space<vmem>> -> memref<128xi32, #tpu.memory_space<vmem>>
      %dma_start3A_132 = arith.constant 0 : i32
      %dma_start3A_133 = arith.constant 0 : i32
      %dma_start3A_134 = tpu.memref_slice %arg2[%dma_start3A_132, %dma_start3A_133] : memref<10000x128xf32, #tpu.memory_space<hbm>> -> memref<10000x128xf32, #tpu.memory_space<hbm>>
      tpu.enqueue_indirect_dma source(%dma_start3A_134 : memref<10000x128xf32, #tpu.memory_space<hbm>>) target(%dma_start3A_128 : memref<128x128xf32, #tpu.memory_space<vmem>>) offsets(%dma_start3A_131 : memref<128xi32, #tpu.memory_space<vmem>>) semaphore(%arg12 : memref<!tpu.dma_semaphore, #tpu.memory_space<semaphore_mem>>)
      %dma_wait3A_135 = arith.constant 2 : i32
      %dma_wait3A_136 = arith.constant 0 : i32
      %dma_wait3A_137 = arith.constant 0 : i32
      %dma_wait3A_138 = arith.constant 0 : i32
      %dma_wait3A_139 = tpu.memref_slice %arg9[%dma_wait3A_136, %dma_wait3A_137, %dma_wait3A_138] : memref<2x128x128xf32, #tpu.memory_space<vmem>> -> memref<1x128x128xf32, #tpu.memory_space<vmem>>
      %dma_wait3A_140 = tpu.memref_squeeze %dma_wait3A_139 : memref<1x128x128xf32, #tpu.memory_space<vmem>> -> memref<128x128xf32, #tpu.memory_space<vmem>>
      %dma_wait3A_141 = arith.constant 0 : i32
      %dma_wait3A_142 = tpu.memref_slice %arg7[%dma_wait3A_135, %dma_wait3A_141] : memref<8x128xi32, #tpu.memory_space<vmem>> -> memref<1x128xi32, #tpu.memory_space<vmem>>
      %dma_wait3A_143 = tpu.memref_squeeze %dma_wait3A_142 : memref<1x128xi32, #tpu.memory_space<vmem>> -> memref<128xi32, #tpu.memory_space<vmem>>
      %dma_wait3A_144 = arith.constant 0 : i32
      %dma_wait3A_145 = arith.constant 0 : i32
      %dma_wait3A_146 = tpu.memref_slice %arg2[%dma_wait3A_144, %dma_wait3A_145] : memref<10000x128xf32, #tpu.memory_space<hbm>> -> memref<10000x128xf32, #tpu.memory_space<hbm>>
      tpu.wait_indirect_dma semaphore(%arg11 : memref<!tpu.dma_semaphore, #tpu.memory_space<semaphore_mem>>) src(%dma_wait3A_146 : memref<10000x128xf32, #tpu.memory_space<hbm>>) dst(%dma_wait3A_140 : memref<128x128xf32, #tpu.memory_space<vmem>>)
      %dma_start3A_147 = arith.constant 0 : i32
      %dma_start3A_148 = arith.constant 2 : i32
      %dma_start3A_149 = arith.constant 0 : i32
      %dma_start3A_150 = arith.constant 0 : i32
      %dma_start3A_151 = tpu.memref_slice %arg9[%dma_start3A_147, %dma_start3A_149, %dma_start3A_150] : memref<2x128x128xf32, #tpu.memory_space<vmem>> -> memref<1x128x128xf32, #tpu.memory_space<vmem>>
      %dma_start3A_152 = tpu.memref_squeeze %dma_start3A_151 : memref<1x128x128xf32, #tpu.memory_space<vmem>> -> memref<128x128xf32, #tpu.memory_space<vmem>>
      %dma_start3A_153 = arith.constant 0 : i32
      %dma_start3A_154 = tpu.memref_slice %arg8[%dma_start3A_148, %dma_start3A_153] : memref<8x128xi32, #tpu.memory_space<vmem>> -> memref<1x128xi32, #tpu.memory_space<vmem>>
      %dma_start3A_155 = tpu.memref_squeeze %dma_start3A_154 : memref<1x128xi32, #tpu.memory_space<vmem>> -> memref<128xi32, #tpu.memory_space<vmem>>
      %dma_start3A_156 = arith.constant 0 : i32
      %dma_start3A_157 = arith.constant 0 : i32
      %dma_start3A_158 = tpu.memref_slice %arg10[%dma_start3A_156, %dma_start3A_157] : memref<10240x128xf32, #tpu.memory_space<vmem_shared>> -> memref<10240x128xf32, #tpu.memory_space<vmem_shared>>
      tpu.enqueue_indirect_dma source(%dma_start3A_152 : memref<128x128xf32, #tpu.memory_space<vmem>>) target(%dma_start3A_158 : memref<10240x128xf32, #tpu.memory_space<vmem_shared>>) offsets(%dma_start3A_155 : memref<128xi32, #tpu.memory_space<vmem>>) semaphore(%arg13 : memref<!tpu.dma_semaphore, #tpu.memory_space<semaphore_mem>>) {add = true}
      %dma_wait3A_159 = arith.constant 0 : i32
      %dma_wait3A_160 = arith.constant 2 : i32
      %dma_wait3A_161 = arith.constant 0 : i32
      %dma_wait3A_162 = arith.constant 0 : i32
      %dma_wait3A_163 = tpu.memref_slice %arg9[%dma_wait3A_159, %dma_wait3A_161, %dma_wait3A_162] : memref<2x128x128xf32, #tpu.memory_space<vmem>> -> memref<1x128x128xf32, #tpu.memory_space<vmem>>
      %dma_wait3A_164 = tpu.memref_squeeze %dma_wait3A_163 : memref<1x128x128xf32, #tpu.memory_space<vmem>> -> memref<128x128xf32, #tpu.memory_space<vmem>>
      %dma_wait3A_165 = arith.constant 0 : i32
      %dma_wait3A_166 = tpu.memref_slice %arg8[%dma_wait3A_160, %dma_wait3A_165] : memref<8x128xi32, #tpu.memory_space<vmem>> -> memref<1x128xi32, #tpu.memory_space<vmem>>
      %dma_wait3A_167 = tpu.memref_squeeze %dma_wait3A_166 : memref<1x128xi32, #tpu.memory_space<vmem>> -> memref<128xi32, #tpu.memory_space<vmem>>
      %dma_wait3A_168 = arith.constant 0 : i32
      %dma_wait3A_169 = arith.constant 0 : i32
      %dma_wait3A_170 = tpu.memref_slice %arg10[%dma_wait3A_168, %dma_wait3A_169] : memref<10240x128xf32, #tpu.memory_space<vmem_shared>> -> memref<10240x128xf32, #tpu.memory_space<vmem_shared>>
      tpu.wait_indirect_dma semaphore(%arg13 : memref<!tpu.dma_semaphore, #tpu.memory_space<semaphore_mem>>) src(%dma_wait3A_164 : memref<128x128xf32, #tpu.memory_space<vmem>>) dst(%dma_wait3A_170 : memref<10240x128xf32, #tpu.memory_space<vmem_shared>>)
      %dma_start3A_171 = arith.constant 4 : i32
      %dma_start3A_172 = arith.constant 0 : i32
      %dma_start3A_173 = arith.constant 0 : i32
      %dma_start3A_174 = arith.constant 0 : i32
      %dma_start3A_175 = tpu.memref_slice %arg9[%dma_start3A_172, %dma_start3A_173, %dma_start3A_174] : memref<2x128x128xf32, #tpu.memory_space<vmem>> -> memref<1x128x128xf32, #tpu.memory_space<vmem>>
      %dma_start3A_176 = tpu.memref_squeeze %dma_start3A_175 : memref<1x128x128xf32, #tpu.memory_space<vmem>> -> memref<128x128xf32, #tpu.memory_space<vmem>>
      %dma_start3A_177 = arith.constant 0 : i32
      %dma_start3A_178 = tpu.memref_slice %arg7[%dma_start3A_171, %dma_start3A_177] : memref<8x128xi32, #tpu.memory_space<vmem>> -> memref<1x128xi32, #tpu.memory_space<vmem>>
      %dma_start3A_179 = tpu.memref_squeeze %dma_start3A_178 : memref<1x128xi32, #tpu.memory_space<vmem>> -> memref<128xi32, #tpu.memory_space<vmem>>
      %dma_start3A_180 = arith.constant 0 : i32
      %dma_start3A_181 = arith.constant 0 : i32
      %dma_start3A_182 = tpu.memref_slice %arg2[%dma_start3A_180, %dma_start3A_181] : memref<10000x128xf32, #tpu.memory_space<hbm>> -> memref<10000x128xf32, #tpu.memory_space<hbm>>
      tpu.enqueue_indirect_dma source(%dma_start3A_182 : memref<10000x128xf32, #tpu.memory_space<hbm>>) target(%dma_start3A_176 : memref<128x128xf32, #tpu.memory_space<vmem>>) offsets(%dma_start3A_179 : memref<128xi32, #tpu.memory_space<vmem>>) semaphore(%arg11 : memref<!tpu.dma_semaphore, #tpu.memory_space<semaphore_mem>>)
      %dma_wait3A_183 = arith.constant 3 : i32
      %dma_wait3A_184 = arith.constant 1 : i32
      %dma_wait3A_185 = arith.constant 0 : i32
      %dma_wait3A_186 = arith.constant 0 : i32
      %dma_wait3A_187 = tpu.memref_slice %arg9[%dma_wait3A_184, %dma_wait3A_185, %dma_wait3A_186] : memref<2x128x128xf32, #tpu.memory_space<vmem>> -> memref<1x128x128xf32, #tpu.memory_space<vmem>>
      %dma_wait3A_188 = tpu.memref_squeeze %dma_wait3A_187 : memref<1x128x128xf32, #tpu.memory_space<vmem>> -> memref<128x128xf32, #tpu.memory_space<vmem>>
      %dma_wait3A_189 = arith.constant 0 : i32
      %dma_wait3A_190 = tpu.memref_slice %arg7[%dma_wait3A_183, %dma_wait3A_189] : memref<8x128xi32, #tpu.memory_space<vmem>> -> memref<1x128xi32, #tpu.memory_space<vmem>>
      %dma_wait3A_191 = tpu.memref_squeeze %dma_wait3A_190 : memref<1x128xi32, #tpu.memory_space<vmem>> -> memref<128xi32, #tpu.memory_space<vmem>>
      %dma_wait3A_192 = arith.constant 0 : i32
      %dma_wait3A_193 = arith.constant 0 : i32
      %dma_wait3A_194 = tpu.memref_slice %arg2[%dma_wait3A_192, %dma_wait3A_193] : memref<10000x128xf32, #tpu.memory_space<hbm>> -> memref<10000x128xf32, #tpu.memory_space<hbm>>
      tpu.wait_indirect_dma semaphore(%arg12 : memref<!tpu.dma_semaphore, #tpu.memory_space<semaphore_mem>>) src(%dma_wait3A_194 : memref<10000x128xf32, #tpu.memory_space<hbm>>) dst(%dma_wait3A_188 : memref<128x128xf32, #tpu.memory_space<vmem>>)
      %dma_start3A_195 = arith.constant 1 : i32
      %dma_start3A_196 = arith.constant 3 : i32
      %dma_start3A_197 = arith.constant 0 : i32
      %dma_start3A_198 = arith.constant 0 : i32
      %dma_start3A_199 = tpu.memref_slice %arg9[%dma_start3A_195, %dma_start3A_197, %dma_start3A_198] : memref<2x128x128xf32, #tpu.memory_space<vmem>> -> memref<1x128x128xf32, #tpu.memory_space<vmem>>
      %dma_start3A_200 = tpu.memref_squeeze %dma_start3A_199 : memref<1x128x128xf32, #tpu.memory_space<vmem>> -> memref<128x128xf32, #tpu.memory_space<vmem>>
      %dma_start3A_201 = arith.constant 0 : i32
      %dma_start3A_202 = tpu.memref_slice %arg8[%dma_start3A_196, %dma_start3A_201] : memref<8x128xi32, #tpu.memory_space<vmem>> -> memref<1x128xi32, #tpu.memory_space<vmem>>
      %dma_start3A_203 = tpu.memref_squeeze %dma_start3A_202 : memref<1x128xi32, #tpu.memory_space<vmem>> -> memref<128xi32, #tpu.memory_space<vmem>>
      %dma_start3A_204 = arith.constant 0 : i32
      %dma_start3A_205 = arith.constant 0 : i32
      %dma_start3A_206 = tpu.memref_slice %arg10[%dma_start3A_204, %dma_start3A_205] : memref<10240x128xf32, #tpu.memory_space<vmem_shared>> -> memref<10240x128xf32, #tpu.memory_space<vmem_shared>>
      tpu.enqueue_indirect_dma source(%dma_start3A_200 : memref<128x128xf32, #tpu.memory_space<vmem>>) target(%dma_start3A_206 : memref<10240x128xf32, #tpu.memory_space<vmem_shared>>) offsets(%dma_start3A_203 : memref<128xi32, #tpu.memory_space<vmem>>) semaphore(%arg14 : memref<!tpu.dma_semaphore, #tpu.memory_space<semaphore_mem>>) {add = true}
      %dma_wait3A_207 = arith.constant 1 : i32
      %dma_wait3A_208 = arith.constant 3 : i32
      %dma_wait3A_209 = arith.constant 0 : i32
      %dma_wait3A_210 = arith.constant 0 : i32
      %dma_wait3A_211 = tpu.memref_slice %arg9[%dma_wait3A_207, %dma_wait3A_209, %dma_wait3A_210] : memref<2x128x128xf32, #tpu.memory_space<vmem>> -> memref<1x128x128xf32, #tpu.memory_space<vmem>>
      %dma_wait3A_212 = tpu.memref_squeeze %dma_wait3A_211 : memref<1x128x128xf32, #tpu.memory_space<vmem>> -> memref<128x128xf32, #tpu.memory_space<vmem>>
      %dma_wait3A_213 = arith.constant 0 : i32
      %dma_wait3A_214 = tpu.memref_slice %arg8[%dma_wait3A_208, %dma_wait3A_213] : memref<8x128xi32, #tpu.memory_space<vmem>> -> memref<1x128xi32, #tpu.memory_space<vmem>>
      %dma_wait3A_215 = tpu.memref_squeeze %dma_wait3A_214 : memref<1x128xi32, #tpu.memory_space<vmem>> -> memref<128xi32, #tpu.memory_space<vmem>>
      %dma_wait3A_216 = arith.constant 0 : i32
      %dma_wait3A_217 = arith.constant 0 : i32
      %dma_wait3A_218 = tpu.memref_slice %arg10[%dma_wait3A_216, %dma_wait3A_217] : memref<10240x128xf32, #tpu.memory_space<vmem_shared>> -> memref<10240x128xf32, #tpu.memory_space<vmem_shared>>
      tpu.wait_indirect_dma semaphore(%arg14 : memref<!tpu.dma_semaphore, #tpu.memory_space<semaphore_mem>>) src(%dma_wait3A_212 : memref<128x128xf32, #tpu.memory_space<vmem>>) dst(%dma_wait3A_218 : memref<10240x128xf32, #tpu.memory_space<vmem_shared>>)
      %dma_start3A_219 = arith.constant 5 : i32
      %dma_start3A_220 = arith.constant 1 : i32
      %dma_start3A_221 = arith.constant 0 : i32
      %dma_start3A_222 = arith.constant 0 : i32
      %dma_start3A_223 = tpu.memref_slice %arg9[%dma_start3A_220, %dma_start3A_221, %dma_start3A_222] : memref<2x128x128xf32, #tpu.memory_space<vmem>> -> memref<1x128x128xf32, #tpu.memory_space<vmem>>
      %dma_start3A_224 = tpu.memref_squeeze %dma_start3A_223 : memref<1x128x128xf32, #tpu.memory_space<vmem>> -> memref<128x128xf32, #tpu.memory_space<vmem>>
      %dma_start3A_225 = arith.constant 0 : i32
      %dma_start3A_226 = tpu.memref_slice %arg7[%dma_start3A_219, %dma_start3A_225] : memref<8x128xi32, #tpu.memory_space<vmem>> -> memref<1x128xi32, #tpu.memory_space<vmem>>
      %dma_start3A_227 = tpu.memref_squeeze %dma_start3A_226 : memref<1x128xi32, #tpu.memory_space<vmem>> -> memref<128xi32, #tpu.memory_space<vmem>>
      %dma_start3A_228 = arith.constant 0 : i32
      %dma_start3A_229 = arith.constant 0 : i32
      %dma_start3A_230 = tpu.memref_slice %arg2[%dma_start3A_228, %dma_start3A_229] : memref<10000x128xf32, #tpu.memory_space<hbm>> -> memref<10000x128xf32, #tpu.memory_space<hbm>>
      tpu.enqueue_indirect_dma source(%dma_start3A_230 : memref<10000x128xf32, #tpu.memory_space<hbm>>) target(%dma_start3A_224 : memref<128x128xf32, #tpu.memory_space<vmem>>) offsets(%dma_start3A_227 : memref<128xi32, #tpu.memory_space<vmem>>) semaphore(%arg12 : memref<!tpu.dma_semaphore, #tpu.memory_space<semaphore_mem>>)
      %dma_wait3A_231 = arith.constant 4 : i32
      %dma_wait3A_232 = arith.constant 0 : i32
      %dma_wait3A_233 = arith.constant 0 : i32
      %dma_wait3A_234 = arith.constant 0 : i32
      %dma_wait3A_235 = tpu.memref_slice %arg9[%dma_wait3A_232, %dma_wait3A_233, %dma_wait3A_234] : memref<2x128x128xf32, #tpu.memory_space<vmem>> -> memref<1x128x128xf32, #tpu.memory_space<vmem>>
      %dma_wait3A_236 = tpu.memref_squeeze %dma_wait3A_235 : memref<1x128x128xf32, #tpu.memory_space<vmem>> -> memref<128x128xf32, #tpu.memory_space<vmem>>
      %dma_wait3A_237 = arith.constant 0 : i32
      %dma_wait3A_238 = tpu.memref_slice %arg7[%dma_wait3A_231, %dma_wait3A_237] : memref<8x128xi32, #tpu.memory_space<vmem>> -> memref<1x128xi32, #tpu.memory_space<vmem>>
      %dma_wait3A_239 = tpu.memref_squeeze %dma_wait3A_238 : memref<1x128xi32, #tpu.memory_space<vmem>> -> memref<128xi32, #tpu.memory_space<vmem>>
      %dma_wait3A_240 = arith.constant 0 : i32
      %dma_wait3A_241 = arith.constant 0 : i32
      %dma_wait3A_242 = tpu.memref_slice %arg2[%dma_wait3A_240, %dma_wait3A_241] : memref<10000x128xf32, #tpu.memory_space<hbm>> -> memref<10000x128xf32, #tpu.memory_space<hbm>>
      tpu.wait_indirect_dma semaphore(%arg11 : memref<!tpu.dma_semaphore, #tpu.memory_space<semaphore_mem>>) src(%dma_wait3A_242 : memref<10000x128xf32, #tpu.memory_space<hbm>>) dst(%dma_wait3A_236 : memref<128x128xf32, #tpu.memory_space<vmem>>)
      %dma_start3A_243 = arith.constant 0 : i32
      %dma_start3A_244 = arith.constant 4 : i32
      %dma_start3A_245 = arith.constant 0 : i32
      %dma_start3A_246 = arith.constant 0 : i32
      %dma_start3A_247 = tpu.memref_slice %arg9[%dma_start3A_243, %dma_start3A_245, %dma_start3A_246] : memref<2x128x128xf32, #tpu.memory_space<vmem>> -> memref<1x128x128xf32, #tpu.memory_space<vmem>>
      %dma_start3A_248 = tpu.memref_squeeze %dma_start3A_247 : memref<1x128x128xf32, #tpu.memory_space<vmem>> -> memref<128x128xf32, #tpu.memory_space<vmem>>
      %dma_start3A_249 = arith.constant 0 : i32
      %dma_start3A_250 = tpu.memref_slice %arg8[%dma_start3A_244, %dma_start3A_249] : memref<8x128xi32, #tpu.memory_space<vmem>> -> memref<1x128xi32, #tpu.memory_space<vmem>>
      %dma_start3A_251 = tpu.memref_squeeze %dma_start3A_250 : memref<1x128xi32, #tpu.memory_space<vmem>> -> memref<128xi32, #tpu.memory_space<vmem>>
      %dma_start3A_252 = arith.constant 0 : i32
      %dma_start3A_253 = arith.constant 0 : i32
      %dma_start3A_254 = tpu.memref_slice %arg10[%dma_start3A_252, %dma_start3A_253] : memref<10240x128xf32, #tpu.memory_space<vmem_shared>> -> memref<10240x128xf32, #tpu.memory_space<vmem_shared>>
      tpu.enqueue_indirect_dma source(%dma_start3A_248 : memref<128x128xf32, #tpu.memory_space<vmem>>) target(%dma_start3A_254 : memref<10240x128xf32, #tpu.memory_space<vmem_shared>>) offsets(%dma_start3A_251 : memref<128xi32, #tpu.memory_space<vmem>>) semaphore(%arg13 : memref<!tpu.dma_semaphore, #tpu.memory_space<semaphore_mem>>) {add = true}
      %dma_wait3A_255 = arith.constant 0 : i32
      %dma_wait3A_256 = arith.constant 4 : i32
      %dma_wait3A_257 = arith.constant 0 : i32
      %dma_wait3A_258 = arith.constant 0 : i32
      %dma_wait3A_259 = tpu.memref_slice %arg9[%dma_wait3A_255, %dma_wait3A_257, %dma_wait3A_258] : memref<2x128x128xf32, #tpu.memory_space<vmem>> -> memref<1x128x128xf32, #tpu.memory_space<vmem>>
      %dma_wait3A_260 = tpu.memref_squeeze %dma_wait3A_259 : memref<1x128x128xf32, #tpu.memory_space<vmem>> -> memref<128x128xf32, #tpu.memory_space<vmem>>
      %dma_wait3A_261 = arith.constant 0 : i32
      %dma_wait3A_262 = tpu.memref_slice %arg8[%dma_wait3A_256, %dma_wait3A_261] : memref<8x128xi32, #tpu.memory_space<vmem>> -> memref<1x128xi32, #tpu.memory_space<vmem>>
      %dma_wait3A_263 = tpu.memref_squeeze %dma_wait3A_262 : memref<1x128xi32, #tpu.memory_space<vmem>> -> memref<128xi32, #tpu.memory_space<vmem>>
      %dma_wait3A_264 = arith.constant 0 : i32
      %dma_wait3A_265 = arith.constant 0 : i32
      %dma_wait3A_266 = tpu.memref_slice %arg10[%dma_wait3A_264, %dma_wait3A_265] : memref<10240x128xf32, #tpu.memory_space<vmem_shared>> -> memref<10240x128xf32, #tpu.memory_space<vmem_shared>>
      tpu.wait_indirect_dma semaphore(%arg13 : memref<!tpu.dma_semaphore, #tpu.memory_space<semaphore_mem>>) src(%dma_wait3A_260 : memref<128x128xf32, #tpu.memory_space<vmem>>) dst(%dma_wait3A_266 : memref<10240x128xf32, #tpu.memory_space<vmem_shared>>)
      %dma_start3A_267 = arith.constant 6 : i32
      %dma_start3A_268 = arith.constant 0 : i32
      %dma_start3A_269 = arith.constant 0 : i32
      %dma_start3A_270 = arith.constant 0 : i32
      %dma_start3A_271 = tpu.memref_slice %arg9[%dma_start3A_268, %dma_start3A_269, %dma_start3A_270] : memref<2x128x128xf32, #tpu.memory_space<vmem>> -> memref<1x128x128xf32, #tpu.memory_space<vmem>>
      %dma_start3A_272 = tpu.memref_squeeze %dma_start3A_271 : memref<1x128x128xf32, #tpu.memory_space<vmem>> -> memref<128x128xf32, #tpu.memory_space<vmem>>
      %dma_start3A_273 = arith.constant 0 : i32
      %dma_start3A_274 = tpu.memref_slice %arg7[%dma_start3A_267, %dma_start3A_273] : memref<8x128xi32, #tpu.memory_space<vmem>> -> memref<1x128xi32, #tpu.memory_space<vmem>>
      %dma_start3A_275 = tpu.memref_squeeze %dma_start3A_274 : memref<1x128xi32, #tpu.memory_space<vmem>> -> memref<128xi32, #tpu.memory_space<vmem>>
      %dma_start3A_276 = arith.constant 0 : i32
      %dma_start3A_277 = arith.constant 0 : i32
      %dma_start3A_278 = tpu.memref_slice %arg2[%dma_start3A_276, %dma_start3A_277] : memref<10000x128xf32, #tpu.memory_space<hbm>> -> memref<10000x128xf32, #tpu.memory_space<hbm>>
      tpu.enqueue_indirect_dma source(%dma_start3A_278 : memref<10000x128xf32, #tpu.memory_space<hbm>>) target(%dma_start3A_272 : memref<128x128xf32, #tpu.memory_space<vmem>>) offsets(%dma_start3A_275 : memref<128xi32, #tpu.memory_space<vmem>>) semaphore(%arg11 : memref<!tpu.dma_semaphore, #tpu.memory_space<semaphore_mem>>)
      %dma_wait3A_279 = arith.constant 5 : i32
      %dma_wait3A_280 = arith.constant 1 : i32
      %dma_wait3A_281 = arith.constant 0 : i32
      %dma_wait3A_282 = arith.constant 0 : i32
      %dma_wait3A_283 = tpu.memref_slice %arg9[%dma_wait3A_280, %dma_wait3A_281, %dma_wait3A_282] : memref<2x128x128xf32, #tpu.memory_space<vmem>> -> memref<1x128x128xf32, #tpu.memory_space<vmem>>
      %dma_wait3A_284 = tpu.memref_squeeze %dma_wait3A_283 : memref<1x128x128xf32, #tpu.memory_space<vmem>> -> memref<128x128xf32, #tpu.memory_space<vmem>>
      %dma_wait3A_285 = arith.constant 0 : i32
      %dma_wait3A_286 = tpu.memref_slice %arg7[%dma_wait3A_279, %dma_wait3A_285] : memref<8x128xi32, #tpu.memory_space<vmem>> -> memref<1x128xi32, #tpu.memory_space<vmem>>
      %dma_wait3A_287 = tpu.memref_squeeze %dma_wait3A_286 : memref<1x128xi32, #tpu.memory_space<vmem>> -> memref<128xi32, #tpu.memory_space<vmem>>
      %dma_wait3A_288 = arith.constant 0 : i32
      %dma_wait3A_289 = arith.constant 0 : i32
      %dma_wait3A_290 = tpu.memref_slice %arg2[%dma_wait3A_288, %dma_wait3A_289] : memref<10000x128xf32, #tpu.memory_space<hbm>> -> memref<10000x128xf32, #tpu.memory_space<hbm>>
      tpu.wait_indirect_dma semaphore(%arg12 : memref<!tpu.dma_semaphore, #tpu.memory_space<semaphore_mem>>) src(%dma_wait3A_290 : memref<10000x128xf32, #tpu.memory_space<hbm>>) dst(%dma_wait3A_284 : memref<128x128xf32, #tpu.memory_space<vmem>>)
      %dma_start3A_291 = arith.constant 1 : i32
      %dma_start3A_292 = arith.constant 5 : i32
      %dma_start3A_293 = arith.constant 0 : i32
      %dma_start3A_294 = arith.constant 0 : i32
      %dma_start3A_295 = tpu.memref_slice %arg9[%dma_start3A_291, %dma_start3A_293, %dma_start3A_294] : memref<2x128x128xf32, #tpu.memory_space<vmem>> -> memref<1x128x128xf32, #tpu.memory_space<vmem>>
      %dma_start3A_296 = tpu.memref_squeeze %dma_start3A_295 : memref<1x128x128xf32, #tpu.memory_space<vmem>> -> memref<128x128xf32, #tpu.memory_space<vmem>>
      %dma_start3A_297 = arith.constant 0 : i32
      %dma_start3A_298 = tpu.memref_slice %arg8[%dma_start3A_292, %dma_start3A_297] : memref<8x128xi32, #tpu.memory_space<vmem>> -> memref<1x128xi32, #tpu.memory_space<vmem>>
      %dma_start3A_299 = tpu.memref_squeeze %dma_start3A_298 : memref<1x128xi32, #tpu.memory_space<vmem>> -> memref<128xi32, #tpu.memory_space<vmem>>
      %dma_start3A_300 = arith.constant 0 : i32
      %dma_start3A_301 = arith.constant 0 : i32
      %dma_start3A_302 = tpu.memref_slice %arg10[%dma_start3A_300, %dma_start3A_301] : memref<10240x128xf32, #tpu.memory_space<vmem_shared>> -> memref<10240x128xf32, #tpu.memory_space<vmem_shared>>
      tpu.enqueue_indirect_dma source(%dma_start3A_296 : memref<128x128xf32, #tpu.memory_space<vmem>>) target(%dma_start3A_302 : memref<10240x128xf32, #tpu.memory_space<vmem_shared>>) offsets(%dma_start3A_299 : memref<128xi32, #tpu.memory_space<vmem>>) semaphore(%arg14 : memref<!tpu.dma_semaphore, #tpu.memory_space<semaphore_mem>>) {add = true}
      %dma_wait3A_303 = arith.constant 1 : i32
      %dma_wait3A_304 = arith.constant 5 : i32
      %dma_wait3A_305 = arith.constant 0 : i32
      %dma_wait3A_306 = arith.constant 0 : i32
      %dma_wait3A_307 = tpu.memref_slice %arg9[%dma_wait3A_303, %dma_wait3A_305, %dma_wait3A_306] : memref<2x128x128xf32, #tpu.memory_space<vmem>> -> memref<1x128x128xf32, #tpu.memory_space<vmem>>
      %dma_wait3A_308 = tpu.memref_squeeze %dma_wait3A_307 : memref<1x128x128xf32, #tpu.memory_space<vmem>> -> memref<128x128xf32, #tpu.memory_space<vmem>>
      %dma_wait3A_309 = arith.constant 0 : i32
      %dma_wait3A_310 = tpu.memref_slice %arg8[%dma_wait3A_304, %dma_wait3A_309] : memref<8x128xi32, #tpu.memory_space<vmem>> -> memref<1x128xi32, #tpu.memory_space<vmem>>
      %dma_wait3A_311 = tpu.memref_squeeze %dma_wait3A_310 : memref<1x128xi32, #tpu.memory_space<vmem>> -> memref<128xi32, #tpu.memory_space<vmem>>
      %dma_wait3A_312 = arith.constant 0 : i32
      %dma_wait3A_313 = arith.constant 0 : i32
      %dma_wait3A_314 = tpu.memref_slice %arg10[%dma_wait3A_312, %dma_wait3A_313] : memref<10240x128xf32, #tpu.memory_space<vmem_shared>> -> memref<10240x128xf32, #tpu.memory_space<vmem_shared>>
      tpu.wait_indirect_dma semaphore(%arg14 : memref<!tpu.dma_semaphore, #tpu.memory_space<semaphore_mem>>) src(%dma_wait3A_308 : memref<128x128xf32, #tpu.memory_space<vmem>>) dst(%dma_wait3A_314 : memref<10240x128xf32, #tpu.memory_space<vmem_shared>>)
      %dma_start3A_315 = arith.constant 7 : i32
      %dma_start3A_316 = arith.constant 1 : i32
      %dma_start3A_317 = arith.constant 0 : i32
      %dma_start3A_318 = arith.constant 0 : i32
      %dma_start3A_319 = tpu.memref_slice %arg9[%dma_start3A_316, %dma_start3A_317, %dma_start3A_318] : memref<2x128x128xf32, #tpu.memory_space<vmem>> -> memref<1x128x128xf32, #tpu.memory_space<vmem>>
      %dma_start3A_320 = tpu.memref_squeeze %dma_start3A_319 : memref<1x128x128xf32, #tpu.memory_space<vmem>> -> memref<128x128xf32, #tpu.memory_space<vmem>>
      %dma_start3A_321 = arith.constant 0 : i32
      %dma_start3A_322 = tpu.memref_slice %arg7[%dma_start3A_315, %dma_start3A_321] : memref<8x128xi32, #tpu.memory_space<vmem>> -> memref<1x128xi32, #tpu.memory_space<vmem>>
      %dma_start3A_323 = tpu.memref_squeeze %dma_start3A_322 : memref<1x128xi32, #tpu.memory_space<vmem>> -> memref<128xi32, #tpu.memory_space<vmem>>
      %dma_start3A_324 = arith.constant 0 : i32
      %dma_start3A_325 = arith.constant 0 : i32
      %dma_start3A_326 = tpu.memref_slice %arg2[%dma_start3A_324, %dma_start3A_325] : memref<10000x128xf32, #tpu.memory_space<hbm>> -> memref<10000x128xf32, #tpu.memory_space<hbm>>
      tpu.enqueue_indirect_dma source(%dma_start3A_326 : memref<10000x128xf32, #tpu.memory_space<hbm>>) target(%dma_start3A_320 : memref<128x128xf32, #tpu.memory_space<vmem>>) offsets(%dma_start3A_323 : memref<128xi32, #tpu.memory_space<vmem>>) semaphore(%arg12 : memref<!tpu.dma_semaphore, #tpu.memory_space<semaphore_mem>>)
      %dma_wait3A_327 = arith.constant 6 : i32
      %dma_wait3A_328 = arith.constant 0 : i32
      %dma_wait3A_329 = arith.constant 0 : i32
      %dma_wait3A_330 = arith.constant 0 : i32
      %dma_wait3A_331 = tpu.memref_slice %arg9[%dma_wait3A_328, %dma_wait3A_329, %dma_wait3A_330] : memref<2x128x128xf32, #tpu.memory_space<vmem>> -> memref<1x128x128xf32, #tpu.memory_space<vmem>>
      %dma_wait3A_332 = tpu.memref_squeeze %dma_wait3A_331 : memref<1x128x128xf32, #tpu.memory_space<vmem>> -> memref<128x128xf32, #tpu.memory_space<vmem>>
      %dma_wait3A_333 = arith.constant 0 : i32
      %dma_wait3A_334 = tpu.memref_slice %arg7[%dma_wait3A_327, %dma_wait3A_333] : memref<8x128xi32, #tpu.memory_space<vmem>> -> memref<1x128xi32, #tpu.memory_space<vmem>>
      %dma_wait3A_335 = tpu.memref_squeeze %dma_wait3A_334 : memref<1x128xi32, #tpu.memory_space<vmem>> -> memref<128xi32, #tpu.memory_space<vmem>>
      %dma_wait3A_336 = arith.constant 0 : i32
      %dma_wait3A_337 = arith.constant 0 : i32
      %dma_wait3A_338 = tpu.memref_slice %arg2[%dma_wait3A_336, %dma_wait3A_337] : memref<10000x128xf32, #tpu.memory_space<hbm>> -> memref<10000x128xf32, #tpu.memory_space<hbm>>
      tpu.wait_indirect_dma semaphore(%arg11 : memref<!tpu.dma_semaphore, #tpu.memory_space<semaphore_mem>>) src(%dma_wait3A_338 : memref<10000x128xf32, #tpu.memory_space<hbm>>) dst(%dma_wait3A_332 : memref<128x128xf32, #tpu.memory_space<vmem>>)
      %dma_start3A_339 = arith.constant 0 : i32
      %dma_start3A_340 = arith.constant 6 : i32
      %dma_start3A_341 = arith.constant 0 : i32
      %dma_start3A_342 = arith.constant 0 : i32
      %dma_start3A_343 = tpu.memref_slice %arg9[%dma_start3A_339, %dma_start3A_341, %dma_start3A_342] : memref<2x128x128xf32, #tpu.memory_space<vmem>> -> memref<1x128x128xf32, #tpu.memory_space<vmem>>
      %dma_start3A_344 = tpu.memref_squeeze %dma_start3A_343 : memref<1x128x128xf32, #tpu.memory_space<vmem>> -> memref<128x128xf32, #tpu.memory_space<vmem>>
      %dma_start3A_345 = arith.constant 0 : i32
      %dma_start3A_346 = tpu.memref_slice %arg8[%dma_start3A_340, %dma_start3A_345] : memref<8x128xi32, #tpu.memory_space<vmem>> -> memref<1x128xi32, #tpu.memory_space<vmem>>
      %dma_start3A_347 = tpu.memref_squeeze %dma_start3A_346 : memref<1x128xi32, #tpu.memory_space<vmem>> -> memref<128xi32, #tpu.memory_space<vmem>>
      %dma_start3A_348 = arith.constant 0 : i32
      %dma_start3A_349 = arith.constant 0 : i32
      %dma_start3A_350 = tpu.memref_slice %arg10[%dma_start3A_348, %dma_start3A_349] : memref<10240x128xf32, #tpu.memory_space<vmem_shared>> -> memref<10240x128xf32, #tpu.memory_space<vmem_shared>>
      tpu.enqueue_indirect_dma source(%dma_start3A_344 : memref<128x128xf32, #tpu.memory_space<vmem>>) target(%dma_start3A_350 : memref<10240x128xf32, #tpu.memory_space<vmem_shared>>) offsets(%dma_start3A_347 : memref<128xi32, #tpu.memory_space<vmem>>) semaphore(%arg13 : memref<!tpu.dma_semaphore, #tpu.memory_space<semaphore_mem>>) {add = true}
      %dma_wait3A_351 = arith.constant 7 : i32
      %dma_wait3A_352 = arith.constant 1 : i32
      %dma_wait3A_353 = arith.constant 0 : i32
      %dma_wait3A_354 = arith.constant 0 : i32
      %dma_wait3A_355 = tpu.memref_slice %arg9[%dma_wait3A_352, %dma_wait3A_353, %dma_wait3A_354] : memref<2x128x128xf32, #tpu.memory_space<vmem>> -> memref<1x128x128xf32, #tpu.memory_space<vmem>>
      %dma_wait3A_356 = tpu.memref_squeeze %dma_wait3A_355 : memref<1x128x128xf32, #tpu.memory_space<vmem>> -> memref<128x128xf32, #tpu.memory_space<vmem>>
      %dma_wait3A_357 = arith.constant 0 : i32
      %dma_wait3A_358 = tpu.memref_slice %arg7[%dma_wait3A_351, %dma_wait3A_357] : memref<8x128xi32, #tpu.memory_space<vmem>> -> memref<1x128xi32, #tpu.memory_space<vmem>>
      %dma_wait3A_359 = tpu.memref_squeeze %dma_wait3A_358 : memref<1x128xi32, #tpu.memory_space<vmem>> -> memref<128xi32, #tpu.memory_space<vmem>>
      %dma_wait3A_360 = arith.constant 0 : i32
      %dma_wait3A_361 = arith.constant 0 : i32
      %dma_wait3A_362 = tpu.memref_slice %arg2[%dma_wait3A_360, %dma_wait3A_361] : memref<10000x128xf32, #tpu.memory_space<hbm>> -> memref<10000x128xf32, #tpu.memory_space<hbm>>
      tpu.wait_indirect_dma semaphore(%arg12 : memref<!tpu.dma_semaphore, #tpu.memory_space<semaphore_mem>>) src(%dma_wait3A_362 : memref<10000x128xf32, #tpu.memory_space<hbm>>) dst(%dma_wait3A_356 : memref<128x128xf32, #tpu.memory_space<vmem>>)
      %dma_start3A_363 = arith.constant 1 : i32
      %dma_start3A_364 = arith.constant 7 : i32
      %dma_start3A_365 = arith.constant 0 : i32
      %dma_start3A_366 = arith.constant 0 : i32
      %dma_start3A_367 = tpu.memref_slice %arg9[%dma_start3A_363, %dma_start3A_365, %dma_start3A_366] : memref<2x128x128xf32, #tpu.memory_space<vmem>> -> memref<1x128x128xf32, #tpu.memory_space<vmem>>
      %dma_start3A_368 = tpu.memref_squeeze %dma_start3A_367 : memref<1x128x128xf32, #tpu.memory_space<vmem>> -> memref<128x128xf32, #tpu.memory_space<vmem>>
      %dma_start3A_369 = arith.constant 0 : i32
      %dma_start3A_370 = tpu.memref_slice %arg8[%dma_start3A_364, %dma_start3A_369] : memref<8x128xi32, #tpu.memory_space<vmem>> -> memref<1x128xi32, #tpu.memory_space<vmem>>
      %dma_start3A_371 = tpu.memref_squeeze %dma_start3A_370 : memref<1x128xi32, #tpu.memory_space<vmem>> -> memref<128xi32, #tpu.memory_space<vmem>>
      %dma_start3A_372 = arith.constant 0 : i32
      %dma_start3A_373 = arith.constant 0 : i32
      %dma_start3A_374 = tpu.memref_slice %arg10[%dma_start3A_372, %dma_start3A_373] : memref<10240x128xf32, #tpu.memory_space<vmem_shared>> -> memref<10240x128xf32, #tpu.memory_space<vmem_shared>>
      tpu.enqueue_indirect_dma source(%dma_start3A_368 : memref<128x128xf32, #tpu.memory_space<vmem>>) target(%dma_start3A_374 : memref<10240x128xf32, #tpu.memory_space<vmem_shared>>) offsets(%dma_start3A_371 : memref<128xi32, #tpu.memory_space<vmem>>) semaphore(%arg14 : memref<!tpu.dma_semaphore, #tpu.memory_space<semaphore_mem>>) {add = true}
      %dma_wait3A_375 = arith.constant 0 : i32
      %dma_wait3A_376 = arith.constant 6 : i32
      %dma_wait3A_377 = arith.constant 0 : i32
      %dma_wait3A_378 = arith.constant 0 : i32
      %dma_wait3A_379 = tpu.memref_slice %arg9[%dma_wait3A_375, %dma_wait3A_377, %dma_wait3A_378] : memref<2x128x128xf32, #tpu.memory_space<vmem>> -> memref<1x128x128xf32, #tpu.memory_space<vmem>>
      %dma_wait3A_380 = tpu.memref_squeeze %dma_wait3A_379 : memref<1x128x128xf32, #tpu.memory_space<vmem>> -> memref<128x128xf32, #tpu.memory_space<vmem>>
      %dma_wait3A_381 = arith.constant 0 : i32
      %dma_wait3A_382 = tpu.memref_slice %arg8[%dma_wait3A_376, %dma_wait3A_381] : memref<8x128xi32, #tpu.memory_space<vmem>> -> memref<1x128xi32, #tpu.memory_space<vmem>>
      %dma_wait3A_383 = tpu.memref_squeeze %dma_wait3A_382 : memref<1x128xi32, #tpu.memory_space<vmem>> -> memref<128xi32, #tpu.memory_space<vmem>>
      %dma_wait3A_384 = arith.constant 0 : i32
      %dma_wait3A_385 = arith.constant 0 : i32
      %dma_wait3A_386 = tpu.memref_slice %arg10[%dma_wait3A_384, %dma_wait3A_385] : memref<10240x128xf32, #tpu.memory_space<vmem_shared>> -> memref<10240x128xf32, #tpu.memory_space<vmem_shared>>
      tpu.wait_indirect_dma semaphore(%arg13 : memref<!tpu.dma_semaphore, #tpu.memory_space<semaphore_mem>>) src(%dma_wait3A_380 : memref<128x128xf32, #tpu.memory_space<vmem>>) dst(%dma_wait3A_386 : memref<10240x128xf32, #tpu.memory_space<vmem_shared>>)
      %dma_wait3A_387 = arith.constant 1 : i32
      %dma_wait3A_388 = arith.constant 7 : i32
      %dma_wait3A_389 = arith.constant 0 : i32
      %dma_wait3A_390 = arith.constant 0 : i32
      %dma_wait3A_391 = tpu.memref_slice %arg9[%dma_wait3A_387, %dma_wait3A_389, %dma_wait3A_390] : memref<2x128x128xf32, #tpu.memory_space<vmem>> -> memref<1x128x128xf32, #tpu.memory_space<vmem>>
      %dma_wait3A_392 = tpu.memref_squeeze %dma_wait3A_391 : memref<1x128x128xf32, #tpu.memory_space<vmem>> -> memref<128x128xf32, #tpu.memory_space<vmem>>
      %dma_wait3A_393 = arith.constant 0 : i32
      %dma_wait3A_394 = tpu.memref_slice %arg8[%dma_wait3A_388, %dma_wait3A_393] : memref<8x128xi32, #tpu.memory_space<vmem>> -> memref<1x128xi32, #tpu.memory_space<vmem>>
      %dma_wait3A_395 = tpu.memref_squeeze %dma_wait3A_394 : memref<1x128xi32, #tpu.memory_space<vmem>> -> memref<128xi32, #tpu.memory_space<vmem>>
      %dma_wait3A_396 = arith.constant 0 : i32
      %dma_wait3A_397 = arith.constant 0 : i32
      %dma_wait3A_398 = tpu.memref_slice %arg10[%dma_wait3A_396, %dma_wait3A_397] : memref<10240x128xf32, #tpu.memory_space<vmem_shared>> -> memref<10240x128xf32, #tpu.memory_space<vmem_shared>>
      tpu.wait_indirect_dma semaphore(%arg14 : memref<!tpu.dma_semaphore, #tpu.memory_space<semaphore_mem>>) src(%dma_wait3A_392 : memref<128x128xf32, #tpu.memory_space<vmem>>) dst(%dma_wait3A_398 : memref<10240x128xf32, #tpu.memory_space<vmem_shared>>)
    }
    %scan3A_10 = arith.constant 10 : i32
    %barrier3A_11 = arith.constant 0 : index
    tpu.barrier barrier_id(%barrier3A_11)
    "tpu.region"() ({
      %run_scoped3A = tpu.sem_alloc : memref<!tpu.dma_semaphore, #tpu.memory_space<semaphore_mem>>
      %dma_start3A = arith.constant 0 : i32
      %dma_start3A_12 = tpu.memref_slice %arg6[%arg0, %multiple_of3A, %dma_start3A] : memref<2x10240x128xf32, #tpu.memory_space<hbm>> -> memref<1x640x128xf32, #tpu.memory_space<hbm>>
      %dma_start3A_13 = tpu.memref_squeeze %dma_start3A_12 : memref<1x640x128xf32, #tpu.memory_space<hbm>> -> memref<640x128xf32, #tpu.memory_space<hbm>>
      %dma_start3A_14 = arith.constant 0 : i32
      %dma_start3A_15 = tpu.memref_slice %arg10[%multiple_of3A, %dma_start3A_14] : memref<10240x128xf32, #tpu.memory_space<vmem_shared>> -> memref<640x128xf32, #tpu.memory_space<vmem_shared>>
      tpu.enqueue_dma source(%dma_start3A_15 : memref<640x128xf32, #tpu.memory_space<vmem_shared>>) target(%dma_start3A_13 : memref<640x128xf32, #tpu.memory_space<hbm>>) target_semaphore(%run_scoped3A : memref<!tpu.dma_semaphore, #tpu.memory_space<semaphore_mem>>)
      %dma_wait3A = arith.constant 0 : i32
      %dma_wait3A_16 = tpu.memref_slice %arg6[%arg0, %multiple_of3A, %dma_wait3A] : memref<2x10240x128xf32, #tpu.memory_space<hbm>> -> memref<1x640x128xf32, #tpu.memory_space<hbm>>
      %dma_wait3A_17 = tpu.memref_squeeze %dma_wait3A_16 : memref<1x640x128xf32, #tpu.memory_space<hbm>> -> memref<640x128xf32, #tpu.memory_space<hbm>>
      %dma_wait3A_18 = arith.constant 0 : i32
      %dma_wait3A_19 = tpu.memref_slice %arg10[%multiple_of3A, %dma_wait3A_18] : memref<10240x128xf32, #tpu.memory_space<vmem_shared>> -> memref<640x128xf32, #tpu.memory_space<vmem_shared>>
      tpu.wait_dma2 semaphore(%run_scoped3A : memref<!tpu.dma_semaphore, #tpu.memory_space<semaphore_mem>>) src(%dma_wait3A_19 : memref<640x128xf32, #tpu.memory_space<vmem_shared>>) dst(%dma_wait3A_17 : memref<640x128xf32, #tpu.memory_space<hbm>>)
      tpu.yield
    }) : () -> ()
    return
  }
}

#map = affine_map<(d0, d1) -> (0, 0)>
#map1 = affine_map<(d0, d1) -> (0, 0, 0)>
module attributes {stable_mosaic.version = 14 : i64} {
  func.func @sc_segsum(%arg0: i32, %arg1: i32, %arg2: memref<10000x128xf32, #tpu.memory_space<hbm>>, %arg3: memref<2560x128xi32, #tpu.memory_space<hbm>>, %arg4: memref<2560x128xi32, #tpu.memory_space<hbm>>, %arg5: memref<640x128xf32, #tpu.memory_space<hbm>>, %arg6: memref<2x10240x128xf32, #tpu.memory_space<hbm>>, %arg7: memref<8x128xi32, #tpu.memory_space<vmem>>, %arg8: memref<8x128xi32, #tpu.memory_space<vmem>>, %arg9: memref<2x128x128xf32, #tpu.memory_space<vmem>>, %arg10: memref<10240x128xf32, #tpu.memory_space<vmem_shared>>, %arg11: memref<!tpu.dma_semaphore, #tpu.memory_space<semaphore_mem>>, %arg12: memref<!tpu.dma_semaphore, #tpu.memory_space<semaphore_mem>>, %arg13: memref<!tpu.dma_semaphore, #tpu.memory_space<semaphore_mem>>, %arg14: memref<!tpu.dma_semaphore, #tpu.memory_space<semaphore_mem>>) attributes {dimension_semantics = [#tpu.dimension_semantics<core_parallel>, #tpu.dimension_semantics<subcore_parallel>], iteration_bounds = array<i64: 2, 16>, scalar_prefetch = 0 : i64, scratch_operands = 8 : i64, tpu.core_type = #tpu.core_type<sc_vector_subcore>, window_params = [{transform_indices = #map}, {transform_indices = #map}, {transform_indices = #map}, {transform_indices = #map}, {transform_indices = #map1}]} {
    %mul3A = arith.constant 2 : i32
    %mul3A_0 = arith.muli %arg1, %mul3A : i32
    %add3A = arith.addi %mul3A_0, %arg0 : i32
    %mul3A_1 = arith.constant 640 : i32
    %mul3A_2 = arith.muli %arg1, %mul3A_1 : i32
    %multiple_of3A = tpu.assume_multiple %mul3A_2, 640 : i32
    "tpu.region"() ({
      %run_scoped3A = tpu.sem_alloc : memref<!tpu.dma_semaphore, #tpu.memory_space<semaphore_mem>>
      %dma_start3A = arith.constant 0 : i32
      %dma_start3A_12 = tpu.memref_slice %arg10[%multiple_of3A, %dma_start3A] : memref<10240x128xf32, #tpu.memory_space<vmem_shared>> -> memref<640x128xf32, #tpu.memory_space<vmem_shared>>
      tpu.enqueue_dma source(%arg5 : memref<640x128xf32, #tpu.memory_space<hbm>>) target(%dma_start3A_12 : memref<640x128xf32, #tpu.memory_space<vmem_shared>>) target_semaphore(%run_scoped3A : memref<!tpu.dma_semaphore, #tpu.memory_space<semaphore_mem>>)
      %dma_wait3A = arith.constant 0 : i32
      %dma_wait3A_13 = tpu.memref_slice %arg10[%multiple_of3A, %dma_wait3A] : memref<10240x128xf32, #tpu.memory_space<vmem_shared>> -> memref<640x128xf32, #tpu.memory_space<vmem_shared>>
      tpu.wait_dma2 semaphore(%run_scoped3A : memref<!tpu.dma_semaphore, #tpu.memory_space<semaphore_mem>>) src(%arg5 : memref<640x128xf32, #tpu.memory_space<hbm>>) dst(%dma_wait3A_13 : memref<640x128xf32, #tpu.memory_space<vmem_shared>>)
      tpu.yield
    }) : () -> ()
    %mul3A_3 = arith.constant 80 : i32
    %mul3A_4 = arith.muli %add3A, %mul3A_3 : i32
    %multiple_of3A_5 = tpu.assume_multiple %mul3A_4, 80 : i32
    %barrier3A = arith.constant 0 : index
    tpu.barrier barrier_id(%barrier3A)
    %scan3A = arith.constant 0 : i32
    %scan3A_6 = arith.constant 0 : i32
    %scan3A_7 = arith.constant 10 : i32
    %scan3A_8 = arith.addi %scan3A_6, %scan3A_7 : i32
    %scan3A_9 = arith.constant 1 : i32
    scf.for %scan3A_12 = %scan3A_6 to %scan3A_8 step %scan3A_9  : i32 {
      %mul3A_13 = arith.constant 8 : i32
      %mul3A_14 = arith.muli %scan3A_12, %mul3A_13 : i32
      %add3A_15 = arith.addi %multiple_of3A_5, %mul3A_14 : i32
      %multiple_of3A_16 = tpu.assume_multiple %add3A_15, 8 : i32
      "tpu.region"() ({
        %run_scoped3A = tpu.sem_alloc : memref<!tpu.dma_semaphore, #tpu.memory_space<semaphore_mem>>
        %dma_start3A_399 = arith.constant 0 : i32
        %dma_start3A_400 = tpu.memref_slice %arg3[%multiple_of3A_16, %dma_start3A_399] : memref<2560x128xi32, #tpu.memory_space<hbm>> -> memref<8x128xi32, #tpu.memory_space<hbm>>
        %dma_start3A_401 = arith.constant 0 : i32
        %dma_start3A_402 = tpu.memref_slice %arg3[%multiple_of3A_16, %dma_start3A_401] : memref<2560x128xi32, #tpu.memory_space<hbm>> -> memref<8x128xi32, #tpu.memory_space<hbm>>
        tpu.enqueue_dma source(%dma_start3A_402 : memref<8x128xi32, #tpu.memory_space<hbm>>) target(%arg7 : memref<8x128xi32, #tpu.memory_space<vmem>>) target_semaphore(%run_scoped3A : memref<!tpu.dma_semaphore, #tpu.memory_space<semaphore_mem>>)
        %dma_wait3A_403 = arith.constant 0 : i32
        %dma_wait3A_404 = tpu.memref_slice %arg3[%multiple_of3A_16, %dma_wait3A_403] : memref<2560x128xi32, #tpu.memory_space<hbm>> -> memref<8x128xi32, #tpu.memory_space<hbm>>
        %dma_wait3A_405 = arith.constant 0 : i32
        %dma_wait3A_406 = tpu.memref_slice %arg3[%multiple_of3A_16, %dma_wait3A_405] : memref<2560x128xi32, #tpu.memory_space<hbm>> -> memref<8x128xi32, #tpu.memory_space<hbm>>
        tpu.wait_dma2 semaphore(%run_scoped3A : memref<!tpu.dma_semaphore, #tpu.memory_space<semaphore_mem>>) src(%dma_wait3A_406 : memref<8x128xi32, #tpu.memory_space<hbm>>) dst(%arg7 : memref<8x128xi32, #tpu.memory_space<vmem>>)
        tpu.yield
      }) : () -> ()
      "tpu.region"() ({
        %run_scoped3A = tpu.sem_alloc : memref<!tpu.dma_semaphore, #tpu.memory_space<semaphore_mem>>
        %dma_start3A_399 = arith.constant 0 : i32
        %dma_start3A_400 = tpu.memref_slice %arg4[%multiple_of3A_16, %dma_start3A_399] : memref<2560x128xi32, #tpu.memory_space<hbm>> -> memref<8x128xi32, #tpu.memory_space<hbm>>
        %dma_start3A_401 = arith.constant 0 : i32
        %dma_start3A_402 = tpu.memref_slice %arg4[%multiple_of3A_16, %dma_start3A_401] : memref<2560x128xi32, #tpu.memory_space<hbm>> -> memref<8x128xi32, #tpu.memory_space<hbm>>
        tpu.enqueue_dma source(%dma_start3A_402 : memref<8x128xi32, #tpu.memory_space<hbm>>) target(%arg8 : memref<8x128xi32, #tpu.memory_space<vmem>>) target_semaphore(%run_scoped3A : memref<!tpu.dma_semaphore, #tpu.memory_space<semaphore_mem>>)
        %dma_wait3A_403 = arith.constant 0 : i32
        %dma_wait3A_404 = tpu.memref_slice %arg4[%multiple_of3A_16, %dma_wait3A_403] : memref<2560x128xi32, #tpu.memory_space<hbm>> -> memref<8x128xi32, #tpu.memory_space<hbm>>
        %dma_wait3A_405 = arith.constant 0 : i32
        %dma_wait3A_406 = tpu.memref_slice %arg4[%multiple_of3A_16, %dma_wait3A_405] : memref<2560x128xi32, #tpu.memory_space<hbm>> -> memref<8x128xi32, #tpu.memory_space<hbm>>
        tpu.wait_dma2 semaphore(%run_scoped3A : memref<!tpu.dma_semaphore, #tpu.memory_space<semaphore_mem>>) src(%dma_wait3A_406 : memref<8x128xi32, #tpu.memory_space<hbm>>) dst(%arg8 : memref<8x128xi32, #tpu.memory_space<vmem>>)
        tpu.yield
      }) : () -> ()
      %dma_start3A = arith.constant 0 : i32
      %dma_start3A_17 = arith.constant 0 : i32
      %dma_start3A_18 = arith.constant 0 : i32
      %dma_start3A_19 = arith.constant 0 : i32
      %dma_start3A_20 = tpu.memref_slice %arg9[%dma_start3A_17, %dma_start3A_18, %dma_start3A_19] : memref<2x128x128xf32, #tpu.memory_space<vmem>> -> memref<1x128x128xf32, #tpu.memory_space<vmem>>
      %dma_start3A_21 = tpu.memref_squeeze %dma_start3A_20 : memref<1x128x128xf32, #tpu.memory_space<vmem>> -> memref<128x128xf32, #tpu.memory_space<vmem>>
      %dma_start3A_22 = arith.constant 0 : i32
      %dma_start3A_23 = tpu.memref_slice %arg7[%dma_start3A, %dma_start3A_22] : memref<8x128xi32, #tpu.memory_space<vmem>> -> memref<1x128xi32, #tpu.memory_space<vmem>>
      %dma_start3A_24 = tpu.memref_squeeze %dma_start3A_23 : memref<1x128xi32, #tpu.memory_space<vmem>> -> memref<128xi32, #tpu.memory_space<vmem>>
      %dma_start3A_25 = arith.constant 0 : i32
      %dma_start3A_26 = arith.constant 0 : i32
      %dma_start3A_27 = tpu.memref_slice %arg2[%dma_start3A_25, %dma_start3A_26] : memref<10000x128xf32, #tpu.memory_space<hbm>> -> memref<10000x128xf32, #tpu.memory_space<hbm>>
      tpu.enqueue_indirect_dma source(%dma_start3A_27 : memref<10000x128xf32, #tpu.memory_space<hbm>>) target(%dma_start3A_21 : memref<128x128xf32, #tpu.memory_space<vmem>>) offsets(%dma_start3A_24 : memref<128xi32, #tpu.memory_space<vmem>>) semaphore(%arg11 : memref<!tpu.dma_semaphore, #tpu.memory_space<semaphore_mem>>)
      %dma_start3A_28 = arith.constant 1 : i32
      %dma_start3A_29 = arith.constant 1 : i32
      %dma_start3A_30 = arith.constant 0 : i32
      %dma_start3A_31 = arith.constant 0 : i32
      %dma_start3A_32 = tpu.memref_slice %arg9[%dma_start3A_29, %dma_start3A_30, %dma_start3A_31] : memref<2x128x128xf32, #tpu.memory_space<vmem>> -> memref<1x128x128xf32, #tpu.memory_space<vmem>>
      %dma_start3A_33 = tpu.memref_squeeze %dma_start3A_32 : memref<1x128x128xf32, #tpu.memory_space<vmem>> -> memref<128x128xf32, #tpu.memory_space<vmem>>
      %dma_start3A_34 = arith.constant 0 : i32
      %dma_start3A_35 = tpu.memref_slice %arg7[%dma_start3A_28, %dma_start3A_34] : memref<8x128xi32, #tpu.memory_space<vmem>> -> memref<1x128xi32, #tpu.memory_space<vmem>>
      %dma_start3A_36 = tpu.memref_squeeze %dma_start3A_35 : memref<1x128xi32, #tpu.memory_space<vmem>> -> memref<128xi32, #tpu.memory_space<vmem>>
      %dma_start3A_37 = arith.constant 0 : i32
      %dma_start3A_38 = arith.constant 0 : i32
      %dma_start3A_39 = tpu.memref_slice %arg2[%dma_start3A_37, %dma_start3A_38] : memref<10000x128xf32, #tpu.memory_space<hbm>> -> memref<10000x128xf32, #tpu.memory_space<hbm>>
      tpu.enqueue_indirect_dma source(%dma_start3A_39 : memref<10000x128xf32, #tpu.memory_space<hbm>>) target(%dma_start3A_33 : memref<128x128xf32, #tpu.memory_space<vmem>>) offsets(%dma_start3A_36 : memref<128xi32, #tpu.memory_space<vmem>>) semaphore(%arg12 : memref<!tpu.dma_semaphore, #tpu.memory_space<semaphore_mem>>)
      %dma_wait3A = arith.constant 0 : i32
      %dma_wait3A_40 = arith.constant 0 : i32
      %dma_wait3A_41 = arith.constant 0 : i32
      %dma_wait3A_42 = arith.constant 0 : i32
      %dma_wait3A_43 = tpu.memref_slice %arg9[%dma_wait3A_40, %dma_wait3A_41, %dma_wait3A_42] : memref<2x128x128xf32, #tpu.memory_space<vmem>> -> memref<1x128x128xf32, #tpu.memory_space<vmem>>
      %dma_wait3A_44 = tpu.memref_squeeze %dma_wait3A_43 : memref<1x128x128xf32, #tpu.memory_space<vmem>> -> memref<128x128xf32, #tpu.memory_space<vmem>>
      %dma_wait3A_45 = arith.constant 0 : i32
      %dma_wait3A_46 = tpu.memref_slice %arg7[%dma_wait3A, %dma_wait3A_45] : memref<8x128xi32, #tpu.memory_space<vmem>> -> memref<1x128xi32, #tpu.memory_space<vmem>>
      %dma_wait3A_47 = tpu.memref_squeeze %dma_wait3A_46 : memref<1x128xi32, #tpu.memory_space<vmem>> -> memref<128xi32, #tpu.memory_space<vmem>>
      %dma_wait3A_48 = arith.constant 0 : i32
      %dma_wait3A_49 = arith.constant 0 : i32
      %dma_wait3A_50 = tpu.memref_slice %arg2[%dma_wait3A_48, %dma_wait3A_49] : memref<10000x128xf32, #tpu.memory_space<hbm>> -> memref<10000x128xf32, #tpu.memory_space<hbm>>
      tpu.wait_indirect_dma semaphore(%arg11 : memref<!tpu.dma_semaphore, #tpu.memory_space<semaphore_mem>>) src(%dma_wait3A_50 : memref<10000x128xf32, #tpu.memory_space<hbm>>) dst(%dma_wait3A_44 : memref<128x128xf32, #tpu.memory_space<vmem>>)
      %dma_start3A_51 = arith.constant 0 : i32
      %dma_start3A_52 = arith.constant 0 : i32
      %dma_start3A_53 = arith.constant 0 : i32
      %dma_start3A_54 = arith.constant 0 : i32
      %dma_start3A_55 = tpu.memref_slice %arg9[%dma_start3A_51, %dma_start3A_53, %dma_start3A_54] : memref<2x128x128xf32, #tpu.memory_space<vmem>> -> memref<1x128x128xf32, #tpu.memory_space<vmem>>
      %dma_start3A_56 = tpu.memref_squeeze %dma_start3A_55 : memref<1x128x128xf32, #tpu.memory_space<vmem>> -> memref<128x128xf32, #tpu.memory_space<vmem>>
      %dma_start3A_57 = arith.constant 0 : i32
      %dma_start3A_58 = tpu.memref_slice %arg8[%dma_start3A_52, %dma_start3A_57] : memref<8x128xi32, #tpu.memory_space<vmem>> -> memref<1x128xi32, #tpu.memory_space<vmem>>
      %dma_start3A_59 = tpu.memref_squeeze %dma_start3A_58 : memref<1x128xi32, #tpu.memory_space<vmem>> -> memref<128xi32, #tpu.memory_space<vmem>>
      %dma_start3A_60 = arith.constant 0 : i32
      %dma_start3A_61 = arith.constant 0 : i32
      %dma_start3A_62 = tpu.memref_slice %arg10[%dma_start3A_60, %dma_start3A_61] : memref<10240x128xf32, #tpu.memory_space<vmem_shared>> -> memref<10240x128xf32, #tpu.memory_space<vmem_shared>>
      tpu.enqueue_indirect_dma source(%dma_start3A_56 : memref<128x128xf32, #tpu.memory_space<vmem>>) target(%dma_start3A_62 : memref<10240x128xf32, #tpu.memory_space<vmem_shared>>) offsets(%dma_start3A_59 : memref<128xi32, #tpu.memory_space<vmem>>) semaphore(%arg13 : memref<!tpu.dma_semaphore, #tpu.memory_space<semaphore_mem>>) {add = true}
      %dma_wait3A_63 = arith.constant 0 : i32
      %dma_wait3A_64 = arith.constant 0 : i32
      %dma_wait3A_65 = arith.constant 0 : i32
      %dma_wait3A_66 = arith.constant 0 : i32
      %dma_wait3A_67 = tpu.memref_slice %arg9[%dma_wait3A_63, %dma_wait3A_65, %dma_wait3A_66] : memref<2x128x128xf32, #tpu.memory_space<vmem>> -> memref<1x128x128xf32, #tpu.memory_space<vmem>>
      %dma_wait3A_68 = tpu.memref_squeeze %dma_wait3A_67 : memref<1x128x128xf32, #tpu.memory_space<vmem>> -> memref<128x128xf32, #tpu.memory_space<vmem>>
      %dma_wait3A_69 = arith.constant 0 : i32
      %dma_wait3A_70 = tpu.memref_slice %arg8[%dma_wait3A_64, %dma_wait3A_69] : memref<8x128xi32, #tpu.memory_space<vmem>> -> memref<1x128xi32, #tpu.memory_space<vmem>>
      %dma_wait3A_71 = tpu.memref_squeeze %dma_wait3A_70 : memref<1x128xi32, #tpu.memory_space<vmem>> -> memref<128xi32, #tpu.memory_space<vmem>>
      %dma_wait3A_72 = arith.constant 0 : i32
      %dma_wait3A_73 = arith.constant 0 : i32
      %dma_wait3A_74 = tpu.memref_slice %arg10[%dma_wait3A_72, %dma_wait3A_73] : memref<10240x128xf32, #tpu.memory_space<vmem_shared>> -> memref<10240x128xf32, #tpu.memory_space<vmem_shared>>
      tpu.wait_indirect_dma semaphore(%arg13 : memref<!tpu.dma_semaphore, #tpu.memory_space<semaphore_mem>>) src(%dma_wait3A_68 : memref<128x128xf32, #tpu.memory_space<vmem>>) dst(%dma_wait3A_74 : memref<10240x128xf32, #tpu.memory_space<vmem_shared>>)
      %dma_start3A_75 = arith.constant 2 : i32
      %dma_start3A_76 = arith.constant 0 : i32
      %dma_start3A_77 = arith.constant 0 : i32
      %dma_start3A_78 = arith.constant 0 : i32
      %dma_start3A_79 = tpu.memref_slice %arg9[%dma_start3A_76, %dma_start3A_77, %dma_start3A_78] : memref<2x128x128xf32, #tpu.memory_space<vmem>> -> memref<1x128x128xf32, #tpu.memory_space<vmem>>
      %dma_start3A_80 = tpu.memref_squeeze %dma_start3A_79 : memref<1x128x128xf32, #tpu.memory_space<vmem>> -> memref<128x128xf32, #tpu.memory_space<vmem>>
      %dma_start3A_81 = arith.constant 0 : i32
      %dma_start3A_82 = tpu.memref_slice %arg7[%dma_start3A_75, %dma_start3A_81] : memref<8x128xi32, #tpu.memory_space<vmem>> -> memref<1x128xi32, #tpu.memory_space<vmem>>
      %dma_start3A_83 = tpu.memref_squeeze %dma_start3A_82 : memref<1x128xi32, #tpu.memory_space<vmem>> -> memref<128xi32, #tpu.memory_space<vmem>>
      %dma_start3A_84 = arith.constant 0 : i32
      %dma_start3A_85 = arith.constant 0 : i32
      %dma_start3A_86 = tpu.memref_slice %arg2[%dma_start3A_84, %dma_start3A_85] : memref<10000x128xf32, #tpu.memory_space<hbm>> -> memref<10000x128xf32, #tpu.memory_space<hbm>>
      tpu.enqueue_indirect_dma source(%dma_start3A_86 : memref<10000x128xf32, #tpu.memory_space<hbm>>) target(%dma_start3A_80 : memref<128x128xf32, #tpu.memory_space<vmem>>) offsets(%dma_start3A_83 : memref<128xi32, #tpu.memory_space<vmem>>) semaphore(%arg11 : memref<!tpu.dma_semaphore, #tpu.memory_space<semaphore_mem>>)
      %dma_wait3A_87 = arith.constant 1 : i32
      %dma_wait3A_88 = arith.constant 1 : i32
      %dma_wait3A_89 = arith.constant 0 : i32
      %dma_wait3A_90 = arith.constant 0 : i32
      %dma_wait3A_91 = tpu.memref_slice %arg9[%dma_wait3A_88, %dma_wait3A_89, %dma_wait3A_90] : memref<2x128x128xf32, #tpu.memory_space<vmem>> -> memref<1x128x128xf32, #tpu.memory_space<vmem>>
      %dma_wait3A_92 = tpu.memref_squeeze %dma_wait3A_91 : memref<1x128x128xf32, #tpu.memory_space<vmem>> -> memref<128x128xf32, #tpu.memory_space<vmem>>
      %dma_wait3A_93 = arith.constant 0 : i32
      %dma_wait3A_94 = tpu.memref_slice %arg7[%dma_wait3A_87, %dma_wait3A_93] : memref<8x128xi32, #tpu.memory_space<vmem>> -> memref<1x128xi32, #tpu.memory_space<vmem>>
      %dma_wait3A_95 = tpu.memref_squeeze %dma_wait3A_94 : memref<1x128xi32, #tpu.memory_space<vmem>> -> memref<128xi32, #tpu.memory_space<vmem>>
      %dma_wait3A_96 = arith.constant 0 : i32
      %dma_wait3A_97 = arith.constant 0 : i32
      %dma_wait3A_98 = tpu.memref_slice %arg2[%dma_wait3A_96, %dma_wait3A_97] : memref<10000x128xf32, #tpu.memory_space<hbm>> -> memref<10000x128xf32, #tpu.memory_space<hbm>>
      tpu.wait_indirect_dma semaphore(%arg12 : memref<!tpu.dma_semaphore, #tpu.memory_space<semaphore_mem>>) src(%dma_wait3A_98 : memref<10000x128xf32, #tpu.memory_space<hbm>>) dst(%dma_wait3A_92 : memref<128x128xf32, #tpu.memory_space<vmem>>)
      %dma_start3A_99 = arith.constant 1 : i32
      %dma_start3A_100 = arith.constant 1 : i32
      %dma_start3A_101 = arith.constant 0 : i32
      %dma_start3A_102 = arith.constant 0 : i32
      %dma_start3A_103 = tpu.memref_slice %arg9[%dma_start3A_99, %dma_start3A_101, %dma_start3A_102] : memref<2x128x128xf32, #tpu.memory_space<vmem>> -> memref<1x128x128xf32, #tpu.memory_space<vmem>>
      %dma_start3A_104 = tpu.memref_squeeze %dma_start3A_103 : memref<1x128x128xf32, #tpu.memory_space<vmem>> -> memref<128x128xf32, #tpu.memory_space<vmem>>
      %dma_start3A_105 = arith.constant 0 : i32
      %dma_start3A_106 = tpu.memref_slice %arg8[%dma_start3A_100, %dma_start3A_105] : memref<8x128xi32, #tpu.memory_space<vmem>> -> memref<1x128xi32, #tpu.memory_space<vmem>>
      %dma_start3A_107 = tpu.memref_squeeze %dma_start3A_106 : memref<1x128xi32, #tpu.memory_space<vmem>> -> memref<128xi32, #tpu.memory_space<vmem>>
      %dma_start3A_108 = arith.constant 0 : i32
      %dma_start3A_109 = arith.constant 0 : i32
      %dma_start3A_110 = tpu.memref_slice %arg10[%dma_start3A_108, %dma_start3A_109] : memref<10240x128xf32, #tpu.memory_space<vmem_shared>> -> memref<10240x128xf32, #tpu.memory_space<vmem_shared>>
      tpu.enqueue_indirect_dma source(%dma_start3A_104 : memref<128x128xf32, #tpu.memory_space<vmem>>) target(%dma_start3A_110 : memref<10240x128xf32, #tpu.memory_space<vmem_shared>>) offsets(%dma_start3A_107 : memref<128xi32, #tpu.memory_space<vmem>>) semaphore(%arg14 : memref<!tpu.dma_semaphore, #tpu.memory_space<semaphore_mem>>) {add = true}
      %dma_wait3A_111 = arith.constant 1 : i32
      %dma_wait3A_112 = arith.constant 1 : i32
      %dma_wait3A_113 = arith.constant 0 : i32
      %dma_wait3A_114 = arith.constant 0 : i32
      %dma_wait3A_115 = tpu.memref_slice %arg9[%dma_wait3A_111, %dma_wait3A_113, %dma_wait3A_114] : memref<2x128x128xf32, #tpu.memory_space<vmem>> -> memref<1x128x128xf32, #tpu.memory_space<vmem>>
      %dma_wait3A_116 = tpu.memref_squeeze %dma_wait3A_115 : memref<1x128x128xf32, #tpu.memory_space<vmem>> -> memref<128x128xf32, #tpu.memory_space<vmem>>
      %dma_wait3A_117 = arith.constant 0 : i32
      %dma_wait3A_118 = tpu.memref_slice %arg8[%dma_wait3A_112, %dma_wait3A_117] : memref<8x128xi32, #tpu.memory_space<vmem>> -> memref<1x128xi32, #tpu.memory_space<vmem>>
      %dma_wait3A_119 = tpu.memref_squeeze %dma_wait3A_118 : memref<1x128xi32, #tpu.memory_space<vmem>> -> memref<128xi32, #tpu.memory_space<vmem>>
      %dma_wait3A_120 = arith.constant 0 : i32
      %dma_wait3A_121 = arith.constant 0 : i32
      %dma_wait3A_122 = tpu.memref_slice %arg10[%dma_wait3A_120, %dma_wait3A_121] : memref<10240x128xf32, #tpu.memory_space<vmem_shared>> -> memref<10240x128xf32, #tpu.memory_space<vmem_shared>>
      tpu.wait_indirect_dma semaphore(%arg14 : memref<!tpu.dma_semaphore, #tpu.memory_space<semaphore_mem>>) src(%dma_wait3A_116 : memref<128x128xf32, #tpu.memory_space<vmem>>) dst(%dma_wait3A_122 : memref<10240x128xf32, #tpu.memory_space<vmem_shared>>)
      %dma_start3A_123 = arith.constant 3 : i32
      %dma_start3A_124 = arith.constant 1 : i32
      %dma_start3A_125 = arith.constant 0 : i32
      %dma_start3A_126 = arith.constant 0 : i32
      %dma_start3A_127 = tpu.memref_slice %arg9[%dma_start3A_124, %dma_start3A_125, %dma_start3A_126] : memref<2x128x128xf32, #tpu.memory_space<vmem>> -> memref<1x128x128xf32, #tpu.memory_space<vmem>>
      %dma_start3A_128 = tpu.memref_squeeze %dma_start3A_127 : memref<1x128x128xf32, #tpu.memory_space<vmem>> -> memref<128x128xf32, #tpu.memory_space<vmem>>
      %dma_start3A_129 = arith.constant 0 : i32
      %dma_start3A_130 = tpu.memref_slice %arg7[%dma_start3A_123, %dma_start3A_129] : memref<8x128xi32, #tpu.memory_space<vmem>> -> memref<1x128xi32, #tpu.memory_space<vmem>>
      %dma_start3A_131 = tpu.memref_squeeze %dma_start3A_130 : memref<1x128xi32, #tpu.memory_space<vmem>> -> memref<128xi32, #tpu.memory_space<vmem>>
      %dma_start3A_132 = arith.constant 0 : i32
      %dma_start3A_133 = arith.constant 0 : i32
      %dma_start3A_134 = tpu.memref_slice %arg2[%dma_start3A_132, %dma_start3A_133] : memref<10000x128xf32, #tpu.memory_space<hbm>> -> memref<10000x128xf32, #tpu.memory_space<hbm>>
      tpu.enqueue_indirect_dma source(%dma_start3A_134 : memref<10000x128xf32, #tpu.memory_space<hbm>>) target(%dma_start3A_128 : memref<128x128xf32, #tpu.memory_space<vmem>>) offsets(%dma_start3A_131 : memref<128xi32, #tpu.memory_space<vmem>>) semaphore(%arg12 : memref<!tpu.dma_semaphore, #tpu.memory_space<semaphore_mem>>)
      %dma_wait3A_135 = arith.constant 2 : i32
      %dma_wait3A_136 = arith.constant 0 : i32
      %dma_wait3A_137 = arith.constant 0 : i32
      %dma_wait3A_138 = arith.constant 0 : i32
      %dma_wait3A_139 = tpu.memref_slice %arg9[%dma_wait3A_136, %dma_wait3A_137, %dma_wait3A_138] : memref<2x128x128xf32, #tpu.memory_space<vmem>> -> memref<1x128x128xf32, #tpu.memory_space<vmem>>
      %dma_wait3A_140 = tpu.memref_squeeze %dma_wait3A_139 : memref<1x128x128xf32, #tpu.memory_space<vmem>> -> memref<128x128xf32, #tpu.memory_space<vmem>>
      %dma_wait3A_141 = arith.constant 0 : i32
      %dma_wait3A_142 = tpu.memref_slice %arg7[%dma_wait3A_135, %dma_wait3A_141] : memref<8x128xi32, #tpu.memory_space<vmem>> -> memref<1x128xi32, #tpu.memory_space<vmem>>
      %dma_wait3A_143 = tpu.memref_squeeze %dma_wait3A_142 : memref<1x128xi32, #tpu.memory_space<vmem>> -> memref<128xi32, #tpu.memory_space<vmem>>
      %dma_wait3A_144 = arith.constant 0 : i32
      %dma_wait3A_145 = arith.constant 0 : i32
      %dma_wait3A_146 = tpu.memref_slice %arg2[%dma_wait3A_144, %dma_wait3A_145] : memref<10000x128xf32, #tpu.memory_space<hbm>> -> memref<10000x128xf32, #tpu.memory_space<hbm>>
      tpu.wait_indirect_dma semaphore(%arg11 : memref<!tpu.dma_semaphore, #tpu.memory_space<semaphore_mem>>) src(%dma_wait3A_146 : memref<10000x128xf32, #tpu.memory_space<hbm>>) dst(%dma_wait3A_140 : memref<128x128xf32, #tpu.memory_space<vmem>>)
      %dma_start3A_147 = arith.constant 0 : i32
      %dma_start3A_148 = arith.constant 2 : i32
      %dma_start3A_149 = arith.constant 0 : i32
      %dma_start3A_150 = arith.constant 0 : i32
      %dma_start3A_151 = tpu.memref_slice %arg9[%dma_start3A_147, %dma_start3A_149, %dma_start3A_150] : memref<2x128x128xf32, #tpu.memory_space<vmem>> -> memref<1x128x128xf32, #tpu.memory_space<vmem>>
      %dma_start3A_152 = tpu.memref_squeeze %dma_start3A_151 : memref<1x128x128xf32, #tpu.memory_space<vmem>> -> memref<128x128xf32, #tpu.memory_space<vmem>>
      %dma_start3A_153 = arith.constant 0 : i32
      %dma_start3A_154 = tpu.memref_slice %arg8[%dma_start3A_148, %dma_start3A_153] : memref<8x128xi32, #tpu.memory_space<vmem>> -> memref<1x128xi32, #tpu.memory_space<vmem>>
      %dma_start3A_155 = tpu.memref_squeeze %dma_start3A_154 : memref<1x128xi32, #tpu.memory_space<vmem>> -> memref<128xi32, #tpu.memory_space<vmem>>
      %dma_start3A_156 = arith.constant 0 : i32
      %dma_start3A_157 = arith.constant 0 : i32
      %dma_start3A_158 = tpu.memref_slice %arg10[%dma_start3A_156, %dma_start3A_157] : memref<10240x128xf32, #tpu.memory_space<vmem_shared>> -> memref<10240x128xf32, #tpu.memory_space<vmem_shared>>
      tpu.enqueue_indirect_dma source(%dma_start3A_152 : memref<128x128xf32, #tpu.memory_space<vmem>>) target(%dma_start3A_158 : memref<10240x128xf32, #tpu.memory_space<vmem_shared>>) offsets(%dma_start3A_155 : memref<128xi32, #tpu.memory_space<vmem>>) semaphore(%arg13 : memref<!tpu.dma_semaphore, #tpu.memory_space<semaphore_mem>>) {add = true}
      %dma_wait3A_159 = arith.constant 0 : i32
      %dma_wait3A_160 = arith.constant 2 : i32
      %dma_wait3A_161 = arith.constant 0 : i32
      %dma_wait3A_162 = arith.constant 0 : i32
      %dma_wait3A_163 = tpu.memref_slice %arg9[%dma_wait3A_159, %dma_wait3A_161, %dma_wait3A_162] : memref<2x128x128xf32, #tpu.memory_space<vmem>> -> memref<1x128x128xf32, #tpu.memory_space<vmem>>
      %dma_wait3A_164 = tpu.memref_squeeze %dma_wait3A_163 : memref<1x128x128xf32, #tpu.memory_space<vmem>> -> memref<128x128xf32, #tpu.memory_space<vmem>>
      %dma_wait3A_165 = arith.constant 0 : i32
      %dma_wait3A_166 = tpu.memref_slice %arg8[%dma_wait3A_160, %dma_wait3A_165] : memref<8x128xi32, #tpu.memory_space<vmem>> -> memref<1x128xi32, #tpu.memory_space<vmem>>
      %dma_wait3A_167 = tpu.memref_squeeze %dma_wait3A_166 : memref<1x128xi32, #tpu.memory_space<vmem>> -> memref<128xi32, #tpu.memory_space<vmem>>
      %dma_wait3A_168 = arith.constant 0 : i32
      %dma_wait3A_169 = arith.constant 0 : i32
      %dma_wait3A_170 = tpu.memref_slice %arg10[%dma_wait3A_168, %dma_wait3A_169] : memref<10240x128xf32, #tpu.memory_space<vmem_shared>> -> memref<10240x128xf32, #tpu.memory_space<vmem_shared>>
      tpu.wait_indirect_dma semaphore(%arg13 : memref<!tpu.dma_semaphore, #tpu.memory_space<semaphore_mem>>) src(%dma_wait3A_164 : memref<128x128xf32, #tpu.memory_space<vmem>>) dst(%dma_wait3A_170 : memref<10240x128xf32, #tpu.memory_space<vmem_shared>>)
      %dma_start3A_171 = arith.constant 4 : i32
      %dma_start3A_172 = arith.constant 0 : i32
      %dma_start3A_173 = arith.constant 0 : i32
      %dma_start3A_174 = arith.constant 0 : i32
      %dma_start3A_175 = tpu.memref_slice %arg9[%dma_start3A_172, %dma_start3A_173, %dma_start3A_174] : memref<2x128x128xf32, #tpu.memory_space<vmem>> -> memref<1x128x128xf32, #tpu.memory_space<vmem>>
      %dma_start3A_176 = tpu.memref_squeeze %dma_start3A_175 : memref<1x128x128xf32, #tpu.memory_space<vmem>> -> memref<128x128xf32, #tpu.memory_space<vmem>>
      %dma_start3A_177 = arith.constant 0 : i32
      %dma_start3A_178 = tpu.memref_slice %arg7[%dma_start3A_171, %dma_start3A_177] : memref<8x128xi32, #tpu.memory_space<vmem>> -> memref<1x128xi32, #tpu.memory_space<vmem>>
      %dma_start3A_179 = tpu.memref_squeeze %dma_start3A_178 : memref<1x128xi32, #tpu.memory_space<vmem>> -> memref<128xi32, #tpu.memory_space<vmem>>
      %dma_start3A_180 = arith.constant 0 : i32
      %dma_start3A_181 = arith.constant 0 : i32
      %dma_start3A_182 = tpu.memref_slice %arg2[%dma_start3A_180, %dma_start3A_181] : memref<10000x128xf32, #tpu.memory_space<hbm>> -> memref<10000x128xf32, #tpu.memory_space<hbm>>
      tpu.enqueue_indirect_dma source(%dma_start3A_182 : memref<10000x128xf32, #tpu.memory_space<hbm>>) target(%dma_start3A_176 : memref<128x128xf32, #tpu.memory_space<vmem>>) offsets(%dma_start3A_179 : memref<128xi32, #tpu.memory_space<vmem>>) semaphore(%arg11 : memref<!tpu.dma_semaphore, #tpu.memory_space<semaphore_mem>>)
      %dma_wait3A_183 = arith.constant 3 : i32
      %dma_wait3A_184 = arith.constant 1 : i32
      %dma_wait3A_185 = arith.constant 0 : i32
      %dma_wait3A_186 = arith.constant 0 : i32
      %dma_wait3A_187 = tpu.memref_slice %arg9[%dma_wait3A_184, %dma_wait3A_185, %dma_wait3A_186] : memref<2x128x128xf32, #tpu.memory_space<vmem>> -> memref<1x128x128xf32, #tpu.memory_space<vmem>>
      %dma_wait3A_188 = tpu.memref_squeeze %dma_wait3A_187 : memref<1x128x128xf32, #tpu.memory_space<vmem>> -> memref<128x128xf32, #tpu.memory_space<vmem>>
      %dma_wait3A_189 = arith.constant 0 : i32
      %dma_wait3A_190 = tpu.memref_slice %arg7[%dma_wait3A_183, %dma_wait3A_189] : memref<8x128xi32, #tpu.memory_space<vmem>> -> memref<1x128xi32, #tpu.memory_space<vmem>>
      %dma_wait3A_191 = tpu.memref_squeeze %dma_wait3A_190 : memref<1x128xi32, #tpu.memory_space<vmem>> -> memref<128xi32, #tpu.memory_space<vmem>>
      %dma_wait3A_192 = arith.constant 0 : i32
      %dma_wait3A_193 = arith.constant 0 : i32
      %dma_wait3A_194 = tpu.memref_slice %arg2[%dma_wait3A_192, %dma_wait3A_193] : memref<10000x128xf32, #tpu.memory_space<hbm>> -> memref<10000x128xf32, #tpu.memory_space<hbm>>
      tpu.wait_indirect_dma semaphore(%arg12 : memref<!tpu.dma_semaphore, #tpu.memory_space<semaphore_mem>>) src(%dma_wait3A_194 : memref<10000x128xf32, #tpu.memory_space<hbm>>) dst(%dma_wait3A_188 : memref<128x128xf32, #tpu.memory_space<vmem>>)
      %dma_start3A_195 = arith.constant 1 : i32
      %dma_start3A_196 = arith.constant 3 : i32
      %dma_start3A_197 = arith.constant 0 : i32
      %dma_start3A_198 = arith.constant 0 : i32
      %dma_start3A_199 = tpu.memref_slice %arg9[%dma_start3A_195, %dma_start3A_197, %dma_start3A_198] : memref<2x128x128xf32, #tpu.memory_space<vmem>> -> memref<1x128x128xf32, #tpu.memory_space<vmem>>
      %dma_start3A_200 = tpu.memref_squeeze %dma_start3A_199 : memref<1x128x128xf32, #tpu.memory_space<vmem>> -> memref<128x128xf32, #tpu.memory_space<vmem>>
      %dma_start3A_201 = arith.constant 0 : i32
      %dma_start3A_202 = tpu.memref_slice %arg8[%dma_start3A_196, %dma_start3A_201] : memref<8x128xi32, #tpu.memory_space<vmem>> -> memref<1x128xi32, #tpu.memory_space<vmem>>
      %dma_start3A_203 = tpu.memref_squeeze %dma_start3A_202 : memref<1x128xi32, #tpu.memory_space<vmem>> -> memref<128xi32, #tpu.memory_space<vmem>>
      %dma_start3A_204 = arith.constant 0 : i32
      %dma_start3A_205 = arith.constant 0 : i32
      %dma_start3A_206 = tpu.memref_slice %arg10[%dma_start3A_204, %dma_start3A_205] : memref<10240x128xf32, #tpu.memory_space<vmem_shared>> -> memref<10240x128xf32, #tpu.memory_space<vmem_shared>>
      tpu.enqueue_indirect_dma source(%dma_start3A_200 : memref<128x128xf32, #tpu.memory_space<vmem>>) target(%dma_start3A_206 : memref<10240x128xf32, #tpu.memory_space<vmem_shared>>) offsets(%dma_start3A_203 : memref<128xi32, #tpu.memory_space<vmem>>) semaphore(%arg14 : memref<!tpu.dma_semaphore, #tpu.memory_space<semaphore_mem>>) {add = true}
      %dma_wait3A_207 = arith.constant 1 : i32
      %dma_wait3A_208 = arith.constant 3 : i32
      %dma_wait3A_209 = arith.constant 0 : i32
      %dma_wait3A_210 = arith.constant 0 : i32
      %dma_wait3A_211 = tpu.memref_slice %arg9[%dma_wait3A_207, %dma_wait3A_209, %dma_wait3A_210] : memref<2x128x128xf32, #tpu.memory_space<vmem>> -> memref<1x128x128xf32, #tpu.memory_space<vmem>>
      %dma_wait3A_212 = tpu.memref_squeeze %dma_wait3A_211 : memref<1x128x128xf32, #tpu.memory_space<vmem>> -> memref<128x128xf32, #tpu.memory_space<vmem>>
      %dma_wait3A_213 = arith.constant 0 : i32
      %dma_wait3A_214 = tpu.memref_slice %arg8[%dma_wait3A_208, %dma_wait3A_213] : memref<8x128xi32, #tpu.memory_space<vmem>> -> memref<1x128xi32, #tpu.memory_space<vmem>>
      %dma_wait3A_215 = tpu.memref_squeeze %dma_wait3A_214 : memref<1x128xi32, #tpu.memory_space<vmem>> -> memref<128xi32, #tpu.memory_space<vmem>>
      %dma_wait3A_216 = arith.constant 0 : i32
      %dma_wait3A_217 = arith.constant 0 : i32
      %dma_wait3A_218 = tpu.memref_slice %arg10[%dma_wait3A_216, %dma_wait3A_217] : memref<10240x128xf32, #tpu.memory_space<vmem_shared>> -> memref<10240x128xf32, #tpu.memory_space<vmem_shared>>
      tpu.wait_indirect_dma semaphore(%arg14 : memref<!tpu.dma_semaphore, #tpu.memory_space<semaphore_mem>>) src(%dma_wait3A_212 : memref<128x128xf32, #tpu.memory_space<vmem>>) dst(%dma_wait3A_218 : memref<10240x128xf32, #tpu.memory_space<vmem_shared>>)
      %dma_start3A_219 = arith.constant 5 : i32
      %dma_start3A_220 = arith.constant 1 : i32
      %dma_start3A_221 = arith.constant 0 : i32
      %dma_start3A_222 = arith.constant 0 : i32
      %dma_start3A_223 = tpu.memref_slice %arg9[%dma_start3A_220, %dma_start3A_221, %dma_start3A_222] : memref<2x128x128xf32, #tpu.memory_space<vmem>> -> memref<1x128x128xf32, #tpu.memory_space<vmem>>
      %dma_start3A_224 = tpu.memref_squeeze %dma_start3A_223 : memref<1x128x128xf32, #tpu.memory_space<vmem>> -> memref<128x128xf32, #tpu.memory_space<vmem>>
      %dma_start3A_225 = arith.constant 0 : i32
      %dma_start3A_226 = tpu.memref_slice %arg7[%dma_start3A_219, %dma_start3A_225] : memref<8x128xi32, #tpu.memory_space<vmem>> -> memref<1x128xi32, #tpu.memory_space<vmem>>
      %dma_start3A_227 = tpu.memref_squeeze %dma_start3A_226 : memref<1x128xi32, #tpu.memory_space<vmem>> -> memref<128xi32, #tpu.memory_space<vmem>>
      %dma_start3A_228 = arith.constant 0 : i32
      %dma_start3A_229 = arith.constant 0 : i32
      %dma_start3A_230 = tpu.memref_slice %arg2[%dma_start3A_228, %dma_start3A_229] : memref<10000x128xf32, #tpu.memory_space<hbm>> -> memref<10000x128xf32, #tpu.memory_space<hbm>>
      tpu.enqueue_indirect_dma source(%dma_start3A_230 : memref<10000x128xf32, #tpu.memory_space<hbm>>) target(%dma_start3A_224 : memref<128x128xf32, #tpu.memory_space<vmem>>) offsets(%dma_start3A_227 : memref<128xi32, #tpu.memory_space<vmem>>) semaphore(%arg12 : memref<!tpu.dma_semaphore, #tpu.memory_space<semaphore_mem>>)
      %dma_wait3A_231 = arith.constant 4 : i32
      %dma_wait3A_232 = arith.constant 0 : i32
      %dma_wait3A_233 = arith.constant 0 : i32
      %dma_wait3A_234 = arith.constant 0 : i32
      %dma_wait3A_235 = tpu.memref_slice %arg9[%dma_wait3A_232, %dma_wait3A_233, %dma_wait3A_234] : memref<2x128x128xf32, #tpu.memory_space<vmem>> -> memref<1x128x128xf32, #tpu.memory_space<vmem>>
      %dma_wait3A_236 = tpu.memref_squeeze %dma_wait3A_235 : memref<1x128x128xf32, #tpu.memory_space<vmem>> -> memref<128x128xf32, #tpu.memory_space<vmem>>
      %dma_wait3A_237 = arith.constant 0 : i32
      %dma_wait3A_238 = tpu.memref_slice %arg7[%dma_wait3A_231, %dma_wait3A_237] : memref<8x128xi32, #tpu.memory_space<vmem>> -> memref<1x128xi32, #tpu.memory_space<vmem>>
      %dma_wait3A_239 = tpu.memref_squeeze %dma_wait3A_238 : memref<1x128xi32, #tpu.memory_space<vmem>> -> memref<128xi32, #tpu.memory_space<vmem>>
      %dma_wait3A_240 = arith.constant 0 : i32
      %dma_wait3A_241 = arith.constant 0 : i32
      %dma_wait3A_242 = tpu.memref_slice %arg2[%dma_wait3A_240, %dma_wait3A_241] : memref<10000x128xf32, #tpu.memory_space<hbm>> -> memref<10000x128xf32, #tpu.memory_space<hbm>>
      tpu.wait_indirect_dma semaphore(%arg11 : memref<!tpu.dma_semaphore, #tpu.memory_space<semaphore_mem>>) src(%dma_wait3A_242 : memref<10000x128xf32, #tpu.memory_space<hbm>>) dst(%dma_wait3A_236 : memref<128x128xf32, #tpu.memory_space<vmem>>)
      %dma_start3A_243 = arith.constant 0 : i32
      %dma_start3A_244 = arith.constant 4 : i32
      %dma_start3A_245 = arith.constant 0 : i32
      %dma_start3A_246 = arith.constant 0 : i32
      %dma_start3A_247 = tpu.memref_slice %arg9[%dma_start3A_243, %dma_start3A_245, %dma_start3A_246] : memref<2x128x128xf32, #tpu.memory_space<vmem>> -> memref<1x128x128xf32, #tpu.memory_space<vmem>>
      %dma_start3A_248 = tpu.memref_squeeze %dma_start3A_247 : memref<1x128x128xf32, #tpu.memory_space<vmem>> -> memref<128x128xf32, #tpu.memory_space<vmem>>
      %dma_start3A_249 = arith.constant 0 : i32
      %dma_start3A_250 = tpu.memref_slice %arg8[%dma_start3A_244, %dma_start3A_249] : memref<8x128xi32, #tpu.memory_space<vmem>> -> memref<1x128xi32, #tpu.memory_space<vmem>>
      %dma_start3A_251 = tpu.memref_squeeze %dma_start3A_250 : memref<1x128xi32, #tpu.memory_space<vmem>> -> memref<128xi32, #tpu.memory_space<vmem>>
      %dma_start3A_252 = arith.constant 0 : i32
      %dma_start3A_253 = arith.constant 0 : i32
      %dma_start3A_254 = tpu.memref_slice %arg10[%dma_start3A_252, %dma_start3A_253] : memref<10240x128xf32, #tpu.memory_space<vmem_shared>> -> memref<10240x128xf32, #tpu.memory_space<vmem_shared>>
      tpu.enqueue_indirect_dma source(%dma_start3A_248 : memref<128x128xf32, #tpu.memory_space<vmem>>) target(%dma_start3A_254 : memref<10240x128xf32, #tpu.memory_space<vmem_shared>>) offsets(%dma_start3A_251 : memref<128xi32, #tpu.memory_space<vmem>>) semaphore(%arg13 : memref<!tpu.dma_semaphore, #tpu.memory_space<semaphore_mem>>) {add = true}
      %dma_wait3A_255 = arith.constant 0 : i32
      %dma_wait3A_256 = arith.constant 4 : i32
      %dma_wait3A_257 = arith.constant 0 : i32
      %dma_wait3A_258 = arith.constant 0 : i32
      %dma_wait3A_259 = tpu.memref_slice %arg9[%dma_wait3A_255, %dma_wait3A_257, %dma_wait3A_258] : memref<2x128x128xf32, #tpu.memory_space<vmem>> -> memref<1x128x128xf32, #tpu.memory_space<vmem>>
      %dma_wait3A_260 = tpu.memref_squeeze %dma_wait3A_259 : memref<1x128x128xf32, #tpu.memory_space<vmem>> -> memref<128x128xf32, #tpu.memory_space<vmem>>
      %dma_wait3A_261 = arith.constant 0 : i32
      %dma_wait3A_262 = tpu.memref_slice %arg8[%dma_wait3A_256, %dma_wait3A_261] : memref<8x128xi32, #tpu.memory_space<vmem>> -> memref<1x128xi32, #tpu.memory_space<vmem>>
      %dma_wait3A_263 = tpu.memref_squeeze %dma_wait3A_262 : memref<1x128xi32, #tpu.memory_space<vmem>> -> memref<128xi32, #tpu.memory_space<vmem>>
      %dma_wait3A_264 = arith.constant 0 : i32
      %dma_wait3A_265 = arith.constant 0 : i32
      %dma_wait3A_266 = tpu.memref_slice %arg10[%dma_wait3A_264, %dma_wait3A_265] : memref<10240x128xf32, #tpu.memory_space<vmem_shared>> -> memref<10240x128xf32, #tpu.memory_space<vmem_shared>>
      tpu.wait_indirect_dma semaphore(%arg13 : memref<!tpu.dma_semaphore, #tpu.memory_space<semaphore_mem>>) src(%dma_wait3A_260 : memref<128x128xf32, #tpu.memory_space<vmem>>) dst(%dma_wait3A_266 : memref<10240x128xf32, #tpu.memory_space<vmem_shared>>)
      %dma_start3A_267 = arith.constant 6 : i32
      %dma_start3A_268 = arith.constant 0 : i32
      %dma_start3A_269 = arith.constant 0 : i32
      %dma_start3A_270 = arith.constant 0 : i32
      %dma_start3A_271 = tpu.memref_slice %arg9[%dma_start3A_268, %dma_start3A_269, %dma_start3A_270] : memref<2x128x128xf32, #tpu.memory_space<vmem>> -> memref<1x128x128xf32, #tpu.memory_space<vmem>>
      %dma_start3A_272 = tpu.memref_squeeze %dma_start3A_271 : memref<1x128x128xf32, #tpu.memory_space<vmem>> -> memref<128x128xf32, #tpu.memory_space<vmem>>
      %dma_start3A_273 = arith.constant 0 : i32
      %dma_start3A_274 = tpu.memref_slice %arg7[%dma_start3A_267, %dma_start3A_273] : memref<8x128xi32, #tpu.memory_space<vmem>> -> memref<1x128xi32, #tpu.memory_space<vmem>>
      %dma_start3A_275 = tpu.memref_squeeze %dma_start3A_274 : memref<1x128xi32, #tpu.memory_space<vmem>> -> memref<128xi32, #tpu.memory_space<vmem>>
      %dma_start3A_276 = arith.constant 0 : i32
      %dma_start3A_277 = arith.constant 0 : i32
      %dma_start3A_278 = tpu.memref_slice %arg2[%dma_start3A_276, %dma_start3A_277] : memref<10000x128xf32, #tpu.memory_space<hbm>> -> memref<10000x128xf32, #tpu.memory_space<hbm>>
      tpu.enqueue_indirect_dma source(%dma_start3A_278 : memref<10000x128xf32, #tpu.memory_space<hbm>>) target(%dma_start3A_272 : memref<128x128xf32, #tpu.memory_space<vmem>>) offsets(%dma_start3A_275 : memref<128xi32, #tpu.memory_space<vmem>>) semaphore(%arg11 : memref<!tpu.dma_semaphore, #tpu.memory_space<semaphore_mem>>)
      %dma_wait3A_279 = arith.constant 5 : i32
      %dma_wait3A_280 = arith.constant 1 : i32
      %dma_wait3A_281 = arith.constant 0 : i32
      %dma_wait3A_282 = arith.constant 0 : i32
      %dma_wait3A_283 = tpu.memref_slice %arg9[%dma_wait3A_280, %dma_wait3A_281, %dma_wait3A_282] : memref<2x128x128xf32, #tpu.memory_space<vmem>> -> memref<1x128x128xf32, #tpu.memory_space<vmem>>
      %dma_wait3A_284 = tpu.memref_squeeze %dma_wait3A_283 : memref<1x128x128xf32, #tpu.memory_space<vmem>> -> memref<128x128xf32, #tpu.memory_space<vmem>>
      %dma_wait3A_285 = arith.constant 0 : i32
      %dma_wait3A_286 = tpu.memref_slice %arg7[%dma_wait3A_279, %dma_wait3A_285] : memref<8x128xi32, #tpu.memory_space<vmem>> -> memref<1x128xi32, #tpu.memory_space<vmem>>
      %dma_wait3A_287 = tpu.memref_squeeze %dma_wait3A_286 : memref<1x128xi32, #tpu.memory_space<vmem>> -> memref<128xi32, #tpu.memory_space<vmem>>
      %dma_wait3A_288 = arith.constant 0 : i32
      %dma_wait3A_289 = arith.constant 0 : i32
      %dma_wait3A_290 = tpu.memref_slice %arg2[%dma_wait3A_288, %dma_wait3A_289] : memref<10000x128xf32, #tpu.memory_space<hbm>> -> memref<10000x128xf32, #tpu.memory_space<hbm>>
      tpu.wait_indirect_dma semaphore(%arg12 : memref<!tpu.dma_semaphore, #tpu.memory_space<semaphore_mem>>) src(%dma_wait3A_290 : memref<10000x128xf32, #tpu.memory_space<hbm>>) dst(%dma_wait3A_284 : memref<128x128xf32, #tpu.memory_space<vmem>>)
      %dma_start3A_291 = arith.constant 1 : i32
      %dma_start3A_292 = arith.constant 5 : i32
      %dma_start3A_293 = arith.constant 0 : i32
      %dma_start3A_294 = arith.constant 0 : i32
      %dma_start3A_295 = tpu.memref_slice %arg9[%dma_start3A_291, %dma_start3A_293, %dma_start3A_294] : memref<2x128x128xf32, #tpu.memory_space<vmem>> -> memref<1x128x128xf32, #tpu.memory_space<vmem>>
      %dma_start3A_296 = tpu.memref_squeeze %dma_start3A_295 : memref<1x128x128xf32, #tpu.memory_space<vmem>> -> memref<128x128xf32, #tpu.memory_space<vmem>>
      %dma_start3A_297 = arith.constant 0 : i32
      %dma_start3A_298 = tpu.memref_slice %arg8[%dma_start3A_292, %dma_start3A_297] : memref<8x128xi32, #tpu.memory_space<vmem>> -> memref<1x128xi32, #tpu.memory_space<vmem>>
      %dma_start3A_299 = tpu.memref_squeeze %dma_start3A_298 : memref<1x128xi32, #tpu.memory_space<vmem>> -> memref<128xi32, #tpu.memory_space<vmem>>
      %dma_start3A_300 = arith.constant 0 : i32
      %dma_start3A_301 = arith.constant 0 : i32
      %dma_start3A_302 = tpu.memref_slice %arg10[%dma_start3A_300, %dma_start3A_301] : memref<10240x128xf32, #tpu.memory_space<vmem_shared>> -> memref<10240x128xf32, #tpu.memory_space<vmem_shared>>
      tpu.enqueue_indirect_dma source(%dma_start3A_296 : memref<128x128xf32, #tpu.memory_space<vmem>>) target(%dma_start3A_302 : memref<10240x128xf32, #tpu.memory_space<vmem_shared>>) offsets(%dma_start3A_299 : memref<128xi32, #tpu.memory_space<vmem>>) semaphore(%arg14 : memref<!tpu.dma_semaphore, #tpu.memory_space<semaphore_mem>>) {add = true}
      %dma_wait3A_303 = arith.constant 1 : i32
      %dma_wait3A_304 = arith.constant 5 : i32
      %dma_wait3A_305 = arith.constant 0 : i32
      %dma_wait3A_306 = arith.constant 0 : i32
      %dma_wait3A_307 = tpu.memref_slice %arg9[%dma_wait3A_303, %dma_wait3A_305, %dma_wait3A_306] : memref<2x128x128xf32, #tpu.memory_space<vmem>> -> memref<1x128x128xf32, #tpu.memory_space<vmem>>
      %dma_wait3A_308 = tpu.memref_squeeze %dma_wait3A_307 : memref<1x128x128xf32, #tpu.memory_space<vmem>> -> memref<128x128xf32, #tpu.memory_space<vmem>>
      %dma_wait3A_309 = arith.constant 0 : i32
      %dma_wait3A_310 = tpu.memref_slice %arg8[%dma_wait3A_304, %dma_wait3A_309] : memref<8x128xi32, #tpu.memory_space<vmem>> -> memref<1x128xi32, #tpu.memory_space<vmem>>
      %dma_wait3A_311 = tpu.memref_squeeze %dma_wait3A_310 : memref<1x128xi32, #tpu.memory_space<vmem>> -> memref<128xi32, #tpu.memory_space<vmem>>
      %dma_wait3A_312 = arith.constant 0 : i32
      %dma_wait3A_313 = arith.constant 0 : i32
      %dma_wait3A_314 = tpu.memref_slice %arg10[%dma_wait3A_312, %dma_wait3A_313] : memref<10240x128xf32, #tpu.memory_space<vmem_shared>> -> memref<10240x128xf32, #tpu.memory_space<vmem_shared>>
      tpu.wait_indirect_dma semaphore(%arg14 : memref<!tpu.dma_semaphore, #tpu.memory_space<semaphore_mem>>) src(%dma_wait3A_308 : memref<128x128xf32, #tpu.memory_space<vmem>>) dst(%dma_wait3A_314 : memref<10240x128xf32, #tpu.memory_space<vmem_shared>>)
      %dma_start3A_315 = arith.constant 7 : i32
      %dma_start3A_316 = arith.constant 1 : i32
      %dma_start3A_317 = arith.constant 0 : i32
      %dma_start3A_318 = arith.constant 0 : i32
      %dma_start3A_319 = tpu.memref_slice %arg9[%dma_start3A_316, %dma_start3A_317, %dma_start3A_318] : memref<2x128x128xf32, #tpu.memory_space<vmem>> -> memref<1x128x128xf32, #tpu.memory_space<vmem>>
      %dma_start3A_320 = tpu.memref_squeeze %dma_start3A_319 : memref<1x128x128xf32, #tpu.memory_space<vmem>> -> memref<128x128xf32, #tpu.memory_space<vmem>>
      %dma_start3A_321 = arith.constant 0 : i32
      %dma_start3A_322 = tpu.memref_slice %arg7[%dma_start3A_315, %dma_start3A_321] : memref<8x128xi32, #tpu.memory_space<vmem>> -> memref<1x128xi32, #tpu.memory_space<vmem>>
      %dma_start3A_323 = tpu.memref_squeeze %dma_start3A_322 : memref<1x128xi32, #tpu.memory_space<vmem>> -> memref<128xi32, #tpu.memory_space<vmem>>
      %dma_start3A_324 = arith.constant 0 : i32
      %dma_start3A_325 = arith.constant 0 : i32
      %dma_start3A_326 = tpu.memref_slice %arg2[%dma_start3A_324, %dma_start3A_325] : memref<10000x128xf32, #tpu.memory_space<hbm>> -> memref<10000x128xf32, #tpu.memory_space<hbm>>
      tpu.enqueue_indirect_dma source(%dma_start3A_326 : memref<10000x128xf32, #tpu.memory_space<hbm>>) target(%dma_start3A_320 : memref<128x128xf32, #tpu.memory_space<vmem>>) offsets(%dma_start3A_323 : memref<128xi32, #tpu.memory_space<vmem>>) semaphore(%arg12 : memref<!tpu.dma_semaphore, #tpu.memory_space<semaphore_mem>>)
      %dma_wait3A_327 = arith.constant 6 : i32
      %dma_wait3A_328 = arith.constant 0 : i32
      %dma_wait3A_329 = arith.constant 0 : i32
      %dma_wait3A_330 = arith.constant 0 : i32
      %dma_wait3A_331 = tpu.memref_slice %arg9[%dma_wait3A_328, %dma_wait3A_329, %dma_wait3A_330] : memref<2x128x128xf32, #tpu.memory_space<vmem>> -> memref<1x128x128xf32, #tpu.memory_space<vmem>>
      %dma_wait3A_332 = tpu.memref_squeeze %dma_wait3A_331 : memref<1x128x128xf32, #tpu.memory_space<vmem>> -> memref<128x128xf32, #tpu.memory_space<vmem>>
      %dma_wait3A_333 = arith.constant 0 : i32
      %dma_wait3A_334 = tpu.memref_slice %arg7[%dma_wait3A_327, %dma_wait3A_333] : memref<8x128xi32, #tpu.memory_space<vmem>> -> memref<1x128xi32, #tpu.memory_space<vmem>>
      %dma_wait3A_335 = tpu.memref_squeeze %dma_wait3A_334 : memref<1x128xi32, #tpu.memory_space<vmem>> -> memref<128xi32, #tpu.memory_space<vmem>>
      %dma_wait3A_336 = arith.constant 0 : i32
      %dma_wait3A_337 = arith.constant 0 : i32
      %dma_wait3A_338 = tpu.memref_slice %arg2[%dma_wait3A_336, %dma_wait3A_337] : memref<10000x128xf32, #tpu.memory_space<hbm>> -> memref<10000x128xf32, #tpu.memory_space<hbm>>
      tpu.wait_indirect_dma semaphore(%arg11 : memref<!tpu.dma_semaphore, #tpu.memory_space<semaphore_mem>>) src(%dma_wait3A_338 : memref<10000x128xf32, #tpu.memory_space<hbm>>) dst(%dma_wait3A_332 : memref<128x128xf32, #tpu.memory_space<vmem>>)
      %dma_start3A_339 = arith.constant 0 : i32
      %dma_start3A_340 = arith.constant 6 : i32
      %dma_start3A_341 = arith.constant 0 : i32
      %dma_start3A_342 = arith.constant 0 : i32
      %dma_start3A_343 = tpu.memref_slice %arg9[%dma_start3A_339, %dma_start3A_341, %dma_start3A_342] : memref<2x128x128xf32, #tpu.memory_space<vmem>> -> memref<1x128x128xf32, #tpu.memory_space<vmem>>
      %dma_start3A_344 = tpu.memref_squeeze %dma_start3A_343 : memref<1x128x128xf32, #tpu.memory_space<vmem>> -> memref<128x128xf32, #tpu.memory_space<vmem>>
      %dma_start3A_345 = arith.constant 0 : i32
      %dma_start3A_346 = tpu.memref_slice %arg8[%dma_start3A_340, %dma_start3A_345] : memref<8x128xi32, #tpu.memory_space<vmem>> -> memref<1x128xi32, #tpu.memory_space<vmem>>
      %dma_start3A_347 = tpu.memref_squeeze %dma_start3A_346 : memref<1x128xi32, #tpu.memory_space<vmem>> -> memref<128xi32, #tpu.memory_space<vmem>>
      %dma_start3A_348 = arith.constant 0 : i32
      %dma_start3A_349 = arith.constant 0 : i32
      %dma_start3A_350 = tpu.memref_slice %arg10[%dma_start3A_348, %dma_start3A_349] : memref<10240x128xf32, #tpu.memory_space<vmem_shared>> -> memref<10240x128xf32, #tpu.memory_space<vmem_shared>>
      tpu.enqueue_indirect_dma source(%dma_start3A_344 : memref<128x128xf32, #tpu.memory_space<vmem>>) target(%dma_start3A_350 : memref<10240x128xf32, #tpu.memory_space<vmem_shared>>) offsets(%dma_start3A_347 : memref<128xi32, #tpu.memory_space<vmem>>) semaphore(%arg13 : memref<!tpu.dma_semaphore, #tpu.memory_space<semaphore_mem>>) {add = true}
      %dma_wait3A_351 = arith.constant 7 : i32
      %dma_wait3A_352 = arith.constant 1 : i32
      %dma_wait3A_353 = arith.constant 0 : i32
      %dma_wait3A_354 = arith.constant 0 : i32
      %dma_wait3A_355 = tpu.memref_slice %arg9[%dma_wait3A_352, %dma_wait3A_353, %dma_wait3A_354] : memref<2x128x128xf32, #tpu.memory_space<vmem>> -> memref<1x128x128xf32, #tpu.memory_space<vmem>>
      %dma_wait3A_356 = tpu.memref_squeeze %dma_wait3A_355 : memref<1x128x128xf32, #tpu.memory_space<vmem>> -> memref<128x128xf32, #tpu.memory_space<vmem>>
      %dma_wait3A_357 = arith.constant 0 : i32
      %dma_wait3A_358 = tpu.memref_slice %arg7[%dma_wait3A_351, %dma_wait3A_357] : memref<8x128xi32, #tpu.memory_space<vmem>> -> memref<1x128xi32, #tpu.memory_space<vmem>>
      %dma_wait3A_359 = tpu.memref_squeeze %dma_wait3A_358 : memref<1x128xi32, #tpu.memory_space<vmem>> -> memref<128xi32, #tpu.memory_space<vmem>>
      %dma_wait3A_360 = arith.constant 0 : i32
      %dma_wait3A_361 = arith.constant 0 : i32
      %dma_wait3A_362 = tpu.memref_slice %arg2[%dma_wait3A_360, %dma_wait3A_361] : memref<10000x128xf32, #tpu.memory_space<hbm>> -> memref<10000x128xf32, #tpu.memory_space<hbm>>
      tpu.wait_indirect_dma semaphore(%arg12 : memref<!tpu.dma_semaphore, #tpu.memory_space<semaphore_mem>>) src(%dma_wait3A_362 : memref<10000x128xf32, #tpu.memory_space<hbm>>) dst(%dma_wait3A_356 : memref<128x128xf32, #tpu.memory_space<vmem>>)
      %dma_start3A_363 = arith.constant 1 : i32
      %dma_start3A_364 = arith.constant 7 : i32
      %dma_start3A_365 = arith.constant 0 : i32
      %dma_start3A_366 = arith.constant 0 : i32
      %dma_start3A_367 = tpu.memref_slice %arg9[%dma_start3A_363, %dma_start3A_365, %dma_start3A_366] : memref<2x128x128xf32, #tpu.memory_space<vmem>> -> memref<1x128x128xf32, #tpu.memory_space<vmem>>
      %dma_start3A_368 = tpu.memref_squeeze %dma_start3A_367 : memref<1x128x128xf32, #tpu.memory_space<vmem>> -> memref<128x128xf32, #tpu.memory_space<vmem>>
      %dma_start3A_369 = arith.constant 0 : i32
      %dma_start3A_370 = tpu.memref_slice %arg8[%dma_start3A_364, %dma_start3A_369] : memref<8x128xi32, #tpu.memory_space<vmem>> -> memref<1x128xi32, #tpu.memory_space<vmem>>
      %dma_start3A_371 = tpu.memref_squeeze %dma_start3A_370 : memref<1x128xi32, #tpu.memory_space<vmem>> -> memref<128xi32, #tpu.memory_space<vmem>>
      %dma_start3A_372 = arith.constant 0 : i32
      %dma_start3A_373 = arith.constant 0 : i32
      %dma_start3A_374 = tpu.memref_slice %arg10[%dma_start3A_372, %dma_start3A_373] : memref<10240x128xf32, #tpu.memory_space<vmem_shared>> -> memref<10240x128xf32, #tpu.memory_space<vmem_shared>>
      tpu.enqueue_indirect_dma source(%dma_start3A_368 : memref<128x128xf32, #tpu.memory_space<vmem>>) target(%dma_start3A_374 : memref<10240x128xf32, #tpu.memory_space<vmem_shared>>) offsets(%dma_start3A_371 : memref<128xi32, #tpu.memory_space<vmem>>) semaphore(%arg14 : memref<!tpu.dma_semaphore, #tpu.memory_space<semaphore_mem>>) {add = true}
      %dma_wait3A_375 = arith.constant 0 : i32
      %dma_wait3A_376 = arith.constant 6 : i32
      %dma_wait3A_377 = arith.constant 0 : i32
      %dma_wait3A_378 = arith.constant 0 : i32
      %dma_wait3A_379 = tpu.memref_slice %arg9[%dma_wait3A_375, %dma_wait3A_377, %dma_wait3A_378] : memref<2x128x128xf32, #tpu.memory_space<vmem>> -> memref<1x128x128xf32, #tpu.memory_space<vmem>>
      %dma_wait3A_380 = tpu.memref_squeeze %dma_wait3A_379 : memref<1x128x128xf32, #tpu.memory_space<vmem>> -> memref<128x128xf32, #tpu.memory_space<vmem>>
      %dma_wait3A_381 = arith.constant 0 : i32
      %dma_wait3A_382 = tpu.memref_slice %arg8[%dma_wait3A_376, %dma_wait3A_381] : memref<8x128xi32, #tpu.memory_space<vmem>> -> memref<1x128xi32, #tpu.memory_space<vmem>>
      %dma_wait3A_383 = tpu.memref_squeeze %dma_wait3A_382 : memref<1x128xi32, #tpu.memory_space<vmem>> -> memref<128xi32, #tpu.memory_space<vmem>>
      %dma_wait3A_384 = arith.constant 0 : i32
      %dma_wait3A_385 = arith.constant 0 : i32
      %dma_wait3A_386 = tpu.memref_slice %arg10[%dma_wait3A_384, %dma_wait3A_385] : memref<10240x128xf32, #tpu.memory_space<vmem_shared>> -> memref<10240x128xf32, #tpu.memory_space<vmem_shared>>
      tpu.wait_indirect_dma semaphore(%arg13 : memref<!tpu.dma_semaphore, #tpu.memory_space<semaphore_mem>>) src(%dma_wait3A_380 : memref<128x128xf32, #tpu.memory_space<vmem>>) dst(%dma_wait3A_386 : memref<10240x128xf32, #tpu.memory_space<vmem_shared>>)
      %dma_wait3A_387 = arith.constant 1 : i32
      %dma_wait3A_388 = arith.constant 7 : i32
      %dma_wait3A_389 = arith.constant 0 : i32
      %dma_wait3A_390 = arith.constant 0 : i32
      %dma_wait3A_391 = tpu.memref_slice %arg9[%dma_wait3A_387, %dma_wait3A_389, %dma_wait3A_390] : memref<2x128x128xf32, #tpu.memory_space<vmem>> -> memref<1x128x128xf32, #tpu.memory_space<vmem>>
      %dma_wait3A_392 = tpu.memref_squeeze %dma_wait3A_391 : memref<1x128x128xf32, #tpu.memory_space<vmem>> -> memref<128x128xf32, #tpu.memory_space<vmem>>
      %dma_wait3A_393 = arith.constant 0 : i32
      %dma_wait3A_394 = tpu.memref_slice %arg8[%dma_wait3A_388, %dma_wait3A_393] : memref<8x128xi32, #tpu.memory_space<vmem>> -> memref<1x128xi32, #tpu.memory_space<vmem>>
      %dma_wait3A_395 = tpu.memref_squeeze %dma_wait3A_394 : memref<1x128xi32, #tpu.memory_space<vmem>> -> memref<128xi32, #tpu.memory_space<vmem>>
      %dma_wait3A_396 = arith.constant 0 : i32
      %dma_wait3A_397 = arith.constant 0 : i32
      %dma_wait3A_398 = tpu.memref_slice %arg10[%dma_wait3A_396, %dma_wait3A_397] : memref<10240x128xf32, #tpu.memory_space<vmem_shared>> -> memref<10240x128xf32, #tpu.memory_space<vmem_shared>>
      tpu.wait_indirect_dma semaphore(%arg14 : memref<!tpu.dma_semaphore, #tpu.memory_space<semaphore_mem>>) src(%dma_wait3A_392 : memref<128x128xf32, #tpu.memory_space<vmem>>) dst(%dma_wait3A_398 : memref<10240x128xf32, #tpu.memory_space<vmem_shared>>)
    }
    %scan3A_10 = arith.constant 10 : i32
    %barrier3A_11 = arith.constant 0 : index
    tpu.barrier barrier_id(%barrier3A_11)
    "tpu.region"() ({
      %run_scoped3A = tpu.sem_alloc : memref<!tpu.dma_semaphore, #tpu.memory_space<semaphore_mem>>
      %dma_start3A = arith.constant 0 : i32
      %dma_start3A_12 = tpu.memref_slice %arg6[%arg0, %multiple_of3A, %dma_start3A] : memref<2x10240x128xf32, #tpu.memory_space<hbm>> -> memref<1x640x128xf32, #tpu.memory_space<hbm>>
      %dma_start3A_13 = tpu.memref_squeeze %dma_start3A_12 : memref<1x640x128xf32, #tpu.memory_space<hbm>> -> memref<640x128xf32, #tpu.memory_space<hbm>>
      %dma_start3A_14 = arith.constant 0 : i32
      %dma_start3A_15 = tpu.memref_slice %arg10[%multiple_of3A, %dma_start3A_14] : memref<10240x128xf32, #tpu.memory_space<vmem_shared>> -> memref<640x128xf32, #tpu.memory_space<vmem_shared>>
      tpu.enqueue_dma source(%dma_start3A_15 : memref<640x128xf32, #tpu.memory_space<vmem_shared>>) target(%dma_start3A_13 : memref<640x128xf32, #tpu.memory_space<hbm>>) target_semaphore(%run_scoped3A : memref<!tpu.dma_semaphore, #tpu.memory_space<semaphore_mem>>)
      %dma_wait3A = arith.constant 0 : i32
      %dma_wait3A_16 = tpu.memref_slice %arg6[%arg0, %multiple_of3A, %dma_wait3A] : memref<2x10240x128xf32, #tpu.memory_space<hbm>> -> memref<1x640x128xf32, #tpu.memory_space<hbm>>
      %dma_wait3A_17 = tpu.memref_squeeze %dma_wait3A_16 : memref<1x640x128xf32, #tpu.memory_space<hbm>> -> memref<640x128xf32, #tpu.memory_space<hbm>>
      %dma_wait3A_18 = arith.constant 0 : i32
      %dma_wait3A_19 = tpu.memref_slice %arg10[%multiple_of3A, %dma_wait3A_18] : memref<10240x128xf32, #tpu.memory_space<vmem_shared>> -> memref<640x128xf32, #tpu.memory_space<vmem_shared>>
      tpu.wait_dma2 semaphore(%run_scoped3A : memref<!tpu.dma_semaphore, #tpu.memory_space<semaphore_mem>>) src(%dma_wait3A_19 : memref<640x128xf32, #tpu.memory_space<vmem_shared>>) dst(%dma_wait3A_17 : memref<640x128xf32, #tpu.memory_space<hbm>>)
      tpu.yield
    }) : () -> ()
    return
  }
}

module attributes {stable_mosaic.version = 14 : i64} {
  func.func @_cls_body(%arg0: memref<10000x128xf32, #tpu.memory_space<vmem>>, %arg1: memref<10000x128xf32, #tpu.memory_space<vmem>>, %arg2: memref<10000x128xf32, #tpu.memory_space<vmem>>, %arg3: memref<10000x128xf32, #tpu.memory_space<vmem>>, %arg4: memref<10000x1xi32, #tpu.memory_space<vmem>>, %arg5: memref<640x256xf32, #tpu.memory_space<vmem>>, %arg6: memref<1x256xf32, #tpu.memory_space<vmem>>, %arg7: memref<256x256xf32, #tpu.memory_space<vmem>>, %arg8: memref<1x256xf32, #tpu.memory_space<vmem>>, %arg9: memref<256x256xf32, #tpu.memory_space<vmem>>, %arg10: memref<1x256xf32, #tpu.memory_space<vmem>>, %arg11: memref<1x256xf32, #tpu.memory_space<vmem>>, %arg12: memref<1x1xf32, #tpu.memory_space<vmem>>, %arg13: memref<10000x1xf32, #tpu.memory_space<vmem>>) attributes {dimension_semantics = [], scalar_prefetch = 0 : i64, scratch_operands = 0 : i64, tpu.core_type = #tpu.core_type<tc>} {
    %iota3A = tpu.iota {dimensions = array<i32: 1>} : vector<10000x256xi32>
    %get3A = arith.constant 0 : index
    %get3A_0 = arith.constant 0 : index
    %get3A_1 = vector.load %arg4[%get3A, %get3A_0] : memref<10000x1xi32, #tpu.memory_space<vmem>>, vector<10000x1xi32>
    %eq3A = vector.broadcast %get3A_1 : vector<10000x1xi32> to vector<10000x256xi32>
    %eq3A_2 = arith.cmpi eq, %iota3A, %eq3A : vector<10000x256xi32>
    %convert_element_type3A = arith.extui %eq3A_2 : vector<10000x256xi1> to vector<10000x256xi32>
    %convert_element_type3A_3 = arith.sitofp %convert_element_type3A : vector<10000x256xi32> to vector<10000x256xf32>
    %get3A_4 = arith.constant 0 : index
    %get3A_5 = arith.constant 0 : index
    %get3A_6 = vector.load %arg3[%get3A_4, %get3A_5] : memref<10000x128xf32, #tpu.memory_space<vmem>>, vector<10000x128xf32>
    %dot_general3A = arith.constant dense<0.000000e+00> : vector<256x128xf32>
    %dot_general3A_7 = tpu.matmul %convert_element_type3A_3, %get3A_6, %dot_general3A {dimension_numbers = #tpu.dot_dimension_numbers<[0], [0], [1], [1], [0, 1, 1, 1], [], []>, transpose_lhs_hint = false} : vector<10000x256xf32>, vector<10000x128xf32>, vector<256x128xf32> -> vector<256x128xf32>
    %dot_general3A_8 = arith.constant dense<0.000000e+00> : vector<10000x128xf32>
    %dot_general3A_9 = tpu.matmul %convert_element_type3A_3, %dot_general3A_7, %dot_general3A_8 {dimension_numbers = #tpu.dot_dimension_numbers<[1], [0], [0], [1], [0, 0, 1, 1], [], []>, transpose_lhs_hint = false} : vector<10000x256xf32>, vector<256x128xf32>, vector<10000x128xf32> -> vector<10000x128xf32>
    %get3A_10 = arith.constant 0 : index
    %get3A_11 = arith.constant 0 : index
    %get3A_12 = vector.load %arg5[%get3A_10, %get3A_11] : memref<640x256xf32, #tpu.memory_space<vmem>>, vector<640x256xf32>
    %get3A_13 = arith.constant 0 : index
    %get3A_14 = arith.constant 0 : index
    %get3A_15 = vector.load %arg0[%get3A_13, %get3A_14] : memref<10000x128xf32, #tpu.memory_space<vmem>>, vector<10000x128xf32>
    %slice3A = vector.extract_strided_slice %get3A_12 {offsets = [0, 0], sizes = [128, 256], strides = [1, 1]} : vector<640x256xf32> to vector<128x256xf32>
    %dot_general3A_16 = arith.constant dense<0.000000e+00> : vector<10000x256xf32>
    %dot_general3A_17 = tpu.matmul %get3A_15, %slice3A, %dot_general3A_16 {dimension_numbers = #tpu.dot_dimension_numbers<[1], [0], [0], [1], [0, 0, 1, 1], [], []>, transpose_lhs_hint = false} : vector<10000x128xf32>, vector<128x256xf32>, vector<10000x256xf32> -> vector<10000x256xf32>
    %get3A_18 = arith.constant 0 : index
    %get3A_19 = arith.constant 0 : index
    %get3A_20 = vector.load %arg1[%get3A_18, %get3A_19] : memref<10000x128xf32, #tpu.memory_space<vmem>>, vector<10000x128xf32>
    %slice3A_21 = vector.extract_strided_slice %get3A_12 {offsets = [128, 0], sizes = [128, 256], strides = [1, 1]} : vector<640x256xf32> to vector<128x256xf32>
    %dot_general3A_22 = arith.constant dense<0.000000e+00> : vector<10000x256xf32>
    %dot_general3A_23 = tpu.matmul %get3A_20, %slice3A_21, %dot_general3A_22 {dimension_numbers = #tpu.dot_dimension_numbers<[1], [0], [0], [1], [0, 0, 1, 1], [], []>, transpose_lhs_hint = false} : vector<10000x128xf32>, vector<128x256xf32>, vector<10000x256xf32> -> vector<10000x256xf32>
    %add3A = arith.addf %dot_general3A_17, %dot_general3A_23 : vector<10000x256xf32>
    %get3A_24 = arith.constant 0 : index
    %get3A_25 = arith.constant 0 : index
    %get3A_26 = vector.load %arg2[%get3A_24, %get3A_25] : memref<10000x128xf32, #tpu.memory_space<vmem>>, vector<10000x128xf32>
    %slice3A_27 = vector.extract_strided_slice %get3A_12 {offsets = [256, 0], sizes = [128, 256], strides = [1, 1]} : vector<640x256xf32> to vector<128x256xf32>
    %dot_general3A_28 = arith.constant dense<0.000000e+00> : vector<10000x256xf32>
    %dot_general3A_29 = tpu.matmul %get3A_26, %slice3A_27, %dot_general3A_28 {dimension_numbers = #tpu.dot_dimension_numbers<[1], [0], [0], [1], [0, 0, 1, 1], [], []>, transpose_lhs_hint = false} : vector<10000x128xf32>, vector<128x256xf32>, vector<10000x256xf32> -> vector<10000x256xf32>
    %add3A_30 = arith.addf %add3A, %dot_general3A_29 : vector<10000x256xf32>
    %slice3A_31 = vector.extract_strided_slice %get3A_12 {offsets = [384, 0], sizes = [128, 256], strides = [1, 1]} : vector<640x256xf32> to vector<128x256xf32>
    %dot_general3A_32 = arith.constant dense<0.000000e+00> : vector<10000x256xf32>
    %dot_general3A_33 = tpu.matmul %get3A_6, %slice3A_31, %dot_general3A_32 {dimension_numbers = #tpu.dot_dimension_numbers<[1], [0], [0], [1], [0, 0, 1, 1], [], []>, transpose_lhs_hint = false} : vector<10000x128xf32>, vector<128x256xf32>, vector<10000x256xf32> -> vector<10000x256xf32>
    %add3A_34 = arith.addf %add3A_30, %dot_general3A_33 : vector<10000x256xf32>
    %slice3A_35 = vector.extract_strided_slice %get3A_12 {offsets = [512, 0], sizes = [128, 256], strides = [1, 1]} : vector<640x256xf32> to vector<128x256xf32>
    %dot_general3A_36 = arith.constant dense<0.000000e+00> : vector<10000x256xf32>
    %dot_general3A_37 = tpu.matmul %dot_general3A_9, %slice3A_35, %dot_general3A_36 {dimension_numbers = #tpu.dot_dimension_numbers<[1], [0], [0], [1], [0, 0, 1, 1], [], []>, transpose_lhs_hint = false} : vector<10000x128xf32>, vector<128x256xf32>, vector<10000x256xf32> -> vector<10000x256xf32>
    %add3A_38 = arith.addf %add3A_34, %dot_general3A_37 : vector<10000x256xf32>
    %get3A_39 = arith.constant 0 : index
    %get3A_40 = arith.constant 0 : index
    %get3A_41 = vector.load %arg6[%get3A_39, %get3A_40] : memref<1x256xf32, #tpu.memory_space<vmem>>, vector<1x256xf32>
    %add3A_42 = vector.broadcast %get3A_41 : vector<1x256xf32> to vector<10000x256xf32>
    %add3A_43 = arith.addf %add3A_38, %add3A_42 : vector<10000x256xf32>
    %get3A_44 = arith.constant 0 : index
    %get3A_45 = arith.constant 0 : index
    %get3A_46 = vector.load %arg7[%get3A_44, %get3A_45] : memref<256x256xf32, #tpu.memory_space<vmem>>, vector<256x256xf32>
    %dot_general3A_47 = arith.constant dense<0.000000e+00> : vector<10000x256xf32>
    %dot_general3A_48 = tpu.matmul %add3A_43, %get3A_46, %dot_general3A_47 {dimension_numbers = #tpu.dot_dimension_numbers<[1], [0], [0], [1], [0, 0, 1, 1], [], []>, transpose_lhs_hint = false} : vector<10000x256xf32>, vector<256x256xf32>, vector<10000x256xf32> -> vector<10000x256xf32>
    %get3A_49 = arith.constant 0 : index
    %get3A_50 = arith.constant 0 : index
    %get3A_51 = vector.load %arg8[%get3A_49, %get3A_50] : memref<1x256xf32, #tpu.memory_space<vmem>>, vector<1x256xf32>
    %add3A_52 = vector.broadcast %get3A_51 : vector<1x256xf32> to vector<10000x256xf32>
    %add3A_53 = arith.addf %dot_general3A_48, %add3A_52 : vector<10000x256xf32>
    %gt3A = arith.constant 0.000000e+00 : f32
    %gt3A_54 = vector.broadcast %gt3A : f32 to vector<10000x256xf32>
    %gt3A_55 = arith.cmpf ogt, %add3A_53, %gt3A_54 : vector<10000x256xf32>
    %mul3A = arith.constant 0.00999999977 : f32
    %mul3A_56 = vector.broadcast %mul3A : f32 to vector<10000x256xf32>
    %mul3A_57 = arith.mulf %mul3A_56, %add3A_53 : vector<10000x256xf32>
    %select_n3A = arith.select %gt3A_55, %add3A_53, %mul3A_57 : vector<10000x256xi1>, vector<10000x256xf32>
    %get3A_58 = arith.constant 0 : index
    %get3A_59 = arith.constant 0 : index
    %get3A_60 = vector.load %arg9[%get3A_58, %get3A_59] : memref<256x256xf32, #tpu.memory_space<vmem>>, vector<256x256xf32>
    %dot_general3A_61 = arith.constant dense<0.000000e+00> : vector<10000x256xf32>
    %dot_general3A_62 = tpu.matmul %select_n3A, %get3A_60, %dot_general3A_61 {dimension_numbers = #tpu.dot_dimension_numbers<[1], [0], [0], [1], [0, 0, 1, 1], [], []>, transpose_lhs_hint = false} : vector<10000x256xf32>, vector<256x256xf32>, vector<10000x256xf32> -> vector<10000x256xf32>
    %get3A_63 = arith.constant 0 : index
    %get3A_64 = arith.constant 0 : index
    %get3A_65 = vector.load %arg10[%get3A_63, %get3A_64] : memref<1x256xf32, #tpu.memory_space<vmem>>, vector<1x256xf32>
    %add3A_66 = vector.broadcast %get3A_65 : vector<1x256xf32> to vector<10000x256xf32>
    %add3A_67 = arith.addf %dot_general3A_62, %add3A_66 : vector<10000x256xf32>
    %gt3A_68 = arith.constant 0.000000e+00 : f32
    %gt3A_69 = vector.broadcast %gt3A_68 : f32 to vector<10000x256xf32>
    %gt3A_70 = arith.cmpf ogt, %add3A_67, %gt3A_69 : vector<10000x256xf32>
    %mul3A_71 = arith.constant 0.00999999977 : f32
    %mul3A_72 = vector.broadcast %mul3A_71 : f32 to vector<10000x256xf32>
    %mul3A_73 = arith.mulf %mul3A_72, %add3A_67 : vector<10000x256xf32>
    %select_n3A_74 = arith.select %gt3A_70, %add3A_67, %mul3A_73 : vector<10000x256xi1>, vector<10000x256xf32>
    %get3A_75 = arith.constant 0 : index
    %get3A_76 = arith.constant 0 : index
    %get3A_77 = vector.load %arg11[%get3A_75, %get3A_76] : memref<1x256xf32, #tpu.memory_space<vmem>>, vector<1x256xf32>
    %mul3A_78 = vector.broadcast %get3A_77 : vector<1x256xf32> to vector<10000x256xf32>
    %mul3A_79 = arith.mulf %select_n3A_74, %mul3A_78 : vector<10000x256xf32>
    %reduce_sum3A = arith.constant dense<0.000000e+00> : vector<10000xf32>
    %reduce_sum3A_80 = vector.multi_reduction <add>, %mul3A_79, %reduce_sum3A [1] : vector<10000x256xf32> to vector<10000xf32>
    %broadcast_in_dim3A = vector.shape_cast %reduce_sum3A_80 : vector<10000xf32> to vector<10000x1xf32>
    %get3A_81 = arith.constant 0 : index
    %get3A_82 = arith.constant 0 : index
    %get3A_83 = vector.load %arg12[%get3A_81, %get3A_82] : memref<1x1xf32, #tpu.memory_space<vmem>>, vector<1x1xf32>
    %get3A_84 = vector.extract %get3A_83[0, 0] : f32 from vector<1x1xf32>
    %add3A_85 = vector.broadcast %get3A_84 : f32 to vector<10000x1xf32>
    %add3A_86 = arith.addf %broadcast_in_dim3A, %add3A_85 : vector<10000x1xf32>
    %neg3A = arith.constant 0.000000e+00 : f32
    %neg3A_87 = vector.broadcast %neg3A : f32 to vector<10000x1xf32>
    %neg3A_88 = arith.subf %neg3A_87, %add3A_86 : vector<10000x1xf32>
    %exp3A = math.exp %neg3A_88 : vector<10000x1xf32>
    %add3A_89 = arith.constant 1.000000e+00 : f32
    %add3A_90 = vector.broadcast %add3A_89 : f32 to vector<10000x1xf32>
    %add3A_91 = arith.addf %add3A_90, %exp3A : vector<10000x1xf32>
    %div3A = arith.constant 1.000000e+00 : f32
    %div3A_92 = vector.broadcast %div3A : f32 to vector<10000x1xf32>
    %div3A_93 = arith.divf %div3A_92, %add3A_91 : vector<10000x1xf32>
    %swap3A = arith.constant 0 : index
    %swap3A_94 = arith.constant 0 : index
    %swap3A_95 = vector.load %arg13[%swap3A, %swap3A_94] : memref<10000x1xf32, #tpu.memory_space<vmem>>, vector<10000x1xf32>
    tpu.vector_store %arg13[%swap3A, %swap3A_94], %div3A_93 {strides = array<i32>} : memref<10000x1xf32, #tpu.memory_space<vmem>>, vector<10000x1xf32>,
    return
  }
}

module attributes {stable_mosaic.version = 14 : i64} {
  func.func @_gin_mlp_body(%arg0: memref<10000x128xf32, #tpu.memory_space<vmem>>, %arg1: memref<2x10240x128xf32, #tpu.memory_space<vmem>>, %arg2: memref<1x1xf32, #tpu.memory_space<vmem>>, %arg3: memref<128x128xf32, #tpu.memory_space<vmem>>, %arg4: memref<1x128xf32, #tpu.memory_space<vmem>>, %arg5: memref<1x128xf32, #tpu.memory_space<vmem>>, %arg6: memref<1x128xf32, #tpu.memory_space<vmem>>, %arg7: memref<128x128xf32, #tpu.memory_space<vmem>>, %arg8: memref<1x128xf32, #tpu.memory_space<vmem>>, %arg9: memref<1x128xf32, #tpu.memory_space<vmem>>, %arg10: memref<1x128xf32, #tpu.memory_space<vmem>>, %arg11: memref<10000x128xf32, #tpu.memory_space<vmem>>) attributes {dimension_semantics = [], scalar_prefetch = 0 : i64, scratch_operands = 0 : i64, tpu.core_type = #tpu.core_type<tc>} {
    %get3A = arith.constant 0 : index
    %get3A_0 = arith.constant 0 : index
    %get3A_1 = vector.load %arg0[%get3A, %get3A_0] : memref<10000x128xf32, #tpu.memory_space<vmem>>, vector<10000x128xf32>
    %get3A_2 = arith.constant 0 : index
    %get3A_3 = arith.constant 0 : index
    %get3A_4 = vector.load %arg2[%get3A_2, %get3A_3] : memref<1x1xf32, #tpu.memory_space<vmem>>, vector<1x1xf32>
    %get3A_5 = vector.extract %get3A_4[0, 0] : f32 from vector<1x1xf32>
    %add3A = arith.constant 1.000000e+00 : f32
    %add3A_6 = arith.addf %add3A, %get3A_5 : f32
    %mul3A = vector.broadcast %add3A_6 : f32 to vector<10000x128xf32>
    %mul3A_7 = arith.mulf %get3A_1, %mul3A : vector<10000x128xf32>
    %get3A_8 = arith.constant 0 : index
    %get3A_9 = arith.constant 0 : index
    %get3A_10 = arith.constant 0 : index
    %get3A_11 = vector.load %arg1[%get3A_8, %get3A_9, %get3A_10] : memref<2x10240x128xf32, #tpu.memory_space<vmem>>, vector<1x10000x128xf32>
    %get3A_12 = vector.shape_cast %get3A_11 : vector<1x10000x128xf32> to vector<10000x128xf32>
    %add3A_13 = arith.addf %mul3A_7, %get3A_12 : vector<10000x128xf32>
    %get3A_14 = arith.constant 1 : index
    %get3A_15 = arith.constant 0 : index
    %get3A_16 = arith.constant 0 : index
    %get3A_17 = vector.load %arg1[%get3A_14, %get3A_15, %get3A_16] : memref<2x10240x128xf32, #tpu.memory_space<vmem>>, vector<1x10000x128xf32>
    %get3A_18 = vector.shape_cast %get3A_17 : vector<1x10000x128xf32> to vector<10000x128xf32>
    %add3A_19 = arith.addf %add3A_13, %get3A_18 : vector<10000x128xf32>
    %get3A_20 = arith.constant 0 : index
    %get3A_21 = arith.constant 0 : index
    %get3A_22 = vector.load %arg3[%get3A_20, %get3A_21] : memref<128x128xf32, #tpu.memory_space<vmem>>, vector<128x128xf32>
    %dot_general3A = arith.constant dense<0.000000e+00> : vector<10000x128xf32>
    %dot_general3A_23 = tpu.matmul %add3A_19, %get3A_22, %dot_general3A {dimension_numbers = #tpu.dot_dimension_numbers<[1], [0], [0], [1], [0, 0, 1, 1], [], []>, transpose_lhs_hint = false} : vector<10000x128xf32>, vector<128x128xf32>, vector<10000x128xf32> -> vector<10000x128xf32>
    %get3A_24 = arith.constant 0 : index
    %get3A_25 = arith.constant 0 : index
    %get3A_26 = vector.load %arg4[%get3A_24, %get3A_25] : memref<1x128xf32, #tpu.memory_space<vmem>>, vector<1x128xf32>
    %add3A_27 = vector.broadcast %get3A_26 : vector<1x128xf32> to vector<10000x128xf32>
    %add3A_28 = arith.addf %dot_general3A_23, %add3A_27 : vector<10000x128xf32>
    %reduce_sum3A = arith.constant dense<0.000000e+00> : vector<128xf32>
    %reduce_sum3A_29 = vector.multi_reduction <add>, %add3A_28, %reduce_sum3A [0] : vector<10000x128xf32> to vector<128xf32>
    %broadcast_in_dim3A = vector.shape_cast %reduce_sum3A_29 : vector<128xf32> to vector<1x128xf32>
    %div3A = arith.constant 1.000000e+04 : f32
    %div3A_30 = vector.broadcast %div3A : f32 to vector<1x128xf32>
    %div3A_31 = arith.divf %broadcast_in_dim3A, %div3A_30 : vector<1x128xf32>
    %sub3A = vector.broadcast %div3A_31 : vector<1x128xf32> to vector<10000x128xf32>
    %sub3A_32 = arith.subf %add3A_28, %sub3A : vector<10000x128xf32>
    %integer_pow3A = arith.mulf %sub3A_32, %sub3A_32 : vector<10000x128xf32>
    %reduce_sum3A_33 = arith.constant dense<0.000000e+00> : vector<128xf32>
    %reduce_sum3A_34 = vector.multi_reduction <add>, %integer_pow3A, %reduce_sum3A_33 [0] : vector<10000x128xf32> to vector<128xf32>
    %broadcast_in_dim3A_35 = vector.shape_cast %reduce_sum3A_34 : vector<128xf32> to vector<1x128xf32>
    %div3A_36 = arith.constant 1.000000e+04 : f32
    %div3A_37 = vector.broadcast %div3A_36 : f32 to vector<1x128xf32>
    %div3A_38 = arith.divf %broadcast_in_dim3A_35, %div3A_37 : vector<1x128xf32>
    %sub3A_39 = vector.broadcast %div3A_31 : vector<1x128xf32> to vector<10000x128xf32>
    %sub3A_40 = arith.subf %add3A_28, %sub3A_39 : vector<10000x128xf32>
    %add3A_41 = arith.constant 9.99999974E-6 : f32
    %add3A_42 = vector.broadcast %add3A_41 : f32 to vector<1x128xf32>
    %add3A_43 = arith.addf %div3A_38, %add3A_42 : vector<1x128xf32>
    %sqrt3A = math.sqrt %add3A_43 : vector<1x128xf32>
    %div3A_44 = vector.broadcast %sqrt3A : vector<1x128xf32> to vector<10000x128xf32>
    %div3A_45 = arith.divf %sub3A_40, %div3A_44 : vector<10000x128xf32>
    %get3A_46 = arith.constant 0 : index
    %get3A_47 = arith.constant 0 : index
    %get3A_48 = vector.load %arg5[%get3A_46, %get3A_47] : memref<1x128xf32, #tpu.memory_space<vmem>>, vector<1x128xf32>
    %mul3A_49 = vector.broadcast %get3A_48 : vector<1x128xf32> to vector<10000x128xf32>
    %mul3A_50 = arith.mulf %div3A_45, %mul3A_49 : vector<10000x128xf32>
    %get3A_51 = arith.constant 0 : index
    %get3A_52 = arith.constant 0 : index
    %get3A_53 = vector.load %arg6[%get3A_51, %get3A_52] : memref<1x128xf32, #tpu.memory_space<vmem>>, vector<1x128xf32>
    %add3A_54 = vector.broadcast %get3A_53 : vector<1x128xf32> to vector<10000x128xf32>
    %add3A_55 = arith.addf %mul3A_50, %add3A_54 : vector<10000x128xf32>
    %gt3A = arith.constant 0.000000e+00 : f32
    %gt3A_56 = vector.broadcast %gt3A : f32 to vector<10000x128xf32>
    %gt3A_57 = arith.cmpf ogt, %add3A_55, %gt3A_56 : vector<10000x128xf32>
    %mul3A_58 = arith.constant 0.00999999977 : f32
    %mul3A_59 = vector.broadcast %mul3A_58 : f32 to vector<10000x128xf32>
    %mul3A_60 = arith.mulf %mul3A_59, %add3A_55 : vector<10000x128xf32>
    %select_n3A = arith.select %gt3A_57, %add3A_55, %mul3A_60 : vector<10000x128xi1>, vector<10000x128xf32>
    %get3A_61 = arith.constant 0 : index
    %get3A_62 = arith.constant 0 : index
    %get3A_63 = vector.load %arg7[%get3A_61, %get3A_62] : memref<128x128xf32, #tpu.memory_space<vmem>>, vector<128x128xf32>
    %dot_general3A_64 = arith.constant dense<0.000000e+00> : vector<10000x128xf32>
    %dot_general3A_65 = tpu.matmul %select_n3A, %get3A_63, %dot_general3A_64 {dimension_numbers = #tpu.dot_dimension_numbers<[1], [0], [0], [1], [0, 0, 1, 1], [], []>, transpose_lhs_hint = false} : vector<10000x128xf32>, vector<128x128xf32>, vector<10000x128xf32> -> vector<10000x128xf32>
    %get3A_66 = arith.constant 0 : index
    %get3A_67 = arith.constant 0 : index
    %get3A_68 = vector.load %arg8[%get3A_66, %get3A_67] : memref<1x128xf32, #tpu.memory_space<vmem>>, vector<1x128xf32>
    %add3A_69 = vector.broadcast %get3A_68 : vector<1x128xf32> to vector<10000x128xf32>
    %add3A_70 = arith.addf %dot_general3A_65, %add3A_69 : vector<10000x128xf32>
    %reduce_sum3A_71 = arith.constant dense<0.000000e+00> : vector<128xf32>
    %reduce_sum3A_72 = vector.multi_reduction <add>, %add3A_70, %reduce_sum3A_71 [0] : vector<10000x128xf32> to vector<128xf32>
    %broadcast_in_dim3A_73 = vector.shape_cast %reduce_sum3A_72 : vector<128xf32> to vector<1x128xf32>
    %div3A_74 = arith.constant 1.000000e+04 : f32
    %div3A_75 = vector.broadcast %div3A_74 : f32 to vector<1x128xf32>
    %div3A_76 = arith.divf %broadcast_in_dim3A_73, %div3A_75 : vector<1x128xf32>
    %sub3A_77 = vector.broadcast %div3A_76 : vector<1x128xf32> to vector<10000x128xf32>
    %sub3A_78 = arith.subf %add3A_70, %sub3A_77 : vector<10000x128xf32>
    %integer_pow3A_79 = arith.mulf %sub3A_78, %sub3A_78 : vector<10000x128xf32>
    %reduce_sum3A_80 = arith.constant dense<0.000000e+00> : vector<128xf32>
    %reduce_sum3A_81 = vector.multi_reduction <add>, %integer_pow3A_79, %reduce_sum3A_80 [0] : vector<10000x128xf32> to vector<128xf32>
    %broadcast_in_dim3A_82 = vector.shape_cast %reduce_sum3A_81 : vector<128xf32> to vector<1x128xf32>
    %div3A_83 = arith.constant 1.000000e+04 : f32
    %div3A_84 = vector.broadcast %div3A_83 : f32 to vector<1x128xf32>
    %div3A_85 = arith.divf %broadcast_in_dim3A_82, %div3A_84 : vector<1x128xf32>
    %sub3A_86 = vector.broadcast %div3A_76 : vector<1x128xf32> to vector<10000x128xf32>
    %sub3A_87 = arith.subf %add3A_70, %sub3A_86 : vector<10000x128xf32>
    %add3A_88 = arith.constant 9.99999974E-6 : f32
    %add3A_89 = vector.broadcast %add3A_88 : f32 to vector<1x128xf32>
    %add3A_90 = arith.addf %div3A_85, %add3A_89 : vector<1x128xf32>
    %sqrt3A_91 = math.sqrt %add3A_90 : vector<1x128xf32>
    %div3A_92 = vector.broadcast %sqrt3A_91 : vector<1x128xf32> to vector<10000x128xf32>
    %div3A_93 = arith.divf %sub3A_87, %div3A_92 : vector<10000x128xf32>
    %get3A_94 = arith.constant 0 : index
    %get3A_95 = arith.constant 0 : index
    %get3A_96 = vector.load %arg9[%get3A_94, %get3A_95] : memref<1x128xf32, #tpu.memory_space<vmem>>, vector<1x128xf32>
    %mul3A_97 = vector.broadcast %get3A_96 : vector<1x128xf32> to vector<10000x128xf32>
    %mul3A_98 = arith.mulf %div3A_93, %mul3A_97 : vector<10000x128xf32>
    %get3A_99 = arith.constant 0 : index
    %get3A_100 = arith.constant 0 : index
    %get3A_101 = vector.load %arg10[%get3A_99, %get3A_100] : memref<1x128xf32, #tpu.memory_space<vmem>>, vector<1x128xf32>
    %add3A_102 = vector.broadcast %get3A_101 : vector<1x128xf32> to vector<10000x128xf32>
    %add3A_103 = arith.addf %mul3A_98, %add3A_102 : vector<10000x128xf32>
    %gt3A_104 = arith.constant 0.000000e+00 : f32
    %gt3A_105 = vector.broadcast %gt3A_104 : f32 to vector<10000x128xf32>
    %gt3A_106 = arith.cmpf ogt, %add3A_103, %gt3A_105 : vector<10000x128xf32>
    %mul3A_107 = arith.constant 0.00999999977 : f32
    %mul3A_108 = vector.broadcast %mul3A_107 : f32 to vector<10000x128xf32>
    %mul3A_109 = arith.mulf %mul3A_108, %add3A_103 : vector<10000x128xf32>
    %select_n3A_110 = arith.select %gt3A_106, %add3A_103, %mul3A_109 : vector<10000x128xi1>, vector<10000x128xf32>
    %gt3A_111 = arith.constant 0.000000e+00 : f32
    %gt3A_112 = vector.broadcast %gt3A_111 : f32 to vector<10000x128xf32>
    %gt3A_113 = arith.cmpf ogt, %select_n3A_110, %gt3A_112 : vector<10000x128xf32>
    %mul3A_114 = arith.constant 0.00999999977 : f32
    %mul3A_115 = vector.broadcast %mul3A_114 : f32 to vector<10000x128xf32>
    %mul3A_116 = arith.mulf %mul3A_115, %select_n3A_110 : vector<10000x128xf32>
    %select_n3A_117 = arith.select %gt3A_113, %select_n3A_110, %mul3A_116 : vector<10000x128xi1>, vector<10000x128xf32>
    %swap3A = arith.constant 0 : index
    %swap3A_118 = arith.constant 0 : index
    %swap3A_119 = vector.load %arg11[%swap3A, %swap3A_118] : memref<10000x128xf32, #tpu.memory_space<vmem>>, vector<10000x128xf32>
    tpu.vector_store %arg11[%swap3A, %swap3A_118], %select_n3A_117 {strides = array<i32>} : memref<10000x128xf32, #tpu.memory_space<vmem>>, vector<10000x128xf32>,
    return
  }
}

</mosaic_0001>

<sc_bundles>
// kernel: sc_segsum.12.cloned.1.call-start
scs
__scs_entry_jumppad:
0x0: {  	(pc) =	sbr.rel $0x88, $3  }
0x1: {  	(tag) =	ssettag $0x0;
	lr =	simm.s32 $0x1  }
0x2: {  	[smem:$0x3F75] =	sst lr;
	_ =	strace $0xD0000000  }
0x3: {  	_ = 	snop  }
0x4: {  	_ = 	snop  }
0x5: {  	_ = 	snop  }
0x6: {  	_ = 	snop  }
0x7: {  	_ = 	snop  }
__scs_overlays_trampoline_lowered:
0x8: {  	[smem:$0x3F84] =	sst s0  }
0x9: {  	[smem:$0x3F85] =	sst s1  }
0xa: {  	[smem:$0x3F86] =	sst s2  }
0xb: {  	[smem:$0x3F87] =	sst s3  }
0xc: {  	[smem:$0x3F88] =	sst s4  }
0xd: {  	[smem:$0x3F89] =	sst s5  }
0xe: {  	[smem:$0x3F8A] =	sst s6  }
0xf: {  	[smem:$0x3F8B] =	sst s7  }
0x10: {  	[smem:$0x3F8C] =	sst s8  }
0x11: {  	[smem:$0x3F8D] =	sst s9;
	s0 =	simm.s32 @!p0 $0x0  }
0x12: {  	s1 =	sld [smem:$0x3F73];
	s0 =	simm.s32 @p0 $0x1  }
0x13: {  	[smem:$0x3F8E] =	sst s0;
	s0 =	simm.s32 @!p1 $0x0  }
0x14: {  	s2 =	sld [smem:$0x3F72];
	s0 =	simm.s32 @p1 $0x1  }
0x15: {  	[smem:$0x3F8F] =	sst s0;
	s0 =	simm.s32 @!p2 $0x0  }
0x16: {  	s3 =	sld [smem:$0x3FDB];
	s0 =	simm.s32 @p2 $0x1  }
0x17: {  	s4 =	simm.s32 $0x1BF5;
	[smem:$0x3F91] =	sst s0  }
0x18: {  	s0 =	sld [smem:$0x3F74];
	_ =	swait.ge [sflag:s4], $0x0  }
0x19: {  	s7 =	sld [smem:$0x3F75]  }
0x1a: {  	s8 =	sadd.s32 $0xFFFFE003, lr  }
0x1b: {  	s9 =	sadd.s32 $0xFFFFFEF7, lr;
	s5 =	simm.s32 $0xFFFFFFFF;
	p2 =	slt.u32 s8, $0xFFFFF086  }
0x1c: {  	p1 =	slt.u32 s9, $0xF7A;
	s5 =	simm.s32 @!p2 $0x0  }
0x1d: {  	s5 =	simm.s32 @p1 $0x1;
	p0 =	seq.s32 s7, s2  }
0x1e: {  	s7 =	smul.u32 @!p0 $0xF7A, s2;
	p2 =	seq.s32 @!p0 s5, $0x0  }
0x1f: {  	s9 =	smul.u32 $0xF7A, s1;
	s8 =	simm.s32 @!p0 $0x1BF5;
	p2 =	por !p2, p0  }
0x20: {  	[sflag:s8] =	ssyncset.s32 @!p0 $0xFFFFF086;
	s6 =	sadd.s32 @!p0 s3, s7;
	s7 =	simm.s32 @!p0 $0x108  }
0x21: {  	s3 =	sadd.s32 s3, s9;
	s6 =	sadd.s32 @!p0 $0x88, s6;
	s7 =	simm.s32 @p2 $0x1082  }
0x22: {  	[simem:s7], [sflag:s8] =	dma.local @!p0 [hbm:s6], $0xF7A  }
0x23: {  	s9 =	sor.u32 $0xD0000000, s2;
	s6 =	simm.s32 $0x108;
	_ =	swait.ge @!p0 [sflag:s8], $0x0  }
0x24: {  	s3 =	sadd.s32 $0x88, s3;
	s6 =	simm.s32 @!p1 $0x1082;
	[sflag:s4] =	ssyncset.s32 $0xFFFFF086  }
0x25: {  	[simem:s6], [sflag:s4] =	dma.local [hbm:s3], $0xF7A  }
0x26: {  	[smem:$0x3F75] =	sst s1;
	(tag) =	ssettag s2;
	_ =	strace s9  }
0x27: {  	s1 =	sld [smem:$0x3F85]  }
0x28: {  	s2 =	sld [smem:$0x3F86]  }
0x29: {  	s4 =	sld [smem:$0x3F88]  }
0x2a: {  	p0 =	seq.s32 s5, $0x0;
	s5 =	sld [smem:$0x3F89]  }
0x2b: {  	s6 =	sld [smem:$0x3F8A]  }
0x2c: {  	s7 =	sld [smem:$0x3F8B]  }
0x2d: {  	s3 =	simm.s32 $0x108;
	s8 =	sld [smem:$0x3F8C]  }
0x2e: {  	s3 =	simm.s32 @!p0 $0x1082;
	s9 =	sld [smem:$0x3F8D]  }
0x2f: {  	lr =	sadd.s32 s0, s3;
	s0 =	sld [smem:$0x3F84]  }
0x30: {  	s3 =	sld [smem:$0x3F87]  }
0x31: {  	[smem:$0x3F90] =	sst s10  }
0x32: {  	s10 =	sld [smem:$0x3F8E];
	_ =	sdelay $0x3  }
0x33: {  	p0 =	seq.s32 s10, $0x1;
	s10 =	sld [smem:$0x3F90];
	_ =	sdelay $0x3  }
0x34: {  	[smem:$0x3F90] =	sst s10  }
0x35: {  	s10 =	sld [smem:$0x3F8F];
	_ =	sdelay $0x3  }
0x36: {  	p1 =	seq.s32 s10, $0x1;
	s10 =	sld [smem:$0x3F90];
	_ =	sdelay $0x3  }
0x37: {  	[smem:$0x3F90] =	sst s10  }
0x38: {  	s10 =	sld [smem:$0x3F91]  }
0x39: {  	_ = 	snop;
	(pc) =	sbr.ind lr, $3  }
0x3a: {  	_ = 	snop  }
0x3b: {  	_ = 	snop  }
0x3c: {  	p2 =	seq.s32 s10, $0x1;
	s10 =	sld [smem:$0x3F90]  }
0x3d: {  	_ =	shalt  }
0x3e: {  	_ =	shalt  }
0x3f: {  	_ =	shalt  }
0x40: {  	_ =	shalt  }
0x41: {  	_ =	shalt  }
0x42: {  	_ =	shalt  }
0x43: {  	_ =	shalt  }
0x44: {  	_ =	shalt  }
0x45: {  	_ =	shalt  }
0x46: {  	_ =	shalt  }
0x47: {  	_ =	shalt  }
0x48: {  	_ =	shalt  }
0x49: {  	_ =	shalt  }
0x4a: {  	_ =	shalt  }
0x4b: {  	_ =	shalt  }
0x4c: {  	_ =	shalt  }
0x4d: {  	_ =	shalt  }
0x4e: {  	_ =	shalt  }
0x4f: {  	_ =	shalt  }
0x50: {  	_ =	shalt  }
0x51: {  	_ =	shalt  }
0x52: {  	_ =	shalt  }
0x53: {  	_ =	shalt  }
0x54: {  	_ =	shalt  }
0x55: {  	_ =	shalt  }
0x56: {  	_ =	shalt  }
0x57: {  	_ =	shalt  }
0x58: {  	_ =	shalt  }
0x59: {  	_ =	shalt  }
0x5a: {  	_ =	shalt  }
0x5b: {  	_ =	shalt  }
0x5c: {  	_ =	shalt  }
0x5d: {  	_ =	shalt  }
0x5e: {  	_ =	shalt  }
0x5f: {  	_ =	shalt  }
0x60: {  	_ =	shalt  }
0x61: {  	_ =	shalt  }
0x62: {  	_ =	shalt  }
0x63: {  	_ =	shalt  }
0x64: {  	_ =	shalt  }
0x65: {  	_ =	shalt  }
0x66: {  	_ =	shalt  }
0x67: {  	_ =	shalt  }
0x68: {  	_ =	shalt  }
0x69: {  	_ =	shalt  }
0x6a: {  	_ =	shalt  }
0x6b: {  	_ =	shalt  }
0x6c: {  	_ =	shalt  }
0x6d: {  	_ =	shalt  }
0x6e: {  	_ =	shalt  }
0x6f: {  	_ =	shalt  }
0x70: {  	_ =	shalt  }
0x71: {  	_ =	shalt  }
0x72: {  	_ =	shalt  }
0x73: {  	_ =	shalt  }
0x74: {  	_ =	shalt  }
0x75: {  	_ =	shalt  }
0x76: {  	_ =	shalt  }
0x77: {  	_ =	shalt  }
0x78: {  	_ =	shalt  }
0x79: {  	_ =	shalt  }
0x7a: {  	_ =	shalt  }
0x7b: {  	_ =	shalt  }
0x7c: {  	_ =	shalt  }
0x7d: {  	_ =	shalt  }
0x7e: {  	_ =	shalt  }
0x7f: {  	_ =	shalt  }
0x80: {  	_ =	shalt  }
0x81: {  	_ =	shalt  }
0x82: {  	_ =	shalt  }
0x83: {  	_ =	shalt  }
0x84: {  	_ =	shalt  }
0x85: {  	_ =	shalt  }
0x86: {  	_ =	shalt  }
0x87: {  	_ =	shalt  }
.Lfunc_end0:
.L_simem_size_0:
called_computation.2_lowered:
.L_overlay_start_0:
0x88: {  	s2 =	sld [smem:$0x3FD9]  }
0x89: {  	s3 =	sld [smem:$0x3FFE];
	_ =	sdelay $0x1  }
0x8a: {  	s1 =	srdreg.scid  }
0x8b: {  	s0 =	sand.u32 $0x1, s1  }
0x8c: {  	s16 =	sshll.u32 s0, $0xA;
	s2 =	sadd.s32 s3, s2  }
0x8d: {  	s2 =	sadd.s32 s2, s16  }
0x8e: {  	[smem:$0x3F9C] =	sst s2  }
0x8f: {  	_ = 	snop  }
0x90: {  	(tm) =	ssettm $0x1  }
0x91: {  	s17 =	sld [smem:$0x3FFB];
	_ =	sdelay $0x3  }
0x92: {  	_ =	strace s17  }
0x93: {  	s2 =	sld [smem:$0x3FFC];
	_ =	sdelay $0x3  }
0x94: {  	_ =	strace s2  }
0x95: {  	s2 =	sld [smem:$0x3FFD];
	_ =	sdelay $0x3  }
0x96: {  	_ =	strace s2  }
0x97: {  	_ =	strace $0x8FFFFFFF  }
0x98: {  	s18 =	sld [smem:$0x3FDB];
	_ =	sdelay $0x1  }
0x99: {  	s19 =	simm.s32 $_scs_section_size  }
0x9a: {  	s4 =	simm.s32 $_size__tile_overlayer_lowered;
	s5 =	simm.s32 $_tile_overlayer_lowered  }
0x9b: {  	s22 =	simm.s32 $0x1BFF;
	s21 =	sshll.u32 s5, $0x1;
	s2 =	sadd.s32 s19, s18  }
0x9c: {  	s6 =	simm.s32 $0x0;
	s20 =	sshll.u32 s4, $0x1;
	s4 =	sadd.s32 s21, s2  }
0x9d: {  	[timem:s6], [sflag:s22] =	dma.local [hbm:s4], s20  }
0x9e: {  	_ =	swait.ge [sflag:s22], s20  }
0x9f: {  	s3 =	ssub.s32 $0x0, s20;
	[sflag:s22] =	ssyncset.done $0x0  }
0xa0: {  	[sflag:s22] =	ssyncadd.s32 s3;
	_ =	sdelay $0x1  }
0xa1: {  	s23 =	simm.s32 $0x1B8B  }
0xa2: {  	_ =	swait.ge [sflag:s23], $0x1  }
0xa3: {  	[sflag:s23] =	ssyncset.done $0x0  }
0xa4: {  	s25 =	simm.s32 $0x1B8E;
	s24 =	sld [smem:$0x3FFE];
	[sflag:s23] =	ssyncadd.s32 $0xFFFFFFFF  }
0xa5: {  	s26 =	simm.s32 $execute0_lowered;
	[smem:$0x3FD2] =	sst s25  }
0xa6: {  	s4 =	sshll.u32 s26, $0x1;
	_ =	strace $0x8000004C;
	[dreg:$0x1] =	wrdreg $0xFFFFFFFF  }
0xa7: {  	s28 =	simm.s32 $_size_execute0_lowered;
	s2 =	sadd.s32 s2, s4;
	[dreg:$0x0] =	wrdreg $0x0  }
0xa8: {  	s4 =	sshll.u32 s28, $0x1;
	[dreg:$0x2] =	wrdreg s2  }
0xa9: {  	[dreg:$0x3] =	wrdreg s4  }
0xaa: {  	[dreg:$0x4] =	wrdreg $0xC0  }
0xab: {  	_ =	task [dreg:s6], $0x5FFFF  }
0xac: {  	[dreg:$0x1] =	wrdreg $0xFFFFFFFF  }
0xad: {  	[dreg:$0x0] =	wrdreg $0x60  }
0xae: {  	[dreg:$0x2] =	wrdreg s24  }
0xaf: {  	[dreg:$0x3] =	wrdreg $0x88000  }
0xb0: {  	[dreg:$0x4] =	wrdreg $0x9  }
0xb1: {  	_ =	task.clear_ibuf [dreg:s6], $0x5FFFF;
	_ =	strace $0x9000004C  }
0xb2: {  	s29 =	simm.s32 $0x9;
	_ =	strace $0x8000004E  }
0xb3: {  	_ =	swait.ge [sflag:s29], $0x1  }
0xb4: {  	[sflag:s29] =	ssyncadd.s32 $0xFFFFFFFF  }
0xb5: {  	_ =	strace $0x9000004E  }
0xb6: {  	_ =	sfence  }
0xb7: {  	s30 =	sld [smem:$0x0];
	_ =	sdelay $0x2  }
0xb8: {  	s31 =	sshll.u32 s1, $0xD;
	s1 =	sshrl.u32 s1, $0x2  }
0xb9: {  	s3 =	sand.u32 $0x4000, s31;
	s1 =	sadd.s32 s1, s30  }
0xba: {  	s0 =	sor.u32 s3, s0;
	s1 =	sshll.u32 s1, $0x11  }
0xbb: {  	s0 =	sor.u32 s1, s0  }
0xbc: {  	s0 =	sadd.s32 $0x8F2B, s0  }
0xbd: {  	[sflag:s0] =	ssyncadd.remote.s32 $0x1  }
0xbe: {  	_ =	sfence.sel $0xFFFF  }
0xbf: {  	[dreg:$0x0] =	wrdreg $0xFFFFFFFF;
	(pc) =	sbr.abs _section_cstart, $3  }
0xc0: {  	[dreg:$0x1] =	wrdreg $0xFFFFFFFF  }
0xc1: {  	_ =	task.clear_ibuf [dreg:s6], $0x2FFFF;
	_ =	strace $0x9FFFFFFF  }
0xc2: {  	(tm) =	ssettm $0x7FFFFFFF  }
0xc3: {  	_ =	shalt  }
tec
execute0_lowered:
.L_overlay_start_1:
0x0: {  	(tag) =	ssettag $0x1  }
0x1: {  	s0 =	rddreg [dreg:$0x0]  }
0x2: {  	s2 =	rddreg [dreg:$0x1]  }
0x3: {  	s10 =	stileid.u32;
	s1 =	srdreg.scid  }
0x4: {  	s3 =	simm.s32 $0x0;
	s11 =	simm.s32 $0x5;
	s12 =	simm.s32 $0x400  }
0x5: {  	s13 =	simm.s32 $0x80;
	s14 =	simm.s32 $0x800;
	s15 =	simm.s32 $0x4800  }
0x6: {  	s16 =	simm.s32 $0x1;
	s17 =	simm.s32 $0x3;
	s18 =	simm.s32 $0x100  }
0x7: {  	s19 =	simm.s32 $0x2;
	s28 =	simm.s32 $0x600;
	s29 =	simm.s32 $0x300  }
0x8: {  	s30 =	simm.s32 $0x680;
	s31 =	simm.s32 $0x380;
	s5 =	smul.u32 $0xA00, s10  }
0x9: {  	s1 =	sand.u32 $0x1, s1;
	[smem:$0x7FF] =	sst s3;
	s7 =	smul.u32 $0x14000, s10  }
0xa: {  	s4 =	sadd.s32 $0x1E400, s0;
	s8 =	sadd.s32 $0x1BC00, s0;
	s21 =	smul.u32 $0x50000, s10  }
0xb: {  	s24 =	sshll.u32 s10, $0x6;
	s6 =	smul.u32 $0x140000, s1;
	_ =	strace $0x8000004D  }
0xc: {  	[dreg:$0x4] =	wrdreg s8;
	s20 =	ssub.s32 $0x2, s1;
	s1 =	smul.u32 $0x500, s1  }
0xd: {  	s8 =	sor.u32 $0x1C05, s24;
	s24 =	simm.s32 $0x200;
	s5 =	sadd.s32 s5, s0  }
0xe: {  	s9 =	sshrl.u32 s20, $0x1;
	s23 =	sshrl.u32 s21, $0x2;
	s21 =	simm.s32 $0x4  }
0xf: {  	[dreg:$0x5] =	wrdreg s8;
	s6 =	sadd.s32 s7, s6;
	s22 =	ssub.s32 s20, s9  }
0x10: {  	s7 =	sadd.s32 s23, s2;
	s1 =	sadd.s32 s1, s5;
	s20 =	simm.s32 $0x480  }
0x11: {  	s23 =	simm.s32 $0x500;
	s6 =	sshrl.u32 s6, $0x3;
	s25 =	sadd.s32 $0x11C00, s1  }
0x12: {  	s26 =	smax.u32 s22, $0x1;
	s9 =	sadd.s32 $0x7C00, s1;
	s22 =	simm.s32 $0x180  }
0x13: {  	s1 =	simm.s32 $0x780;
	s0 =	sadd.s32 s6, s0;
	[dreg:$0x7] =	wrdreg s26  }
0x14: {  	[dreg:$0x3] =	wrdreg s25;
	s6 =	sshrl.u32 s7, $0x3;
	s25 =	simm.s32 $0x580  }
0x15: {  	s26 =	simm.s32 $0x280;
	s0 =	sadd.s32 $0x6EA00, s0;
	[dreg:$0x8] =	wrdreg s6  }
0x16: {  	s7 =	simm.s32 $0x0;
	[dreg:$0x6] =	wrdreg s0;
	s0 =	simm.s32 $0x700  }
.LBB2_1:
0x17: {  	[dreg:$0x9] =	wrdreg s7  }
0x18: {  	s5 =	rddreg [dreg:$0x4]  }
0x19: {  	[spmem:s6], [sflag:s8] =	dma.local [hbm:s5], $0x2800  }
0x1a: {  	_ =	swait.ge [sflag:s11], $0x2800  }
0x1b: {  	[sflag:s11] =	ssyncset.done $0x0  }
0x1c: {  	[sflag:s11] =	ssyncadd.s32 $0xFFFFD800  }
0x1d: {  	s8 =	sadd.s32 $0x0, s9;
	[bflag:$0x0] =	sbarrier.arrive $0xFFFF  }
0x1e: {  	[tilespmem:s3], [sflag:$0x5] =	stream.linear.gather [hbm4b:s8+s3], $0x400, $0x38;
	[tilespmem:$0x1C800] =	vst v63  }
0x1f: {  	_ =	swait.ge [sflag:s11], $0x400  }
0x20: {  	s10 =	rddreg [dreg:$0x3];
	[sflag:s11] =	ssyncset.done $0x0  }
0x21: {  	[sflag:s11] =	ssyncadd.s32 $0xFFFFFC00;
	s6 =	sadd.s32 $0x0, s10  }
0x22: {  	[tilespmem:s12], [sflag:$0x5] =	stream.linear.gather [hbm4b:s6+s3], $0x400, $0x38;
	[tilespmem:$0x1C800] =	vst v63  }
0x23: {  	_ =	swait.ge [sflag:s11], $0x400  }
0x24: {  	[sflag:s11] =	ssyncset.done $0x0  }
0x25: {  	[sflag:s11] =	ssyncadd.s32 $0xFFFFFC00  }
0x26: {  	[tilespmem:s14], [sflag:$0x1] =	stream.indirect.gather [hbm4b:s4+s13], $0x80, s3, s13, $0xb8;
	[tilespmem:$0x1C800] =	vst v63  }
0x27: {  	_ = 	snop  }
0x28: {  	[tilespmem:s15], [sflag:$0x2] =	stream.indirect.gather [hbm4b:s4+s13], $0x80, s13, s13, $0xb8;
	[tilespmem:$0x1C800] =	vst v63  }
0x29: {  	_ =	swait.ge [sflag:s16], $0x4000  }
0x2a: {  	[sflag:s16] =	ssyncset.done $0x0  }
0x2b: {  	[sflag:s16] =	ssyncadd.s32 $0xFFFFC000  }
0x2c: {  	[spmem:s2] =	stream.indirect.scatter.add.f32 [tilespmem:s14], [sflag:$0x3], $0x80, s12, s13, $0xb8;
	[tilespmem:$0x1C800] =	vst v63  }
0x2d: {  	_ =	swait.ge [sflag:s17], $0x4000  }
0x2e: {  	[sflag:s17] =	ssyncset.done $0x0  }
0x2f: {  	[sflag:s17] =	ssyncadd.s32 $0xFFFFC000  }
0x30: {  	[tilespmem:s14], [sflag:$0x1] =	stream.indirect.gather [hbm4b:s4+s13], $0x80, s18, s13, $0xb8;
	[tilespmem:$0x1C800] =	vst v63  }
0x31: {  	_ =	swait.ge [sflag:s19], $0x4000  }
0x32: {  	[sflag:s19] =	ssyncset.done $0x0  }
0x33: {  	[sflag:s19] =	ssyncadd.s32 $0xFFFFC000  }
0x34: {  	[spmem:s2] =	stream.indirect.scatter.add.f32 [tilespmem:s15], [sflag:$0x4], $0x80, s20, s13, $0xb8;
	[tilespmem:$0x1C800] =	vst v63  }
0x35: {  	_ =	swait.ge [sflag:s21], $0x4000  }
0x36: {  	[sflag:s21] =	ssyncset.done $0x0  }
0x37: {  	[sflag:s21] =	ssyncadd.s32 $0xFFFFC000  }
0x38: {  	[tilespmem:s15], [sflag:$0x2] =	stream.indirect.gather [hbm4b:s4+s13], $0x80, s22, s13, $0xb8;
	[tilespmem:$0x1C800] =	vst v63  }
0x39: {  	_ =	swait.ge [sflag:s16], $0x4000  }
0x3a: {  	[sflag:s16] =	ssyncset.done $0x0  }
0x3b: {  	[sflag:s16] =	ssyncadd.s32 $0xFFFFC000  }
0x3c: {  	[spmem:s2] =	stream.indirect.scatter.add.f32 [tilespmem:s14], [sflag:$0x3], $0x80, s23, s13, $0xb8;
	[tilespmem:$0x1C800] =	vst v63  }
0x3d: {  	_ =	swait.ge [sflag:s17], $0x4000  }
0x3e: {  	[sflag:s17] =	ssyncset.done $0x0  }
0x3f: {  	[sflag:s17] =	ssyncadd.s32 $0xFFFFC000  }
0x40: {  	[tilespmem:s14], [sflag:$0x1] =	stream.indirect.gather [hbm4b:s4+s13], $0x80, s24, s13, $0xb8;
	[tilespmem:$0x1C800] =	vst v63  }
0x41: {  	_ =	swait.ge [sflag:s19], $0x4000  }
0x42: {  	[sflag:s19] =	ssyncset.done $0x0  }
0x43: {  	[sflag:s19] =	ssyncadd.s32 $0xFFFFC000  }
0x44: {  	[spmem:s2] =	stream.indirect.scatter.add.f32 [tilespmem:s15], [sflag:$0x4], $0x80, s25, s13, $0xb8;
	[tilespmem:$0x1C800] =	vst v63  }
0x45: {  	_ =	swait.ge [sflag:s21], $0x4000  }
0x46: {  	[sflag:s21] =	ssyncset.done $0x0  }
0x47: {  	[sflag:s21] =	ssyncadd.s32 $0xFFFFC000  }
0x48: {  	[tilespmem:s15], [sflag:$0x2] =	stream.indirect.gather [hbm4b:s4+s13], $0x80, s26, s13, $0xb8;
	[tilespmem:$0x1C800] =	vst v63  }
0x49: {  	_ =	swait.ge [sflag:s16], $0x4000  }
0x4a: {  	[sflag:s16] =	ssyncset.done $0x0  }
0x4b: {  	[sflag:s16] =	ssyncadd.s32 $0xFFFFC000  }
0x4c: {  	[spmem:s2] =	stream.indirect.scatter.add.f32 [tilespmem:s14], [sflag:$0x3], $0x80, s28, s13, $0xb8;
	[tilespmem:$0x1C800] =	vst v63  }
0x4d: {  	_ =	swait.ge [sflag:s17], $0x4000  }
0x4e: {  	[sflag:s17] =	ssyncset.done $0x0  }
0x4f: {  	[sflag:s17] =	ssyncadd.s32 $0xFFFFC000  }
0x50: {  	[tilespmem:s14], [sflag:$0x1] =	stream.indirect.gather [hbm4b:s4+s13], $0x80, s29, s13, $0xb8;
	[tilespmem:$0x1C800] =	vst v63  }
0x51: {  	_ =	swait.ge [sflag:s19], $0x4000  }
0x52: {  	[sflag:s19] =	ssyncset.done $0x0  }
0x53: {  	[sflag:s19] =	ssyncadd.s32 $0xFFFFC000  }
0x54: {  	[spmem:s2] =	stream.indirect.scatter.add.f32 [tilespmem:s15], [sflag:$0x4], $0x80, s30, s13, $0xb8;
	[tilespmem:$0x1C800] =	vst v63  }
0x55: {  	_ =	swait.ge [sflag:s21], $0x4000  }
0x56: {  	[sflag:s21] =	ssyncset.done $0x0  }
0x57: {  	[sflag:s21] =	ssyncadd.s32 $0xFFFFC000  }
0x58: {  	[tilespmem:s15], [sflag:$0x2] =	stream.indirect.gather [hbm4b:s4+s13], $0x80, s31, s13, $0xb8;
	[tilespmem:$0x1C800] =	vst v63  }
0x59: {  	_ =	swait.ge [sflag:s16], $0x4000  }
0x5a: {  	[sflag:s16] =	ssyncset.done $0x0  }
0x5b: {  	[sflag:s16] =	ssyncadd.s32 $0xFFFFC000  }
0x5c: {  	[spmem:s2] =	stream.indirect.scatter.add.f32 [tilespmem:s14], [sflag:$0x3], $0x80, s0, s13, $0xb8;
	[tilespmem:$0x1C800] =	vst v63  }
0x5d: {  	_ =	swait.ge [sflag:s19], $0x4000  }
0x5e: {  	[sflag:s19] =	ssyncset.done $0x0  }
0x5f: {  	[sflag:s19] =	ssyncadd.s32 $0xFFFFC000  }
0x60: {  	[spmem:s2] =	stream.indirect.scatter.add.f32 [tilespmem:s15], [sflag:$0x4], $0x80, s1, s13, $0xb8;
	[tilespmem:$0x1C800] =	vst v63  }
0x61: {  	_ =	swait.ge [sflag:s17], $0x4000  }
0x62: {  	[sflag:s17] =	ssyncset.done $0x0  }
0x63: {  	[sflag:s17] =	ssyncadd.s32 $0xFFFFC000  }
0x64: {  	_ =	swait.ge [sflag:s21], $0x4000  }
0x65: {  	s7 =	simm.s32 $0x80;
	s8 =	simm.s32 $0x100;
	[sflag:s21] =	ssyncset.done $0x0  }
.LBB2_2:
0x66: {  	s10 =	sadd.s32 s7, s9;
	[sflag:s21] =	ssyncadd.s32 $0xFFFFC000  }
0x67: {  	[tilespmem:s3], [sflag:$0x5] =	stream.linear.gather [hbm4b:s10+s3], $0x400, $0x38;
	[tilespmem:$0x1C800] =	vst v63  }
0x68: {  	s5 =	smov.u32 s8;
	_ =	swait.ge [sflag:s11], $0x400  }
0x69: {  	s6 =	sadd.s32 $0x80, s8;
	s10 =	rddreg [dreg:$0x3];
	[sflag:s11] =	ssyncset.done $0x0  }
0x6a: {  	p0 =	sne.s32 s8, $0x480;
	[sflag:s11] =	ssyncadd.s32 $0xFFFFFC00;
	s8 =	sadd.s32 s7, s10  }
0x6b: {  	[tilespmem:s12], [sflag:$0x5] =	stream.linear.gather [hbm4b:s8+s3], $0x400, $0x38;
	[tilespmem:$0x1C800] =	vst v63  }
0x6c: {  	_ =	swait.ge [sflag:s11], $0x400  }
0x6d: {  	[sflag:s11] =	ssyncset.done $0x0  }
0x6e: {  	[sflag:s11] =	ssyncadd.s32 $0xFFFFFC00  }
0x6f: {  	[tilespmem:s14], [sflag:$0x1] =	stream.indirect.gather [hbm4b:s4+s13], $0x80, s3, s13, $0xb8;
	[tilespmem:$0x1C800] =	vst v63  }
0x70: {  	_ = 	snop  }
0x71: {  	[tilespmem:s15], [sflag:$0x2] =	stream.indirect.gather [hbm4b:s4+s13], $0x80, s13, s13, $0xb8;
	[tilespmem:$0x1C800] =	vst v63  }
0x72: {  	_ =	swait.ge [sflag:s16], $0x4000  }
0x73: {  	[sflag:s16] =	ssyncset.done $0x0  }
0x74: {  	[sflag:s16] =	ssyncadd.s32 $0xFFFFC000  }
0x75: {  	[spmem:s2] =	stream.indirect.scatter.add.f32 [tilespmem:s14], [sflag:$0x3], $0x80, s12, s13, $0xb8;
	[tilespmem:$0x1C800] =	vst v63  }
0x76: {  	_ =	swait.ge [sflag:s17], $0x4000  }
0x77: {  	[sflag:s17] =	ssyncset.done $0x0  }
0x78: {  	[sflag:s17] =	ssyncadd.s32 $0xFFFFC000  }
0x79: {  	[tilespmem:s14], [sflag:$0x1] =	stream.indirect.gather [hbm4b:s4+s13], $0x80, s18, s13, $0xb8;
	[tilespmem:$0x1C800] =	vst v63  }
0x7a: {  	_ =	swait.ge [sflag:s19], $0x4000  }
0x7b: {  	[sflag:s19] =	ssyncset.done $0x0  }
0x7c: {  	[sflag:s19] =	ssyncadd.s32 $0xFFFFC000  }
0x7d: {  	[spmem:s2] =	stream.indirect.scatter.add.f32 [tilespmem:s15], [sflag:$0x4], $0x80, s20, s13, $0xb8;
	[tilespmem:$0x1C800] =	vst v63  }
0x7e: {  	_ =	swait.ge [sflag:s21], $0x4000  }
0x7f: {  	[sflag:s21] =	ssyncset.done $0x0  }
0x80: {  	[sflag:s21] =	ssyncadd.s32 $0xFFFFC000  }
0x81: {  	[tilespmem:s15], [sflag:$0x2] =	stream.indirect.gather [hbm4b:s4+s13], $0x80, s22, s13, $0xb8;
	[tilespmem:$0x1C800] =	vst v63  }
0x82: {  	_ =	swait.ge [sflag:s16], $0x4000  }
0x83: {  	[sflag:s16] =	ssyncset.done $0x0  }
0x84: {  	[sflag:s16] =	ssyncadd.s32 $0xFFFFC000  }
0x85: {  	[spmem:s2] =	stream.indirect.scatter.add.f32 [tilespmem:s14], [sflag:$0x3], $0x80, s23, s13, $0xb8;
	[tilespmem:$0x1C800] =	vst v63  }
0x86: {  	_ =	swait.ge [sflag:s17], $0x4000  }
0x87: {  	[sflag:s17] =	ssyncset.done $0x0  }
0x88: {  	[sflag:s17] =	ssyncadd.s32 $0xFFFFC000  }
0x89: {  	[tilespmem:s14], [sflag:$0x1] =	stream.indirect.gather [hbm4b:s4+s13], $0x80, s24, s13, $0xb8;
	[tilespmem:$0x1C800] =	vst v63  }
0x8a: {  	_ =	swait.ge [sflag:s19], $0x4000  }
0x8b: {  	[sflag:s19] =	ssyncset.done $0x0  }
0x8c: {  	[sflag:s19] =	ssyncadd.s32 $0xFFFFC000  }
0x8d: {  	[spmem:s2] =	stream.indirect.scatter.add.f32 [tilespmem:s15], [sflag:$0x4], $0x80, s25, s13, $0xb8;
	[tilespmem:$0x1C800] =	vst v63  }
0x8e: {  	_ =	swait.ge [sflag:s21], $0x4000  }
0x8f: {  	[sflag:s21] =	ssyncset.done $0x0  }
0x90: {  	[sflag:s21] =	ssyncadd.s32 $0xFFFFC000  }
0x91: {  	[tilespmem:s15], [sflag:$0x2] =	stream.indirect.gather [hbm4b:s4+s13], $0x80, s26, s13, $0xb8;
	[tilespmem:$0x1C800] =	vst v63  }
0x92: {  	_ =	swait.ge [sflag:s16], $0x4000  }
0x93: {  	[sflag:s16] =	ssyncset.done $0x0  }
0x94: {  	[sflag:s16] =	ssyncadd.s32 $0xFFFFC000  }
0x95: {  	[spmem:s2] =	stream.indirect.scatter.add.f32 [tilespmem:s14], [sflag:$0x3], $0x80, s28, s13, $0xb8;
	[tilespmem:$0x1C800] =	vst v63  }
0x96: {  	_ =	swait.ge [sflag:s17], $0x4000  }
0x97: {  	[sflag:s17] =	ssyncset.done $0x0  }
0x98: {  	[sflag:s17] =	ssyncadd.s32 $0xFFFFC000  }
0x99: {  	[tilespmem:s14], [sflag:$0x1] =	stream.indirect.gather [hbm4b:s4+s13], $0x80, s29, s13, $0xb8;
	[tilespmem:$0x1C800] =	vst v63  }
0x9a: {  	_ =	swait.ge [sflag:s19], $0x4000  }
0x9b: {  	[sflag:s19] =	ssyncset.done $0x0  }
0x9c: {  	[sflag:s19] =	ssyncadd.s32 $0xFFFFC000  }
0x9d: {  	[spmem:s2] =	stream.indirect.scatter.add.f32 [tilespmem:s15], [sflag:$0x4], $0x80, s30, s13, $0xb8;
	[tilespmem:$0x1C800] =	vst v63  }
0x9e: {  	_ =	swait.ge [sflag:s21], $0x4000  }
0x9f: {  	[sflag:s21] =	ssyncset.done $0x0  }
0xa0: {  	[sflag:s21] =	ssyncadd.s32 $0xFFFFC000  }
0xa1: {  	[tilespmem:s15], [sflag:$0x2] =	stream.indirect.gather [hbm4b:s4+s13], $0x80, s31, s13, $0xb8;
	[tilespmem:$0x1C800] =	vst v63  }
0xa2: {  	_ =	swait.ge [sflag:s16], $0x4000  }
0xa3: {  	[sflag:s16] =	ssyncset.done $0x0  }
0xa4: {  	[sflag:s16] =	ssyncadd.s32 $0xFFFFC000  }
0xa5: {  	[spmem:s2] =	stream.indirect.scatter.add.f32 [tilespmem:s14], [sflag:$0x3], $0x80, s0, s13, $0xb8;
	[tilespmem:$0x1C800] =	vst v63  }
0xa6: {  	_ =	swait.ge [sflag:s19], $0x4000  }
0xa7: {  	[sflag:s19] =	ssyncset.done $0x0  }
0xa8: {  	[sflag:s19] =	ssyncadd.s32 $0xFFFFC000  }
0xa9: {  	[spmem:s2] =	stream.indirect.scatter.add.f32 [tilespmem:s15], [sflag:$0x4], $0x80, s1, s13, $0xb8;
	[tilespmem:$0x1C800] =	vst v63  }
.Ltmp0:
0xaa: {  	_ =	swait.ge [sflag:s17], $0x4000;
	(pc) =	sbr.rel @p0 .LBB2_2-.Ltmp0, $4  }
0xab: {  	[sflag:s17] =	ssyncset.done $0x0  }
0xac: {  	[sflag:s17] =	ssyncadd.s32 $0xFFFFC000  }
0xad: {  	_ =	swait.ge [sflag:s21], $0x4000  }
0xae: {  	s7 =	smov.u32 s5;
	s8 =	smov.u32 s6;
	[sflag:s21] =	ssyncset.done $0x0  }
0xaf: {  	s5 =	sadd.s32 s7, s9;
	[sflag:s21] =	ssyncadd.s32 $0xFFFFC000  }
0xb0: {  	[tilespmem:s3], [sflag:$0x5] =	stream.linear.gather [hbm4b:s5+s3], $0x400, $0x38;
	[tilespmem:$0x1C800] =	vst v63  }
0xb1: {  	_ =	swait.ge [sflag:s11], $0x400  }
0xb2: {  	s8 =	rddreg [dreg:$0x3];
	[sflag:s11] =	ssyncset.done $0x0  }
0xb3: {  	s5 =	sadd.s32 s7, s8;
	[sflag:s11] =	ssyncadd.s32 $0xFFFFFC00  }
0xb4: {  	[tilespmem:s12], [sflag:$0x5] =	stream.linear.gather [hbm4b:s5+s3], $0x400, $0x38;
	[tilespmem:$0x1C800] =	vst v63  }
0xb5: {  	_ =	swait.ge [sflag:s11], $0x400  }
0xb6: {  	[sflag:s11] =	ssyncset.done $0x0  }
0xb7: {  	[sflag:s11] =	ssyncadd.s32 $0xFFFFFC00  }
0xb8: {  	[tilespmem:s14], [sflag:$0x1] =	stream.indirect.gather [hbm4b:s4+s13], $0x80, s3, s13, $0xb8;
	[tilespmem:$0x1C800] =	vst v63  }
0xb9: {  	_ = 	snop  }
0xba: {  	[tilespmem:s15], [sflag:$0x2] =	stream.indirect.gather [hbm4b:s4+s13], $0x80, s13, s13, $0xb8;
	[tilespmem:$0x1C800] =	vst v63  }
0xbb: {  	_ =	swait.ge [sflag:s16], $0x4000  }
0xbc: {  	[sflag:s16] =	ssyncset.done $0x0  }
0xbd: {  	[sflag:s16] =	ssyncadd.s32 $0xFFFFC000  }
0xbe: {  	[spmem:s2] =	stream.indirect.scatter.add.f32 [tilespmem:s14], [sflag:$0x3], $0x80, s12, s13, $0xb8;
	[tilespmem:$0x1C800] =	vst v63  }
0xbf: {  	_ =	swait.ge [sflag:s17], $0x4000  }
0xc0: {  	[sflag:s17] =	ssyncset.done $0x0  }
0xc1: {  	[sflag:s17] =	ssyncadd.s32 $0xFFFFC000  }
0xc2: {  	[tilespmem:s14], [sflag:$0x1] =	stream.indirect.gather [hbm4b:s4+s13], $0x80, s18, s13, $0xb8;
	[tilespmem:$0x1C800] =	vst v63  }
0xc3: {  	_ =	swait.ge [sflag:s19], $0x4000  }
0xc4: {  	[sflag:s19] =	ssyncset.done $0x0  }
0xc5: {  	[sflag:s19] =	ssyncadd.s32 $0xFFFFC000  }
0xc6: {  	[spmem:s2] =	stream.indirect.scatter.add.f32 [tilespmem:s15], [sflag:$0x4], $0x80, s20, s13, $0xb8;
	[tilespmem:$0x1C800] =	vst v63  }
0xc7: {  	_ =	swait.ge [sflag:s21], $0x4000  }
0xc8: {  	[sflag:s21] =	ssyncset.done $0x0  }
0xc9: {  	[sflag:s21] =	ssyncadd.s32 $0xFFFFC000  }
0xca: {  	[tilespmem:s15], [sflag:$0x2] =	stream.indirect.gather [hbm4b:s4+s13], $0x80, s22, s13, $0xb8;
	[tilespmem:$0x1C800] =	vst v63  }
0xcb: {  	_ =	swait.ge [sflag:s16], $0x4000  }
0xcc: {  	[sflag:s16] =	ssyncset.done $0x0  }
0xcd: {  	[sflag:s16] =	ssyncadd.s32 $0xFFFFC000  }
0xce: {  	[spmem:s2] =	stream.indirect.scatter.add.f32 [tilespmem:s14], [sflag:$0x3], $0x80, s23, s13, $0xb8;
	[tilespmem:$0x1C800] =	vst v63  }
0xcf: {  	_ =	swait.ge [sflag:s17], $0x4000  }
0xd0: {  	[sflag:s17] =	ssyncset.done $0x0  }
0xd1: {  	[sflag:s17] =	ssyncadd.s32 $0xFFFFC000  }
0xd2: {  	[tilespmem:s14], [sflag:$0x1] =	stream.indirect.gather [hbm4b:s4+s13], $0x80, s24, s13, $0xb8;
	[tilespmem:$0x1C800] =	vst v63  }
0xd3: {  	_ =	swait.ge [sflag:s19], $0x4000  }
0xd4: {  	[sflag:s19] =	ssyncset.done $0x0  }
0xd5: {  	[sflag:s19] =	ssyncadd.s32 $0xFFFFC000  }
0xd6: {  	[spmem:s2] =	stream.indirect.scatter.add.f32 [tilespmem:s15], [sflag:$0x4], $0x80, s25, s13, $0xb8;
	[tilespmem:$0x1C800] =	vst v63  }
0xd7: {  	_ =	swait.ge [sflag:s21], $0x4000  }
0xd8: {  	[sflag:s21] =	ssyncset.done $0x0  }
0xd9: {  	[sflag:s21] =	ssyncadd.s32 $0xFFFFC000  }
0xda: {  	[tilespmem:s15], [sflag:$0x2] =	stream.indirect.gather [hbm4b:s4+s13], $0x80, s26, s13, $0xb8;
	[tilespmem:$0x1C800] =	vst v63  }
0xdb: {  	_ =	swait.ge [sflag:s16], $0x4000  }
0xdc: {  	[sflag:s16] =	ssyncset.done $0x0  }
0xdd: {  	[sflag:s16] =	ssyncadd.s32 $0xFFFFC000  }
0xde: {  	[spmem:s2] =	stream.indirect.scatter.add.f32 [tilespmem:s14], [sflag:$0x3], $0x80, s28, s13, $0xb8;
	[tilespmem:$0x1C800] =	vst v63  }
0xdf: {  	_ =	swait.ge [sflag:s17], $0x4000  }
0xe0: {  	[sflag:s17] =	ssyncset.done $0x0  }
0xe1: {  	[sflag:s17] =	ssyncadd.s32 $0xFFFFC000  }
0xe2: {  	[tilespmem:s14], [sflag:$0x1] =	stream.indirect.gather [hbm4b:s4+s13], $0x80, s29, s13, $0xb8;
	[tilespmem:$0x1C800] =	vst v63  }
0xe3: {  	_ =	swait.ge [sflag:s19], $0x4000  }
0xe4: {  	[sflag:s19] =	ssyncset.done $0x0  }
0xe5: {  	[sflag:s19] =	ssyncadd.s32 $0xFFFFC000  }
0xe6: {  	[spmem:s2] =	stream.indirect.scatter.add.f32 [tilespmem:s15], [sflag:$0x4], $0x80, s30, s13, $0xb8;
	[tilespmem:$0x1C800] =	vst v63  }
0xe7: {  	_ =	swait.ge [sflag:s21], $0x4000  }
0xe8: {  	[sflag:s21] =	ssyncset.done $0x0  }
0xe9: {  	[sflag:s21] =	ssyncadd.s32 $0xFFFFC000  }
0xea: {  	[tilespmem:s15], [sflag:$0x2] =	stream.indirect.gather [hbm4b:s4+s13], $0x80, s31, s13, $0xb8;
	[tilespmem:$0x1C800] =	vst v63  }
0xeb: {  	_ =	swait.ge [sflag:s16], $0x4000  }
0xec: {  	[sflag:s16] =	ssyncset.done $0x0  }
0xed: {  	[sflag:s16] =	ssyncadd.s32 $0xFFFFC000  }
0xee: {  	[spmem:s2] =	stream.indirect.scatter.add.f32 [tilespmem:s14], [sflag:$0x3], $0x80, s0, s13, $0xb8;
	[tilespmem:$0x1C800] =	vst v63  }
0xef: {  	_ =	swait.ge [sflag:s19], $0x4000  }
0xf0: {  	[sflag:s19] =	ssyncset.done $0x0  }
0xf1: {  	[sflag:s19] =	ssyncadd.s32 $0xFFFFC000  }
0xf2: {  	[spmem:s2] =	stream.indirect.scatter.add.f32 [tilespmem:s15], [sflag:$0x4], $0x80, s1, s13, $0xb8;
	[tilespmem:$0x1C800] =	vst v63  }
0xf3: {  	_ =	swait.ge [sflag:s17], $0x4000  }
0xf4: {  	[sflag:s17] =	ssyncset.done $0x0  }
0xf5: {  	[sflag:s17] =	ssyncadd.s32 $0xFFFFC000  }
0xf6: {  	_ =	swait.ge [sflag:s21], $0x4000  }
0xf7: {  	[sflag:s21] =	ssyncset.done $0x0  }
0xf8: {  	[sflag:s21] =	ssyncadd.s32 $0xFFFFC000  }
0xf9: {  	[bflag:$0x0] =	sbarrier.arrive $0xFFFF  }
0xfa: {  	s8 =	rddreg [dreg:$0x5]  }
0xfb: {  	s10 =	rddreg [dreg:$0x6]  }
0xfc: {  	s6 =	rddreg [dreg:$0x8]  }
0xfd: {  	[hbm:s10], [sflag:s8] =	dma.local [spmem:s6], $0x2800  }
0xfe: {  	_ =	swait.ge [sflag:s11], $0x2800  }
0xff: {  	s5 =	rddreg [dreg:$0x9]  }
0x100: {  	s10 =	rddreg [dreg:$0x7];
	s7 =	sadd.s32 $0x1, s5  }
0x101: {  	p0 =	sne.s32 s7, s10  }
.Ltmp1:
0x102: {  	_ = 	snop;
	(pc) =	sbr.rel @p0 .LBB2_1-.Ltmp1, $3  }
0x103: {  	_ =	sdelay $0x1  }
0x104: {  	[sflag:s11] =	ssyncset.done $0x0  }
0x105: {  	[sflag:s11] =	ssyncadd.s32 $0xFFFFD800  }
0x106: {  	_ =	sfence.sel $0x180000  }
0x107: {  	[bflag:$0x0] =	sbarrier.arrive $0xFFFF  }
0x108: {  	_ =	strace $0x9000004D  }
0x109: {  	s0 =	stileid.u32;
	[bflag:$0x2] =	sbarrier.arrive $0xFFFF  }
0x10a: {  	p0 =	sne.s32 s0, $0x0;
	s0 =	rddreg [dreg:$0x2]  }
0x10b: {  	s0 =	sadd.s32 @!p0 $0x100000, s0  }
0x10c: {  	[sflag:s0] =	ssyncadd.tile.s32 @!p0 $0x1;
	_ =	shalt  }
.Lfunc_end2:
_tile_overlayer_lowered:
.L_overlay_start_2:
0x10d: {  	(tag) =	ssettag $0x2  }
0x10e: {  	s0 =	rddreg [dreg:$0x0];
	s2 =	stileid.u32  }
0x10f: {  	s1 =	rddreg [dreg:$0x1];
	p0 =	sne.s32 s2, $0x0  }
0x110: {  	s3 =	rddreg [dreg:$0x2];
	[bflag:$0x3] =	sbarrier.arrive $0xFFFF;
	s2 =	simm.s32 @!p0 $0x1C05  }
0x111: {  	[timem:s3], [sflag:s2] =	dma.local @!p0 [hbm:s0], s1  }
0x112: {  	s0 =	simm.s32 @!p0 $0x5  }
0x113: {  	_ =	swait.ge @!p0 [sflag:s0], s1  }
0x114: {  	s1 =	ssub.s32 @!p0 $0x0, s1;
	[sflag:s0] =	ssyncset.done @!p0 $0x0  }
0x115: {  	[sflag:s0] =	ssyncadd.s32 @!p0 s1  }
0x116: {  	[bflag:$0x3] =	sbarrier.arrive $0xFFFF  }
0x117: {  	_ =	shalt  }

// kernel: sc_segsum.15.cloned.1.call-start
scs
__scs_entry_jumppad:
0x0: {  	(pc) =	sbr.rel $0x88, $3  }
0x1: {  	(tag) =	ssettag $0x0;
	lr =	simm.s32 $0x1  }
0x2: {  	[smem:$0x3F75] =	sst lr;
	_ =	strace $0xD0000000  }
0x3: {  	_ = 	snop  }
0x4: {  	_ = 	snop  }
0x5: {  	_ = 	snop  }
0x6: {  	_ = 	snop  }
0x7: {  	_ = 	snop  }
__scs_overlays_trampoline_lowered:
0x8: {  	[smem:$0x3F84] =	sst s0  }
0x9: {  	[smem:$0x3F85] =	sst s1  }
0xa: {  	[smem:$0x3F86] =	sst s2  }
0xb: {  	[smem:$0x3F87] =	sst s3  }
0xc: {  	[smem:$0x3F88] =	sst s4  }
0xd: {  	[smem:$0x3F89] =	sst s5  }
0xe: {  	[smem:$0x3F8A] =	sst s6  }
0xf: {  	[smem:$0x3F8B] =	sst s7  }
0x10: {  	[smem:$0x3F8C] =	sst s8  }
0x11: {  	[smem:$0x3F8D] =	sst s9;
	s0 =	simm.s32 @!p0 $0x0  }
0x12: {  	s1 =	sld [smem:$0x3F73];
	s0 =	simm.s32 @p0 $0x1  }
0x13: {  	[smem:$0x3F8E] =	sst s0;
	s0 =	simm.s32 @!p1 $0x0  }
0x14: {  	s2 =	sld [smem:$0x3F72];
	s0 =	simm.s32 @p1 $0x1  }
0x15: {  	[smem:$0x3F8F] =	sst s0;
	s0 =	simm.s32 @!p2 $0x0  }
0x16: {  	s3 =	sld [smem:$0x3FDB];
	s0 =	simm.s32 @p2 $0x1  }
0x17: {  	s4 =	simm.s32 $0x1BF5;
	[smem:$0x3F91] =	sst s0  }
0x18: {  	s0 =	sld [smem:$0x3F74];
	_ =	swait.ge [sflag:s4], $0x0  }
0x19: {  	s7 =	sld [smem:$0x3F75]  }
0x1a: {  	s8 =	sadd.s32 $0xFFFFE003, lr  }
0x1b: {  	s9 =	sadd.s32 $0xFFFFFEF7, lr;
	s5 =	simm.s32 $0xFFFFFFFF;
	p2 =	slt.u32 s8, $0xFFFFF086  }
0x1c: {  	p1 =	slt.u32 s9, $0xF7A;
	s5 =	simm.s32 @!p2 $0x0  }
0x1d: {  	s5 =	simm.s32 @p1 $0x1;
	p0 =	seq.s32 s7, s2  }
0x1e: {  	s7 =	smul.u32 @!p0 $0xF7A, s2;
	p2 =	seq.s32 @!p0 s5, $0x0  }
0x1f: {  	s9 =	smul.u32 $0xF7A, s1;
	s8 =	simm.s32 @!p0 $0x1BF5;
	p2 =	por !p2, p0  }
0x20: {  	[sflag:s8] =	ssyncset.s32 @!p0 $0xFFFFF086;
	s6 =	sadd.s32 @!p0 s3, s7;
	s7 =	simm.s32 @!p0 $0x108  }
0x21: {  	s3 =	sadd.s32 s3, s9;
	s6 =	sadd.s32 @!p0 $0x88, s6;
	s7 =	simm.s32 @p2 $0x1082  }
0x22: {  	[simem:s7], [sflag:s8] =	dma.local @!p0 [hbm:s6], $0xF7A  }
0x23: {  	s9 =	sor.u32 $0xD0000000, s2;
	s6 =	simm.s32 $0x108;
	_ =	swait.ge @!p0 [sflag:s8], $0x0  }
0x24: {  	s3 =	sadd.s32 $0x88, s3;
	s6 =	simm.s32 @!p1 $0x1082;
	[sflag:s4] =	ssyncset.s32 $0xFFFFF086  }
0x25: {  	[simem:s6], [sflag:s4] =	dma.local [hbm:s3], $0xF7A  }
0x26: {  	[smem:$0x3F75] =	sst s1;
	(tag) =	ssettag s2;
	_ =	strace s9  }
0x27: {  	s1 =	sld [smem:$0x3F85]  }
0x28: {  	s2 =	sld [smem:$0x3F86]  }
0x29: {  	s4 =	sld [smem:$0x3F88]  }
0x2a: {  	p0 =	seq.s32 s5, $0x0;
	s5 =	sld [smem:$0x3F89]  }
0x2b: {  	s6 =	sld [smem:$0x3F8A]  }
0x2c: {  	s7 =	sld [smem:$0x3F8B]  }
0x2d: {  	s3 =	simm.s32 $0x108;
	s8 =	sld [smem:$0x3F8C]  }
0x2e: {  	s3 =	simm.s32 @!p0 $0x1082;
	s9 =	sld [smem:$0x3F8D]  }
0x2f: {  	lr =	sadd.s32 s0, s3;
	s0 =	sld [smem:$0x3F84]  }
0x30: {  	s3 =	sld [smem:$0x3F87]  }
0x31: {  	[smem:$0x3F90] =	sst s10  }
0x32: {  	s10 =	sld [smem:$0x3F8E];
	_ =	sdelay $0x3  }
0x33: {  	p0 =	seq.s32 s10, $0x1;
	s10 =	sld [smem:$0x3F90];
	_ =	sdelay $0x3  }
0x34: {  	[smem:$0x3F90] =	sst s10  }
0x35: {  	s10 =	sld [smem:$0x3F8F];
	_ =	sdelay $0x3  }
0x36: {  	p1 =	seq.s32 s10, $0x1;
	s10 =	sld [smem:$0x3F90];
	_ =	sdelay $0x3  }
0x37: {  	[smem:$0x3F90] =	sst s10  }
0x38: {  	s10 =	sld [smem:$0x3F91]  }
0x39: {  	_ = 	snop;
	(pc) =	sbr.ind lr, $3  }
0x3a: {  	_ = 	snop  }
0x3b: {  	_ = 	snop  }
0x3c: {  	p2 =	seq.s32 s10, $0x1;
	s10 =	sld [smem:$0x3F90]  }
0x3d: {  	_ =	shalt  }
0x3e: {  	_ =	shalt  }
0x3f: {  	_ =	shalt  }
0x40: {  	_ =	shalt  }
0x41: {  	_ =	shalt  }
0x42: {  	_ =	shalt  }
0x43: {  	_ =	shalt  }
0x44: {  	_ =	shalt  }
0x45: {  	_ =	shalt  }
0x46: {  	_ =	shalt  }
0x47: {  	_ =	shalt  }
0x48: {  	_ =	shalt  }
0x49: {  	_ =	shalt  }
0x4a: {  	_ =	shalt  }
0x4b: {  	_ =	shalt  }
0x4c: {  	_ =	shalt  }
0x4d: {  	_ =	shalt  }
0x4e: {  	_ =	shalt  }
0x4f: {  	_ =	shalt  }
0x50: {  	_ =	shalt  }
0x51: {  	_ =	shalt  }
0x52: {  	_ =	shalt  }
0x53: {  	_ =	shalt  }
0x54: {  	_ =	shalt  }
0x55: {  	_ =	shalt  }
0x56: {  	_ =	shalt  }
0x57: {  	_ =	shalt  }
0x58: {  	_ =	shalt  }
0x59: {  	_ =	shalt  }
0x5a: {  	_ =	shalt  }
0x5b: {  	_ =	shalt  }
0x5c: {  	_ =	shalt  }
0x5d: {  	_ =	shalt  }
0x5e: {  	_ =	shalt  }
0x5f: {  	_ =	shalt  }
0x60: {  	_ =	shalt  }
0x61: {  	_ =	shalt  }
0x62: {  	_ =	shalt  }
0x63: {  	_ =	shalt  }
0x64: {  	_ =	shalt  }
0x65: {  	_ =	shalt  }
0x66: {  	_ =	shalt  }
0x67: {  	_ =	shalt  }
0x68: {  	_ =	shalt  }
0x69: {  	_ =	shalt  }
0x6a: {  	_ =	shalt  }
0x6b: {  	_ =	shalt  }
0x6c: {  	_ =	shalt  }
0x6d: {  	_ =	shalt  }
0x6e: {  	_ =	shalt  }
0x6f: {  	_ =	shalt  }
0x70: {  	_ =	shalt  }
0x71: {  	_ =	shalt  }
0x72: {  	_ =	shalt  }
0x73: {  	_ =	shalt  }
0x74: {  	_ =	shalt  }
0x75: {  	_ =	shalt  }
0x76: {  	_ =	shalt  }
0x77: {  	_ =	shalt  }
0x78: {  	_ =	shalt  }
0x79: {  	_ =	shalt  }
0x7a: {  	_ =	shalt  }
0x7b: {  	_ =	shalt  }
0x7c: {  	_ =	shalt  }
0x7d: {  	_ =	shalt  }
0x7e: {  	_ =	shalt  }
0x7f: {  	_ =	shalt  }
0x80: {  	_ =	shalt  }
0x81: {  	_ =	shalt  }
0x82: {  	_ =	shalt  }
0x83: {  	_ =	shalt  }
0x84: {  	_ =	shalt  }
0x85: {  	_ =	shalt  }
0x86: {  	_ =	shalt  }
0x87: {  	_ =	shalt  }
.Lfunc_end0:
.L_simem_size_0:
called_computation.3_lowered:
.L_overlay_start_0:
0x88: {  	s2 =	sld [smem:$0x3FD9]  }
0x89: {  	s3 =	sld [smem:$0x3FFE];
	_ =	sdelay $0x1  }
0x8a: {  	s1 =	srdreg.scid  }
0x8b: {  	s0 =	sand.u32 $0x1, s1  }
0x8c: {  	s16 =	sshll.u32 s0, $0xA;
	s2 =	sadd.s32 s3, s2  }
0x8d: {  	s2 =	sadd.s32 s2, s16  }
0x8e: {  	[smem:$0x3F9C] =	sst s2  }
0x8f: {  	_ = 	snop  }
0x90: {  	(tm) =	ssettm $0x1  }
0x91: {  	s17 =	sld [smem:$0x3FFB];
	_ =	sdelay $0x3  }
0x92: {  	_ =	strace s17  }
0x93: {  	s2 =	sld [smem:$0x3FFC];
	_ =	sdelay $0x3  }
0x94: {  	_ =	strace s2  }
0x95: {  	s2 =	sld [smem:$0x3FFD];
	_ =	sdelay $0x3  }
0x96: {  	_ =	strace s2  }
0x97: {  	_ =	strace $0x8FFFFFFF  }
0x98: {  	s18 =	sld [smem:$0x3FDB];
	_ =	sdelay $0x1  }
0x99: {  	s19 =	simm.s32 $_scs_section_size  }
0x9a: {  	s4 =	simm.s32 $_size__tile_overlayer_lowered;
	s5 =	simm.s32 $_tile_overlayer_lowered  }
0x9b: {  	s22 =	simm.s32 $0x1BFF;
	s21 =	sshll.u32 s5, $0x1;
	s2 =	sadd.s32 s19, s18  }
0x9c: {  	s6 =	simm.s32 $0x0;
	s20 =	sshll.u32 s4, $0x1;
	s4 =	sadd.s32 s21, s2  }
0x9d: {  	[timem:s6], [sflag:s22] =	dma.local [hbm:s4], s20  }
0x9e: {  	_ =	swait.ge [sflag:s22], s20  }
0x9f: {  	s3 =	ssub.s32 $0x0, s20;
	[sflag:s22] =	ssyncset.done $0x0  }
0xa0: {  	[sflag:s22] =	ssyncadd.s32 s3;
	_ =	sdelay $0x1  }
0xa1: {  	s23 =	simm.s32 $0x1B8B  }
0xa2: {  	_ =	swait.ge [sflag:s23], $0x1  }
0xa3: {  	[sflag:s23] =	ssyncset.done $0x0  }
0xa4: {  	s25 =	simm.s32 $0x1B8E;
	s24 =	sld [smem:$0x3FFE];
	[sflag:s23] =	ssyncadd.s32 $0xFFFFFFFF  }
0xa5: {  	s26 =	simm.s32 $execute0_lowered;
	[smem:$0x3FD2] =	sst s25  }
0xa6: {  	s4 =	sshll.u32 s26, $0x1;
	_ =	strace $0x8000004F;
	[dreg:$0x1] =	wrdreg $0xFFFFFFFF  }
0xa7: {  	s28 =	simm.s32 $_size_execute0_lowered;
	s2 =	sadd.s32 s2, s4;
	[dreg:$0x0] =	wrdreg $0x0  }
0xa8: {  	s4 =	sshll.u32 s28, $0x1;
	[dreg:$0x2] =	wrdreg s2  }
0xa9: {  	[dreg:$0x3] =	wrdreg s4  }
0xaa: {  	[dreg:$0x4] =	wrdreg $0xC0  }
0xab: {  	_ =	task [dreg:s6], $0x5FFFF  }
0xac: {  	[dreg:$0x1] =	wrdreg $0xFFFFFFFF  }
0xad: {  	[dreg:$0x0] =	wrdreg $0x60  }
0xae: {  	[dreg:$0x2] =	wrdreg s24  }
0xaf: {  	[dreg:$0x3] =	wrdreg $0x88000  }
0xb0: {  	[dreg:$0x4] =	wrdreg $0x9  }
0xb1: {  	_ =	task.clear_ibuf [dreg:s6], $0x5FFFF;
	_ =	strace $0x9000004F  }
0xb2: {  	s29 =	simm.s32 $0x9;
	_ =	strace $0x80000051  }
0xb3: {  	_ =	swait.ge [sflag:s29], $0x1  }
0xb4: {  	[sflag:s29] =	ssyncadd.s32 $0xFFFFFFFF  }
0xb5: {  	_ =	strace $0x90000051  }
0xb6: {  	_ =	sfence  }
0xb7: {  	s30 =	sld [smem:$0x0];
	_ =	sdelay $0x2  }
0xb8: {  	s31 =	sshll.u32 s1, $0xD;
	s1 =	sshrl.u32 s1, $0x2  }
0xb9: {  	s3 =	sand.u32 $0x4000, s31;
	s1 =	sadd.s32 s1, s30  }
0xba: {  	s0 =	sor.u32 s3, s0;
	s1 =	sshll.u32 s1, $0x11  }
0xbb: {  	s0 =	sor.u32 s1, s0  }
0xbc: {  	s0 =	sadd.s32 $0x8F2B, s0  }
0xbd: {  	[sflag:s0] =	ssyncadd.remote.s32 $0x1  }
0xbe: {  	_ =	sfence.sel $0xFFFF  }
0xbf: {  	[dreg:$0x0] =	wrdreg $0xFFFFFFFF;
	(pc) =	sbr.abs _section_cstart, $3  }
0xc0: {  	[dreg:$0x1] =	wrdreg $0xFFFFFFFF  }
0xc1: {  	_ =	task.clear_ibuf [dreg:s6], $0x2FFFF;
	_ =	strace $0x9FFFFFFF  }
0xc2: {  	(tm) =	ssettm $0x7FFFFFFF  }
0xc3: {  	_ =	shalt  }
tec
execute0_lowered:
.L_overlay_start_1:
0x0: {  	(tag) =	ssettag $0x1  }
0x1: {  	s0 =	rddreg [dreg:$0x0]  }
0x2: {  	s2 =	rddreg [dreg:$0x1]  }
0x3: {  	s10 =	stileid.u32;
	s1 =	srdreg.scid  }
0x4: {  	s3 =	simm.s32 $0x0;
	s11 =	simm.s32 $0x5;
	s12 =	simm.s32 $0x400  }
0x5: {  	s13 =	simm.s32 $0x80;
	s14 =	simm.s32 $0x800;
	s15 =	simm.s32 $0x4800  }
0x6: {  	s16 =	simm.s32 $0x1;
	s17 =	simm.s32 $0x3;
	s18 =	simm.s32 $0x100  }
0x7: {  	s19 =	simm.s32 $0x2;
	s28 =	simm.s32 $0x600;
	s29 =	simm.s32 $0x300  }
0x8: {  	s30 =	simm.s32 $0x680;
	s31 =	simm.s32 $0x380;
	s5 =	smul.u32 $0xA00, s10  }
0x9: {  	s1 =	sand.u32 $0x1, s1;
	[smem:$0x7FF] =	sst s3;
	s7 =	smul.u32 $0x14000, s10  }
0xa: {  	s4 =	sadd.s32 $0x1E400, s0;
	s8 =	sadd.s32 $0x1BC00, s0;
	s21 =	smul.u32 $0x50000, s10  }
0xb: {  	s24 =	sshll.u32 s10, $0x6;
	s6 =	smul.u32 $0x140000, s1;
	_ =	strace $0x80000050  }
0xc: {  	[dreg:$0x4] =	wrdreg s8;
	s20 =	ssub.s32 $0x2, s1;
	s1 =	smul.u32 $0x500, s1  }
0xd: {  	s8 =	sor.u32 $0x1C05, s24;
	s24 =	simm.s32 $0x200;
	s5 =	sadd.s32 s5, s0  }
0xe: {  	s9 =	sshrl.u32 s20, $0x1;
	s23 =	sshrl.u32 s21, $0x2;
	s21 =	simm.s32 $0x4  }
0xf: {  	[dreg:$0x5] =	wrdreg s8;
	s6 =	sadd.s32 s7, s6;
	s22 =	ssub.s32 s20, s9  }
0x10: {  	s7 =	sadd.s32 s23, s2;
	s1 =	sadd.s32 s1, s5;
	s20 =	simm.s32 $0x480  }
0x11: {  	s23 =	simm.s32 $0x500;
	s6 =	sshrl.u32 s6, $0x3;
	s25 =	sadd.s32 $0x11C00, s1  }
0x12: {  	s26 =	smax.u32 s22, $0x1;
	s9 =	sadd.s32 $0x7C00, s1;
	s22 =	simm.s32 $0x180  }
0x13: {  	s1 =	simm.s32 $0x780;
	s0 =	sadd.s32 s6, s0;
	[dreg:$0x7] =	wrdreg s26  }
0x14: {  	[dreg:$0x3] =	wrdreg s25;
	s6 =	sshrl.u32 s7, $0x3;
	s25 =	simm.s32 $0x580  }
0x15: {  	s26 =	simm.s32 $0x280;
	s0 =	sadd.s32 $0x45600, s0;
	[dreg:$0x8] =	wrdreg s6  }
0x16: {  	s7 =	simm.s32 $0x0;
	[dreg:$0x6] =	wrdreg s0;
	s0 =	simm.s32 $0x700  }
.LBB2_1:
0x17: {  	[dreg:$0x9] =	wrdreg s7  }
0x18: {  	s5 =	rddreg [dreg:$0x4]  }
0x19: {  	[spmem:s6], [sflag:s8] =	dma.local [hbm:s5], $0x2800  }
0x1a: {  	_ =	swait.ge [sflag:s11], $0x2800  }
0x1b: {  	[sflag:s11] =	ssyncset.done $0x0  }
0x1c: {  	[sflag:s11] =	ssyncadd.s32 $0xFFFFD800  }
0x1d: {  	s8 =	sadd.s32 $0x0, s9;
	[bflag:$0x0] =	sbarrier.arrive $0xFFFF  }
0x1e: {  	[tilespmem:s3], [sflag:$0x5] =	stream.linear.gather [hbm4b:s8+s3], $0x400, $0x38;
	[tilespmem:$0x1C800] =	vst v63  }
0x1f: {  	_ =	swait.ge [sflag:s11], $0x400  }
0x20: {  	s10 =	rddreg [dreg:$0x3];
	[sflag:s11] =	ssyncset.done $0x0  }
0x21: {  	[sflag:s11] =	ssyncadd.s32 $0xFFFFFC00;
	s6 =	sadd.s32 $0x0, s10  }
0x22: {  	[tilespmem:s12], [sflag:$0x5] =	stream.linear.gather [hbm4b:s6+s3], $0x400, $0x38;
	[tilespmem:$0x1C800] =	vst v63  }
0x23: {  	_ =	swait.ge [sflag:s11], $0x400  }
0x24: {  	[sflag:s11] =	ssyncset.done $0x0  }
0x25: {  	[sflag:s11] =	ssyncadd.s32 $0xFFFFFC00  }
0x26: {  	[tilespmem:s14], [sflag:$0x1] =	stream.indirect.gather [hbm4b:s4+s13], $0x80, s3, s13, $0xb8;
	[tilespmem:$0x1C800] =	vst v63  }
0x27: {  	_ = 	snop  }
0x28: {  	[tilespmem:s15], [sflag:$0x2] =	stream.indirect.gather [hbm4b:s4+s13], $0x80, s13, s13, $0xb8;
	[tilespmem:$0x1C800] =	vst v63  }
0x29: {  	_ =	swait.ge [sflag:s16], $0x4000  }
0x2a: {  	[sflag:s16] =	ssyncset.done $0x0  }
0x2b: {  	[sflag:s16] =	ssyncadd.s32 $0xFFFFC000  }
0x2c: {  	[spmem:s2] =	stream.indirect.scatter.add.f32 [tilespmem:s14], [sflag:$0x3], $0x80, s12, s13, $0xb8;
	[tilespmem:$0x1C800] =	vst v63  }
0x2d: {  	_ =	swait.ge [sflag:s17], $0x4000  }
0x2e: {  	[sflag:s17] =	ssyncset.done $0x0  }
0x2f: {  	[sflag:s17] =	ssyncadd.s32 $0xFFFFC000  }
0x30: {  	[tilespmem:s14], [sflag:$0x1] =	stream.indirect.gather [hbm4b:s4+s13], $0x80, s18, s13, $0xb8;
	[tilespmem:$0x1C800] =	vst v63  }
0x31: {  	_ =	swait.ge [sflag:s19], $0x4000  }
0x32: {  	[sflag:s19] =	ssyncset.done $0x0  }
0x33: {  	[sflag:s19] =	ssyncadd.s32 $0xFFFFC000  }
0x34: {  	[spmem:s2] =	stream.indirect.scatter.add.f32 [tilespmem:s15], [sflag:$0x4], $0x80, s20, s13, $0xb8;
	[tilespmem:$0x1C800] =	vst v63  }
0x35: {  	_ =	swait.ge [sflag:s21], $0x4000  }
0x36: {  	[sflag:s21] =	ssyncset.done $0x0  }
0x37: {  	[sflag:s21] =	ssyncadd.s32 $0xFFFFC000  }
0x38: {  	[tilespmem:s15], [sflag:$0x2] =	stream.indirect.gather [hbm4b:s4+s13], $0x80, s22, s13, $0xb8;
	[tilespmem:$0x1C800] =	vst v63  }
0x39: {  	_ =	swait.ge [sflag:s16], $0x4000  }
0x3a: {  	[sflag:s16] =	ssyncset.done $0x0  }
0x3b: {  	[sflag:s16] =	ssyncadd.s32 $0xFFFFC000  }
0x3c: {  	[spmem:s2] =	stream.indirect.scatter.add.f32 [tilespmem:s14], [sflag:$0x3], $0x80, s23, s13, $0xb8;
	[tilespmem:$0x1C800] =	vst v63  }
0x3d: {  	_ =	swait.ge [sflag:s17], $0x4000  }
0x3e: {  	[sflag:s17] =	ssyncset.done $0x0  }
0x3f: {  	[sflag:s17] =	ssyncadd.s32 $0xFFFFC000  }
0x40: {  	[tilespmem:s14], [sflag:$0x1] =	stream.indirect.gather [hbm4b:s4+s13], $0x80, s24, s13, $0xb8;
	[tilespmem:$0x1C800] =	vst v63  }
0x41: {  	_ =	swait.ge [sflag:s19], $0x4000  }
0x42: {  	[sflag:s19] =	ssyncset.done $0x0  }
0x43: {  	[sflag:s19] =	ssyncadd.s32 $0xFFFFC000  }
0x44: {  	[spmem:s2] =	stream.indirect.scatter.add.f32 [tilespmem:s15], [sflag:$0x4], $0x80, s25, s13, $0xb8;
	[tilespmem:$0x1C800] =	vst v63  }
0x45: {  	_ =	swait.ge [sflag:s21], $0x4000  }
0x46: {  	[sflag:s21] =	ssyncset.done $0x0  }
0x47: {  	[sflag:s21] =	ssyncadd.s32 $0xFFFFC000  }
0x48: {  	[tilespmem:s15], [sflag:$0x2] =	stream.indirect.gather [hbm4b:s4+s13], $0x80, s26, s13, $0xb8;
	[tilespmem:$0x1C800] =	vst v63  }
0x49: {  	_ =	swait.ge [sflag:s16], $0x4000  }
0x4a: {  	[sflag:s16] =	ssyncset.done $0x0  }
0x4b: {  	[sflag:s16] =	ssyncadd.s32 $0xFFFFC000  }
0x4c: {  	[spmem:s2] =	stream.indirect.scatter.add.f32 [tilespmem:s14], [sflag:$0x3], $0x80, s28, s13, $0xb8;
	[tilespmem:$0x1C800] =	vst v63  }
0x4d: {  	_ =	swait.ge [sflag:s17], $0x4000  }
0x4e: {  	[sflag:s17] =	ssyncset.done $0x0  }
0x4f: {  	[sflag:s17] =	ssyncadd.s32 $0xFFFFC000  }
0x50: {  	[tilespmem:s14], [sflag:$0x1] =	stream.indirect.gather [hbm4b:s4+s13], $0x80, s29, s13, $0xb8;
	[tilespmem:$0x1C800] =	vst v63  }
0x51: {  	_ =	swait.ge [sflag:s19], $0x4000  }
0x52: {  	[sflag:s19] =	ssyncset.done $0x0  }
0x53: {  	[sflag:s19] =	ssyncadd.s32 $0xFFFFC000  }
0x54: {  	[spmem:s2] =	stream.indirect.scatter.add.f32 [tilespmem:s15], [sflag:$0x4], $0x80, s30, s13, $0xb8;
	[tilespmem:$0x1C800] =	vst v63  }
0x55: {  	_ =	swait.ge [sflag:s21], $0x4000  }
0x56: {  	[sflag:s21] =	ssyncset.done $0x0  }
0x57: {  	[sflag:s21] =	ssyncadd.s32 $0xFFFFC000  }
0x58: {  	[tilespmem:s15], [sflag:$0x2] =	stream.indirect.gather [hbm4b:s4+s13], $0x80, s31, s13, $0xb8;
	[tilespmem:$0x1C800] =	vst v63  }
0x59: {  	_ =	swait.ge [sflag:s16], $0x4000  }
0x5a: {  	[sflag:s16] =	ssyncset.done $0x0  }
0x5b: {  	[sflag:s16] =	ssyncadd.s32 $0xFFFFC000  }
0x5c: {  	[spmem:s2] =	stream.indirect.scatter.add.f32 [tilespmem:s14], [sflag:$0x3], $0x80, s0, s13, $0xb8;
	[tilespmem:$0x1C800] =	vst v63  }
0x5d: {  	_ =	swait.ge [sflag:s19], $0x4000  }
0x5e: {  	[sflag:s19] =	ssyncset.done $0x0  }
0x5f: {  	[sflag:s19] =	ssyncadd.s32 $0xFFFFC000  }
0x60: {  	[spmem:s2] =	stream.indirect.scatter.add.f32 [tilespmem:s15], [sflag:$0x4], $0x80, s1, s13, $0xb8;
	[tilespmem:$0x1C800] =	vst v63  }
0x61: {  	_ =	swait.ge [sflag:s17], $0x4000  }
0x62: {  	[sflag:s17] =	ssyncset.done $0x0  }
0x63: {  	[sflag:s17] =	ssyncadd.s32 $0xFFFFC000  }
0x64: {  	_ =	swait.ge [sflag:s21], $0x4000  }
0x65: {  	s7 =	simm.s32 $0x80;
	s8 =	simm.s32 $0x100;
	[sflag:s21] =	ssyncset.done $0x0  }
.LBB2_2:
0x66: {  	s10 =	sadd.s32 s7, s9;
	[sflag:s21] =	ssyncadd.s32 $0xFFFFC000  }
0x67: {  	[tilespmem:s3], [sflag:$0x5] =	stream.linear.gather [hbm4b:s10+s3], $0x400, $0x38;
	[tilespmem:$0x1C800] =	vst v63  }
0x68: {  	s5 =	smov.u32 s8;
	_ =	swait.ge [sflag:s11], $0x400  }
0x69: {  	s6 =	sadd.s32 $0x80, s8;
	s10 =	rddreg [dreg:$0x3];
	[sflag:s11] =	ssyncset.done $0x0  }
0x6a: {  	p0 =	sne.s32 s8, $0x480;
	[sflag:s11] =	ssyncadd.s32 $0xFFFFFC00;
	s8 =	sadd.s32 s7, s10  }
0x6b: {  	[tilespmem:s12], [sflag:$0x5] =	stream.linear.gather [hbm4b:s8+s3], $0x400, $0x38;
	[tilespmem:$0x1C800] =	vst v63  }
0x6c: {  	_ =	swait.ge [sflag:s11], $0x400  }
0x6d: {  	[sflag:s11] =	ssyncset.done $0x0  }
0x6e: {  	[sflag:s11] =	ssyncadd.s32 $0xFFFFFC00  }
0x6f: {  	[tilespmem:s14], [sflag:$0x1] =	stream.indirect.gather [hbm4b:s4+s13], $0x80, s3, s13, $0xb8;
	[tilespmem:$0x1C800] =	vst v63  }
0x70: {  	_ = 	snop  }
0x71: {  	[tilespmem:s15], [sflag:$0x2] =	stream.indirect.gather [hbm4b:s4+s13], $0x80, s13, s13, $0xb8;
	[tilespmem:$0x1C800] =	vst v63  }
0x72: {  	_ =	swait.ge [sflag:s16], $0x4000  }
0x73: {  	[sflag:s16] =	ssyncset.done $0x0  }
0x74: {  	[sflag:s16] =	ssyncadd.s32 $0xFFFFC000  }
0x75: {  	[spmem:s2] =	stream.indirect.scatter.add.f32 [tilespmem:s14], [sflag:$0x3], $0x80, s12, s13, $0xb8;
	[tilespmem:$0x1C800] =	vst v63  }
0x76: {  	_ =	swait.ge [sflag:s17], $0x4000  }
0x77: {  	[sflag:s17] =	ssyncset.done $0x0  }
0x78: {  	[sflag:s17] =	ssyncadd.s32 $0xFFFFC000  }
0x79: {  	[tilespmem:s14], [sflag:$0x1] =	stream.indirect.gather [hbm4b:s4+s13], $0x80, s18, s13, $0xb8;
	[tilespmem:$0x1C800] =	vst v63  }
0x7a: {  	_ =	swait.ge [sflag:s19], $0x4000  }
0x7b: {  	[sflag:s19] =	ssyncset.done $0x0  }
0x7c: {  	[sflag:s19] =	ssyncadd.s32 $0xFFFFC000  }
0x7d: {  	[spmem:s2] =	stream.indirect.scatter.add.f32 [tilespmem:s15], [sflag:$0x4], $0x80, s20, s13, $0xb8;
	[tilespmem:$0x1C800] =	vst v63  }
0x7e: {  	_ =	swait.ge [sflag:s21], $0x4000  }
0x7f: {  	[sflag:s21] =	ssyncset.done $0x0  }
0x80: {  	[sflag:s21] =	ssyncadd.s32 $0xFFFFC000  }
0x81: {  	[tilespmem:s15], [sflag:$0x2] =	stream.indirect.gather [hbm4b:s4+s13], $0x80, s22, s13, $0xb8;
	[tilespmem:$0x1C800] =	vst v63  }
0x82: {  	_ =	swait.ge [sflag:s16], $0x4000  }
0x83: {  	[sflag:s16] =	ssyncset.done $0x0  }
0x84: {  	[sflag:s16] =	ssyncadd.s32 $0xFFFFC000  }
0x85: {  	[spmem:s2] =	stream.indirect.scatter.add.f32 [tilespmem:s14], [sflag:$0x3], $0x80, s23, s13, $0xb8;
	[tilespmem:$0x1C800] =	vst v63  }
0x86: {  	_ =	swait.ge [sflag:s17], $0x4000  }
0x87: {  	[sflag:s17] =	ssyncset.done $0x0  }
0x88: {  	[sflag:s17] =	ssyncadd.s32 $0xFFFFC000  }
0x89: {  	[tilespmem:s14], [sflag:$0x1] =	stream.indirect.gather [hbm4b:s4+s13], $0x80, s24, s13, $0xb8;
	[tilespmem:$0x1C800] =	vst v63  }
0x8a: {  	_ =	swait.ge [sflag:s19], $0x4000  }
0x8b: {  	[sflag:s19] =	ssyncset.done $0x0  }
0x8c: {  	[sflag:s19] =	ssyncadd.s32 $0xFFFFC000  }
0x8d: {  	[spmem:s2] =	stream.indirect.scatter.add.f32 [tilespmem:s15], [sflag:$0x4], $0x80, s25, s13, $0xb8;
	[tilespmem:$0x1C800] =	vst v63  }
0x8e: {  	_ =	swait.ge [sflag:s21], $0x4000  }
0x8f: {  	[sflag:s21] =	ssyncset.done $0x0  }
0x90: {  	[sflag:s21] =	ssyncadd.s32 $0xFFFFC000  }
0x91: {  	[tilespmem:s15], [sflag:$0x2] =	stream.indirect.gather [hbm4b:s4+s13], $0x80, s26, s13, $0xb8;
	[tilespmem:$0x1C800] =	vst v63  }
0x92: {  	_ =	swait.ge [sflag:s16], $0x4000  }
0x93: {  	[sflag:s16] =	ssyncset.done $0x0  }
0x94: {  	[sflag:s16] =	ssyncadd.s32 $0xFFFFC000  }
0x95: {  	[spmem:s2] =	stream.indirect.scatter.add.f32 [tilespmem:s14], [sflag:$0x3], $0x80, s28, s13, $0xb8;
	[tilespmem:$0x1C800] =	vst v63  }
0x96: {  	_ =	swait.ge [sflag:s17], $0x4000  }
0x97: {  	[sflag:s17] =	ssyncset.done $0x0  }
0x98: {  	[sflag:s17] =	ssyncadd.s32 $0xFFFFC000  }
0x99: {  	[tilespmem:s14], [sflag:$0x1] =	stream.indirect.gather [hbm4b:s4+s13], $0x80, s29, s13, $0xb8;
	[tilespmem:$0x1C800] =	vst v63  }
0x9a: {  	_ =	swait.ge [sflag:s19], $0x4000  }
0x9b: {  	[sflag:s19] =	ssyncset.done $0x0  }
0x9c: {  	[sflag:s19] =	ssyncadd.s32 $0xFFFFC000  }
0x9d: {  	[spmem:s2] =	stream.indirect.scatter.add.f32 [tilespmem:s15], [sflag:$0x4], $0x80, s30, s13, $0xb8;
	[tilespmem:$0x1C800] =	vst v63  }
0x9e: {  	_ =	swait.ge [sflag:s21], $0x4000  }
0x9f: {  	[sflag:s21] =	ssyncset.done $0x0  }
0xa0: {  	[sflag:s21] =	ssyncadd.s32 $0xFFFFC000  }
0xa1: {  	[tilespmem:s15], [sflag:$0x2] =	stream.indirect.gather [hbm4b:s4+s13], $0x80, s31, s13, $0xb8;
	[tilespmem:$0x1C800] =	vst v63  }
0xa2: {  	_ =	swait.ge [sflag:s16], $0x4000  }
0xa3: {  	[sflag:s16] =	ssyncset.done $0x0  }
0xa4: {  	[sflag:s16] =	ssyncadd.s32 $0xFFFFC000  }
0xa5: {  	[spmem:s2] =	stream.indirect.scatter.add.f32 [tilespmem:s14], [sflag:$0x3], $0x80, s0, s13, $0xb8;
	[tilespmem:$0x1C800] =	vst v63  }
0xa6: {  	_ =	swait.ge [sflag:s19], $0x4000  }
0xa7: {  	[sflag:s19] =	ssyncset.done $0x0  }
0xa8: {  	[sflag:s19] =	ssyncadd.s32 $0xFFFFC000  }
0xa9: {  	[spmem:s2] =	stream.indirect.scatter.add.f32 [tilespmem:s15], [sflag:$0x4], $0x80, s1, s13, $0xb8;
	[tilespmem:$0x1C800] =	vst v63  }
.Ltmp0:
0xaa: {  	_ =	swait.ge [sflag:s17], $0x4000;
	(pc) =	sbr.rel @p0 .LBB2_2-.Ltmp0, $4  }
0xab: {  	[sflag:s17] =	ssyncset.done $0x0  }
0xac: {  	[sflag:s17] =	ssyncadd.s32 $0xFFFFC000  }
0xad: {  	_ =	swait.ge [sflag:s21], $0x4000  }
0xae: {  	s7 =	smov.u32 s5;
	s8 =	smov.u32 s6;
	[sflag:s21] =	ssyncset.done $0x0  }
0xaf: {  	s5 =	sadd.s32 s7, s9;
	[sflag:s21] =	ssyncadd.s32 $0xFFFFC000  }
0xb0: {  	[tilespmem:s3], [sflag:$0x5] =	stream.linear.gather [hbm4b:s5+s3], $0x400, $0x38;
	[tilespmem:$0x1C800] =	vst v63  }
0xb1: {  	_ =	swait.ge [sflag:s11], $0x400  }
0xb2: {  	s8 =	rddreg [dreg:$0x3];
	[sflag:s11] =	ssyncset.done $0x0  }
0xb3: {  	s5 =	sadd.s32 s7, s8;
	[sflag:s11] =	ssyncadd.s32 $0xFFFFFC00  }
0xb4: {  	[tilespmem:s12], [sflag:$0x5] =	stream.linear.gather [hbm4b:s5+s3], $0x400, $0x38;
	[tilespmem:$0x1C800] =	vst v63  }
0xb5: {  	_ =	swait.ge [sflag:s11], $0x400  }
0xb6: {  	[sflag:s11] =	ssyncset.done $0x0  }
0xb7: {  	[sflag:s11] =	ssyncadd.s32 $0xFFFFFC00  }
0xb8: {  	[tilespmem:s14], [sflag:$0x1] =	stream.indirect.gather [hbm4b:s4+s13], $0x80, s3, s13, $0xb8;
	[tilespmem:$0x1C800] =	vst v63  }
0xb9: {  	_ = 	snop  }
0xba: {  	[tilespmem:s15], [sflag:$0x2] =	stream.indirect.gather [hbm4b:s4+s13], $0x80, s13, s13, $0xb8;
	[tilespmem:$0x1C800] =	vst v63  }
0xbb: {  	_ =	swait.ge [sflag:s16], $0x4000  }
0xbc: {  	[sflag:s16] =	ssyncset.done $0x0  }
0xbd: {  	[sflag:s16] =	ssyncadd.s32 $0xFFFFC000  }
0xbe: {  	[spmem:s2] =	stream.indirect.scatter.add.f32 [tilespmem:s14], [sflag:$0x3], $0x80, s12, s13, $0xb8;
	[tilespmem:$0x1C800] =	vst v63  }
0xbf: {  	_ =	swait.ge [sflag:s17], $0x4000  }
0xc0: {  	[sflag:s17] =	ssyncset.done $0x0  }
0xc1: {  	[sflag:s17] =	ssyncadd.s32 $0xFFFFC000  }
0xc2: {  	[tilespmem:s14], [sflag:$0x1] =	stream.indirect.gather [hbm4b:s4+s13], $0x80, s18, s13, $0xb8;
	[tilespmem:$0x1C800] =	vst v63  }
0xc3: {  	_ =	swait.ge [sflag:s19], $0x4000  }
0xc4: {  	[sflag:s19] =	ssyncset.done $0x0  }
0xc5: {  	[sflag:s19] =	ssyncadd.s32 $0xFFFFC000  }
0xc6: {  	[spmem:s2] =	stream.indirect.scatter.add.f32 [tilespmem:s15], [sflag:$0x4], $0x80, s20, s13, $0xb8;
	[tilespmem:$0x1C800] =	vst v63  }
0xc7: {  	_ =	swait.ge [sflag:s21], $0x4000  }
0xc8: {  	[sflag:s21] =	ssyncset.done $0x0  }
0xc9: {  	[sflag:s21] =	ssyncadd.s32 $0xFFFFC000  }
0xca: {  	[tilespmem:s15], [sflag:$0x2] =	stream.indirect.gather [hbm4b:s4+s13], $0x80, s22, s13, $0xb8;
	[tilespmem:$0x1C800] =	vst v63  }
0xcb: {  	_ =	swait.ge [sflag:s16], $0x4000  }
0xcc: {  	[sflag:s16] =	ssyncset.done $0x0  }
0xcd: {  	[sflag:s16] =	ssyncadd.s32 $0xFFFFC000  }
0xce: {  	[spmem:s2] =	stream.indirect.scatter.add.f32 [tilespmem:s14], [sflag:$0x3], $0x80, s23, s13, $0xb8;
	[tilespmem:$0x1C800] =	vst v63  }
0xcf: {  	_ =	swait.ge [sflag:s17], $0x4000  }
0xd0: {  	[sflag:s17] =	ssyncset.done $0x0  }
0xd1: {  	[sflag:s17] =	ssyncadd.s32 $0xFFFFC000  }
0xd2: {  	[tilespmem:s14], [sflag:$0x1] =	stream.indirect.gather [hbm4b:s4+s13], $0x80, s24, s13, $0xb8;
	[tilespmem:$0x1C800] =	vst v63  }
0xd3: {  	_ =	swait.ge [sflag:s19], $0x4000  }
0xd4: {  	[sflag:s19] =	ssyncset.done $0x0  }
0xd5: {  	[sflag:s19] =	ssyncadd.s32 $0xFFFFC000  }
0xd6: {  	[spmem:s2] =	stream.indirect.scatter.add.f32 [tilespmem:s15], [sflag:$0x4], $0x80, s25, s13, $0xb8;
	[tilespmem:$0x1C800] =	vst v63  }
0xd7: {  	_ =	swait.ge [sflag:s21], $0x4000  }
0xd8: {  	[sflag:s21] =	ssyncset.done $0x0  }
0xd9: {  	[sflag:s21] =	ssyncadd.s32 $0xFFFFC000  }
0xda: {  	[tilespmem:s15], [sflag:$0x2] =	stream.indirect.gather [hbm4b:s4+s13], $0x80, s26, s13, $0xb8;
	[tilespmem:$0x1C800] =	vst v63  }
0xdb: {  	_ =	swait.ge [sflag:s16], $0x4000  }
0xdc: {  	[sflag:s16] =	ssyncset.done $0x0  }
0xdd: {  	[sflag:s16] =	ssyncadd.s32 $0xFFFFC000  }
0xde: {  	[spmem:s2] =	stream.indirect.scatter.add.f32 [tilespmem:s14], [sflag:$0x3], $0x80, s28, s13, $0xb8;
	[tilespmem:$0x1C800] =	vst v63  }
0xdf: {  	_ =	swait.ge [sflag:s17], $0x4000  }
0xe0: {  	[sflag:s17] =	ssyncset.done $0x0  }
0xe1: {  	[sflag:s17] =	ssyncadd.s32 $0xFFFFC000  }
0xe2: {  	[tilespmem:s14], [sflag:$0x1] =	stream.indirect.gather [hbm4b:s4+s13], $0x80, s29, s13, $0xb8;
	[tilespmem:$0x1C800] =	vst v63  }
0xe3: {  	_ =	swait.ge [sflag:s19], $0x4000  }
0xe4: {  	[sflag:s19] =	ssyncset.done $0x0  }
0xe5: {  	[sflag:s19] =	ssyncadd.s32 $0xFFFFC000  }
0xe6: {  	[spmem:s2] =	stream.indirect.scatter.add.f32 [tilespmem:s15], [sflag:$0x4], $0x80, s30, s13, $0xb8;
	[tilespmem:$0x1C800] =	vst v63  }
0xe7: {  	_ =	swait.ge [sflag:s21], $0x4000  }
0xe8: {  	[sflag:s21] =	ssyncset.done $0x0  }
0xe9: {  	[sflag:s21] =	ssyncadd.s32 $0xFFFFC000  }
0xea: {  	[tilespmem:s15], [sflag:$0x2] =	stream.indirect.gather [hbm4b:s4+s13], $0x80, s31, s13, $0xb8;
	[tilespmem:$0x1C800] =	vst v63  }
0xeb: {  	_ =	swait.ge [sflag:s16], $0x4000  }
0xec: {  	[sflag:s16] =	ssyncset.done $0x0  }
0xed: {  	[sflag:s16] =	ssyncadd.s32 $0xFFFFC000  }
0xee: {  	[spmem:s2] =	stream.indirect.scatter.add.f32 [tilespmem:s14], [sflag:$0x3], $0x80, s0, s13, $0xb8;
	[tilespmem:$0x1C800] =	vst v63  }
0xef: {  	_ =	swait.ge [sflag:s19], $0x4000  }
0xf0: {  	[sflag:s19] =	ssyncset.done $0x0  }
0xf1: {  	[sflag:s19] =	ssyncadd.s32 $0xFFFFC000  }
0xf2: {  	[spmem:s2] =	stream.indirect.scatter.add.f32 [tilespmem:s15], [sflag:$0x4], $0x80, s1, s13, $0xb8;
	[tilespmem:$0x1C800] =	vst v63  }
0xf3: {  	_ =	swait.ge [sflag:s17], $0x4000  }
0xf4: {  	[sflag:s17] =	ssyncset.done $0x0  }
0xf5: {  	[sflag:s17] =	ssyncadd.s32 $0xFFFFC000  }
0xf6: {  	_ =	swait.ge [sflag:s21], $0x4000  }
0xf7: {  	[sflag:s21] =	ssyncset.done $0x0  }
0xf8: {  	[sflag:s21] =	ssyncadd.s32 $0xFFFFC000  }
0xf9: {  	[bflag:$0x0] =	sbarrier.arrive $0xFFFF  }
0xfa: {  	s8 =	rddreg [dreg:$0x5]  }
0xfb: {  	s10 =	rddreg [dreg:$0x6]  }
0xfc: {  	s6 =	rddreg [dreg:$0x8]  }
0xfd: {  	[hbm:s10], [sflag:s8] =	dma.local [spmem:s6], $0x2800  }
0xfe: {  	_ =	swait.ge [sflag:s11], $0x2800  }
0xff: {  	s5 =	rddreg [dreg:$0x9]  }
0x100: {  	s10 =	rddreg [dreg:$0x7];
	s7 =	sadd.s32 $0x1, s5  }
0x101: {  	p0 =	sne.s32 s7, s10  }
.Ltmp1:
0x102: {  	_ = 	snop;
	(pc) =	sbr.rel @p0 .LBB2_1-.Ltmp1, $3  }
0x103: {  	_ =	sdelay $0x1  }
0x104: {  	[sflag:s11] =	ssyncset.done $0x0  }
0x105: {  	[sflag:s11] =	ssyncadd.s32 $0xFFFFD800  }
0x106: {  	_ =	sfence.sel $0x180000  }
0x107: {  	[bflag:$0x0] =	sbarrier.arrive $0xFFFF  }
0x108: {  	_ =	strace $0x90000050  }
0x109: {  	s0 =	stileid.u32;
	[bflag:$0x2] =	sbarrier.arrive $0xFFFF  }
0x10a: {  	p0 =	sne.s32 s0, $0x0;
	s0 =	rddreg [dreg:$0x2]  }
0x10b: {  	s0 =	sadd.s32 @!p0 $0x100000, s0  }
0x10c: {  	[sflag:s0] =	ssyncadd.tile.s32 @!p0 $0x1;
	_ =	shalt  }
.Lfunc_end2:
_tile_overlayer_lowered:
.L_overlay_start_2:
0x10d: {  	(tag) =	ssettag $0x2  }
0x10e: {  	s0 =	rddreg [dreg:$0x0];
	s2 =	stileid.u32  }
0x10f: {  	s1 =	rddreg [dreg:$0x1];
	p0 =	sne.s32 s2, $0x0  }
0x110: {  	s3 =	rddreg [dreg:$0x2];
	[bflag:$0x3] =	sbarrier.arrive $0xFFFF;
	s2 =	simm.s32 @!p0 $0x1C05  }
0x111: {  	[timem:s3], [sflag:s2] =	dma.local @!p0 [hbm:s0], s1  }
0x112: {  	s0 =	simm.s32 @!p0 $0x5  }
0x113: {  	_ =	swait.ge @!p0 [sflag:s0], s1  }
0x114: {  	s1 =	ssub.s32 @!p0 $0x0, s1;
	[sflag:s0] =	ssyncset.done @!p0 $0x0  }
0x115: {  	[sflag:s0] =	ssyncadd.s32 @!p0 s1  }
0x116: {  	[bflag:$0x3] =	sbarrier.arrive $0xFFFF  }
0x117: {  	_ =	shalt  }

// kernel: sc_segsum.6.cloned.1.call-start
scs
__scs_entry_jumppad:
0x0: {  	(pc) =	sbr.rel $0x88, $3  }
0x1: {  	(tag) =	ssettag $0x0;
	lr =	simm.s32 $0x1  }
0x2: {  	[smem:$0x3F75] =	sst lr;
	_ =	strace $0xD0000000  }
0x3: {  	_ = 	snop  }
0x4: {  	_ = 	snop  }
0x5: {  	_ = 	snop  }
0x6: {  	_ = 	snop  }
0x7: {  	_ = 	snop  }
__scs_overlays_trampoline_lowered:
0x8: {  	[smem:$0x3F84] =	sst s0  }
0x9: {  	[smem:$0x3F85] =	sst s1  }
0xa: {  	[smem:$0x3F86] =	sst s2  }
0xb: {  	[smem:$0x3F87] =	sst s3  }
0xc: {  	[smem:$0x3F88] =	sst s4  }
0xd: {  	[smem:$0x3F89] =	sst s5  }
0xe: {  	[smem:$0x3F8A] =	sst s6  }
0xf: {  	[smem:$0x3F8B] =	sst s7  }
0x10: {  	[smem:$0x3F8C] =	sst s8  }
0x11: {  	[smem:$0x3F8D] =	sst s9;
	s0 =	simm.s32 @!p0 $0x0  }
0x12: {  	s1 =	sld [smem:$0x3F73];
	s0 =	simm.s32 @p0 $0x1  }
0x13: {  	[smem:$0x3F8E] =	sst s0;
	s0 =	simm.s32 @!p1 $0x0  }
0x14: {  	s2 =	sld [smem:$0x3F72];
	s0 =	simm.s32 @p1 $0x1  }
0x15: {  	[smem:$0x3F8F] =	sst s0;
	s0 =	simm.s32 @!p2 $0x0  }
0x16: {  	s3 =	sld [smem:$0x3FDB];
	s0 =	simm.s32 @p2 $0x1  }
0x17: {  	s4 =	simm.s32 $0x1BF5;
	[smem:$0x3F91] =	sst s0  }
0x18: {  	s0 =	sld [smem:$0x3F74];
	_ =	swait.ge [sflag:s4], $0x0  }
0x19: {  	s7 =	sld [smem:$0x3F75]  }
0x1a: {  	s8 =	sadd.s32 $0xFFFFE003, lr  }
0x1b: {  	s9 =	sadd.s32 $0xFFFFFEF7, lr;
	s5 =	simm.s32 $0xFFFFFFFF;
	p2 =	slt.u32 s8, $0xFFFFF086  }
0x1c: {  	p1 =	slt.u32 s9, $0xF7A;
	s5 =	simm.s32 @!p2 $0x0  }
0x1d: {  	s5 =	simm.s32 @p1 $0x1;
	p0 =	seq.s32 s7, s2  }
0x1e: {  	s7 =	smul.u32 @!p0 $0xF7A, s2;
	p2 =	seq.s32 @!p0 s5, $0x0  }
0x1f: {  	s9 =	smul.u32 $0xF7A, s1;
	s8 =	simm.s32 @!p0 $0x1BF5;
	p2 =	por !p2, p0  }
0x20: {  	[sflag:s8] =	ssyncset.s32 @!p0 $0xFFFFF086;
	s6 =	sadd.s32 @!p0 s3, s7;
	s7 =	simm.s32 @!p0 $0x108  }
0x21: {  	s3 =	sadd.s32 s3, s9;
	s6 =	sadd.s32 @!p0 $0x88, s6;
	s7 =	simm.s32 @p2 $0x1082  }
0x22: {  	[simem:s7], [sflag:s8] =	dma.local @!p0 [hbm:s6], $0xF7A  }
0x23: {  	s9 =	sor.u32 $0xD0000000, s2;
	s6 =	simm.s32 $0x108;
	_ =	swait.ge @!p0 [sflag:s8], $0x0  }
0x24: {  	s3 =	sadd.s32 $0x88, s3;
	s6 =	simm.s32 @!p1 $0x1082;
	[sflag:s4] =	ssyncset.s32 $0xFFFFF086  }
0x25: {  	[simem:s6], [sflag:s4] =	dma.local [hbm:s3], $0xF7A  }
0x26: {  	[smem:$0x3F75] =	sst s1;
	(tag) =	ssettag s2;
	_ =	strace s9  }
0x27: {  	s1 =	sld [smem:$0x3F85]  }
0x28: {  	s2 =	sld [smem:$0x3F86]  }
0x29: {  	s4 =	sld [smem:$0x3F88]  }
0x2a: {  	p0 =	seq.s32 s5, $0x0;
	s5 =	sld [smem:$0x3F89]  }
0x2b: {  	s6 =	sld [smem:$0x3F8A]  }
0x2c: {  	s7 =	sld [smem:$0x3F8B]  }
0x2d: {  	s3 =	simm.s32 $0x108;
	s8 =	sld [smem:$0x3F8C]  }
0x2e: {  	s3 =	simm.s32 @!p0 $0x1082;
	s9 =	sld [smem:$0x3F8D]  }
0x2f: {  	lr =	sadd.s32 s0, s3;
	s0 =	sld [smem:$0x3F84]  }
0x30: {  	s3 =	sld [smem:$0x3F87]  }
0x31: {  	[smem:$0x3F90] =	sst s10  }
0x32: {  	s10 =	sld [smem:$0x3F8E];
	_ =	sdelay $0x3  }
0x33: {  	p0 =	seq.s32 s10, $0x1;
	s10 =	sld [smem:$0x3F90];
	_ =	sdelay $0x3  }
0x34: {  	[smem:$0x3F90] =	sst s10  }
0x35: {  	s10 =	sld [smem:$0x3F8F];
	_ =	sdelay $0x3  }
0x36: {  	p1 =	seq.s32 s10, $0x1;
	s10 =	sld [smem:$0x3F90];
	_ =	sdelay $0x3  }
0x37: {  	[smem:$0x3F90] =	sst s10  }
0x38: {  	s10 =	sld [smem:$0x3F91]  }
0x39: {  	_ = 	snop;
	(pc) =	sbr.ind lr, $3  }
0x3a: {  	_ = 	snop  }
0x3b: {  	_ = 	snop  }
0x3c: {  	p2 =	seq.s32 s10, $0x1;
	s10 =	sld [smem:$0x3F90]  }
0x3d: {  	_ =	shalt  }
0x3e: {  	_ =	shalt  }
0x3f: {  	_ =	shalt  }
0x40: {  	_ =	shalt  }
0x41: {  	_ =	shalt  }
0x42: {  	_ =	shalt  }
0x43: {  	_ =	shalt  }
0x44: {  	_ =	shalt  }
0x45: {  	_ =	shalt  }
0x46: {  	_ =	shalt  }
0x47: {  	_ =	shalt  }
0x48: {  	_ =	shalt  }
0x49: {  	_ =	shalt  }
0x4a: {  	_ =	shalt  }
0x4b: {  	_ =	shalt  }
0x4c: {  	_ =	shalt  }
0x4d: {  	_ =	shalt  }
0x4e: {  	_ =	shalt  }
0x4f: {  	_ =	shalt  }
0x50: {  	_ =	shalt  }
0x51: {  	_ =	shalt  }
0x52: {  	_ =	shalt  }
0x53: {  	_ =	shalt  }
0x54: {  	_ =	shalt  }
0x55: {  	_ =	shalt  }
0x56: {  	_ =	shalt  }
0x57: {  	_ =	shalt  }
0x58: {  	_ =	shalt  }
0x59: {  	_ =	shalt  }
0x5a: {  	_ =	shalt  }
0x5b: {  	_ =	shalt  }
0x5c: {  	_ =	shalt  }
0x5d: {  	_ =	shalt  }
0x5e: {  	_ =	shalt  }
0x5f: {  	_ =	shalt  }
0x60: {  	_ =	shalt  }
0x61: {  	_ =	shalt  }
0x62: {  	_ =	shalt  }
0x63: {  	_ =	shalt  }
0x64: {  	_ =	shalt  }
0x65: {  	_ =	shalt  }
0x66: {  	_ =	shalt  }
0x67: {  	_ =	shalt  }
0x68: {  	_ =	shalt  }
0x69: {  	_ =	shalt  }
0x6a: {  	_ =	shalt  }
0x6b: {  	_ =	shalt  }
0x6c: {  	_ =	shalt  }
0x6d: {  	_ =	shalt  }
0x6e: {  	_ =	shalt  }
0x6f: {  	_ =	shalt  }
0x70: {  	_ =	shalt  }
0x71: {  	_ =	shalt  }
0x72: {  	_ =	shalt  }
0x73: {  	_ =	shalt  }
0x74: {  	_ =	shalt  }
0x75: {  	_ =	shalt  }
0x76: {  	_ =	shalt  }
0x77: {  	_ =	shalt  }
0x78: {  	_ =	shalt  }
0x79: {  	_ =	shalt  }
0x7a: {  	_ =	shalt  }
0x7b: {  	_ =	shalt  }
0x7c: {  	_ =	shalt  }
0x7d: {  	_ =	shalt  }
0x7e: {  	_ =	shalt  }
0x7f: {  	_ =	shalt  }
0x80: {  	_ =	shalt  }
0x81: {  	_ =	shalt  }
0x82: {  	_ =	shalt  }
0x83: {  	_ =	shalt  }
0x84: {  	_ =	shalt  }
0x85: {  	_ =	shalt  }
0x86: {  	_ =	shalt  }
0x87: {  	_ =	shalt  }
.Lfunc_end0:
.L_simem_size_0:
called_computation_lowered:
.L_overlay_start_0:
0x88: {  	s2 =	sld [smem:$0x3FD9]  }
0x89: {  	s3 =	sld [smem:$0x3FFE];
	_ =	sdelay $0x1  }
0x8a: {  	s1 =	srdreg.scid  }
0x8b: {  	s0 =	sand.u32 $0x1, s1  }
0x8c: {  	s17 =	sshll.u32 s0, $0xA;
	s2 =	sadd.s32 s3, s2  }
0x8d: {  	s2 =	sadd.s32 s2, s17  }
0x8e: {  	[smem:$0x3F9C] =	sst s2  }
0x8f: {  	_ = 	snop  }
0x90: {  	s2 =	sld [smem:$0x3FC9];
	(tm) =	ssettm $0x1  }
0x91: {  	s18 =	sld [smem:$0x3FFB];
	_ =	sdelay $0x3  }
0x92: {  	_ =	strace s18  }
0x93: {  	s3 =	sld [smem:$0x3FFC];
	_ =	sdelay $0x3  }
0x94: {  	_ =	strace s3  }
0x95: {  	s3 =	sld [smem:$0x3FFD];
	_ =	sdelay $0x3  }
0x96: {  	_ =	strace s3  }
0x97: {  	_ =	strace $0x8FFFFFFF  }
0x98: {  	s19 =	sld [smem:$0x3FDB];
	_ =	sdelay $0x1  }
0x99: {  	s4 =	simm.s32 $_scs_section_size  }
0x9a: {  	s5 =	simm.s32 $_size__tile_overlayer_lowered;
	s6 =	simm.s32 $_tile_overlayer_lowered  }
0x9b: {  	s22 =	simm.s32 $0x1BFF;
	s21 =	sshll.u32 s6, $0x1;
	s3 =	sadd.s32 s4, s19  }
0x9c: {  	s7 =	simm.s32 $0x0;
	s20 =	sshll.u32 s5, $0x1;
	s5 =	sadd.s32 s21, s3  }
0x9d: {  	[timem:s7], [sflag:s22] =	dma.local [hbm:s5], s20  }
0x9e: {  	_ =	swait.ge [sflag:s22], s20  }
0x9f: {  	s4 =	ssub.s32 $0x0, s20;
	[sflag:s22] =	ssyncset.done $0x0  }
0xa0: {  	[sflag:s22] =	ssyncadd.s32 s4;
	_ =	sdelay $0x1  }
0xa1: {  	s23 =	simm.s32 $0x1B8B  }
0xa2: {  	_ =	swait.ge [sflag:s23], $0x1  }
0xa3: {  	[sflag:s23] =	ssyncset.done $0x0  }
0xa4: {  	s25 =	simm.s32 $0x1B8E;
	s24 =	sld [smem:$0x3FFE];
	[sflag:s23] =	ssyncadd.s32 $0xFFFFFFFF  }
0xa5: {  	s26 =	simm.s32 $execute0_lowered;
	[smem:$0x3FD2] =	sst s25  }
0xa6: {  	s5 =	sshll.u32 s26, $0x1;
	_ =	strace $0x80000046;
	[dreg:$0x1] =	wrdreg $0xFFFFFFFF  }
0xa7: {  	s28 =	simm.s32 $_size_execute0_lowered;
	s3 =	sadd.s32 s3, s5;
	[dreg:$0x0] =	wrdreg $0x0  }
0xa8: {  	s5 =	sshll.u32 s28, $0x1;
	[dreg:$0x2] =	wrdreg s3  }
0xa9: {  	[dreg:$0x3] =	wrdreg s5  }
0xaa: {  	[dreg:$0x4] =	wrdreg $0xC0  }
0xab: {  	_ =	task [dreg:s7], $0x5FFFF  }
0xac: {  	[dreg:$0x1] =	wrdreg $0xFFFFFFFF  }
0xad: {  	[dreg:$0x0] =	wrdreg $0x60  }
0xae: {  	[dreg:$0x2] =	wrdreg s2  }
0xaf: {  	[dreg:$0x3] =	wrdreg s24  }
0xb0: {  	[dreg:$0x4] =	wrdreg $0x88000  }
0xb1: {  	[dreg:$0x5] =	wrdreg $0x9  }
0xb2: {  	_ =	task.clear_ibuf [dreg:s7], $0x6FFFF;
	_ =	strace $0x90000046  }
0xb3: {  	s29 =	simm.s32 $0x9;
	_ =	strace $0x80000048  }
0xb4: {  	_ =	swait.ge [sflag:s29], $0x1  }
0xb5: {  	[sflag:s29] =	ssyncadd.s32 $0xFFFFFFFF  }
0xb6: {  	_ =	strace $0x90000048  }
0xb7: {  	_ =	sfence  }
0xb8: {  	s30 =	sld [smem:$0x0];
	_ =	sdelay $0x2  }
0xb9: {  	s31 =	sshll.u32 s1, $0xD;
	s1 =	sshrl.u32 s1, $0x2  }
0xba: {  	s3 =	sand.u32 $0x4000, s31;
	s1 =	sadd.s32 s1, s30  }
0xbb: {  	s0 =	sor.u32 s3, s0;
	s1 =	sshll.u32 s1, $0x11  }
0xbc: {  	s0 =	sor.u32 s1, s0  }
0xbd: {  	s0 =	sadd.s32 $0x8F2B, s0  }
0xbe: {  	[sflag:s0] =	ssyncadd.remote.s32 $0x1  }
0xbf: {  	_ =	sfence.sel $0xFFFF  }
0xc0: {  	[dreg:$0x0] =	wrdreg $0xFFFFFFFF;
	(pc) =	sbr.abs _section_cstart, $3  }
0xc1: {  	[dreg:$0x1] =	wrdreg $0xFFFFFFFF  }
0xc2: {  	_ =	task.clear_ibuf [dreg:s7], $0x2FFFF;
	_ =	strace $0x9FFFFFFF  }
0xc3: {  	(tm) =	ssettm $0x7FFFFFFF  }
tec
execute0_lowered:
.L_overlay_start_1:
0x0: {  	(tag) =	ssettag $0x1  }
0x1: {  	s1 =	rddreg [dreg:$0x0]  }
0x2: {  	s0 =	rddreg [dreg:$0x1]  }
0x3: {  	s10 =	stileid.u32;
	s2 =	srdreg.scid  }
0x4: {  	s3 =	rddreg [dreg:$0x2];
	s4 =	simm.s32 $0x0;
	s11 =	simm.s32 $0x5  }
0x5: {  	s12 =	simm.s32 $0x400;
	s13 =	simm.s32 $0x80;
	s14 =	simm.s32 $0x800  }
0x6: {  	s15 =	simm.s32 $0x4800;
	s16 =	simm.s32 $0x1;
	s17 =	simm.s32 $0x3  }
0x7: {  	s18 =	simm.s32 $0x100;
	s19 =	simm.s32 $0x2;
	s28 =	simm.s32 $0x600  }
0x8: {  	s29 =	simm.s32 $0x300;
	s30 =	simm.s32 $0x680;
	s5 =	smul.u32 $0xA00, s10  }
0x9: {  	s31 =	simm.s32 $0x380;
	s2 =	sand.u32 $0x1, s2;
	s7 =	smul.u32 $0x14000, s10  }
0xa: {  	[smem:$0x7FF] =	sst s4;
	s8 =	sadd.s32 $0x1BC00, s0;
	s21 =	smul.u32 $0x50000, s10  }
0xb: {  	s24 =	sshll.u32 s10, $0x6;
	s6 =	smul.u32 $0x140000, s2;
	_ =	strace $0x80000047  }
0xc: {  	[dreg:$0x5] =	wrdreg s8;
	s20 =	ssub.s32 $0x2, s2;
	s2 =	smul.u32 $0x500, s2  }
0xd: {  	s8 =	sor.u32 $0x1C05, s24;
	s24 =	simm.s32 $0x200;
	s5 =	sadd.s32 s5, s0  }
0xe: {  	s9 =	sshrl.u32 s20, $0x1;
	s23 =	sshrl.u32 s21, $0x2;
	s21 =	simm.s32 $0x4  }
0xf: {  	[dreg:$0x6] =	wrdreg s8;
	s6 =	sadd.s32 s7, s6;
	s22 =	ssub.s32 s20, s9  }
0x10: {  	s7 =	sadd.s32 s23, s3;
	s2 =	sadd.s32 s2, s5;
	s20 =	simm.s32 $0x480  }
0x11: {  	s23 =	simm.s32 $0x500;
	s6 =	sshrl.u32 s6, $0x3;
	s25 =	sadd.s32 $0x11C00, s2  }
0x12: {  	s26 =	smax.u32 s22, $0x1;
	s9 =	sadd.s32 $0x7C00, s2;
	s22 =	simm.s32 $0x180  }
0x13: {  	s2 =	simm.s32 $0x700;
	s0 =	sadd.s32 s6, s0;
	[dreg:$0x8] =	wrdreg s26  }
0x14: {  	[dreg:$0x4] =	wrdreg s25;
	s6 =	sshrl.u32 s7, $0x3;
	s25 =	simm.s32 $0x580  }
0x15: {  	s26 =	simm.s32 $0x280;
	s0 =	sadd.s32 $0x1E400, s0;
	[dreg:$0x9] =	wrdreg s6  }
0x16: {  	s7 =	simm.s32 $0x0;
	[dreg:$0x7] =	wrdreg s0;
	s0 =	simm.s32 $0x780  }
.LBB2_1:
0x17: {  	[dreg:$0xa] =	wrdreg s7  }
0x18: {  	s5 =	rddreg [dreg:$0x5]  }
0x19: {  	[spmem:s6], [sflag:s8] =	dma.local [hbm:s5], $0x2800  }
0x1a: {  	_ =	swait.ge [sflag:s11], $0x2800  }
0x1b: {  	[sflag:s11] =	ssyncset.done $0x0  }
0x1c: {  	[sflag:s11] =	ssyncadd.s32 $0xFFFFD800  }
0x1d: {  	s8 =	sadd.s32 $0x0, s9;
	[bflag:$0x0] =	sbarrier.arrive $0xFFFF  }
0x1e: {  	[tilespmem:s4], [sflag:$0x5] =	stream.linear.gather [hbm4b:s8+s4], $0x400, $0x38;
	[tilespmem:$0x1C800] =	vst v63  }
0x1f: {  	_ =	swait.ge [sflag:s11], $0x400  }
0x20: {  	s10 =	rddreg [dreg:$0x4];
	[sflag:s11] =	ssyncset.done $0x0  }
0x21: {  	[sflag:s11] =	ssyncadd.s32 $0xFFFFFC00;
	s6 =	sadd.s32 $0x0, s10  }
0x22: {  	[tilespmem:s12], [sflag:$0x5] =	stream.linear.gather [hbm4b:s6+s4], $0x400, $0x38;
	[tilespmem:$0x1C800] =	vst v63  }
0x23: {  	_ =	swait.ge [sflag:s11], $0x400  }
0x24: {  	[sflag:s11] =	ssyncset.done $0x0  }
0x25: {  	[sflag:s11] =	ssyncadd.s32 $0xFFFFFC00  }
0x26: {  	[tilespmem:s14], [sflag:$0x1] =	stream.indirect.gather [hbm4b:s1+s13], $0x80, s4, s13, $0xb8;
	[tilespmem:$0x1C800] =	vst v63  }
0x27: {  	_ = 	snop  }
0x28: {  	[tilespmem:s15], [sflag:$0x2] =	stream.indirect.gather [hbm4b:s1+s13], $0x80, s13, s13, $0xb8;
	[tilespmem:$0x1C800] =	vst v63  }
0x29: {  	_ =	swait.ge [sflag:s16], $0x4000  }
0x2a: {  	[sflag:s16] =	ssyncset.done $0x0  }
0x2b: {  	[sflag:s16] =	ssyncadd.s32 $0xFFFFC000  }
0x2c: {  	[spmem:s3] =	stream.indirect.scatter.add.f32 [tilespmem:s14], [sflag:$0x3], $0x80, s12, s13, $0xb8;
	[tilespmem:$0x1C800] =	vst v63  }
0x2d: {  	_ =	swait.ge [sflag:s17], $0x4000  }
0x2e: {  	[sflag:s17] =	ssyncset.done $0x0  }
0x2f: {  	[sflag:s17] =	ssyncadd.s32 $0xFFFFC000  }
0x30: {  	[tilespmem:s14], [sflag:$0x1] =	stream.indirect.gather [hbm4b:s1+s13], $0x80, s18, s13, $0xb8;
	[tilespmem:$0x1C800] =	vst v63  }
0x31: {  	_ =	swait.ge [sflag:s19], $0x4000  }
0x32: {  	[sflag:s19] =	ssyncset.done $0x0  }
0x33: {  	[sflag:s19] =	ssyncadd.s32 $0xFFFFC000  }
0x34: {  	[spmem:s3] =	stream.indirect.scatter.add.f32 [tilespmem:s15], [sflag:$0x4], $0x80, s20, s13, $0xb8;
	[tilespmem:$0x1C800] =	vst v63  }
0x35: {  	_ =	swait.ge [sflag:s21], $0x4000  }
0x36: {  	[sflag:s21] =	ssyncset.done $0x0  }
0x37: {  	[sflag:s21] =	ssyncadd.s32 $0xFFFFC000  }
0x38: {  	[tilespmem:s15], [sflag:$0x2] =	stream.indirect.gather [hbm4b:s1+s13], $0x80, s22, s13, $0xb8;
	[tilespmem:$0x1C800] =	vst v63  }
0x39: {  	_ =	swait.ge [sflag:s16], $0x4000  }
0x3a: {  	[sflag:s16] =	ssyncset.done $0x0  }
0x3b: {  	[sflag:s16] =	ssyncadd.s32 $0xFFFFC000  }
0x3c: {  	[spmem:s3] =	stream.indirect.scatter.add.f32 [tilespmem:s14], [sflag:$0x3], $0x80, s23, s13, $0xb8;
	[tilespmem:$0x1C800] =	vst v63  }
0x3d: {  	_ =	swait.ge [sflag:s17], $0x4000  }
0x3e: {  	[sflag:s17] =	ssyncset.done $0x0  }
0x3f: {  	[sflag:s17] =	ssyncadd.s32 $0xFFFFC000  }
0x40: {  	[tilespmem:s14], [sflag:$0x1] =	stream.indirect.gather [hbm4b:s1+s13], $0x80, s24, s13, $0xb8;
	[tilespmem:$0x1C800] =	vst v63  }
0x41: {  	_ =	swait.ge [sflag:s19], $0x4000  }
0x42: {  	[sflag:s19] =	ssyncset.done $0x0  }
0x43: {  	[sflag:s19] =	ssyncadd.s32 $0xFFFFC000  }
0x44: {  	[spmem:s3] =	stream.indirect.scatter.add.f32 [tilespmem:s15], [sflag:$0x4], $0x80, s25, s13, $0xb8;
	[tilespmem:$0x1C800] =	vst v63  }
0x45: {  	_ =	swait.ge [sflag:s21], $0x4000  }
0x46: {  	[sflag:s21] =	ssyncset.done $0x0  }
0x47: {  	[sflag:s21] =	ssyncadd.s32 $0xFFFFC000  }
0x48: {  	[tilespmem:s15], [sflag:$0x2] =	stream.indirect.gather [hbm4b:s1+s13], $0x80, s26, s13, $0xb8;
	[tilespmem:$0x1C800] =	vst v63  }
0x49: {  	_ =	swait.ge [sflag:s16], $0x4000  }
0x4a: {  	[sflag:s16] =	ssyncset.done $0x0  }
0x4b: {  	[sflag:s16] =	ssyncadd.s32 $0xFFFFC000  }
0x4c: {  	[spmem:s3] =	stream.indirect.scatter.add.f32 [tilespmem:s14], [sflag:$0x3], $0x80, s28, s13, $0xb8;
	[tilespmem:$0x1C800] =	vst v63  }
0x4d: {  	_ =	swait.ge [sflag:s17], $0x4000  }
0x4e: {  	[sflag:s17] =	ssyncset.done $0x0  }
0x4f: {  	[sflag:s17] =	ssyncadd.s32 $0xFFFFC000  }
0x50: {  	[tilespmem:s14], [sflag:$0x1] =	stream.indirect.gather [hbm4b:s1+s13], $0x80, s29, s13, $0xb8;
	[tilespmem:$0x1C800] =	vst v63  }
0x51: {  	_ =	swait.ge [sflag:s19], $0x4000  }
0x52: {  	[sflag:s19] =	ssyncset.done $0x0  }
0x53: {  	[sflag:s19] =	ssyncadd.s32 $0xFFFFC000  }
0x54: {  	[spmem:s3] =	stream.indirect.scatter.add.f32 [tilespmem:s15], [sflag:$0x4], $0x80, s30, s13, $0xb8;
	[tilespmem:$0x1C800] =	vst v63  }
0x55: {  	_ =	swait.ge [sflag:s21], $0x4000  }
0x56: {  	[sflag:s21] =	ssyncset.done $0x0  }
0x57: {  	[sflag:s21] =	ssyncadd.s32 $0xFFFFC000  }
0x58: {  	[tilespmem:s15], [sflag:$0x2] =	stream.indirect.gather [hbm4b:s1+s13], $0x80, s31, s13, $0xb8;
	[tilespmem:$0x1C800] =	vst v63  }
0x59: {  	_ =	swait.ge [sflag:s16], $0x4000  }
0x5a: {  	[sflag:s16] =	ssyncset.done $0x0  }
0x5b: {  	[sflag:s16] =	ssyncadd.s32 $0xFFFFC000  }
0x5c: {  	[spmem:s3] =	stream.indirect.scatter.add.f32 [tilespmem:s14], [sflag:$0x3], $0x80, s2, s13, $0xb8;
	[tilespmem:$0x1C800] =	vst v63  }
0x5d: {  	_ =	swait.ge [sflag:s19], $0x4000  }
0x5e: {  	[sflag:s19] =	ssyncset.done $0x0  }
0x5f: {  	[sflag:s19] =	ssyncadd.s32 $0xFFFFC000  }
0x60: {  	[spmem:s3] =	stream.indirect.scatter.add.f32 [tilespmem:s15], [sflag:$0x4], $0x80, s0, s13, $0xb8;
	[tilespmem:$0x1C800] =	vst v63  }
0x61: {  	_ =	swait.ge [sflag:s17], $0x4000  }
0x62: {  	[sflag:s17] =	ssyncset.done $0x0  }
0x63: {  	[sflag:s17] =	ssyncadd.s32 $0xFFFFC000  }
0x64: {  	_ =	swait.ge [sflag:s21], $0x4000  }
0x65: {  	s7 =	simm.s32 $0x80;
	s8 =	simm.s32 $0x100;
	[sflag:s21] =	ssyncset.done $0x0  }
.LBB2_2:
0x66: {  	s10 =	sadd.s32 s7, s9;
	[sflag:s21] =	ssyncadd.s32 $0xFFFFC000  }
0x67: {  	[tilespmem:s4], [sflag:$0x5] =	stream.linear.gather [hbm4b:s10+s4], $0x400, $0x38;
	[tilespmem:$0x1C800] =	vst v63  }
0x68: {  	s5 =	smov.u32 s8;
	_ =	swait.ge [sflag:s11], $0x400  }
0x69: {  	s6 =	sadd.s32 $0x80, s8;
	s10 =	rddreg [dreg:$0x4];
	[sflag:s11] =	ssyncset.done $0x0  }
0x6a: {  	p0 =	sne.s32 s8, $0x480;
	[sflag:s11] =	ssyncadd.s32 $0xFFFFFC00;
	s8 =	sadd.s32 s7, s10  }
0x6b: {  	[tilespmem:s12], [sflag:$0x5] =	stream.linear.gather [hbm4b:s8+s4], $0x400, $0x38;
	[tilespmem:$0x1C800] =	vst v63  }
0x6c: {  	_ =	swait.ge [sflag:s11], $0x400  }
0x6d: {  	[sflag:s11] =	ssyncset.done $0x0  }
0x6e: {  	[sflag:s11] =	ssyncadd.s32 $0xFFFFFC00  }
0x6f: {  	[tilespmem:s14], [sflag:$0x1] =	stream.indirect.gather [hbm4b:s1+s13], $0x80, s4, s13, $0xb8;
	[tilespmem:$0x1C800] =	vst v63  }
0x70: {  	_ = 	snop  }
0x71: {  	[tilespmem:s15], [sflag:$0x2] =	stream.indirect.gather [hbm4b:s1+s13], $0x80, s13, s13, $0xb8;
	[tilespmem:$0x1C800] =	vst v63  }
0x72: {  	_ =	swait.ge [sflag:s16], $0x4000  }
0x73: {  	[sflag:s16] =	ssyncset.done $0x0  }
0x74: {  	[sflag:s16] =	ssyncadd.s32 $0xFFFFC000  }
0x75: {  	[spmem:s3] =	stream.indirect.scatter.add.f32 [tilespmem:s14], [sflag:$0x3], $0x80, s12, s13, $0xb8;
	[tilespmem:$0x1C800] =	vst v63  }
0x76: {  	_ =	swait.ge [sflag:s17], $0x4000  }
0x77: {  	[sflag:s17] =	ssyncset.done $0x0  }
0x78: {  	[sflag:s17] =	ssyncadd.s32 $0xFFFFC000  }
0x79: {  	[tilespmem:s14], [sflag:$0x1] =	stream.indirect.gather [hbm4b:s1+s13], $0x80, s18, s13, $0xb8;
	[tilespmem:$0x1C800] =	vst v63  }
0x7a: {  	_ =	swait.ge [sflag:s19], $0x4000  }
0x7b: {  	[sflag:s19] =	ssyncset.done $0x0  }
0x7c: {  	[sflag:s19] =	ssyncadd.s32 $0xFFFFC000  }
0x7d: {  	[spmem:s3] =	stream.indirect.scatter.add.f32 [tilespmem:s15], [sflag:$0x4], $0x80, s20, s13, $0xb8;
	[tilespmem:$0x1C800] =	vst v63  }
0x7e: {  	_ =	swait.ge [sflag:s21], $0x4000  }
0x7f: {  	[sflag:s21] =	ssyncset.done $0x0  }
0x80: {  	[sflag:s21] =	ssyncadd.s32 $0xFFFFC000  }
0x81: {  	[tilespmem:s15], [sflag:$0x2] =	stream.indirect.gather [hbm4b:s1+s13], $0x80, s22, s13, $0xb8;
	[tilespmem:$0x1C800] =	vst v63  }
0x82: {  	_ =	swait.ge [sflag:s16], $0x4000  }
0x83: {  	[sflag:s16] =	ssyncset.done $0x0  }
0x84: {  	[sflag:s16] =	ssyncadd.s32 $0xFFFFC000  }
0x85: {  	[spmem:s3] =	stream.indirect.scatter.add.f32 [tilespmem:s14], [sflag:$0x3], $0x80, s23, s13, $0xb8;
	[tilespmem:$0x1C800] =	vst v63  }
0x86: {  	_ =	swait.ge [sflag:s17], $0x4000  }
0x87: {  	[sflag:s17] =	ssyncset.done $0x0  }
0x88: {  	[sflag:s17] =	ssyncadd.s32 $0xFFFFC000  }
0x89: {  	[tilespmem:s14], [sflag:$0x1] =	stream.indirect.gather [hbm4b:s1+s13], $0x80, s24, s13, $0xb8;
	[tilespmem:$0x1C800] =	vst v63  }
0x8a: {  	_ =	swait.ge [sflag:s19], $0x4000  }
0x8b: {  	[sflag:s19] =	ssyncset.done $0x0  }
0x8c: {  	[sflag:s19] =	ssyncadd.s32 $0xFFFFC000  }
0x8d: {  	[spmem:s3] =	stream.indirect.scatter.add.f32 [tilespmem:s15], [sflag:$0x4], $0x80, s25, s13, $0xb8;
	[tilespmem:$0x1C800] =	vst v63  }
0x8e: {  	_ =	swait.ge [sflag:s21], $0x4000  }
0x8f: {  	[sflag:s21] =	ssyncset.done $0x0  }
0x90: {  	[sflag:s21] =	ssyncadd.s32 $0xFFFFC000  }
0x91: {  	[tilespmem:s15], [sflag:$0x2] =	stream.indirect.gather [hbm4b:s1+s13], $0x80, s26, s13, $0xb8;
	[tilespmem:$0x1C800] =	vst v63  }
0x92: {  	_ =	swait.ge [sflag:s16], $0x4000  }
0x93: {  	[sflag:s16] =	ssyncset.done $0x0  }
0x94: {  	[sflag:s16] =	ssyncadd.s32 $0xFFFFC000  }
0x95: {  	[spmem:s3] =	stream.indirect.scatter.add.f32 [tilespmem:s14], [sflag:$0x3], $0x80, s28, s13, $0xb8;
	[tilespmem:$0x1C800] =	vst v63  }
0x96: {  	_ =	swait.ge [sflag:s17], $0x4000  }
0x97: {  	[sflag:s17] =	ssyncset.done $0x0  }
0x98: {  	[sflag:s17] =	ssyncadd.s32 $0xFFFFC000  }
0x99: {  	[tilespmem:s14], [sflag:$0x1] =	stream.indirect.gather [hbm4b:s1+s13], $0x80, s29, s13, $0xb8;
	[tilespmem:$0x1C800] =	vst v63  }
0x9a: {  	_ =	swait.ge [sflag:s19], $0x4000  }
0x9b: {  	[sflag:s19] =	ssyncset.done $0x0  }
0x9c: {  	[sflag:s19] =	ssyncadd.s32 $0xFFFFC000  }
0x9d: {  	[spmem:s3] =	stream.indirect.scatter.add.f32 [tilespmem:s15], [sflag:$0x4], $0x80, s30, s13, $0xb8;
	[tilespmem:$0x1C800] =	vst v63  }
0x9e: {  	_ =	swait.ge [sflag:s21], $0x4000  }
0x9f: {  	[sflag:s21] =	ssyncset.done $0x0  }
0xa0: {  	[sflag:s21] =	ssyncadd.s32 $0xFFFFC000  }
0xa1: {  	[tilespmem:s15], [sflag:$0x2] =	stream.indirect.gather [hbm4b:s1+s13], $0x80, s31, s13, $0xb8;
	[tilespmem:$0x1C800] =	vst v63  }
0xa2: {  	_ =	swait.ge [sflag:s16], $0x4000  }
0xa3: {  	[sflag:s16] =	ssyncset.done $0x0  }
0xa4: {  	[sflag:s16] =	ssyncadd.s32 $0xFFFFC000  }
0xa5: {  	[spmem:s3] =	stream.indirect.scatter.add.f32 [tilespmem:s14], [sflag:$0x3], $0x80, s2, s13, $0xb8;
	[tilespmem:$0x1C800] =	vst v63  }
0xa6: {  	_ =	swait.ge [sflag:s19], $0x4000  }
0xa7: {  	[sflag:s19] =	ssyncset.done $0x0  }
0xa8: {  	[sflag:s19] =	ssyncadd.s32 $0xFFFFC000  }
0xa9: {  	[spmem:s3] =	stream.indirect.scatter.add.f32 [tilespmem:s15], [sflag:$0x4], $0x80, s0, s13, $0xb8;
	[tilespmem:$0x1C800] =	vst v63  }
.Ltmp0:
0xaa: {  	_ =	swait.ge [sflag:s17], $0x4000;
	(pc) =	sbr.rel @p0 .LBB2_2-.Ltmp0, $4  }
0xab: {  	[sflag:s17] =	ssyncset.done $0x0  }
0xac: {  	[sflag:s17] =	ssyncadd.s32 $0xFFFFC000  }
0xad: {  	_ =	swait.ge [sflag:s21], $0x4000  }
0xae: {  	s7 =	smov.u32 s5;
	s8 =	smov.u32 s6;
	[sflag:s21] =	ssyncset.done $0x0  }
0xaf: {  	s5 =	sadd.s32 s7, s9;
	[sflag:s21] =	ssyncadd.s32 $0xFFFFC000  }
0xb0: {  	[tilespmem:s4], [sflag:$0x5] =	stream.linear.gather [hbm4b:s5+s4], $0x400, $0x38;
	[tilespmem:$0x1C800] =	vst v63  }
0xb1: {  	_ =	swait.ge [sflag:s11], $0x400  }
0xb2: {  	s8 =	rddreg [dreg:$0x4];
	[sflag:s11] =	ssyncset.done $0x0  }
0xb3: {  	s5 =	sadd.s32 s7, s8;
	[sflag:s11] =	ssyncadd.s32 $0xFFFFFC00  }
0xb4: {  	[tilespmem:s12], [sflag:$0x5] =	stream.linear.gather [hbm4b:s5+s4], $0x400, $0x38;
	[tilespmem:$0x1C800] =	vst v63  }
0xb5: {  	_ =	swait.ge [sflag:s11], $0x400  }
0xb6: {  	[sflag:s11] =	ssyncset.done $0x0  }
0xb7: {  	[sflag:s11] =	ssyncadd.s32 $0xFFFFFC00  }
0xb8: {  	[tilespmem:s14], [sflag:$0x1] =	stream.indirect.gather [hbm4b:s1+s13], $0x80, s4, s13, $0xb8;
	[tilespmem:$0x1C800] =	vst v63  }
0xb9: {  	_ = 	snop  }
0xba: {  	[tilespmem:s15], [sflag:$0x2] =	stream.indirect.gather [hbm4b:s1+s13], $0x80, s13, s13, $0xb8;
	[tilespmem:$0x1C800] =	vst v63  }
0xbb: {  	_ =	swait.ge [sflag:s16], $0x4000  }
0xbc: {  	[sflag:s16] =	ssyncset.done $0x0  }
0xbd: {  	[sflag:s16] =	ssyncadd.s32 $0xFFFFC000  }
0xbe: {  	[spmem:s3] =	stream.indirect.scatter.add.f32 [tilespmem:s14], [sflag:$0x3], $0x80, s12, s13, $0xb8;
	[tilespmem:$0x1C800] =	vst v63  }
0xbf: {  	_ =	swait.ge [sflag:s17], $0x4000  }
0xc0: {  	[sflag:s17] =	ssyncset.done $0x0  }
0xc1: {  	[sflag:s17] =	ssyncadd.s32 $0xFFFFC000  }
0xc2: {  	[tilespmem:s14], [sflag:$0x1] =	stream.indirect.gather [hbm4b:s1+s13], $0x80, s18, s13, $0xb8;
	[tilespmem:$0x1C800] =	vst v63  }
0xc3: {  	_ =	swait.ge [sflag:s19], $0x4000  }
0xc4: {  	[sflag:s19] =	ssyncset.done $0x0  }
0xc5: {  	[sflag:s19] =	ssyncadd.s32 $0xFFFFC000  }
0xc6: {  	[spmem:s3] =	stream.indirect.scatter.add.f32 [tilespmem:s15], [sflag:$0x4], $0x80, s20, s13, $0xb8;
	[tilespmem:$0x1C800] =	vst v63  }
0xc7: {  	_ =	swait.ge [sflag:s21], $0x4000  }
0xc8: {  	[sflag:s21] =	ssyncset.done $0x0  }
0xc9: {  	[sflag:s21] =	ssyncadd.s32 $0xFFFFC000  }
0xca: {  	[tilespmem:s15], [sflag:$0x2] =	stream.indirect.gather [hbm4b:s1+s13], $0x80, s22, s13, $0xb8;
	[tilespmem:$0x1C800] =	vst v63  }
0xcb: {  	_ =	swait.ge [sflag:s16], $0x4000  }
0xcc: {  	[sflag:s16] =	ssyncset.done $0x0  }
0xcd: {  	[sflag:s16] =	ssyncadd.s32 $0xFFFFC000  }
0xce: {  	[spmem:s3] =	stream.indirect.scatter.add.f32 [tilespmem:s14], [sflag:$0x3], $0x80, s23, s13, $0xb8;
	[tilespmem:$0x1C800] =	vst v63  }
0xcf: {  	_ =	swait.ge [sflag:s17], $0x4000  }
0xd0: {  	[sflag:s17] =	ssyncset.done $0x0  }
0xd1: {  	[sflag:s17] =	ssyncadd.s32 $0xFFFFC000  }
0xd2: {  	[tilespmem:s14], [sflag:$0x1] =	stream.indirect.gather [hbm4b:s1+s13], $0x80, s24, s13, $0xb8;
	[tilespmem:$0x1C800] =	vst v63  }
0xd3: {  	_ =	swait.ge [sflag:s19], $0x4000  }
0xd4: {  	[sflag:s19] =	ssyncset.done $0x0  }
0xd5: {  	[sflag:s19] =	ssyncadd.s32 $0xFFFFC000  }
0xd6: {  	[spmem:s3] =	stream.indirect.scatter.add.f32 [tilespmem:s15], [sflag:$0x4], $0x80, s25, s13, $0xb8;
	[tilespmem:$0x1C800] =	vst v63  }
0xd7: {  	_ =	swait.ge [sflag:s21], $0x4000  }
0xd8: {  	[sflag:s21] =	ssyncset.done $0x0  }
0xd9: {  	[sflag:s21] =	ssyncadd.s32 $0xFFFFC000  }
0xda: {  	[tilespmem:s15], [sflag:$0x2] =	stream.indirect.gather [hbm4b:s1+s13], $0x80, s26, s13, $0xb8;
	[tilespmem:$0x1C800] =	vst v63  }
0xdb: {  	_ =	swait.ge [sflag:s16], $0x4000  }
0xdc: {  	[sflag:s16] =	ssyncset.done $0x0  }
0xdd: {  	[sflag:s16] =	ssyncadd.s32 $0xFFFFC000  }
0xde: {  	[spmem:s3] =	stream.indirect.scatter.add.f32 [tilespmem:s14], [sflag:$0x3], $0x80, s28, s13, $0xb8;
	[tilespmem:$0x1C800] =	vst v63  }
0xdf: {  	_ =	swait.ge [sflag:s17], $0x4000  }
0xe0: {  	[sflag:s17] =	ssyncset.done $0x0  }
0xe1: {  	[sflag:s17] =	ssyncadd.s32 $0xFFFFC000  }
0xe2: {  	[tilespmem:s14], [sflag:$0x1] =	stream.indirect.gather [hbm4b:s1+s13], $0x80, s29, s13, $0xb8;
	[tilespmem:$0x1C800] =	vst v63  }
0xe3: {  	_ =	swait.ge [sflag:s19], $0x4000  }
0xe4: {  	[sflag:s19] =	ssyncset.done $0x0  }
0xe5: {  	[sflag:s19] =	ssyncadd.s32 $0xFFFFC000  }
0xe6: {  	[spmem:s3] =	stream.indirect.scatter.add.f32 [tilespmem:s15], [sflag:$0x4], $0x80, s30, s13, $0xb8;
	[tilespmem:$0x1C800] =	vst v63  }
0xe7: {  	_ =	swait.ge [sflag:s21], $0x4000  }
0xe8: {  	[sflag:s21] =	ssyncset.done $0x0  }
0xe9: {  	[sflag:s21] =	ssyncadd.s32 $0xFFFFC000  }
0xea: {  	[tilespmem:s15], [sflag:$0x2] =	stream.indirect.gather [hbm4b:s1+s13], $0x80, s31, s13, $0xb8;
	[tilespmem:$0x1C800] =	vst v63  }
0xeb: {  	_ =	swait.ge [sflag:s16], $0x4000  }
0xec: {  	[sflag:s16] =	ssyncset.done $0x0  }
0xed: {  	[sflag:s16] =	ssyncadd.s32 $0xFFFFC000  }
0xee: {  	[spmem:s3] =	stream.indirect.scatter.add.f32 [tilespmem:s14], [sflag:$0x3], $0x80, s2, s13, $0xb8;
	[tilespmem:$0x1C800] =	vst v63  }
0xef: {  	_ =	swait.ge [sflag:s19], $0x4000  }
0xf0: {  	[sflag:s19] =	ssyncset.done $0x0  }
0xf1: {  	[sflag:s19] =	ssyncadd.s32 $0xFFFFC000  }
0xf2: {  	[spmem:s3] =	stream.indirect.scatter.add.f32 [tilespmem:s15], [sflag:$0x4], $0x80, s0, s13, $0xb8;
	[tilespmem:$0x1C800] =	vst v63  }
0xf3: {  	_ =	swait.ge [sflag:s17], $0x4000  }
0xf4: {  	[sflag:s17] =	ssyncset.done $0x0  }
0xf5: {  	[sflag:s17] =	ssyncadd.s32 $0xFFFFC000  }
0xf6: {  	_ =	swait.ge [sflag:s21], $0x4000  }
0xf7: {  	[sflag:s21] =	ssyncset.done $0x0  }
0xf8: {  	[sflag:s21] =	ssyncadd.s32 $0xFFFFC000  }
0xf9: {  	[bflag:$0x0] =	sbarrier.arrive $0xFFFF  }
0xfa: {  	s8 =	rddreg [dreg:$0x6]  }
0xfb: {  	s10 =	rddreg [dreg:$0x7]  }
0xfc: {  	s6 =	rddreg [dreg:$0x9]  }
0xfd: {  	[hbm:s10], [sflag:s8] =	dma.local [spmem:s6], $0x2800  }
0xfe: {  	_ =	swait.ge [sflag:s11], $0x2800  }
0xff: {  	s5 =	rddreg [dreg:$0xa]  }
0x100: {  	s10 =	rddreg [dreg:$0x8];
	s7 =	sadd.s32 $0x1, s5  }
0x101: {  	p0 =	sne.s32 s7, s10  }
.Ltmp1:
0x102: {  	_ = 	snop;
	(pc) =	sbr.rel @p0 .LBB2_1-.Ltmp1, $3  }
0x103: {  	_ =	sdelay $0x1  }
0x104: {  	[sflag:s11] =	ssyncset.done $0x0  }
0x105: {  	[sflag:s11] =	ssyncadd.s32 $0xFFFFD800  }
0x106: {  	_ =	sfence.sel $0x180000  }
0x107: {  	[bflag:$0x0] =	sbarrier.arrive $0xFFFF  }
0x108: {  	_ =	strace $0x90000047  }
0x109: {  	s0 =	stileid.u32;
	[bflag:$0x2] =	sbarrier.arrive $0xFFFF  }
0x10a: {  	p0 =	sne.s32 s0, $0x0;
	s0 =	rddreg [dreg:$0x3]  }
0x10b: {  	s0 =	sadd.s32 @!p0 $0x100000, s0  }
0x10c: {  	[sflag:s0] =	ssyncadd.tile.s32 @!p0 $0x1;
	_ =	shalt  }
.Lfunc_end2:
_tile_overlayer_lowered:
.L_overlay_start_2:
0x10d: {  	(tag) =	ssettag $0x2  }
0x10e: {  	s0 =	rddreg [dreg:$0x0];
	s2 =	stileid.u32  }
0x10f: {  	s1 =	rddreg [dreg:$0x1];
	p0 =	sne.s32 s2, $0x0  }
0x110: {  	s3 =	rddreg [dreg:$0x2];
	[bflag:$0x3] =	sbarrier.arrive $0xFFFF;
	s2 =	simm.s32 @!p0 $0x1C05  }
0x111: {  	[timem:s3], [sflag:s2] =	dma.local @!p0 [hbm:s0], s1  }
0x112: {  	s0 =	simm.s32 @!p0 $0x5  }
0x113: {  	_ =	swait.ge @!p0 [sflag:s0], s1  }
0x114: {  	s1 =	ssub.s32 @!p0 $0x0, s1;
	[sflag:s0] =	ssyncset.done @!p0 $0x0  }
0x115: {  	[sflag:s0] =	ssyncadd.s32 @!p0 s1  }
0x116: {  	[bflag:$0x3] =	sbarrier.arrive $0xFFFF  }
0x117: {  	_ =	shalt  }

// kernel: sc_segsum.9.cloned.1.call-start
scs
__scs_entry_jumppad:
0x0: {  	(pc) =	sbr.rel $0x88, $3  }
0x1: {  	(tag) =	ssettag $0x0;
	lr =	simm.s32 $0x1  }
0x2: {  	[smem:$0x3F75] =	sst lr;
	_ =	strace $0xD0000000  }
0x3: {  	_ = 	snop  }
0x4: {  	_ = 	snop  }
0x5: {  	_ = 	snop  }
0x6: {  	_ = 	snop  }
0x7: {  	_ = 	snop  }
__scs_overlays_trampoline_lowered:
0x8: {  	[smem:$0x3F84] =	sst s0  }
0x9: {  	[smem:$0x3F85] =	sst s1  }
0xa: {  	[smem:$0x3F86] =	sst s2  }
0xb: {  	[smem:$0x3F87] =	sst s3  }
0xc: {  	[smem:$0x3F88] =	sst s4  }
0xd: {  	[smem:$0x3F89] =	sst s5  }
0xe: {  	[smem:$0x3F8A] =	sst s6  }
0xf: {  	[smem:$0x3F8B] =	sst s7  }
0x10: {  	[smem:$0x3F8C] =	sst s8  }
0x11: {  	[smem:$0x3F8D] =	sst s9;
	s0 =	simm.s32 @!p0 $0x0  }
0x12: {  	s1 =	sld [smem:$0x3F73];
	s0 =	simm.s32 @p0 $0x1  }
0x13: {  	[smem:$0x3F8E] =	sst s0;
	s0 =	simm.s32 @!p1 $0x0  }
0x14: {  	s2 =	sld [smem:$0x3F72];
	s0 =	simm.s32 @p1 $0x1  }
0x15: {  	[smem:$0x3F8F] =	sst s0;
	s0 =	simm.s32 @!p2 $0x0  }
0x16: {  	s3 =	sld [smem:$0x3FDB];
	s0 =	simm.s32 @p2 $0x1  }
0x17: {  	s4 =	simm.s32 $0x1BF5;
	[smem:$0x3F91] =	sst s0  }
0x18: {  	s0 =	sld [smem:$0x3F74];
	_ =	swait.ge [sflag:s4], $0x0  }
0x19: {  	s7 =	sld [smem:$0x3F75]  }
0x1a: {  	s8 =	sadd.s32 $0xFFFFE003, lr  }
0x1b: {  	s9 =	sadd.s32 $0xFFFFFEF7, lr;
	s5 =	simm.s32 $0xFFFFFFFF;
	p2 =	slt.u32 s8, $0xFFFFF086  }
0x1c: {  	p1 =	slt.u32 s9, $0xF7A;
	s5 =	simm.s32 @!p2 $0x0  }
0x1d: {  	s5 =	simm.s32 @p1 $0x1;
	p0 =	seq.s32 s7, s2  }
0x1e: {  	s7 =	smul.u32 @!p0 $0xF7A, s2;
	p2 =	seq.s32 @!p0 s5, $0x0  }
0x1f: {  	s9 =	smul.u32 $0xF7A, s1;
	s8 =	simm.s32 @!p0 $0x1BF5;
	p2 =	por !p2, p0  }
0x20: {  	[sflag:s8] =	ssyncset.s32 @!p0 $0xFFFFF086;
	s6 =	sadd.s32 @!p0 s3, s7;
	s7 =	simm.s32 @!p0 $0x108  }
0x21: {  	s3 =	sadd.s32 s3, s9;
	s6 =	sadd.s32 @!p0 $0x88, s6;
	s7 =	simm.s32 @p2 $0x1082  }
0x22: {  	[simem:s7], [sflag:s8] =	dma.local @!p0 [hbm:s6], $0xF7A  }
0x23: {  	s9 =	sor.u32 $0xD0000000, s2;
	s6 =	simm.s32 $0x108;
	_ =	swait.ge @!p0 [sflag:s8], $0x0  }
0x24: {  	s3 =	sadd.s32 $0x88, s3;
	s6 =	simm.s32 @!p1 $0x1082;
	[sflag:s4] =	ssyncset.s32 $0xFFFFF086  }
0x25: {  	[simem:s6], [sflag:s4] =	dma.local [hbm:s3], $0xF7A  }
0x26: {  	[smem:$0x3F75] =	sst s1;
	(tag) =	ssettag s2;
	_ =	strace s9  }
0x27: {  	s1 =	sld [smem:$0x3F85]  }
0x28: {  	s2 =	sld [smem:$0x3F86]  }
0x29: {  	s4 =	sld [smem:$0x3F88]  }
0x2a: {  	p0 =	seq.s32 s5, $0x0;
	s5 =	sld [smem:$0x3F89]  }
0x2b: {  	s6 =	sld [smem:$0x3F8A]  }
0x2c: {  	s7 =	sld [smem:$0x3F8B]  }
0x2d: {  	s3 =	simm.s32 $0x108;
	s8 =	sld [smem:$0x3F8C]  }
0x2e: {  	s3 =	simm.s32 @!p0 $0x1082;
	s9 =	sld [smem:$0x3F8D]  }
0x2f: {  	lr =	sadd.s32 s0, s3;
	s0 =	sld [smem:$0x3F84]  }
0x30: {  	s3 =	sld [smem:$0x3F87]  }
0x31: {  	[smem:$0x3F90] =	sst s10  }
0x32: {  	s10 =	sld [smem:$0x3F8E];
	_ =	sdelay $0x3  }
0x33: {  	p0 =	seq.s32 s10, $0x1;
	s10 =	sld [smem:$0x3F90];
	_ =	sdelay $0x3  }
0x34: {  	[smem:$0x3F90] =	sst s10  }
0x35: {  	s10 =	sld [smem:$0x3F8F];
	_ =	sdelay $0x3  }
0x36: {  	p1 =	seq.s32 s10, $0x1;
	s10 =	sld [smem:$0x3F90];
	_ =	sdelay $0x3  }
0x37: {  	[smem:$0x3F90] =	sst s10  }
0x38: {  	s10 =	sld [smem:$0x3F91]  }
0x39: {  	_ = 	snop;
	(pc) =	sbr.ind lr, $3  }
0x3a: {  	_ = 	snop  }
0x3b: {  	_ = 	snop  }
0x3c: {  	p2 =	seq.s32 s10, $0x1;
	s10 =	sld [smem:$0x3F90]  }
0x3d: {  	_ =	shalt  }
0x3e: {  	_ =	shalt  }
0x3f: {  	_ =	shalt  }
0x40: {  	_ =	shalt  }
0x41: {  	_ =	shalt  }
0x42: {  	_ =	shalt  }
0x43: {  	_ =	shalt  }
0x44: {  	_ =	shalt  }
0x45: {  	_ =	shalt  }
0x46: {  	_ =	shalt  }
0x47: {  	_ =	shalt  }
0x48: {  	_ =	shalt  }
0x49: {  	_ =	shalt  }
0x4a: {  	_ =	shalt  }
0x4b: {  	_ =	shalt  }
0x4c: {  	_ =	shalt  }
0x4d: {  	_ =	shalt  }
0x4e: {  	_ =	shalt  }
0x4f: {  	_ =	shalt  }
0x50: {  	_ =	shalt  }
0x51: {  	_ =	shalt  }
0x52: {  	_ =	shalt  }
0x53: {  	_ =	shalt  }
0x54: {  	_ =	shalt  }
0x55: {  	_ =	shalt  }
0x56: {  	_ =	shalt  }
0x57: {  	_ =	shalt  }
0x58: {  	_ =	shalt  }
0x59: {  	_ =	shalt  }
0x5a: {  	_ =	shalt  }
0x5b: {  	_ =	shalt  }
0x5c: {  	_ =	shalt  }
0x5d: {  	_ =	shalt  }
0x5e: {  	_ =	shalt  }
0x5f: {  	_ =	shalt  }
0x60: {  	_ =	shalt  }
0x61: {  	_ =	shalt  }
0x62: {  	_ =	shalt  }
0x63: {  	_ =	shalt  }
0x64: {  	_ =	shalt  }
0x65: {  	_ =	shalt  }
0x66: {  	_ =	shalt  }
0x67: {  	_ =	shalt  }
0x68: {  	_ =	shalt  }
0x69: {  	_ =	shalt  }
0x6a: {  	_ =	shalt  }
0x6b: {  	_ =	shalt  }
0x6c: {  	_ =	shalt  }
0x6d: {  	_ =	shalt  }
0x6e: {  	_ =	shalt  }
0x6f: {  	_ =	shalt  }
0x70: {  	_ =	shalt  }
0x71: {  	_ =	shalt  }
0x72: {  	_ =	shalt  }
0x73: {  	_ =	shalt  }
0x74: {  	_ =	shalt  }
0x75: {  	_ =	shalt  }
0x76: {  	_ =	shalt  }
0x77: {  	_ =	shalt  }
0x78: {  	_ =	shalt  }
0x79: {  	_ =	shalt  }
0x7a: {  	_ =	shalt  }
0x7b: {  	_ =	shalt  }
0x7c: {  	_ =	shalt  }
0x7d: {  	_ =	shalt  }
0x7e: {  	_ =	shalt  }
0x7f: {  	_ =	shalt  }
0x80: {  	_ =	shalt  }
0x81: {  	_ =	shalt  }
0x82: {  	_ =	shalt  }
0x83: {  	_ =	shalt  }
0x84: {  	_ =	shalt  }
0x85: {  	_ =	shalt  }
0x86: {  	_ =	shalt  }
0x87: {  	_ =	shalt  }
.Lfunc_end0:
.L_simem_size_0:
called_computation.1_lowered:
.L_overlay_start_0:
0x88: {  	s2 =	sld [smem:$0x3FD9]  }
0x89: {  	s3 =	sld [smem:$0x3FFE];
	_ =	sdelay $0x1  }
0x8a: {  	s1 =	srdreg.scid  }
0x8b: {  	s0 =	sand.u32 $0x1, s1  }
0x8c: {  	s16 =	sshll.u32 s0, $0xA;
	s2 =	sadd.s32 s3, s2  }
0x8d: {  	s2 =	sadd.s32 s2, s16  }
0x8e: {  	[smem:$0x3F9C] =	sst s2  }
0x8f: {  	_ = 	snop  }
0x90: {  	(tm) =	ssettm $0x1  }
0x91: {  	s17 =	sld [smem:$0x3FFB];
	_ =	sdelay $0x3  }
0x92: {  	_ =	strace s17  }
0x93: {  	s2 =	sld [smem:$0x3FFC];
	_ =	sdelay $0x3  }
0x94: {  	_ =	strace s2  }
0x95: {  	s2 =	sld [smem:$0x3FFD];
	_ =	sdelay $0x3  }
0x96: {  	_ =	strace s2  }
0x97: {  	_ =	strace $0x8FFFFFFF  }
0x98: {  	s18 =	sld [smem:$0x3FDB];
	_ =	sdelay $0x1  }
0x99: {  	s19 =	simm.s32 $_scs_section_size  }
0x9a: {  	s4 =	simm.s32 $_size__tile_overlayer_lowered;
	s5 =	simm.s32 $_tile_overlayer_lowered  }
0x9b: {  	s22 =	simm.s32 $0x1BFF;
	s21 =	sshll.u32 s5, $0x1;
	s2 =	sadd.s32 s19, s18  }
0x9c: {  	s6 =	simm.s32 $0x0;
	s20 =	sshll.u32 s4, $0x1;
	s4 =	sadd.s32 s21, s2  }
0x9d: {  	[timem:s6], [sflag:s22] =	dma.local [hbm:s4], s20  }
0x9e: {  	_ =	swait.ge [sflag:s22], s20  }
0x9f: {  	s3 =	ssub.s32 $0x0, s20;
	[sflag:s22] =	ssyncset.done $0x0  }
0xa0: {  	[sflag:s22] =	ssyncadd.s32 s3;
	_ =	sdelay $0x1  }
0xa1: {  	s23 =	simm.s32 $0x1B8B  }
0xa2: {  	_ =	swait.ge [sflag:s23], $0x1  }
0xa3: {  	[sflag:s23] =	ssyncset.done $0x0  }
0xa4: {  	s25 =	simm.s32 $0x1B8E;
	s24 =	sld [smem:$0x3FFE];
	[sflag:s23] =	ssyncadd.s32 $0xFFFFFFFF  }
0xa5: {  	s26 =	simm.s32 $execute0_lowered;
	[smem:$0x3FD2] =	sst s25  }
0xa6: {  	s4 =	sshll.u32 s26, $0x1;
	_ =	strace $0x80000049;
	[dreg:$0x1] =	wrdreg $0xFFFFFFFF  }
0xa7: {  	s28 =	simm.s32 $_size_execute0_lowered;
	s2 =	sadd.s32 s2, s4;
	[dreg:$0x0] =	wrdreg $0x0  }
0xa8: {  	s4 =	sshll.u32 s28, $0x1;
	[dreg:$0x2] =	wrdreg s2  }
0xa9: {  	[dreg:$0x3] =	wrdreg s4  }
0xaa: {  	[dreg:$0x4] =	wrdreg $0xC0  }
0xab: {  	_ =	task [dreg:s6], $0x5FFFF  }
0xac: {  	[dreg:$0x1] =	wrdreg $0xFFFFFFFF  }
0xad: {  	[dreg:$0x0] =	wrdreg $0x60  }
0xae: {  	[dreg:$0x2] =	wrdreg s24  }
0xaf: {  	[dreg:$0x3] =	wrdreg $0x88000  }
0xb0: {  	[dreg:$0x4] =	wrdreg $0x9  }
0xb1: {  	_ =	task.clear_ibuf [dreg:s6], $0x5FFFF;
	_ =	strace $0x90000049  }
0xb2: {  	s29 =	simm.s32 $0x9;
	_ =	strace $0x8000004B  }
0xb3: {  	_ =	swait.ge [sflag:s29], $0x1  }
0xb4: {  	[sflag:s29] =	ssyncadd.s32 $0xFFFFFFFF  }
0xb5: {  	_ =	strace $0x9000004B  }
0xb6: {  	_ =	sfence  }
0xb7: {  	s30 =	sld [smem:$0x0];
	_ =	sdelay $0x2  }
0xb8: {  	s31 =	sshll.u32 s1, $0xD;
	s1 =	sshrl.u32 s1, $0x2  }
0xb9: {  	s3 =	sand.u32 $0x4000, s31;
	s1 =	sadd.s32 s1, s30  }
0xba: {  	s0 =	sor.u32 s3, s0;
	s1 =	sshll.u32 s1, $0x11  }
0xbb: {  	s0 =	sor.u32 s1, s0  }
0xbc: {  	s0 =	sadd.s32 $0x8F2B, s0  }
0xbd: {  	[sflag:s0] =	ssyncadd.remote.s32 $0x1  }
0xbe: {  	_ =	sfence.sel $0xFFFF  }
0xbf: {  	[dreg:$0x0] =	wrdreg $0xFFFFFFFF;
	(pc) =	sbr.abs _section_cstart, $3  }
0xc0: {  	[dreg:$0x1] =	wrdreg $0xFFFFFFFF  }
0xc1: {  	_ =	task.clear_ibuf [dreg:s6], $0x2FFFF;
	_ =	strace $0x9FFFFFFF  }
0xc2: {  	(tm) =	ssettm $0x7FFFFFFF  }
0xc3: {  	_ =	shalt  }
tec
execute0_lowered:
.L_overlay_start_1:
0x0: {  	(tag) =	ssettag $0x1  }
0x1: {  	s0 =	rddreg [dreg:$0x0]  }
0x2: {  	s2 =	rddreg [dreg:$0x1]  }
0x3: {  	s10 =	stileid.u32;
	s1 =	srdreg.scid  }
0x4: {  	s3 =	simm.s32 $0x0;
	s11 =	simm.s32 $0x5;
	s12 =	simm.s32 $0x400  }
0x5: {  	s13 =	simm.s32 $0x80;
	s14 =	simm.s32 $0x800;
	s15 =	simm.s32 $0x4800  }
0x6: {  	s16 =	simm.s32 $0x1;
	s17 =	simm.s32 $0x3;
	s18 =	simm.s32 $0x100  }
0x7: {  	s19 =	simm.s32 $0x2;
	s28 =	simm.s32 $0x600;
	s29 =	simm.s32 $0x300  }
0x8: {  	s30 =	simm.s32 $0x680;
	s31 =	simm.s32 $0x380;
	s5 =	smul.u32 $0xA00, s10  }
0x9: {  	s1 =	sand.u32 $0x1, s1;
	[smem:$0x7FF] =	sst s3;
	s7 =	smul.u32 $0x14000, s10  }
0xa: {  	s4 =	sadd.s32 $0x1E400, s0;
	s8 =	sadd.s32 $0x1BC00, s0;
	s21 =	smul.u32 $0x50000, s10  }
0xb: {  	s24 =	sshll.u32 s10, $0x6;
	s6 =	smul.u32 $0x140000, s1;
	_ =	strace $0x8000004A  }
0xc: {  	[dreg:$0x4] =	wrdreg s8;
	s20 =	ssub.s32 $0x2, s1;
	s1 =	smul.u32 $0x500, s1  }
0xd: {  	s8 =	sor.u32 $0x1C05, s24;
	s24 =	simm.s32 $0x200;
	s5 =	sadd.s32 s5, s0  }
0xe: {  	s9 =	sshrl.u32 s20, $0x1;
	s23 =	sshrl.u32 s21, $0x2;
	s21 =	simm.s32 $0x4  }
0xf: {  	[dreg:$0x5] =	wrdreg s8;
	s6 =	sadd.s32 s7, s6;
	s22 =	ssub.s32 s20, s9  }
0x10: {  	s7 =	sadd.s32 s23, s2;
	s1 =	sadd.s32 s1, s5;
	s20 =	simm.s32 $0x480  }
0x11: {  	s23 =	simm.s32 $0x500;
	s6 =	sshrl.u32 s6, $0x3;
	s25 =	sadd.s32 $0x11C00, s1  }
0x12: {  	s26 =	smax.u32 s22, $0x1;
	s9 =	sadd.s32 $0x7C00, s1;
	s22 =	simm.s32 $0x180  }
0x13: {  	s1 =	simm.s32 $0x780;
	s0 =	sadd.s32 s6, s0;
	[dreg:$0x7] =	wrdreg s26  }
0x14: {  	[dreg:$0x3] =	wrdreg s25;
	s6 =	sshrl.u32 s7, $0x3;
	s25 =	simm.s32 $0x580  }
0x15: {  	s26 =	simm.s32 $0x280;
	s0 =	sadd.s32 $0x6EA00, s0;
	[dreg:$0x8] =	wrdreg s6  }
0x16: {  	s7 =	simm.s32 $0x0;
	[dreg:$0x6] =	wrdreg s0;
	s0 =	simm.s32 $0x700  }
.LBB2_1:
0x17: {  	[dreg:$0x9] =	wrdreg s7  }
0x18: {  	s5 =	rddreg [dreg:$0x4]  }
0x19: {  	[spmem:s6], [sflag:s8] =	dma.local [hbm:s5], $0x2800  }
0x1a: {  	_ =	swait.ge [sflag:s11], $0x2800  }
0x1b: {  	[sflag:s11] =	ssyncset.done $0x0  }
0x1c: {  	[sflag:s11] =	ssyncadd.s32 $0xFFFFD800  }
0x1d: {  	s8 =	sadd.s32 $0x0, s9;
	[bflag:$0x0] =	sbarrier.arrive $0xFFFF  }
0x1e: {  	[tilespmem:s3], [sflag:$0x5] =	stream.linear.gather [hbm4b:s8+s3], $0x400, $0x38;
	[tilespmem:$0x1C800] =	vst v63  }
0x1f: {  	_ =	swait.ge [sflag:s11], $0x400  }
0x20: {  	s10 =	rddreg [dreg:$0x3];
	[sflag:s11] =	ssyncset.done $0x0  }
0x21: {  	[sflag:s11] =	ssyncadd.s32 $0xFFFFFC00;
	s6 =	sadd.s32 $0x0, s10  }
0x22: {  	[tilespmem:s12], [sflag:$0x5] =	stream.linear.gather [hbm4b:s6+s3], $0x400, $0x38;
	[tilespmem:$0x1C800] =	vst v63  }
0x23: {  	_ =	swait.ge [sflag:s11], $0x400  }
0x24: {  	[sflag:s11] =	ssyncset.done $0x0  }
0x25: {  	[sflag:s11] =	ssyncadd.s32 $0xFFFFFC00  }
0x26: {  	[tilespmem:s14], [sflag:$0x1] =	stream.indirect.gather [hbm4b:s4+s13], $0x80, s3, s13, $0xb8;
	[tilespmem:$0x1C800] =	vst v63  }
0x27: {  	_ = 	snop  }
0x28: {  	[tilespmem:s15], [sflag:$0x2] =	stream.indirect.gather [hbm4b:s4+s13], $0x80, s13, s13, $0xb8;
	[tilespmem:$0x1C800] =	vst v63  }
0x29: {  	_ =	swait.ge [sflag:s16], $0x4000  }
0x2a: {  	[sflag:s16] =	ssyncset.done $0x0  }
0x2b: {  	[sflag:s16] =	ssyncadd.s32 $0xFFFFC000  }
0x2c: {  	[spmem:s2] =	stream.indirect.scatter.add.f32 [tilespmem:s14], [sflag:$0x3], $0x80, s12, s13, $0xb8;
	[tilespmem:$0x1C800] =	vst v63  }
0x2d: {  	_ =	swait.ge [sflag:s17], $0x4000  }
0x2e: {  	[sflag:s17] =	ssyncset.done $0x0  }
0x2f: {  	[sflag:s17] =	ssyncadd.s32 $0xFFFFC000  }
0x30: {  	[tilespmem:s14], [sflag:$0x1] =	stream.indirect.gather [hbm4b:s4+s13], $0x80, s18, s13, $0xb8;
	[tilespmem:$0x1C800] =	vst v63  }
0x31: {  	_ =	swait.ge [sflag:s19], $0x4000  }
0x32: {  	[sflag:s19] =	ssyncset.done $0x0  }
0x33: {  	[sflag:s19] =	ssyncadd.s32 $0xFFFFC000  }
0x34: {  	[spmem:s2] =	stream.indirect.scatter.add.f32 [tilespmem:s15], [sflag:$0x4], $0x80, s20, s13, $0xb8;
	[tilespmem:$0x1C800] =	vst v63  }
0x35: {  	_ =	swait.ge [sflag:s21], $0x4000  }
0x36: {  	[sflag:s21] =	ssyncset.done $0x0  }
0x37: {  	[sflag:s21] =	ssyncadd.s32 $0xFFFFC000  }
0x38: {  	[tilespmem:s15], [sflag:$0x2] =	stream.indirect.gather [hbm4b:s4+s13], $0x80, s22, s13, $0xb8;
	[tilespmem:$0x1C800] =	vst v63  }
0x39: {  	_ =	swait.ge [sflag:s16], $0x4000  }
0x3a: {  	[sflag:s16] =	ssyncset.done $0x0  }
0x3b: {  	[sflag:s16] =	ssyncadd.s32 $0xFFFFC000  }
0x3c: {  	[spmem:s2] =	stream.indirect.scatter.add.f32 [tilespmem:s14], [sflag:$0x3], $0x80, s23, s13, $0xb8;
	[tilespmem:$0x1C800] =	vst v63  }
0x3d: {  	_ =	swait.ge [sflag:s17], $0x4000  }
0x3e: {  	[sflag:s17] =	ssyncset.done $0x0  }
0x3f: {  	[sflag:s17] =	ssyncadd.s32 $0xFFFFC000  }
0x40: {  	[tilespmem:s14], [sflag:$0x1] =	stream.indirect.gather [hbm4b:s4+s13], $0x80, s24, s13, $0xb8;
	[tilespmem:$0x1C800] =	vst v63  }
0x41: {  	_ =	swait.ge [sflag:s19], $0x4000  }
0x42: {  	[sflag:s19] =	ssyncset.done $0x0  }
0x43: {  	[sflag:s19] =	ssyncadd.s32 $0xFFFFC000  }
0x44: {  	[spmem:s2] =	stream.indirect.scatter.add.f32 [tilespmem:s15], [sflag:$0x4], $0x80, s25, s13, $0xb8;
	[tilespmem:$0x1C800] =	vst v63  }
0x45: {  	_ =	swait.ge [sflag:s21], $0x4000  }
0x46: {  	[sflag:s21] =	ssyncset.done $0x0  }
0x47: {  	[sflag:s21] =	ssyncadd.s32 $0xFFFFC000  }
0x48: {  	[tilespmem:s15], [sflag:$0x2] =	stream.indirect.gather [hbm4b:s4+s13], $0x80, s26, s13, $0xb8;
	[tilespmem:$0x1C800] =	vst v63  }
0x49: {  	_ =	swait.ge [sflag:s16], $0x4000  }
0x4a: {  	[sflag:s16] =	ssyncset.done $0x0  }
0x4b: {  	[sflag:s16] =	ssyncadd.s32 $0xFFFFC000  }
0x4c: {  	[spmem:s2] =	stream.indirect.scatter.add.f32 [tilespmem:s14], [sflag:$0x3], $0x80, s28, s13, $0xb8;
	[tilespmem:$0x1C800] =	vst v63  }
0x4d: {  	_ =	swait.ge [sflag:s17], $0x4000  }
0x4e: {  	[sflag:s17] =	ssyncset.done $0x0  }
0x4f: {  	[sflag:s17] =	ssyncadd.s32 $0xFFFFC000  }
0x50: {  	[tilespmem:s14], [sflag:$0x1] =	stream.indirect.gather [hbm4b:s4+s13], $0x80, s29, s13, $0xb8;
	[tilespmem:$0x1C800] =	vst v63  }
0x51: {  	_ =	swait.ge [sflag:s19], $0x4000  }
0x52: {  	[sflag:s19] =	ssyncset.done $0x0  }
0x53: {  	[sflag:s19] =	ssyncadd.s32 $0xFFFFC000  }
0x54: {  	[spmem:s2] =	stream.indirect.scatter.add.f32 [tilespmem:s15], [sflag:$0x4], $0x80, s30, s13, $0xb8;
	[tilespmem:$0x1C800] =	vst v63  }
0x55: {  	_ =	swait.ge [sflag:s21], $0x4000  }
0x56: {  	[sflag:s21] =	ssyncset.done $0x0  }
0x57: {  	[sflag:s21] =	ssyncadd.s32 $0xFFFFC000  }
0x58: {  	[tilespmem:s15], [sflag:$0x2] =	stream.indirect.gather [hbm4b:s4+s13], $0x80, s31, s13, $0xb8;
	[tilespmem:$0x1C800] =	vst v63  }
0x59: {  	_ =	swait.ge [sflag:s16], $0x4000  }
0x5a: {  	[sflag:s16] =	ssyncset.done $0x0  }
0x5b: {  	[sflag:s16] =	ssyncadd.s32 $0xFFFFC000  }
0x5c: {  	[spmem:s2] =	stream.indirect.scatter.add.f32 [tilespmem:s14], [sflag:$0x3], $0x80, s0, s13, $0xb8;
	[tilespmem:$0x1C800] =	vst v63  }
0x5d: {  	_ =	swait.ge [sflag:s19], $0x4000  }
0x5e: {  	[sflag:s19] =	ssyncset.done $0x0  }
0x5f: {  	[sflag:s19] =	ssyncadd.s32 $0xFFFFC000  }
0x60: {  	[spmem:s2] =	stream.indirect.scatter.add.f32 [tilespmem:s15], [sflag:$0x4], $0x80, s1, s13, $0xb8;
	[tilespmem:$0x1C800] =	vst v63  }
0x61: {  	_ =	swait.ge [sflag:s17], $0x4000  }
0x62: {  	[sflag:s17] =	ssyncset.done $0x0  }
0x63: {  	[sflag:s17] =	ssyncadd.s32 $0xFFFFC000  }
0x64: {  	_ =	swait.ge [sflag:s21], $0x4000  }
0x65: {  	s7 =	simm.s32 $0x80;
	s8 =	simm.s32 $0x100;
	[sflag:s21] =	ssyncset.done $0x0  }
.LBB2_2:
0x66: {  	s10 =	sadd.s32 s7, s9;
	[sflag:s21] =	ssyncadd.s32 $0xFFFFC000  }
0x67: {  	[tilespmem:s3], [sflag:$0x5] =	stream.linear.gather [hbm4b:s10+s3], $0x400, $0x38;
	[tilespmem:$0x1C800] =	vst v63  }
0x68: {  	s5 =	smov.u32 s8;
	_ =	swait.ge [sflag:s11], $0x400  }
0x69: {  	s6 =	sadd.s32 $0x80, s8;
	s10 =	rddreg [dreg:$0x3];
	[sflag:s11] =	ssyncset.done $0x0  }
0x6a: {  	p0 =	sne.s32 s8, $0x480;
	[sflag:s11] =	ssyncadd.s32 $0xFFFFFC00;
	s8 =	sadd.s32 s7, s10  }
0x6b: {  	[tilespmem:s12], [sflag:$0x5] =	stream.linear.gather [hbm4b:s8+s3], $0x400, $0x38;
	[tilespmem:$0x1C800] =	vst v63  }
0x6c: {  	_ =	swait.ge [sflag:s11], $0x400  }
0x6d: {  	[sflag:s11] =	ssyncset.done $0x0  }
0x6e: {  	[sflag:s11] =	ssyncadd.s32 $0xFFFFFC00  }
0x6f: {  	[tilespmem:s14], [sflag:$0x1] =	stream.indirect.gather [hbm4b:s4+s13], $0x80, s3, s13, $0xb8;
	[tilespmem:$0x1C800] =	vst v63  }
0x70: {  	_ = 	snop  }
0x71: {  	[tilespmem:s15], [sflag:$0x2] =	stream.indirect.gather [hbm4b:s4+s13], $0x80, s13, s13, $0xb8;
	[tilespmem:$0x1C800] =	vst v63  }
0x72: {  	_ =	swait.ge [sflag:s16], $0x4000  }
0x73: {  	[sflag:s16] =	ssyncset.done $0x0  }
0x74: {  	[sflag:s16] =	ssyncadd.s32 $0xFFFFC000  }
0x75: {  	[spmem:s2] =	stream.indirect.scatter.add.f32 [tilespmem:s14], [sflag:$0x3], $0x80, s12, s13, $0xb8;
	[tilespmem:$0x1C800] =	vst v63  }
0x76: {  	_ =	swait.ge [sflag:s17], $0x4000  }
0x77: {  	[sflag:s17] =	ssyncset.done $0x0  }
0x78: {  	[sflag:s17] =	ssyncadd.s32 $0xFFFFC000  }
0x79: {  	[tilespmem:s14], [sflag:$0x1] =	stream.indirect.gather [hbm4b:s4+s13], $0x80, s18, s13, $0xb8;
	[tilespmem:$0x1C800] =	vst v63  }
0x7a: {  	_ =	swait.ge [sflag:s19], $0x4000  }
0x7b: {  	[sflag:s19] =	ssyncset.done $0x0  }
0x7c: {  	[sflag:s19] =	ssyncadd.s32 $0xFFFFC000  }
0x7d: {  	[spmem:s2] =	stream.indirect.scatter.add.f32 [tilespmem:s15], [sflag:$0x4], $0x80, s20, s13, $0xb8;
	[tilespmem:$0x1C800] =	vst v63  }
0x7e: {  	_ =	swait.ge [sflag:s21], $0x4000  }
0x7f: {  	[sflag:s21] =	ssyncset.done $0x0  }
0x80: {  	[sflag:s21] =	ssyncadd.s32 $0xFFFFC000  }
0x81: {  	[tilespmem:s15], [sflag:$0x2] =	stream.indirect.gather [hbm4b:s4+s13], $0x80, s22, s13, $0xb8;
	[tilespmem:$0x1C800] =	vst v63  }
0x82: {  	_ =	swait.ge [sflag:s16], $0x4000  }
0x83: {  	[sflag:s16] =	ssyncset.done $0x0  }
0x84: {  	[sflag:s16] =	ssyncadd.s32 $0xFFFFC000  }
0x85: {  	[spmem:s2] =	stream.indirect.scatter.add.f32 [tilespmem:s14], [sflag:$0x3], $0x80, s23, s13, $0xb8;
	[tilespmem:$0x1C800] =	vst v63  }
0x86: {  	_ =	swait.ge [sflag:s17], $0x4000  }
0x87: {  	[sflag:s17] =	ssyncset.done $0x0  }
0x88: {  	[sflag:s17] =	ssyncadd.s32 $0xFFFFC000  }
0x89: {  	[tilespmem:s14], [sflag:$0x1] =	stream.indirect.gather [hbm4b:s4+s13], $0x80, s24, s13, $0xb8;
	[tilespmem:$0x1C800] =	vst v63  }
0x8a: {  	_ =	swait.ge [sflag:s19], $0x4000  }
0x8b: {  	[sflag:s19] =	ssyncset.done $0x0  }
0x8c: {  	[sflag:s19] =	ssyncadd.s32 $0xFFFFC000  }
0x8d: {  	[spmem:s2] =	stream.indirect.scatter.add.f32 [tilespmem:s15], [sflag:$0x4], $0x80, s25, s13, $0xb8;
	[tilespmem:$0x1C800] =	vst v63  }
0x8e: {  	_ =	swait.ge [sflag:s21], $0x4000  }
0x8f: {  	[sflag:s21] =	ssyncset.done $0x0  }
0x90: {  	[sflag:s21] =	ssyncadd.s32 $0xFFFFC000  }
0x91: {  	[tilespmem:s15], [sflag:$0x2] =	stream.indirect.gather [hbm4b:s4+s13], $0x80, s26, s13, $0xb8;
	[tilespmem:$0x1C800] =	vst v63  }
0x92: {  	_ =	swait.ge [sflag:s16], $0x4000  }
0x93: {  	[sflag:s16] =	ssyncset.done $0x0  }
0x94: {  	[sflag:s16] =	ssyncadd.s32 $0xFFFFC000  }
0x95: {  	[spmem:s2] =	stream.indirect.scatter.add.f32 [tilespmem:s14], [sflag:$0x3], $0x80, s28, s13, $0xb8;
	[tilespmem:$0x1C800] =	vst v63  }
0x96: {  	_ =	swait.ge [sflag:s17], $0x4000  }
0x97: {  	[sflag:s17] =	ssyncset.done $0x0  }
0x98: {  	[sflag:s17] =	ssyncadd.s32 $0xFFFFC000  }
0x99: {  	[tilespmem:s14], [sflag:$0x1] =	stream.indirect.gather [hbm4b:s4+s13], $0x80, s29, s13, $0xb8;
	[tilespmem:$0x1C800] =	vst v63  }
0x9a: {  	_ =	swait.ge [sflag:s19], $0x4000  }
0x9b: {  	[sflag:s19] =	ssyncset.done $0x0  }
0x9c: {  	[sflag:s19] =	ssyncadd.s32 $0xFFFFC000  }
0x9d: {  	[spmem:s2] =	stream.indirect.scatter.add.f32 [tilespmem:s15], [sflag:$0x4], $0x80, s30, s13, $0xb8;
	[tilespmem:$0x1C800] =	vst v63  }
0x9e: {  	_ =	swait.ge [sflag:s21], $0x4000  }
0x9f: {  	[sflag:s21] =	ssyncset.done $0x0  }
0xa0: {  	[sflag:s21] =	ssyncadd.s32 $0xFFFFC000  }
0xa1: {  	[tilespmem:s15], [sflag:$0x2] =	stream.indirect.gather [hbm4b:s4+s13], $0x80, s31, s13, $0xb8;
	[tilespmem:$0x1C800] =	vst v63  }
0xa2: {  	_ =	swait.ge [sflag:s16], $0x4000  }
0xa3: {  	[sflag:s16] =	ssyncset.done $0x0  }
0xa4: {  	[sflag:s16] =	ssyncadd.s32 $0xFFFFC000  }
0xa5: {  	[spmem:s2] =	stream.indirect.scatter.add.f32 [tilespmem:s14], [sflag:$0x3], $0x80, s0, s13, $0xb8;
	[tilespmem:$0x1C800] =	vst v63  }
0xa6: {  	_ =	swait.ge [sflag:s19], $0x4000  }
0xa7: {  	[sflag:s19] =	ssyncset.done $0x0  }
0xa8: {  	[sflag:s19] =	ssyncadd.s32 $0xFFFFC000  }
0xa9: {  	[spmem:s2] =	stream.indirect.scatter.add.f32 [tilespmem:s15], [sflag:$0x4], $0x80, s1, s13, $0xb8;
	[tilespmem:$0x1C800] =	vst v63  }
.Ltmp0:
0xaa: {  	_ =	swait.ge [sflag:s17], $0x4000;
	(pc) =	sbr.rel @p0 .LBB2_2-.Ltmp0, $4  }
0xab: {  	[sflag:s17] =	ssyncset.done $0x0  }
0xac: {  	[sflag:s17] =	ssyncadd.s32 $0xFFFFC000  }
0xad: {  	_ =	swait.ge [sflag:s21], $0x4000  }
0xae: {  	s7 =	smov.u32 s5;
	s8 =	smov.u32 s6;
	[sflag:s21] =	ssyncset.done $0x0  }
0xaf: {  	s5 =	sadd.s32 s7, s9;
	[sflag:s21] =	ssyncadd.s32 $0xFFFFC000  }
0xb0: {  	[tilespmem:s3], [sflag:$0x5] =	stream.linear.gather [hbm4b:s5+s3], $0x400, $0x38;
	[tilespmem:$0x1C800] =	vst v63  }
0xb1: {  	_ =	swait.ge [sflag:s11], $0x400  }
0xb2: {  	s8 =	rddreg [dreg:$0x3];
	[sflag:s11] =	ssyncset.done $0x0  }
0xb3: {  	s5 =	sadd.s32 s7, s8;
	[sflag:s11] =	ssyncadd.s32 $0xFFFFFC00  }
0xb4: {  	[tilespmem:s12], [sflag:$0x5] =	stream.linear.gather [hbm4b:s5+s3], $0x400, $0x38;
	[tilespmem:$0x1C800] =	vst v63  }
0xb5: {  	_ =	swait.ge [sflag:s11], $0x400  }
0xb6: {  	[sflag:s11] =	ssyncset.done $0x0  }
0xb7: {  	[sflag:s11] =	ssyncadd.s32 $0xFFFFFC00  }
0xb8: {  	[tilespmem:s14], [sflag:$0x1] =	stream.indirect.gather [hbm4b:s4+s13], $0x80, s3, s13, $0xb8;
	[tilespmem:$0x1C800] =	vst v63  }
0xb9: {  	_ = 	snop  }
0xba: {  	[tilespmem:s15], [sflag:$0x2] =	stream.indirect.gather [hbm4b:s4+s13], $0x80, s13, s13, $0xb8;
	[tilespmem:$0x1C800] =	vst v63  }
0xbb: {  	_ =	swait.ge [sflag:s16], $0x4000  }
0xbc: {  	[sflag:s16] =	ssyncset.done $0x0  }
0xbd: {  	[sflag:s16] =	ssyncadd.s32 $0xFFFFC000  }
0xbe: {  	[spmem:s2] =	stream.indirect.scatter.add.f32 [tilespmem:s14], [sflag:$0x3], $0x80, s12, s13, $0xb8;
	[tilespmem:$0x1C800] =	vst v63  }
0xbf: {  	_ =	swait.ge [sflag:s17], $0x4000  }
0xc0: {  	[sflag:s17] =	ssyncset.done $0x0  }
0xc1: {  	[sflag:s17] =	ssyncadd.s32 $0xFFFFC000  }
0xc2: {  	[tilespmem:s14], [sflag:$0x1] =	stream.indirect.gather [hbm4b:s4+s13], $0x80, s18, s13, $0xb8;
	[tilespmem:$0x1C800] =	vst v63  }
0xc3: {  	_ =	swait.ge [sflag:s19], $0x4000  }
0xc4: {  	[sflag:s19] =	ssyncset.done $0x0  }
0xc5: {  	[sflag:s19] =	ssyncadd.s32 $0xFFFFC000  }
0xc6: {  	[spmem:s2] =	stream.indirect.scatter.add.f32 [tilespmem:s15], [sflag:$0x4], $0x80, s20, s13, $0xb8;
	[tilespmem:$0x1C800] =	vst v63  }
0xc7: {  	_ =	swait.ge [sflag:s21], $0x4000  }
0xc8: {  	[sflag:s21] =	ssyncset.done $0x0  }
0xc9: {  	[sflag:s21] =	ssyncadd.s32 $0xFFFFC000  }
0xca: {  	[tilespmem:s15], [sflag:$0x2] =	stream.indirect.gather [hbm4b:s4+s13], $0x80, s22, s13, $0xb8;
	[tilespmem:$0x1C800] =	vst v63  }
0xcb: {  	_ =	swait.ge [sflag:s16], $0x4000  }
0xcc: {  	[sflag:s16] =	ssyncset.done $0x0  }
0xcd: {  	[sflag:s16] =	ssyncadd.s32 $0xFFFFC000  }
0xce: {  	[spmem:s2] =	stream.indirect.scatter.add.f32 [tilespmem:s14], [sflag:$0x3], $0x80, s23, s13, $0xb8;
	[tilespmem:$0x1C800] =	vst v63  }
0xcf: {  	_ =	swait.ge [sflag:s17], $0x4000  }
0xd0: {  	[sflag:s17] =	ssyncset.done $0x0  }
0xd1: {  	[sflag:s17] =	ssyncadd.s32 $0xFFFFC000  }
0xd2: {  	[tilespmem:s14], [sflag:$0x1] =	stream.indirect.gather [hbm4b:s4+s13], $0x80, s24, s13, $0xb8;
	[tilespmem:$0x1C800] =	vst v63  }
0xd3: {  	_ =	swait.ge [sflag:s19], $0x4000  }
0xd4: {  	[sflag:s19] =	ssyncset.done $0x0  }
0xd5: {  	[sflag:s19] =	ssyncadd.s32 $0xFFFFC000  }
0xd6: {  	[spmem:s2] =	stream.indirect.scatter.add.f32 [tilespmem:s15], [sflag:$0x4], $0x80, s25, s13, $0xb8;
	[tilespmem:$0x1C800] =	vst v63  }
0xd7: {  	_ =	swait.ge [sflag:s21], $0x4000  }
0xd8: {  	[sflag:s21] =	ssyncset.done $0x0  }
0xd9: {  	[sflag:s21] =	ssyncadd.s32 $0xFFFFC000  }
0xda: {  	[tilespmem:s15], [sflag:$0x2] =	stream.indirect.gather [hbm4b:s4+s13], $0x80, s26, s13, $0xb8;
	[tilespmem:$0x1C800] =	vst v63  }
0xdb: {  	_ =	swait.ge [sflag:s16], $0x4000  }
0xdc: {  	[sflag:s16] =	ssyncset.done $0x0  }
0xdd: {  	[sflag:s16] =	ssyncadd.s32 $0xFFFFC000  }
0xde: {  	[spmem:s2] =	stream.indirect.scatter.add.f32 [tilespmem:s14], [sflag:$0x3], $0x80, s28, s13, $0xb8;
	[tilespmem:$0x1C800] =	vst v63  }
0xdf: {  	_ =	swait.ge [sflag:s17], $0x4000  }
0xe0: {  	[sflag:s17] =	ssyncset.done $0x0  }
0xe1: {  	[sflag:s17] =	ssyncadd.s32 $0xFFFFC000  }
0xe2: {  	[tilespmem:s14], [sflag:$0x1] =	stream.indirect.gather [hbm4b:s4+s13], $0x80, s29, s13, $0xb8;
	[tilespmem:$0x1C800] =	vst v63  }
0xe3: {  	_ =	swait.ge [sflag:s19], $0x4000  }
0xe4: {  	[sflag:s19] =	ssyncset.done $0x0  }
0xe5: {  	[sflag:s19] =	ssyncadd.s32 $0xFFFFC000  }
0xe6: {  	[spmem:s2] =	stream.indirect.scatter.add.f32 [tilespmem:s15], [sflag:$0x4], $0x80, s30, s13, $0xb8;
	[tilespmem:$0x1C800] =	vst v63  }
0xe7: {  	_ =	swait.ge [sflag:s21], $0x4000  }
0xe8: {  	[sflag:s21] =	ssyncset.done $0x0  }
0xe9: {  	[sflag:s21] =	ssyncadd.s32 $0xFFFFC000  }
0xea: {  	[tilespmem:s15], [sflag:$0x2] =	stream.indirect.gather [hbm4b:s4+s13], $0x80, s31, s13, $0xb8;
	[tilespmem:$0x1C800] =	vst v63  }
0xeb: {  	_ =	swait.ge [sflag:s16], $0x4000  }
0xec: {  	[sflag:s16] =	ssyncset.done $0x0  }
0xed: {  	[sflag:s16] =	ssyncadd.s32 $0xFFFFC000  }
0xee: {  	[spmem:s2] =	stream.indirect.scatter.add.f32 [tilespmem:s14], [sflag:$0x3], $0x80, s0, s13, $0xb8;
	[tilespmem:$0x1C800] =	vst v63  }
0xef: {  	_ =	swait.ge [sflag:s19], $0x4000  }
0xf0: {  	[sflag:s19] =	ssyncset.done $0x0  }
0xf1: {  	[sflag:s19] =	ssyncadd.s32 $0xFFFFC000  }
0xf2: {  	[spmem:s2] =	stream.indirect.scatter.add.f32 [tilespmem:s15], [sflag:$0x4], $0x80, s1, s13, $0xb8;
	[tilespmem:$0x1C800] =	vst v63  }
0xf3: {  	_ =	swait.ge [sflag:s17], $0x4000  }
0xf4: {  	[sflag:s17] =	ssyncset.done $0x0  }
0xf5: {  	[sflag:s17] =	ssyncadd.s32 $0xFFFFC000  }
0xf6: {  	_ =	swait.ge [sflag:s21], $0x4000  }
0xf7: {  	[sflag:s21] =	ssyncset.done $0x0  }
0xf8: {  	[sflag:s21] =	ssyncadd.s32 $0xFFFFC000  }
0xf9: {  	[bflag:$0x0] =	sbarrier.arrive $0xFFFF  }
0xfa: {  	s8 =	rddreg [dreg:$0x5]  }
0xfb: {  	s10 =	rddreg [dreg:$0x6]  }
0xfc: {  	s6 =	rddreg [dreg:$0x8]  }
0xfd: {  	[hbm:s10], [sflag:s8] =	dma.local [spmem:s6], $0x2800  }
0xfe: {  	_ =	swait.ge [sflag:s11], $0x2800  }
0xff: {  	s5 =	rddreg [dreg:$0x9]  }
0x100: {  	s10 =	rddreg [dreg:$0x7];
	s7 =	sadd.s32 $0x1, s5  }
0x101: {  	p0 =	sne.s32 s7, s10  }
.Ltmp1:
0x102: {  	_ = 	snop;
	(pc) =	sbr.rel @p0 .LBB2_1-.Ltmp1, $3  }
0x103: {  	_ =	sdelay $0x1  }
0x104: {  	[sflag:s11] =	ssyncset.done $0x0  }
0x105: {  	[sflag:s11] =	ssyncadd.s32 $0xFFFFD800  }
0x106: {  	_ =	sfence.sel $0x180000  }
0x107: {  	[bflag:$0x0] =	sbarrier.arrive $0xFFFF  }
0x108: {  	_ =	strace $0x9000004A  }
0x109: {  	s0 =	stileid.u32;
	[bflag:$0x2] =	sbarrier.arrive $0xFFFF  }
0x10a: {  	p0 =	sne.s32 s0, $0x0;
	s0 =	rddreg [dreg:$0x2]  }
0x10b: {  	s0 =	sadd.s32 @!p0 $0x100000, s0  }
0x10c: {  	[sflag:s0] =	ssyncadd.tile.s32 @!p0 $0x1;
	_ =	shalt  }
.Lfunc_end2:
_tile_overlayer_lowered:
.L_overlay_start_2:
0x10d: {  	(tag) =	ssettag $0x2  }
0x10e: {  	s0 =	rddreg [dreg:$0x0];
	s2 =	stileid.u32  }
0x10f: {  	s1 =	rddreg [dreg:$0x1];
	p0 =	sne.s32 s2, $0x0  }
0x110: {  	s3 =	rddreg [dreg:$0x2];
	[bflag:$0x3] =	sbarrier.arrive $0xFFFF;
	s2 =	simm.s32 @!p0 $0x1C05  }
0x111: {  	[timem:s3], [sflag:s2] =	dma.local @!p0 [hbm:s0], s1  }
0x112: {  	s0 =	simm.s32 @!p0 $0x5  }
0x113: {  	_ =	swait.ge @!p0 [sflag:s0], s1  }
0x114: {  	s1 =	ssub.s32 @!p0 $0x0, s1;
	[sflag:s0] =	ssyncset.done @!p0 $0x0  }
0x115: {  	[sflag:s0] =	ssyncadd.s32 @!p0 s1  }
0x116: {  	[bflag:$0x3] =	sbarrier.arrive $0xFFFF  }
0x117: {  	_ =	shalt  }

</sc_bundles>
